<compile_context>
chip_gen: v7x
topology: tpu7x:2x2x1
jax: 0.10.2.dev20260603
libtpu: 0.0.44.dev20260713+nightly
codegen_flags: <defaults>
</compile_context>

<pallas_src>
import jax
import jax.numpy as jnp
from jax import lax
from jax.experimental import pallas as pl
from jax.experimental.pallas import tpu as pltpu
from jax.experimental.pallas import tpu_sc as plsc

B = 16384
V = 1000000
D = 64
H = 128

NS = 16
CW = 512
NCHK = V // CW
NG = B // 16
NSLOT = 64


def _stream_table(t_hbm, tidx_hbm, tout_hbm, sid,
                  idx_v, midx_v, mk_v, chunk_v, stage_v, hcol_v, hk_v,
                  gsem0, gsem1, wsem):
    kloc = lax.iota(jnp.int32, 16)
    gsems = (gsem0, gsem1)

    pltpu.sync_copy(tidx_hbm.at[pl.ds(0, B)], idx_v)

    def pre(g, off):
        iv = idx_v[pl.ds(g * 16, 16)]
        mask = ((iv >> 9) & 15) == sid
        plsc.store_compressed(midx_v.at[pl.ds(off, 16)], iv, mask=mask)
        plsc.store_compressed(mk_v.at[pl.ds(off, 16)], g * 16 + kloc,
                              mask=mask)
        return off + jnp.max(plsc.all_reduce_population_count(mask))

    n_own = lax.fori_loop(0, NG, pre, jnp.int32(0))
    ng = (n_own + 15) >> 4

    def start_chunk(j, b):
        @pl.when(j < NCHK)
        def _():
            col0 = pl.multiple_of(j * CW, CW)
            pltpu.async_copy(t_hbm.at[:, pl.ds(col0, CW)], chunk_v.at[b],
                             gsems[b])

        @pl.when(j == NCHK)
        def _():
            col0 = pl.multiple_of(j * CW, 128)
            pltpu.async_copy(t_hbm.at[:, pl.ds(col0, 128)],
                             chunk_v.at[b, :, pl.ds(0, 128)], gsems[b])

    def wait_chunk(j, b):
        @pl.when(j < NCHK)
        def _():
            col0 = pl.multiple_of(j * CW, CW)
            pltpu.make_async_copy(t_hbm.at[:, pl.ds(col0, CW)],
                                  chunk_v.at[b], gsems[b]).wait()

        @pl.when(j == NCHK)
        def _():
            col0 = pl.multiple_of(j * CW, 128)
            pltpu.make_async_copy(t_hbm.at[:, pl.ds(col0, 128)],
                                  chunk_v.at[b, :, pl.ds(0, 128)],
                                  gsems[b]).wait()

    for b in range(2):
        start_chunk(jnp.int32(b * NS) + sid, b)

    def make_body(b):
        def dohit(h, nh):
            hm = kloc == h
            hcv = hcol_v[pl.ds(0, 16)]
            hkv = hk_v[pl.ds(0, 16)]
            col = jnp.max(jnp.where(hm, hcv, 0))
            k = jnp.max(jnp.where(hm, hkv, 0))
            colv = jnp.full((16,), col, jnp.int32)
            slot = nh & (NSLOT - 1)
            slotv = jnp.full((16,), slot, jnp.int32)
            for q in range(4):
                cvec = kloc + q * 16
                v = plsc.load_gather(chunk_v.at[b], [cvec, colv])
                plsc.store_scatter(stage_v, [slotv, q * 16 + kloc], v)
            pltpu.async_copy(stage_v.at[pl.ds(slot, 1)],
                             tout_hbm.at[pl.ds(k, 1)], wsem)

            @pl.when(slot == NSLOT - 1)
            def _():
                def dr(i, _):
                    pltpu.make_async_copy(
                        stage_v.at[pl.ds(0, 1)],
                        tout_hbm.at[pl.ds(0, 1)], wsem).wait()
                    return ()

                lax.fori_loop(0, NSLOT, dr, ())

            return nh + 1

        return dohit

    def pair(jj2, nh):
        for b in range(2):
            jj = 2 * jj2 + b
            j = jj * NS + sid
            dohit = make_body(b)

            def scan(g, nh):
                miv = midx_v[pl.ds(g * 16, 16)]
                hit = (miv >> 9) == j
                npc = jnp.max(plsc.all_reduce_population_count(hit))

                def hits(nh):
                    mkv = mk_v[pl.ds(g * 16, 16)]
                    plsc.store_compressed(hcol_v.at[pl.ds(0, 16)],
                                          miv & (CW - 1), mask=hit)
                    plsc.store_compressed(hk_v.at[pl.ds(0, 16)], mkv,
                                          mask=hit)
                    return lax.fori_loop(0, npc, dohit, nh)

                return lax.cond(npc > 0, hits, lambda x: x, nh)

            def active(nh):
                wait_chunk(j, b)
                nh = lax.fori_loop(0, ng, scan, nh)
                start_chunk(j + 2 * NS, b)
                return nh

            nh = lax.cond(j <= NCHK, active, lambda x: x, nh)
        return nh

    nh = lax.fori_loop(0, 62, pair, jnp.int32(0))

    def drain_rest(i, _):
        pltpu.make_async_copy(stage_v.at[pl.ds(0, 1)],
                              tout_hbm.at[pl.ds(0, 1)], wsem).wait()
        return ()

    lax.fori_loop(0, nh & (NSLOT - 1), drain_rest, ())


def _gather_body(ut_hbm, it_hbm, uidx_hbm, iidx_hbm, uout_hbm, iout_hbm,
                 idx_v, midx_v, mk_v, chunk_v, stage_v, hcol_v, hk_v,
                 gsem0, gsem1, wsem):
    cc = lax.axis_index("c")
    sid = lax.axis_index("s")
    scratch = (idx_v, midx_v, mk_v, chunk_v, stage_v, hcol_v, hk_v,
               gsem0, gsem1, wsem)

    @pl.when(cc == 0)
    def _():
        _stream_table(ut_hbm, uidx_hbm, uout_hbm, sid, *scratch)

    @pl.when(cc == 1)
    def _():
        _stream_table(it_hbm, iidx_hbm, iout_hbm, sid, *scratch)


def _sc_gather(uT, iT, uidx, iidx):
    mesh = plsc.VectorSubcoreMesh(core_axis_name="c", subcore_axis_name="s")
    f = pl.kernel(
        _gather_body,
        mesh=mesh,
        compiler_params=pltpu.CompilerParams(needs_layout_passes=False),
        out_type=[
            jax.ShapeDtypeStruct((B, D), jnp.float32),
            jax.ShapeDtypeStruct((B, D), jnp.float32),
        ],
        scratch_types=[
            pltpu.VMEM((B,), jnp.int32),
            pltpu.VMEM((B,), jnp.int32),
            pltpu.VMEM((B,), jnp.int32),
            pltpu.VMEM((2, D, CW), jnp.float32),
            pltpu.VMEM((NSLOT, D), jnp.float32),
            pltpu.VMEM((16,), jnp.int32),
            pltpu.VMEM((16,), jnp.int32),
            pltpu.SemaphoreType.DMA,
            pltpu.SemaphoreType.DMA,
            pltpu.SemaphoreType.DMA,
        ],
    )
    return f(uT, iT, uidx, iidx)


BLK = 2048


_DN_XT = (((0,), (1,)), ((), ()))
_DN_00 = (((0,), (0,)), ((), ()))


def _mlp_body(xu_ref, xi_ref, wu1, bu1, wu2, bu2, wi1, bi1, wi2, bi2,
              ou_ref, oi_ref):
    def tower(x, W1, b1, W2, b2, o_ref):
        hT = jnp.maximum(
            lax.dot_general(W1, x, _DN_XT,
                            preferred_element_type=jnp.float32) + b1, 0.0)
        yT = lax.dot_general(W2, hT, _DN_00,
                             preferred_element_type=jnp.float32) + b2
        n = jnp.sqrt(jnp.sum(yT * yT, axis=0, keepdims=True))
        o_ref[...] = yT / jnp.maximum(n, 1e-12)

    tower(xu_ref[...], wu1[...], bu1[...], wu2[...], bu2[...], ou_ref)
    tower(xi_ref[...], wi1[...], bi1[...], wi2[...], bi2[...], oi_ref)


def _tc_mlp(xu, xi, Wu1, bu1, Wu2, bu2, Wi1, bi1, Wi2, bi2):
    grid = (B // BLK,)
    xspec = pl.BlockSpec((BLK, D), lambda i: (i, 0))
    ospec = pl.BlockSpec((D, BLK), lambda i: (0, i))
    full = lambda shape: pl.BlockSpec(shape, lambda i: (0, 0))
    return pl.pallas_call(
        _mlp_body,
        grid=grid,
        in_specs=[
            xspec, xspec,
            full((D, H)), full((H, 1)), full((H, D)), full((D, 1)),
            full((D, H)), full((H, 1)), full((H, D)), full((D, 1)),
        ],
        out_specs=[ospec, ospec],
        out_shape=[
            jax.ShapeDtypeStruct((D, B), jnp.float32),
            jax.ShapeDtypeStruct((D, B), jnp.float32),
        ],
    )(xu, xi, Wu1, bu1.reshape(H, 1), Wu2, bu2.reshape(D, 1),
      Wi1, bi1.reshape(H, 1), Wi2, bi2.reshape(D, 1))


def kernel(user_ids, item_ids, user_table, item_table,
           Wu1, bu1, Wu2, bu2, Wi1, bi1, Wi2, bi2):
    u_pool, i_pool = _sc_gather(user_table.T, item_table.T,
                                user_ids.astype(jnp.int32),
                                item_ids.astype(jnp.int32))
    uT_emb, iT_emb = _tc_mlp(u_pool, i_pool,
                             Wu1, bu1, Wu2, bu2, Wi1, bi1, Wi2, bi2)
    return (uT_emb.T, iT_emb.T)

# --- scband reference (transcript-rebuilt; emitter-appended) ---
"""Pipeline reference for scband-two-tower-18322330485161 (READ-ONLY COPY).

The authoritative reference and input builder live on the scoring server;
editing this copy changes nothing except your own understanding.
"""

import jax, jax.numpy as jnp
import numpy as np

B = 16384
V = 1000000
D = 64
LAYERS = [128, 64]


def setup_inputs(seed: int = 0) -> dict:
    key = jax.random.key(seed)
    ks = jax.random.split(key, 12)
    inp = {
        "user_ids": jax.random.randint(ks[0], (B,), 0, V, dtype=jnp.int64) if jax.config.jax_enable_x64 else jax.random.randint(ks[0], (B,), 0, V, dtype=jnp.int32),
        "item_ids": jax.random.randint(ks[1], (B,), 0, V, dtype=jnp.int64) if jax.config.jax_enable_x64 else jax.random.randint(ks[1], (B,), 0, V, dtype=jnp.int32),
        "user_table": jax.random.normal(ks[2], (V, D), dtype=jnp.float32) * 0.02,
        "item_table": jax.random.normal(ks[3], (V, D), dtype=jnp.float32) * 0.02,
    }
    dims = [D] + LAYERS
    kidx = 4
    for tower in ("u", "i"):
        for li in range(len(LAYERS)):
            fan_in = dims[li]
            inp[f"W{tower}{li+1}"] = jax.random.normal(ks[kidx], (dims[li], dims[li + 1]), dtype=jnp.float32) * (1.0 / np.sqrt(fan_in))
            inp[f"b{tower}{li+1}"] = jnp.zeros((dims[li + 1],), dtype=jnp.float32)
            kidx += 1
    return inp


def _mlp(x, W1, b1, W2, b2):
    h = jax.nn.relu(x @ W1 + b1)
    return h @ W2 + b2


def _l2norm(x):
    n = jnp.linalg.norm(x, axis=-1, keepdims=True)
    return x / jnp.maximum(n, 1e-12)


def reference(user_ids, item_ids, user_table, item_table, Wu1, bu1, Wu2, bu2, Wi1, bi1, Wi2, bi2):
    # EBC pooled lookup: one id per sample per feature -> plain gather
    user_pooled = jnp.take(user_table, user_ids, axis=0)
    item_pooled = jnp.take(item_table, item_ids, axis=0)
    user_emb = _l2norm(_mlp(user_pooled, Wu1, bu1, Wu2, bu2))
    item_emb = _l2norm(_mlp(item_pooled, Wi1, bi1, Wi2, bi2))
    return (user_emb, item_emb)

if __name__ == "__main__":
    import jax
    _d = setup_inputs()
    print(jax.jit(kernel)(*tuple(_d.values())))

</pallas_src>

<mosaic_0001>
#map = affine_map<(d0, d1) -> (0, 0)>
#map1 = affine_map<(d0, d1) -> (0)>
module attributes {stable_mosaic.version = 14 : i64} {
  func.func @_gather_body(%arg0: i32, %arg1: i32, %arg2: memref<64x1000000xf32, #tpu.memory_space<hbm>>, %arg3: memref<64x1000000xf32, #tpu.memory_space<hbm>>, %arg4: memref<16384xi32, #tpu.memory_space<hbm>>, %arg5: memref<16384xi32, #tpu.memory_space<hbm>>, %arg6: memref<16384x64xf32, #tpu.memory_space<hbm>>, %arg7: memref<16384x64xf32, #tpu.memory_space<hbm>>, %arg8: memref<16384xi32, #tpu.memory_space<vmem>>, %arg9: memref<16384xi32, #tpu.memory_space<vmem>>, %arg10: memref<16384xi32, #tpu.memory_space<vmem>>, %arg11: memref<2x64x512xf32, #tpu.memory_space<vmem>>, %arg12: memref<64x64xf32, #tpu.memory_space<vmem>>, %arg13: memref<16xi32, #tpu.memory_space<vmem>>, %arg14: memref<16xi32, #tpu.memory_space<vmem>>, %arg15: memref<!tpu.dma_semaphore, #tpu.memory_space<semaphore_mem>>, %arg16: memref<!tpu.dma_semaphore, #tpu.memory_space<semaphore_mem>>, %arg17: memref<!tpu.dma_semaphore, #tpu.memory_space<semaphore_mem>>) attributes {dimension_semantics = [#tpu.dimension_semantics<core_parallel>, #tpu.dimension_semantics<subcore_parallel>], iteration_bounds = array<i64: 2, 16>, scalar_prefetch = 0 : i64, scratch_operands = 10 : i64, tpu.core_type = #tpu.core_type<sc_vector_subcore>, window_params = [{transform_indices = #map}, {transform_indices = #map}, {transform_indices = #map1}, {transform_indices = #map1}, {transform_indices = #map}, {transform_indices = #map}]} {
    %eq3A = arith.constant 0 : i32
    %eq3A_0 = arith.cmpi eq, %arg0, %eq3A : i32
    %convert_element_type3A = arith.extui %eq3A_0 : i1 to i32
    %cond3A = arith.constant 0 : i32
    %cond3A_1 = arith.cmpi ne, %convert_element_type3A, %cond3A : i32
    scf.if %cond3A_1 {
      %iota3A = tpu.iota {dimensions = array<i32: 0>} : vector<16xi32>
      "tpu.region"() ({
        %run_scoped3A = tpu.sem_alloc : memref<!tpu.dma_semaphore, #tpu.memory_space<semaphore_mem>>
        %dma_start3A = arith.constant 0 : i32
        %dma_start3A_54 = tpu.memref_slice %arg4[%dma_start3A] : memref<16384xi32, #tpu.memory_space<hbm>> -> memref<16384xi32, #tpu.memory_space<hbm>>
        %dma_start3A_55 = arith.constant 0 : i32
        %dma_start3A_56 = tpu.memref_slice %arg4[%dma_start3A_55] : memref<16384xi32, #tpu.memory_space<hbm>> -> memref<16384xi32, #tpu.memory_space<hbm>>
        tpu.enqueue_dma source(%dma_start3A_56 : memref<16384xi32, #tpu.memory_space<hbm>>) target(%arg8 : memref<16384xi32, #tpu.memory_space<vmem>>) target_semaphore(%run_scoped3A : memref<!tpu.dma_semaphore, #tpu.memory_space<semaphore_mem>>)
        %dma_wait3A = arith.constant 0 : i32
        %dma_wait3A_57 = tpu.memref_slice %arg4[%dma_wait3A] : memref<16384xi32, #tpu.memory_space<hbm>> -> memref<16384xi32, #tpu.memory_space<hbm>>
        %dma_wait3A_58 = arith.constant 0 : i32
        %dma_wait3A_59 = tpu.memref_slice %arg4[%dma_wait3A_58] : memref<16384xi32, #tpu.memory_space<hbm>> -> memref<16384xi32, #tpu.memory_space<hbm>>
        tpu.wait_dma2 semaphore(%run_scoped3A : memref<!tpu.dma_semaphore, #tpu.memory_space<semaphore_mem>>) src(%dma_wait3A_59 : memref<16384xi32, #tpu.memory_space<hbm>>) dst(%arg8 : memref<16384xi32, #tpu.memory_space<vmem>>)
        tpu.yield
      }) : () -> ()
      %scan3A = arith.constant 0 : i32
      %scan3A_7 = arith.constant 0 : i32
      %scan3A_8 = arith.constant 1024 : i32
      %scan3A_9 = arith.addi %scan3A_7, %scan3A_8 : i32
      %scan3A_10 = arith.constant 1 : i32
      %scan3A_11 = scf.for %scan3A_54 = %scan3A_7 to %scan3A_9 step %scan3A_10 iter_args(%scan3A_55 = %scan3A) -> (i32)  : i32 {
        %mul3A = arith.constant 16 : i32
        %mul3A_56 = arith.muli %scan3A_54, %mul3A : i32
        %get3A = arith.index_cast %mul3A_56 : i32 to index
        %get3A_57 = tpu.vector_load %arg8[%get3A] {strides = array<i32>} : memref<16384xi32, #tpu.memory_space<vmem>>, vector<16xi32>,
        %shift_right_arithmetic3A_58 = arith.constant 9 : i32
        %shift_right_arithmetic3A_59 = vector.broadcast %shift_right_arithmetic3A_58 : i32 to vector<16xi32>
        %shift_right_arithmetic3A_60 = arith.shrsi %get3A_57, %shift_right_arithmetic3A_59 : vector<16xi32>
        %and3A_61 = arith.constant 15 : i32
        %and3A_62 = vector.broadcast %and3A_61 : i32 to vector<16xi32>
        %and3A_63 = arith.andi %shift_right_arithmetic3A_60, %and3A_62 : vector<16xi32>
        %eq3A_64 = vector.broadcast %arg1 : i32 to vector<16xi32>
        %eq3A_65 = arith.cmpi eq, %and3A_63, %eq3A_64 : vector<16xi32>
        %swap3A = arith.index_cast %scan3A_55 : i32 to index
        %swap3A_66 = tpu.vector_load %arg9[%swap3A] masked %eq3A_65 {strides = array<i32>} : memref<16384xi32, #tpu.memory_space<vmem>>, vector<16xi32>, vector<16xi1>
        tpu.vector_store %arg9[%swap3A], %get3A_57 masked %eq3A_65 {strides = array<i32>} : memref<16384xi32, #tpu.memory_space<vmem>>, vector<16xi32>, vector<16xi1>
        %mul3A_67 = arith.constant 16 : i32
        %mul3A_68 = arith.muli %scan3A_54, %mul3A_67 : i32
        %add3A_69 = vector.broadcast %mul3A_68 : i32 to vector<16xi32>
        %add3A_70 = arith.addi %add3A_69, %iota3A : vector<16xi32>
        %swap3A_71 = arith.index_cast %scan3A_55 : i32 to index
        %swap3A_72 = tpu.vector_load %arg10[%swap3A_71] masked %eq3A_65 {strides = array<i32>} : memref<16384xi32, #tpu.memory_space<vmem>>, vector<16xi32>, vector<16xi1>
        tpu.vector_store %arg10[%swap3A_71], %add3A_70 masked %eq3A_65 {strides = array<i32>} : memref<16384xi32, #tpu.memory_space<vmem>>, vector<16xi32>, vector<16xi1>
        %all_reduce_population_count3A = tpu.all_reduce %eq3A_65 {dim = 0 : i64, kind = #tpu.reduction_kind<sum>} : vector<16xi1> -> vector<16xi32>
        %reduce_max3A = arith.constant true
        %reduce_max3A_73 = vector.broadcast %reduce_max3A : i1 to vector<16xi1>
        %reduce_max3A_74 = arith.constant -2147483648 : i32
        %reduce_max3A_75 = vector.broadcast %reduce_max3A_74 : i32 to vector<16xi32>
        %reduce_max3A_76 = arith.xori %all_reduce_population_count3A, %reduce_max3A_75 : vector<16xi32>
        %reduce_max3A_77 = tpu.scan <max>, %reduce_max3A_76 masked %reduce_max3A_73 : vector<16xi32>, vector<16xi1> -> vector<16xi32>
        %reduce_max3A_78 = arith.xori %reduce_max3A_77, %reduce_max3A_75 : vector<16xi32>
        %reduce_max3A_79 = vector.extract %reduce_max3A_78[15] : i32 from vector<16xi32>
        %add3A_80 = arith.addi %scan3A_55, %reduce_max3A_79 : i32
        scf.yield %add3A_80 : i32
      }
      %scan3A_12 = arith.constant 1024 : i32
      %add3A = arith.constant 15 : i32
      %add3A_13 = arith.addi %scan3A_11, %add3A : i32
      %shift_right_arithmetic3A = arith.constant 4 : i32
      %shift_right_arithmetic3A_14 = arith.shrsi %add3A_13, %shift_right_arithmetic3A : i32
      %add3A_15 = arith.constant 0 : i32
      %add3A_16 = arith.addi %add3A_15, %arg1 : i32
      %lt3A = arith.constant 1953 : i32
      %lt3A_17 = arith.cmpi slt, %add3A_16, %lt3A : i32
      %convert_element_type3A_18 = arith.extui %lt3A_17 : i1 to i32
      %cond3A_19 = arith.constant 0 : i32
      %cond3A_20 = arith.cmpi ne, %convert_element_type3A_18, %cond3A_19 : i32
      scf.if %cond3A_20 {
        %mul3A = arith.constant 512 : i32
        %mul3A_54 = arith.muli %add3A_16, %mul3A : i32
        %multiple_of3A = tpu.assume_multiple %mul3A_54, 512 : i32
        %dma_start3A = arith.constant 0 : i32
        %dma_start3A_55 = arith.constant 0 : i32
        %dma_start3A_56 = arith.constant 0 : i32
        %dma_start3A_57 = tpu.memref_slice %arg11[%dma_start3A, %dma_start3A_55, %dma_start3A_56] : memref<2x64x512xf32, #tpu.memory_space<vmem>> -> memref<1x64x512xf32, #tpu.memory_space<vmem>>
        %dma_start3A_58 = tpu.memref_squeeze %dma_start3A_57 : memref<1x64x512xf32, #tpu.memory_space<vmem>> -> memref<64x512xf32, #tpu.memory_space<vmem>>
        %dma_start3A_59 = arith.constant 0 : i32
        %dma_start3A_60 = tpu.memref_slice %arg2[%dma_start3A_59, %multiple_of3A] : memref<64x1000000xf32, #tpu.memory_space<hbm>> -> memref<64x512xf32, #tpu.memory_space<hbm>>
        %dma_start3A_61 = arith.constant 0 : i32
        %dma_start3A_62 = arith.constant 0 : i32
        %dma_start3A_63 = tpu.memref_slice %arg11[%dma_start3A, %dma_start3A_61, %dma_start3A_62] : memref<2x64x512xf32, #tpu.memory_space<vmem>> -> memref<1x64x512xf32, #tpu.memory_space<vmem>>
        %dma_start3A_64 = tpu.memref_squeeze %dma_start3A_63 : memref<1x64x512xf32, #tpu.memory_space<vmem>> -> memref<64x512xf32, #tpu.memory_space<vmem>>
        %dma_start3A_65 = arith.constant 0 : i32
        %dma_start3A_66 = tpu.memref_slice %arg2[%dma_start3A_65, %multiple_of3A] : memref<64x1000000xf32, #tpu.memory_space<hbm>> -> memref<64x512xf32, #tpu.memory_space<hbm>>
        tpu.enqueue_dma source(%dma_start3A_66 : memref<64x512xf32, #tpu.memory_space<hbm>>) target(%dma_start3A_64 : memref<64x512xf32, #tpu.memory_space<vmem>>) target_semaphore(%arg15 : memref<!tpu.dma_semaphore, #tpu.memory_space<semaphore_mem>>)
      } else {
      }
      %eq3A_21 = arith.constant 1953 : i32
      %eq3A_22 = arith.cmpi eq, %add3A_16, %eq3A_21 : i32
      %convert_element_type3A_23 = arith.extui %eq3A_22 : i1 to i32
      %cond3A_24 = arith.constant 0 : i32
      %cond3A_25 = arith.cmpi ne, %convert_element_type3A_23, %cond3A_24 : i32
      scf.if %cond3A_25 {
        %mul3A = arith.constant 512 : i32
        %mul3A_54 = arith.muli %add3A_16, %mul3A : i32
        %multiple_of3A = tpu.assume_multiple %mul3A_54, 128 : i32
        %dma_start3A = arith.constant 0 : i32
        %dma_start3A_55 = arith.constant 0 : i32
        %dma_start3A_56 = arith.constant 0 : i32
        %dma_start3A_57 = tpu.memref_slice %arg11[%dma_start3A, %dma_start3A_55, %dma_start3A_56] : memref<2x64x512xf32, #tpu.memory_space<vmem>> -> memref<1x64x128xf32, #tpu.memory_space<vmem>>
        %dma_start3A_58 = tpu.memref_squeeze %dma_start3A_57 : memref<1x64x128xf32, #tpu.memory_space<vmem>> -> memref<64x128xf32, #tpu.memory_space<vmem>>
        %dma_start3A_59 = arith.constant 0 : i32
        %dma_start3A_60 = tpu.memref_slice %arg2[%dma_start3A_59, %multiple_of3A] : memref<64x1000000xf32, #tpu.memory_space<hbm>> -> memref<64x128xf32, #tpu.memory_space<hbm>>
        %dma_start3A_61 = arith.constant 0 : i32
        %dma_start3A_62 = arith.constant 0 : i32
        %dma_start3A_63 = tpu.memref_slice %arg11[%dma_start3A, %dma_start3A_61, %dma_start3A_62] : memref<2x64x512xf32, #tpu.memory_space<vmem>> -> memref<1x64x128xf32, #tpu.memory_space<vmem>>
        %dma_start3A_64 = tpu.memref_squeeze %dma_start3A_63 : memref<1x64x128xf32, #tpu.memory_space<vmem>> -> memref<64x128xf32, #tpu.memory_space<vmem>>
        %dma_start3A_65 = arith.constant 0 : i32
        %dma_start3A_66 = tpu.memref_slice %arg2[%dma_start3A_65, %multiple_of3A] : memref<64x1000000xf32, #tpu.memory_space<hbm>> -> memref<64x128xf32, #tpu.memory_space<hbm>>
        tpu.enqueue_dma source(%dma_start3A_66 : memref<64x128xf32, #tpu.memory_space<hbm>>) target(%dma_start3A_64 : memref<64x128xf32, #tpu.memory_space<vmem>>) target_semaphore(%arg15 : memref<!tpu.dma_semaphore, #tpu.memory_space<semaphore_mem>>)
      } else {
      }
      %add3A_26 = arith.constant 16 : i32
      %add3A_27 = arith.addi %add3A_26, %arg1 : i32
      %lt3A_28 = arith.constant 1953 : i32
      %lt3A_29 = arith.cmpi slt, %add3A_27, %lt3A_28 : i32
      %convert_element_type3A_30 = arith.extui %lt3A_29 : i1 to i32
      %cond3A_31 = arith.constant 0 : i32
      %cond3A_32 = arith.cmpi ne, %convert_element_type3A_30, %cond3A_31 : i32
      scf.if %cond3A_32 {
        %mul3A = arith.constant 512 : i32
        %mul3A_54 = arith.muli %add3A_27, %mul3A : i32
        %multiple_of3A = tpu.assume_multiple %mul3A_54, 512 : i32
        %dma_start3A = arith.constant 1 : i32
        %dma_start3A_55 = arith.constant 0 : i32
        %dma_start3A_56 = arith.constant 0 : i32
        %dma_start3A_57 = tpu.memref_slice %arg11[%dma_start3A, %dma_start3A_55, %dma_start3A_56] : memref<2x64x512xf32, #tpu.memory_space<vmem>> -> memref<1x64x512xf32, #tpu.memory_space<vmem>>
        %dma_start3A_58 = tpu.memref_squeeze %dma_start3A_57 : memref<1x64x512xf32, #tpu.memory_space<vmem>> -> memref<64x512xf32, #tpu.memory_space<vmem>>
        %dma_start3A_59 = arith.constant 0 : i32
        %dma_start3A_60 = tpu.memref_slice %arg2[%dma_start3A_59, %multiple_of3A] : memref<64x1000000xf32, #tpu.memory_space<hbm>> -> memref<64x512xf32, #tpu.memory_space<hbm>>
        %dma_start3A_61 = arith.constant 0 : i32
        %dma_start3A_62 = arith.constant 0 : i32
        %dma_start3A_63 = tpu.memref_slice %arg11[%dma_start3A, %dma_start3A_61, %dma_start3A_62] : memref<2x64x512xf32, #tpu.memory_space<vmem>> -> memref<1x64x512xf32, #tpu.memory_space<vmem>>
        %dma_start3A_64 = tpu.memref_squeeze %dma_start3A_63 : memref<1x64x512xf32, #tpu.memory_space<vmem>> -> memref<64x512xf32, #tpu.memory_space<vmem>>
        %dma_start3A_65 = arith.constant 0 : i32
        %dma_start3A_66 = tpu.memref_slice %arg2[%dma_start3A_65, %multiple_of3A] : memref<64x1000000xf32, #tpu.memory_space<hbm>> -> memref<64x512xf32, #tpu.memory_space<hbm>>
        tpu.enqueue_dma source(%dma_start3A_66 : memref<64x512xf32, #tpu.memory_space<hbm>>) target(%dma_start3A_64 : memref<64x512xf32, #tpu.memory_space<vmem>>) target_semaphore(%arg16 : memref<!tpu.dma_semaphore, #tpu.memory_space<semaphore_mem>>)
      } else {
      }
      %eq3A_33 = arith.constant 1953 : i32
      %eq3A_34 = arith.cmpi eq, %add3A_27, %eq3A_33 : i32
      %convert_element_type3A_35 = arith.extui %eq3A_34 : i1 to i32
      %cond3A_36 = arith.constant 0 : i32
      %cond3A_37 = arith.cmpi ne, %convert_element_type3A_35, %cond3A_36 : i32
      scf.if %cond3A_37 {
        %mul3A = arith.constant 512 : i32
        %mul3A_54 = arith.muli %add3A_27, %mul3A : i32
        %multiple_of3A = tpu.assume_multiple %mul3A_54, 128 : i32
        %dma_start3A = arith.constant 1 : i32
        %dma_start3A_55 = arith.constant 0 : i32
        %dma_start3A_56 = arith.constant 0 : i32
        %dma_start3A_57 = tpu.memref_slice %arg11[%dma_start3A, %dma_start3A_55, %dma_start3A_56] : memref<2x64x512xf32, #tpu.memory_space<vmem>> -> memref<1x64x128xf32, #tpu.memory_space<vmem>>
        %dma_start3A_58 = tpu.memref_squeeze %dma_start3A_57 : memref<1x64x128xf32, #tpu.memory_space<vmem>> -> memref<64x128xf32, #tpu.memory_space<vmem>>
        %dma_start3A_59 = arith.constant 0 : i32
        %dma_start3A_60 = tpu.memref_slice %arg2[%dma_start3A_59, %multiple_of3A] : memref<64x1000000xf32, #tpu.memory_space<hbm>> -> memref<64x128xf32, #tpu.memory_space<hbm>>
        %dma_start3A_61 = arith.constant 0 : i32
        %dma_start3A_62 = arith.constant 0 : i32
        %dma_start3A_63 = tpu.memref_slice %arg11[%dma_start3A, %dma_start3A_61, %dma_start3A_62] : memref<2x64x512xf32, #tpu.memory_space<vmem>> -> memref<1x64x128xf32, #tpu.memory_space<vmem>>
        %dma_start3A_64 = tpu.memref_squeeze %dma_start3A_63 : memref<1x64x128xf32, #tpu.memory_space<vmem>> -> memref<64x128xf32, #tpu.memory_space<vmem>>
        %dma_start3A_65 = arith.constant 0 : i32
        %dma_start3A_66 = tpu.memref_slice %arg2[%dma_start3A_65, %multiple_of3A] : memref<64x1000000xf32, #tpu.memory_space<hbm>> -> memref<64x128xf32, #tpu.memory_space<hbm>>
        tpu.enqueue_dma source(%dma_start3A_66 : memref<64x128xf32, #tpu.memory_space<hbm>>) target(%dma_start3A_64 : memref<64x128xf32, #tpu.memory_space<vmem>>) target_semaphore(%arg16 : memref<!tpu.dma_semaphore, #tpu.memory_space<semaphore_mem>>)
      } else {
      }
      %scan3A_38 = arith.constant 0 : i32
      %scan3A_39 = arith.constant 0 : i32
      %scan3A_40 = arith.constant 62 : i32
      %scan3A_41 = arith.addi %scan3A_39, %scan3A_40 : i32
      %scan3A_42 = arith.constant 1 : i32
      %scan3A_43 = scf.for %scan3A_54 = %scan3A_39 to %scan3A_41 step %scan3A_42 iter_args(%scan3A_55 = %scan3A_38) -> (i32)  : i32 {
        %mul3A = arith.constant 2 : i32
        %mul3A_56 = arith.muli %mul3A, %scan3A_54 : i32
        %add3A_57 = arith.constant 0 : i32
        %add3A_58 = arith.addi %mul3A_56, %add3A_57 : i32
        %mul3A_59 = arith.constant 16 : i32
        %mul3A_60 = arith.muli %add3A_58, %mul3A_59 : i32
        %add3A_61 = arith.addi %mul3A_60, %arg1 : i32
        %le3A = arith.constant 1953 : i32
        %le3A_62 = arith.cmpi sle, %add3A_61, %le3A : i32
        %convert_element_type3A_63 = arith.extui %le3A_62 : i1 to i32
        %cond3A_64 = arith.constant 0 : i32
        %cond3A_65 = arith.cmpi ne, %convert_element_type3A_63, %cond3A_64 : i32
        %cond3A_66 = scf.if %cond3A_65 -> (i32) {
          %lt3A_80 = arith.constant 1953 : i32
          %lt3A_81 = arith.cmpi slt, %add3A_61, %lt3A_80 : i32
          %convert_element_type3A_82 = arith.extui %lt3A_81 : i1 to i32
          %cond3A_83 = arith.constant 0 : i32
          %cond3A_84 = arith.cmpi ne, %convert_element_type3A_82, %cond3A_83 : i32
          scf.if %cond3A_84 {
            %mul3A_113 = arith.constant 512 : i32
            %mul3A_114 = arith.muli %add3A_61, %mul3A_113 : i32
            %multiple_of3A = tpu.assume_multiple %mul3A_114, 512 : i32
            %dma_wait3A = arith.constant 0 : i32
            %dma_wait3A_115 = arith.constant 0 : i32
            %dma_wait3A_116 = arith.constant 0 : i32
            %dma_wait3A_117 = tpu.memref_slice %arg11[%dma_wait3A, %dma_wait3A_115, %dma_wait3A_116] : memref<2x64x512xf32, #tpu.memory_space<vmem>> -> memref<1x64x512xf32, #tpu.memory_space<vmem>>
            %dma_wait3A_118 = tpu.memref_squeeze %dma_wait3A_117 : memref<1x64x512xf32, #tpu.memory_space<vmem>> -> memref<64x512xf32, #tpu.memory_space<vmem>>
            %dma_wait3A_119 = arith.constant 0 : i32
            %dma_wait3A_120 = tpu.memref_slice %arg2[%dma_wait3A_119, %multiple_of3A] : memref<64x1000000xf32, #tpu.memory_space<hbm>> -> memref<64x512xf32, #tpu.memory_space<hbm>>
            %dma_wait3A_121 = arith.constant 0 : i32
            %dma_wait3A_122 = arith.constant 0 : i32
            %dma_wait3A_123 = tpu.memref_slice %arg11[%dma_wait3A, %dma_wait3A_121, %dma_wait3A_122] : memref<2x64x512xf32, #tpu.memory_space<vmem>> -> memref<1x64x512xf32, #tpu.memory_space<vmem>>
            %dma_wait3A_124 = tpu.memref_squeeze %dma_wait3A_123 : memref<1x64x512xf32, #tpu.memory_space<vmem>> -> memref<64x512xf32, #tpu.memory_space<vmem>>
            %dma_wait3A_125 = arith.constant 0 : i32
            %dma_wait3A_126 = tpu.memref_slice %arg2[%dma_wait3A_125, %multiple_of3A] : memref<64x1000000xf32, #tpu.memory_space<hbm>> -> memref<64x512xf32, #tpu.memory_space<hbm>>
            tpu.wait_dma2 semaphore(%arg15 : memref<!tpu.dma_semaphore, #tpu.memory_space<semaphore_mem>>) src(%dma_wait3A_126 : memref<64x512xf32, #tpu.memory_space<hbm>>) dst(%dma_wait3A_124 : memref<64x512xf32, #tpu.memory_space<vmem>>)
          } else {
          }
          %eq3A_85 = arith.constant 1953 : i32
          %eq3A_86 = arith.cmpi eq, %add3A_61, %eq3A_85 : i32
          %convert_element_type3A_87 = arith.extui %eq3A_86 : i1 to i32
          %cond3A_88 = arith.constant 0 : i32
          %cond3A_89 = arith.cmpi ne, %convert_element_type3A_87, %cond3A_88 : i32
          scf.if %cond3A_89 {
            %mul3A_113 = arith.constant 512 : i32
            %mul3A_114 = arith.muli %add3A_61, %mul3A_113 : i32
            %multiple_of3A = tpu.assume_multiple %mul3A_114, 128 : i32
            %dma_wait3A = arith.constant 0 : i32
            %dma_wait3A_115 = arith.constant 0 : i32
            %dma_wait3A_116 = arith.constant 0 : i32
            %dma_wait3A_117 = tpu.memref_slice %arg11[%dma_wait3A, %dma_wait3A_115, %dma_wait3A_116] : memref<2x64x512xf32, #tpu.memory_space<vmem>> -> memref<1x64x128xf32, #tpu.memory_space<vmem>>
            %dma_wait3A_118 = tpu.memref_squeeze %dma_wait3A_117 : memref<1x64x128xf32, #tpu.memory_space<vmem>> -> memref<64x128xf32, #tpu.memory_space<vmem>>
            %dma_wait3A_119 = arith.constant 0 : i32
            %dma_wait3A_120 = tpu.memref_slice %arg2[%dma_wait3A_119, %multiple_of3A] : memref<64x1000000xf32, #tpu.memory_space<hbm>> -> memref<64x128xf32, #tpu.memory_space<hbm>>
            %dma_wait3A_121 = arith.constant 0 : i32
            %dma_wait3A_122 = arith.constant 0 : i32
            %dma_wait3A_123 = tpu.memref_slice %arg11[%dma_wait3A, %dma_wait3A_121, %dma_wait3A_122] : memref<2x64x512xf32, #tpu.memory_space<vmem>> -> memref<1x64x128xf32, #tpu.memory_space<vmem>>
            %dma_wait3A_124 = tpu.memref_squeeze %dma_wait3A_123 : memref<1x64x128xf32, #tpu.memory_space<vmem>> -> memref<64x128xf32, #tpu.memory_space<vmem>>
            %dma_wait3A_125 = arith.constant 0 : i32
            %dma_wait3A_126 = tpu.memref_slice %arg2[%dma_wait3A_125, %multiple_of3A] : memref<64x1000000xf32, #tpu.memory_space<hbm>> -> memref<64x128xf32, #tpu.memory_space<hbm>>
            tpu.wait_dma2 semaphore(%arg15 : memref<!tpu.dma_semaphore, #tpu.memory_space<semaphore_mem>>) src(%dma_wait3A_126 : memref<64x128xf32, #tpu.memory_space<hbm>>) dst(%dma_wait3A_124 : memref<64x128xf32, #tpu.memory_space<vmem>>)
          } else {
          }
          %while3A_90 = arith.constant 0 : i32
          %while3A_91 = arith.subi %shift_right_arithmetic3A_14, %while3A_90 : i32
          %while3A_92 = arith.addi %while3A_90, %while3A_91 : i32
          %while3A_93 = arith.constant 1 : i32
          %while3A_94 = arith.divsi %while3A_91, %while3A_93 : i32
          %while3A_95 = arith.muli %while3A_94, %while3A_93 : i32
          %while3A_96 = arith.addi %while3A_90, %while3A_95 : i32
          %while3A_97 = arith.constant 1 : i32
          %while3A_98 = scf.for %while3A_113 = %while3A_90 to %while3A_96 step %while3A_97 iter_args(%while3A_114 = %scan3A_55) -> (i32)  : i32 {
            %mul3A_115 = arith.constant 16 : i32
            %mul3A_116 = arith.muli %while3A_113, %mul3A_115 : i32
            %get3A = arith.index_cast %mul3A_116 : i32 to index
            %get3A_117 = tpu.vector_load %arg9[%get3A] {strides = array<i32>} : memref<16384xi32, #tpu.memory_space<vmem>>, vector<16xi32>,
            %shift_right_arithmetic3A_118 = arith.constant 9 : i32
            %shift_right_arithmetic3A_119 = vector.broadcast %shift_right_arithmetic3A_118 : i32 to vector<16xi32>
            %shift_right_arithmetic3A_120 = arith.shrsi %get3A_117, %shift_right_arithmetic3A_119 : vector<16xi32>
            %eq3A_121 = vector.broadcast %add3A_61 : i32 to vector<16xi32>
            %eq3A_122 = arith.cmpi eq, %shift_right_arithmetic3A_120, %eq3A_121 : vector<16xi32>
            %all_reduce_population_count3A = tpu.all_reduce %eq3A_122 {dim = 0 : i64, kind = #tpu.reduction_kind<sum>} : vector<16xi1> -> vector<16xi32>
            %reduce_max3A = arith.constant true
            %reduce_max3A_123 = vector.broadcast %reduce_max3A : i1 to vector<16xi1>
            %reduce_max3A_124 = arith.constant -2147483648 : i32
            %reduce_max3A_125 = vector.broadcast %reduce_max3A_124 : i32 to vector<16xi32>
            %reduce_max3A_126 = arith.xori %all_reduce_population_count3A, %reduce_max3A_125 : vector<16xi32>
            %reduce_max3A_127 = tpu.scan <max>, %reduce_max3A_126 masked %reduce_max3A_123 : vector<16xi32>, vector<16xi1> -> vector<16xi32>
            %reduce_max3A_128 = arith.xori %reduce_max3A_127, %reduce_max3A_125 : vector<16xi32>
            %reduce_max3A_129 = vector.extract %reduce_max3A_128[15] : i32 from vector<16xi32>
            %gt3A = arith.constant 0 : i32
            %gt3A_130 = arith.cmpi sgt, %reduce_max3A_129, %gt3A : i32
            %convert_element_type3A_131 = arith.extui %gt3A_130 : i1 to i32
            %cond3A_132 = arith.constant 0 : i32
            %cond3A_133 = arith.cmpi ne, %convert_element_type3A_131, %cond3A_132 : i32
            %cond3A_134 = scf.if %cond3A_133 -> (i32) {
              %mul3A_135 = arith.constant 16 : i32
              %mul3A_136 = arith.muli %while3A_113, %mul3A_135 : i32
              %get3A_137 = arith.index_cast %mul3A_136 : i32 to index
              %get3A_138 = tpu.vector_load %arg10[%get3A_137] {strides = array<i32>} : memref<16384xi32, #tpu.memory_space<vmem>>, vector<16xi32>,
              %and3A_139 = arith.constant 511 : i32
              %and3A_140 = vector.broadcast %and3A_139 : i32 to vector<16xi32>
              %and3A_141 = arith.andi %get3A_117, %and3A_140 : vector<16xi32>
              %swap3A = arith.constant 0 : index
              %swap3A_142 = tpu.vector_load %arg13[%swap3A] masked %eq3A_122 {strides = array<i32>} : memref<16xi32, #tpu.memory_space<vmem>>, vector<16xi32>, vector<16xi1>
              tpu.vector_store %arg13[%swap3A], %and3A_141 masked %eq3A_122 {strides = array<i32>} : memref<16xi32, #tpu.memory_space<vmem>>, vector<16xi32>, vector<16xi1>
              %swap3A_143 = arith.constant 0 : index
              %swap3A_144 = tpu.vector_load %arg14[%swap3A_143] masked %eq3A_122 {strides = array<i32>} : memref<16xi32, #tpu.memory_space<vmem>>, vector<16xi32>, vector<16xi1>
              tpu.vector_store %arg14[%swap3A_143], %get3A_138 masked %eq3A_122 {strides = array<i32>} : memref<16xi32, #tpu.memory_space<vmem>>, vector<16xi32>, vector<16xi1>
              %while3A_145 = arith.constant 0 : i32
              %while3A_146 = arith.subi %reduce_max3A_129, %while3A_145 : i32
              %while3A_147 = arith.addi %while3A_145, %while3A_146 : i32
              %while3A_148 = arith.constant 1 : i32
              %while3A_149 = arith.divsi %while3A_146, %while3A_148 : i32
              %while3A_150 = arith.muli %while3A_149, %while3A_148 : i32
              %while3A_151 = arith.addi %while3A_145, %while3A_150 : i32
              %while3A_152 = arith.constant 1 : i32
              %while3A_153 = scf.for %while3A_156 = %while3A_145 to %while3A_151 step %while3A_152 iter_args(%while3A_157 = %while3A_114) -> (i32)  : i32 {
                %eq3A_158 = vector.broadcast %while3A_156 : i32 to vector<16xi32>
                %eq3A_159 = arith.cmpi eq, %iota3A, %eq3A_158 : vector<16xi32>
                %get3A_160 = arith.constant 0 : index
                %get3A_161 = tpu.vector_load %arg13[%get3A_160] {strides = array<i32>} : memref<16xi32, #tpu.memory_space<vmem>>, vector<16xi32>,
                %get3A_162 = arith.constant 0 : index
                %get3A_163 = tpu.vector_load %arg14[%get3A_162] {strides = array<i32>} : memref<16xi32, #tpu.memory_space<vmem>>, vector<16xi32>,
                %jit3A = arith.constant 0 : i32
                %broadcast_in_dim3A = vector.broadcast %jit3A : i32 to vector<16xi32>
                %select_n3A = arith.select %eq3A_159, %get3A_161, %broadcast_in_dim3A : vector<16xi1>, vector<16xi32>
                %reduce_max3A_164 = arith.constant true
                %reduce_max3A_165 = vector.broadcast %reduce_max3A_164 : i1 to vector<16xi1>
                %reduce_max3A_166 = arith.constant -2147483648 : i32
                %reduce_max3A_167 = vector.broadcast %reduce_max3A_166 : i32 to vector<16xi32>
                %reduce_max3A_168 = arith.xori %select_n3A, %reduce_max3A_167 : vector<16xi32>
                %reduce_max3A_169 = tpu.scan <max>, %reduce_max3A_168 masked %reduce_max3A_165 : vector<16xi32>, vector<16xi1> -> vector<16xi32>
                %reduce_max3A_170 = arith.xori %reduce_max3A_169, %reduce_max3A_167 : vector<16xi32>
                %reduce_max3A_171 = vector.extract %reduce_max3A_170[15] : i32 from vector<16xi32>
                %jit3A_172 = arith.constant 0 : i32
                %broadcast_in_dim3A_173 = vector.broadcast %jit3A_172 : i32 to vector<16xi32>
                %select_n3A_174 = arith.select %eq3A_159, %get3A_163, %broadcast_in_dim3A_173 : vector<16xi1>, vector<16xi32>
                %reduce_max3A_175 = arith.constant true
                %reduce_max3A_176 = vector.broadcast %reduce_max3A_175 : i1 to vector<16xi1>
                %reduce_max3A_177 = arith.constant -2147483648 : i32
                %reduce_max3A_178 = vector.broadcast %reduce_max3A_177 : i32 to vector<16xi32>
                %reduce_max3A_179 = arith.xori %select_n3A_174, %reduce_max3A_178 : vector<16xi32>
                %reduce_max3A_180 = tpu.scan <max>, %reduce_max3A_179 masked %reduce_max3A_176 : vector<16xi32>, vector<16xi1> -> vector<16xi32>
                %reduce_max3A_181 = arith.xori %reduce_max3A_180, %reduce_max3A_178 : vector<16xi32>
                %reduce_max3A_182 = vector.extract %reduce_max3A_181[15] : i32 from vector<16xi32>
                %broadcast_in_dim3A_183 = vector.broadcast %reduce_max3A_171 : i32 to vector<16xi32>
                %and3A_184 = arith.constant 63 : i32
                %and3A_185 = arith.andi %while3A_157, %and3A_184 : i32
                %broadcast_in_dim3A_186 = vector.broadcast %and3A_185 : i32 to vector<16xi32>
                %add3A_187 = arith.constant 0 : i32
                %add3A_188 = vector.broadcast %add3A_187 : i32 to vector<16xi32>
                %add3A_189 = arith.addi %iota3A, %add3A_188 : vector<16xi32>
                %gather3A = arith.constant 0 : i32
                %gather3A_190 = arith.constant 0 : i32
                %gather3A_191 = arith.constant 0 : i32
                %gather3A_192 = tpu.memref_slice %arg11[%gather3A, %gather3A_190, %gather3A_191] : memref<2x64x512xf32, #tpu.memory_space<vmem>> -> memref<1x64x512xf32, #tpu.memory_space<vmem>>
                %gather3A_193 = tpu.memref_squeeze %gather3A_192 : memref<1x64x512xf32, #tpu.memory_space<vmem>> -> memref<64x512xf32, #tpu.memory_space<vmem>>
                %gather3A_194 = tpu.vector_load_idx %gather3A_193[%add3A_189, %broadcast_in_dim3A_183] : memref<64x512xf32, #tpu.memory_space<vmem>>[vector<16xi32>, vector<16xi32>], vector<16xf32>,
                %add3A_195 = arith.constant 0 : i32
                %add3A_196 = vector.broadcast %add3A_195 : i32 to vector<16xi32>
                %add3A_197 = arith.addi %add3A_196, %iota3A : vector<16xi32>
                tpu.vector_store_idx %arg12[%broadcast_in_dim3A_186, %add3A_197], %gather3A_194 : memref<64x64xf32, #tpu.memory_space<vmem>>[vector<16xi32>, vector<16xi32>], vector<16xf32>,
                %add3A_198 = arith.constant 16 : i32
                %add3A_199 = vector.broadcast %add3A_198 : i32 to vector<16xi32>
                %add3A_200 = arith.addi %iota3A, %add3A_199 : vector<16xi32>
                %gather3A_201 = arith.constant 0 : i32
                %gather3A_202 = arith.constant 0 : i32
                %gather3A_203 = arith.constant 0 : i32
                %gather3A_204 = tpu.memref_slice %arg11[%gather3A_201, %gather3A_202, %gather3A_203] : memref<2x64x512xf32, #tpu.memory_space<vmem>> -> memref<1x64x512xf32, #tpu.memory_space<vmem>>
                %gather3A_205 = tpu.memref_squeeze %gather3A_204 : memref<1x64x512xf32, #tpu.memory_space<vmem>> -> memref<64x512xf32, #tpu.memory_space<vmem>>
                %gather3A_206 = tpu.vector_load_idx %gather3A_205[%add3A_200, %broadcast_in_dim3A_183] : memref<64x512xf32, #tpu.memory_space<vmem>>[vector<16xi32>, vector<16xi32>], vector<16xf32>,
                %add3A_207 = arith.constant 16 : i32
                %add3A_208 = vector.broadcast %add3A_207 : i32 to vector<16xi32>
                %add3A_209 = arith.addi %add3A_208, %iota3A : vector<16xi32>
                tpu.vector_store_idx %arg12[%broadcast_in_dim3A_186, %add3A_209], %gather3A_206 : memref<64x64xf32, #tpu.memory_space<vmem>>[vector<16xi32>, vector<16xi32>], vector<16xf32>,
                %add3A_210 = arith.constant 32 : i32
                %add3A_211 = vector.broadcast %add3A_210 : i32 to vector<16xi32>
                %add3A_212 = arith.addi %iota3A, %add3A_211 : vector<16xi32>
                %gather3A_213 = arith.constant 0 : i32
                %gather3A_214 = arith.constant 0 : i32
                %gather3A_215 = arith.constant 0 : i32
                %gather3A_216 = tpu.memref_slice %arg11[%gather3A_213, %gather3A_214, %gather3A_215] : memref<2x64x512xf32, #tpu.memory_space<vmem>> -> memref<1x64x512xf32, #tpu.memory_space<vmem>>
                %gather3A_217 = tpu.memref_squeeze %gather3A_216 : memref<1x64x512xf32, #tpu.memory_space<vmem>> -> memref<64x512xf32, #tpu.memory_space<vmem>>
                %gather3A_218 = tpu.vector_load_idx %gather3A_217[%add3A_212, %broadcast_in_dim3A_183] : memref<64x512xf32, #tpu.memory_space<vmem>>[vector<16xi32>, vector<16xi32>], vector<16xf32>,
                %add3A_219 = arith.constant 32 : i32
                %add3A_220 = vector.broadcast %add3A_219 : i32 to vector<16xi32>
                %add3A_221 = arith.addi %add3A_220, %iota3A : vector<16xi32>
                tpu.vector_store_idx %arg12[%broadcast_in_dim3A_186, %add3A_221], %gather3A_218 : memref<64x64xf32, #tpu.memory_space<vmem>>[vector<16xi32>, vector<16xi32>], vector<16xf32>,
                %add3A_222 = arith.constant 48 : i32
                %add3A_223 = vector.broadcast %add3A_222 : i32 to vector<16xi32>
                %add3A_224 = arith.addi %iota3A, %add3A_223 : vector<16xi32>
                %gather3A_225 = arith.constant 0 : i32
                %gather3A_226 = arith.constant 0 : i32
                %gather3A_227 = arith.constant 0 : i32
                %gather3A_228 = tpu.memref_slice %arg11[%gather3A_225, %gather3A_226, %gather3A_227] : memref<2x64x512xf32, #tpu.memory_space<vmem>> -> memref<1x64x512xf32, #tpu.memory_space<vmem>>
                %gather3A_229 = tpu.memref_squeeze %gather3A_228 : memref<1x64x512xf32, #tpu.memory_space<vmem>> -> memref<64x512xf32, #tpu.memory_space<vmem>>
                %gather3A_230 = tpu.vector_load_idx %gather3A_229[%add3A_224, %broadcast_in_dim3A_183] : memref<64x512xf32, #tpu.memory_space<vmem>>[vector<16xi32>, vector<16xi32>], vector<16xf32>,
                %add3A_231 = arith.constant 48 : i32
                %add3A_232 = vector.broadcast %add3A_231 : i32 to vector<16xi32>
                %add3A_233 = arith.addi %add3A_232, %iota3A : vector<16xi32>
                tpu.vector_store_idx %arg12[%broadcast_in_dim3A_186, %add3A_233], %gather3A_230 : memref<64x64xf32, #tpu.memory_space<vmem>>[vector<16xi32>, vector<16xi32>], vector<16xf32>,
                %dma_start3A = arith.constant 0 : i32
                %dma_start3A_234 = tpu.memref_slice %arg12[%and3A_185, %dma_start3A] : memref<64x64xf32, #tpu.memory_space<vmem>> -> memref<1x64xf32, #tpu.memory_space<vmem>>
                %dma_start3A_235 = arith.constant 0 : i32
                %dma_start3A_236 = tpu.memref_slice %arg6[%reduce_max3A_182, %dma_start3A_235] : memref<16384x64xf32, #tpu.memory_space<hbm>> -> memref<1x64xf32, #tpu.memory_space<hbm>>
                %dma_start3A_237 = arith.constant 0 : i32
                %dma_start3A_238 = tpu.memref_slice %arg6[%reduce_max3A_182, %dma_start3A_237] : memref<16384x64xf32, #tpu.memory_space<hbm>> -> memref<1x64xf32, #tpu.memory_space<hbm>>
                %dma_start3A_239 = arith.constant 0 : i32
                %dma_start3A_240 = tpu.memref_slice %arg12[%and3A_185, %dma_start3A_239] : memref<64x64xf32, #tpu.memory_space<vmem>> -> memref<1x64xf32, #tpu.memory_space<vmem>>
                tpu.enqueue_dma source(%dma_start3A_240 : memref<1x64xf32, #tpu.memory_space<vmem>>) target(%dma_start3A_238 : memref<1x64xf32, #tpu.memory_space<hbm>>) target_semaphore(%arg17 : memref<!tpu.dma_semaphore, #tpu.memory_space<semaphore_mem>>)
                %eq3A_241 = arith.constant 63 : i32
                %eq3A_242 = arith.cmpi eq, %and3A_185, %eq3A_241 : i32
                %convert_element_type3A_243 = arith.extui %eq3A_242 : i1 to i32
                %cond3A_244 = arith.constant 0 : i32
                %cond3A_245 = arith.cmpi ne, %convert_element_type3A_243, %cond3A_244 : i32
                scf.if %cond3A_245 {
                  %scan3A_248 = arith.constant 0 : i32
                  %scan3A_249 = arith.constant 64 : i32
                  %scan3A_250 = arith.addi %scan3A_248, %scan3A_249 : i32
                  %scan3A_251 = arith.constant 1 : i32
                  scf.for %scan3A_253 = %scan3A_248 to %scan3A_250 step %scan3A_251  : i32 {
                    %dma_wait3A = arith.constant 0 : i32
                    %dma_wait3A_254 = arith.constant 0 : i32
                    %dma_wait3A_255 = tpu.memref_slice %arg12[%dma_wait3A, %dma_wait3A_254] : memref<64x64xf32, #tpu.memory_space<vmem>> -> memref<1x64xf32, #tpu.memory_space<vmem>>
                    %dma_wait3A_256 = arith.constant 0 : i32
                    %dma_wait3A_257 = arith.constant 0 : i32
                    %dma_wait3A_258 = tpu.memref_slice %arg6[%dma_wait3A_256, %dma_wait3A_257] : memref<16384x64xf32, #tpu.memory_space<hbm>> -> memref<1x64xf32, #tpu.memory_space<hbm>>
                    %dma_wait3A_259 = arith.constant 0 : i32
                    %dma_wait3A_260 = arith.constant 0 : i32
                    %dma_wait3A_261 = tpu.memref_slice %arg6[%dma_wait3A_259, %dma_wait3A_260] : memref<16384x64xf32, #tpu.memory_space<hbm>> -> memref<1x64xf32, #tpu.memory_space<hbm>>
                    %dma_wait3A_262 = arith.constant 0 : i32
                    %dma_wait3A_263 = arith.constant 0 : i32
                    %dma_wait3A_264 = tpu.memref_slice %arg12[%dma_wait3A_262, %dma_wait3A_263] : memref<64x64xf32, #tpu.memory_space<vmem>> -> memref<1x64xf32, #tpu.memory_space<vmem>>
                    tpu.wait_dma2 semaphore(%arg17 : memref<!tpu.dma_semaphore, #tpu.memory_space<semaphore_mem>>) src(%dma_wait3A_264 : memref<1x64xf32, #tpu.memory_space<vmem>>) dst(%dma_wait3A_261 : memref<1x64xf32, #tpu.memory_space<hbm>>)
                  }
                  %scan3A_252 = arith.constant 64 : i32
                } else {
                }
                %add3A_246 = arith.constant 1 : i32
                %add3A_247 = arith.addi %while3A_157, %add3A_246 : i32
                scf.yield %add3A_247 : i32
              }
              %while3A_154 = arith.constant 1 : i32
              %while3A_155 = scf.for %while3A_156 = %while3A_151 to %while3A_147 step %while3A_154 iter_args(%while3A_157 = %while3A_153) -> (i32)  : i32 {
                %eq3A_158 = vector.broadcast %while3A_156 : i32 to vector<16xi32>
                %eq3A_159 = arith.cmpi eq, %iota3A, %eq3A_158 : vector<16xi32>
                %get3A_160 = arith.constant 0 : index
                %get3A_161 = tpu.vector_load %arg13[%get3A_160] {strides = array<i32>} : memref<16xi32, #tpu.memory_space<vmem>>, vector<16xi32>,
                %get3A_162 = arith.constant 0 : index
                %get3A_163 = tpu.vector_load %arg14[%get3A_162] {strides = array<i32>} : memref<16xi32, #tpu.memory_space<vmem>>, vector<16xi32>,
                %jit3A = arith.constant 0 : i32
                %broadcast_in_dim3A = vector.broadcast %jit3A : i32 to vector<16xi32>
                %select_n3A = arith.select %eq3A_159, %get3A_161, %broadcast_in_dim3A : vector<16xi1>, vector<16xi32>
                %reduce_max3A_164 = arith.constant true
                %reduce_max3A_165 = vector.broadcast %reduce_max3A_164 : i1 to vector<16xi1>
                %reduce_max3A_166 = arith.constant -2147483648 : i32
                %reduce_max3A_167 = vector.broadcast %reduce_max3A_166 : i32 to vector<16xi32>
                %reduce_max3A_168 = arith.xori %select_n3A, %reduce_max3A_167 : vector<16xi32>
                %reduce_max3A_169 = tpu.scan <max>, %reduce_max3A_168 masked %reduce_max3A_165 : vector<16xi32>, vector<16xi1> -> vector<16xi32>
                %reduce_max3A_170 = arith.xori %reduce_max3A_169, %reduce_max3A_167 : vector<16xi32>
                %reduce_max3A_171 = vector.extract %reduce_max3A_170[15] : i32 from vector<16xi32>
                %jit3A_172 = arith.constant 0 : i32
                %broadcast_in_dim3A_173 = vector.broadcast %jit3A_172 : i32 to vector<16xi32>
                %select_n3A_174 = arith.select %eq3A_159, %get3A_163, %broadcast_in_dim3A_173 : vector<16xi1>, vector<16xi32>
                %reduce_max3A_175 = arith.constant true
                %reduce_max3A_176 = vector.broadcast %reduce_max3A_175 : i1 to vector<16xi1>
                %reduce_max3A_177 = arith.constant -2147483648 : i32
                %reduce_max3A_178 = vector.broadcast %reduce_max3A_177 : i32 to vector<16xi32>
                %reduce_max3A_179 = arith.xori %select_n3A_174, %reduce_max3A_178 : vector<16xi32>
                %reduce_max3A_180 = tpu.scan <max>, %reduce_max3A_179 masked %reduce_max3A_176 : vector<16xi32>, vector<16xi1> -> vector<16xi32>
                %reduce_max3A_181 = arith.xori %reduce_max3A_180, %reduce_max3A_178 : vector<16xi32>
                %reduce_max3A_182 = vector.extract %reduce_max3A_181[15] : i32 from vector<16xi32>
                %broadcast_in_dim3A_183 = vector.broadcast %reduce_max3A_171 : i32 to vector<16xi32>
                %and3A_184 = arith.constant 63 : i32
                %and3A_185 = arith.andi %while3A_157, %and3A_184 : i32
                %broadcast_in_dim3A_186 = vector.broadcast %and3A_185 : i32 to vector<16xi32>
                %add3A_187 = arith.constant 0 : i32
                %add3A_188 = vector.broadcast %add3A_187 : i32 to vector<16xi32>
                %add3A_189 = arith.addi %iota3A, %add3A_188 : vector<16xi32>
                %gather3A = arith.constant 0 : i32
                %gather3A_190 = arith.constant 0 : i32
                %gather3A_191 = arith.constant 0 : i32
                %gather3A_192 = tpu.memref_slice %arg11[%gather3A, %gather3A_190, %gather3A_191] : memref<2x64x512xf32, #tpu.memory_space<vmem>> -> memref<1x64x512xf32, #tpu.memory_space<vmem>>
                %gather3A_193 = tpu.memref_squeeze %gather3A_192 : memref<1x64x512xf32, #tpu.memory_space<vmem>> -> memref<64x512xf32, #tpu.memory_space<vmem>>
                %gather3A_194 = tpu.vector_load_idx %gather3A_193[%add3A_189, %broadcast_in_dim3A_183] : memref<64x512xf32, #tpu.memory_space<vmem>>[vector<16xi32>, vector<16xi32>], vector<16xf32>,
                %add3A_195 = arith.constant 0 : i32
                %add3A_196 = vector.broadcast %add3A_195 : i32 to vector<16xi32>
                %add3A_197 = arith.addi %add3A_196, %iota3A : vector<16xi32>
                tpu.vector_store_idx %arg12[%broadcast_in_dim3A_186, %add3A_197], %gather3A_194 : memref<64x64xf32, #tpu.memory_space<vmem>>[vector<16xi32>, vector<16xi32>], vector<16xf32>,
                %add3A_198 = arith.constant 16 : i32
                %add3A_199 = vector.broadcast %add3A_198 : i32 to vector<16xi32>
                %add3A_200 = arith.addi %iota3A, %add3A_199 : vector<16xi32>
                %gather3A_201 = arith.constant 0 : i32
                %gather3A_202 = arith.constant 0 : i32
                %gather3A_203 = arith.constant 0 : i32
                %gather3A_204 = tpu.memref_slice %arg11[%gather3A_201, %gather3A_202, %gather3A_203] : memref<2x64x512xf32, #tpu.memory_space<vmem>> -> memref<1x64x512xf32, #tpu.memory_space<vmem>>
                %gather3A_205 = tpu.memref_squeeze %gather3A_204 : memref<1x64x512xf32, #tpu.memory_space<vmem>> -> memref<64x512xf32, #tpu.memory_space<vmem>>
                %gather3A_206 = tpu.vector_load_idx %gather3A_205[%add3A_200, %broadcast_in_dim3A_183] : memref<64x512xf32, #tpu.memory_space<vmem>>[vector<16xi32>, vector<16xi32>], vector<16xf32>,
                %add3A_207 = arith.constant 16 : i32
                %add3A_208 = vector.broadcast %add3A_207 : i32 to vector<16xi32>
                %add3A_209 = arith.addi %add3A_208, %iota3A : vector<16xi32>
                tpu.vector_store_idx %arg12[%broadcast_in_dim3A_186, %add3A_209], %gather3A_206 : memref<64x64xf32, #tpu.memory_space<vmem>>[vector<16xi32>, vector<16xi32>], vector<16xf32>,
                %add3A_210 = arith.constant 32 : i32
                %add3A_211 = vector.broadcast %add3A_210 : i32 to vector<16xi32>
                %add3A_212 = arith.addi %iota3A, %add3A_211 : vector<16xi32>
                %gather3A_213 = arith.constant 0 : i32
                %gather3A_214 = arith.constant 0 : i32
                %gather3A_215 = arith.constant 0 : i32
                %gather3A_216 = tpu.memref_slice %arg11[%gather3A_213, %gather3A_214, %gather3A_215] : memref<2x64x512xf32, #tpu.memory_space<vmem>> -> memref<1x64x512xf32, #tpu.memory_space<vmem>>
                %gather3A_217 = tpu.memref_squeeze %gather3A_216 : memref<1x64x512xf32, #tpu.memory_space<vmem>> -> memref<64x512xf32, #tpu.memory_space<vmem>>
                %gather3A_218 = tpu.vector_load_idx %gather3A_217[%add3A_212, %broadcast_in_dim3A_183] : memref<64x512xf32, #tpu.memory_space<vmem>>[vector<16xi32>, vector<16xi32>], vector<16xf32>,
                %add3A_219 = arith.constant 32 : i32
                %add3A_220 = vector.broadcast %add3A_219 : i32 to vector<16xi32>
                %add3A_221 = arith.addi %add3A_220, %iota3A : vector<16xi32>
                tpu.vector_store_idx %arg12[%broadcast_in_dim3A_186, %add3A_221], %gather3A_218 : memref<64x64xf32, #tpu.memory_space<vmem>>[vector<16xi32>, vector<16xi32>], vector<16xf32>,
                %add3A_222 = arith.constant 48 : i32
                %add3A_223 = vector.broadcast %add3A_222 : i32 to vector<16xi32>
                %add3A_224 = arith.addi %iota3A, %add3A_223 : vector<16xi32>
                %gather3A_225 = arith.constant 0 : i32
                %gather3A_226 = arith.constant 0 : i32
                %gather3A_227 = arith.constant 0 : i32
                %gather3A_228 = tpu.memref_slice %arg11[%gather3A_225, %gather3A_226, %gather3A_227] : memref<2x64x512xf32, #tpu.memory_space<vmem>> -> memref<1x64x512xf32, #tpu.memory_space<vmem>>
                %gather3A_229 = tpu.memref_squeeze %gather3A_228 : memref<1x64x512xf32, #tpu.memory_space<vmem>> -> memref<64x512xf32, #tpu.memory_space<vmem>>
                %gather3A_230 = tpu.vector_load_idx %gather3A_229[%add3A_224, %broadcast_in_dim3A_183] : memref<64x512xf32, #tpu.memory_space<vmem>>[vector<16xi32>, vector<16xi32>], vector<16xf32>,
                %add3A_231 = arith.constant 48 : i32
                %add3A_232 = vector.broadcast %add3A_231 : i32 to vector<16xi32>
                %add3A_233 = arith.addi %add3A_232, %iota3A : vector<16xi32>
                tpu.vector_store_idx %arg12[%broadcast_in_dim3A_186, %add3A_233], %gather3A_230 : memref<64x64xf32, #tpu.memory_space<vmem>>[vector<16xi32>, vector<16xi32>], vector<16xf32>,
                %dma_start3A = arith.constant 0 : i32
                %dma_start3A_234 = tpu.memref_slice %arg12[%and3A_185, %dma_start3A] : memref<64x64xf32, #tpu.memory_space<vmem>> -> memref<1x64xf32, #tpu.memory_space<vmem>>
                %dma_start3A_235 = arith.constant 0 : i32
                %dma_start3A_236 = tpu.memref_slice %arg6[%reduce_max3A_182, %dma_start3A_235] : memref<16384x64xf32, #tpu.memory_space<hbm>> -> memref<1x64xf32, #tpu.memory_space<hbm>>
                %dma_start3A_237 = arith.constant 0 : i32
                %dma_start3A_238 = tpu.memref_slice %arg6[%reduce_max3A_182, %dma_start3A_237] : memref<16384x64xf32, #tpu.memory_space<hbm>> -> memref<1x64xf32, #tpu.memory_space<hbm>>
                %dma_start3A_239 = arith.constant 0 : i32
                %dma_start3A_240 = tpu.memref_slice %arg12[%and3A_185, %dma_start3A_239] : memref<64x64xf32, #tpu.memory_space<vmem>> -> memref<1x64xf32, #tpu.memory_space<vmem>>
                tpu.enqueue_dma source(%dma_start3A_240 : memref<1x64xf32, #tpu.memory_space<vmem>>) target(%dma_start3A_238 : memref<1x64xf32, #tpu.memory_space<hbm>>) target_semaphore(%arg17 : memref<!tpu.dma_semaphore, #tpu.memory_space<semaphore_mem>>)
                %eq3A_241 = arith.constant 63 : i32
                %eq3A_242 = arith.cmpi eq, %and3A_185, %eq3A_241 : i32
                %convert_element_type3A_243 = arith.extui %eq3A_242 : i1 to i32
                %cond3A_244 = arith.constant 0 : i32
                %cond3A_245 = arith.cmpi ne, %convert_element_type3A_243, %cond3A_244 : i32
                scf.if %cond3A_245 {
                  %scan3A_248 = arith.constant 0 : i32
                  %scan3A_249 = arith.constant 64 : i32
                  %scan3A_250 = arith.addi %scan3A_248, %scan3A_249 : i32
                  %scan3A_251 = arith.constant 1 : i32
                  scf.for %scan3A_253 = %scan3A_248 to %scan3A_250 step %scan3A_251  : i32 {
                    %dma_wait3A = arith.constant 0 : i32
                    %dma_wait3A_254 = arith.constant 0 : i32
                    %dma_wait3A_255 = tpu.memref_slice %arg12[%dma_wait3A, %dma_wait3A_254] : memref<64x64xf32, #tpu.memory_space<vmem>> -> memref<1x64xf32, #tpu.memory_space<vmem>>
                    %dma_wait3A_256 = arith.constant 0 : i32
                    %dma_wait3A_257 = arith.constant 0 : i32
                    %dma_wait3A_258 = tpu.memref_slice %arg6[%dma_wait3A_256, %dma_wait3A_257] : memref<16384x64xf32, #tpu.memory_space<hbm>> -> memref<1x64xf32, #tpu.memory_space<hbm>>
                    %dma_wait3A_259 = arith.constant 0 : i32
                    %dma_wait3A_260 = arith.constant 0 : i32
                    %dma_wait3A_261 = tpu.memref_slice %arg6[%dma_wait3A_259, %dma_wait3A_260] : memref<16384x64xf32, #tpu.memory_space<hbm>> -> memref<1x64xf32, #tpu.memory_space<hbm>>
                    %dma_wait3A_262 = arith.constant 0 : i32
                    %dma_wait3A_263 = arith.constant 0 : i32
                    %dma_wait3A_264 = tpu.memref_slice %arg12[%dma_wait3A_262, %dma_wait3A_263] : memref<64x64xf32, #tpu.memory_space<vmem>> -> memref<1x64xf32, #tpu.memory_space<vmem>>
                    tpu.wait_dma2 semaphore(%arg17 : memref<!tpu.dma_semaphore, #tpu.memory_space<semaphore_mem>>) src(%dma_wait3A_264 : memref<1x64xf32, #tpu.memory_space<vmem>>) dst(%dma_wait3A_261 : memref<1x64xf32, #tpu.memory_space<hbm>>)
                  }
                  %scan3A_252 = arith.constant 64 : i32
                } else {
                }
                %add3A_246 = arith.constant 1 : i32
                %add3A_247 = arith.addi %while3A_157, %add3A_246 : i32
                scf.yield %add3A_247 : i32
              }
              scf.yield %while3A_155 : i32
            } else {
              scf.yield %while3A_114 : i32
            }
            scf.yield %cond3A_134 : i32
          }
          %while3A_99 = arith.constant 1 : i32
          %while3A_100 = scf.for %while3A_113 = %while3A_96 to %while3A_92 step %while3A_99 iter_args(%while3A_114 = %while3A_98) -> (i32)  : i32 {
            %mul3A_115 = arith.constant 16 : i32
            %mul3A_116 = arith.muli %while3A_113, %mul3A_115 : i32
            %get3A = arith.index_cast %mul3A_116 : i32 to index
            %get3A_117 = tpu.vector_load %arg9[%get3A] {strides = array<i32>} : memref<16384xi32, #tpu.memory_space<vmem>>, vector<16xi32>,
            %shift_right_arithmetic3A_118 = arith.constant 9 : i32
            %shift_right_arithmetic3A_119 = vector.broadcast %shift_right_arithmetic3A_118 : i32 to vector<16xi32>
            %shift_right_arithmetic3A_120 = arith.shrsi %get3A_117, %shift_right_arithmetic3A_119 : vector<16xi32>
            %eq3A_121 = vector.broadcast %add3A_61 : i32 to vector<16xi32>
            %eq3A_122 = arith.cmpi eq, %shift_right_arithmetic3A_120, %eq3A_121 : vector<16xi32>
            %all_reduce_population_count3A = tpu.all_reduce %eq3A_122 {dim = 0 : i64, kind = #tpu.reduction_kind<sum>} : vector<16xi1> -> vector<16xi32>
            %reduce_max3A = arith.constant true
            %reduce_max3A_123 = vector.broadcast %reduce_max3A : i1 to vector<16xi1>
            %reduce_max3A_124 = arith.constant -2147483648 : i32
            %reduce_max3A_125 = vector.broadcast %reduce_max3A_124 : i32 to vector<16xi32>
            %reduce_max3A_126 = arith.xori %all_reduce_population_count3A, %reduce_max3A_125 : vector<16xi32>
            %reduce_max3A_127 = tpu.scan <max>, %reduce_max3A_126 masked %reduce_max3A_123 : vector<16xi32>, vector<16xi1> -> vector<16xi32>
            %reduce_max3A_128 = arith.xori %reduce_max3A_127, %reduce_max3A_125 : vector<16xi32>
            %reduce_max3A_129 = vector.extract %reduce_max3A_128[15] : i32 from vector<16xi32>
            %gt3A = arith.constant 0 : i32
            %gt3A_130 = arith.cmpi sgt, %reduce_max3A_129, %gt3A : i32
            %convert_element_type3A_131 = arith.extui %gt3A_130 : i1 to i32
            %cond3A_132 = arith.constant 0 : i32
            %cond3A_133 = arith.cmpi ne, %convert_element_type3A_131, %cond3A_132 : i32
            %cond3A_134 = scf.if %cond3A_133 -> (i32) {
              %mul3A_135 = arith.constant 16 : i32
              %mul3A_136 = arith.muli %while3A_113, %mul3A_135 : i32
              %get3A_137 = arith.index_cast %mul3A_136 : i32 to index
              %get3A_138 = tpu.vector_load %arg10[%get3A_137] {strides = array<i32>} : memref<16384xi32, #tpu.memory_space<vmem>>, vector<16xi32>,
              %and3A_139 = arith.constant 511 : i32
              %and3A_140 = vector.broadcast %and3A_139 : i32 to vector<16xi32>
              %and3A_141 = arith.andi %get3A_117, %and3A_140 : vector<16xi32>
              %swap3A = arith.constant 0 : index
              %swap3A_142 = tpu.vector_load %arg13[%swap3A] masked %eq3A_122 {strides = array<i32>} : memref<16xi32, #tpu.memory_space<vmem>>, vector<16xi32>, vector<16xi1>
              tpu.vector_store %arg13[%swap3A], %and3A_141 masked %eq3A_122 {strides = array<i32>} : memref<16xi32, #tpu.memory_space<vmem>>, vector<16xi32>, vector<16xi1>
              %swap3A_143 = arith.constant 0 : index
              %swap3A_144 = tpu.vector_load %arg14[%swap3A_143] masked %eq3A_122 {strides = array<i32>} : memref<16xi32, #tpu.memory_space<vmem>>, vector<16xi32>, vector<16xi1>
              tpu.vector_store %arg14[%swap3A_143], %get3A_138 masked %eq3A_122 {strides = array<i32>} : memref<16xi32, #tpu.memory_space<vmem>>, vector<16xi32>, vector<16xi1>
              %while3A_145 = arith.constant 0 : i32
              %while3A_146 = arith.subi %reduce_max3A_129, %while3A_145 : i32
              %while3A_147 = arith.addi %while3A_145, %while3A_146 : i32
              %while3A_148 = arith.constant 1 : i32
              %while3A_149 = arith.divsi %while3A_146, %while3A_148 : i32
              %while3A_150 = arith.muli %while3A_149, %while3A_148 : i32
              %while3A_151 = arith.addi %while3A_145, %while3A_150 : i32
              %while3A_152 = arith.constant 1 : i32
              %while3A_153 = scf.for %while3A_156 = %while3A_145 to %while3A_151 step %while3A_152 iter_args(%while3A_157 = %while3A_114) -> (i32)  : i32 {
                %eq3A_158 = vector.broadcast %while3A_156 : i32 to vector<16xi32>
                %eq3A_159 = arith.cmpi eq, %iota3A, %eq3A_158 : vector<16xi32>
                %get3A_160 = arith.constant 0 : index
                %get3A_161 = tpu.vector_load %arg13[%get3A_160] {strides = array<i32>} : memref<16xi32, #tpu.memory_space<vmem>>, vector<16xi32>,
                %get3A_162 = arith.constant 0 : index
                %get3A_163 = tpu.vector_load %arg14[%get3A_162] {strides = array<i32>} : memref<16xi32, #tpu.memory_space<vmem>>, vector<16xi32>,
                %jit3A = arith.constant 0 : i32
                %broadcast_in_dim3A = vector.broadcast %jit3A : i32 to vector<16xi32>
                %select_n3A = arith.select %eq3A_159, %get3A_161, %broadcast_in_dim3A : vector<16xi1>, vector<16xi32>
                %reduce_max3A_164 = arith.constant true
                %reduce_max3A_165 = vector.broadcast %reduce_max3A_164 : i1 to vector<16xi1>
                %reduce_max3A_166 = arith.constant -2147483648 : i32
                %reduce_max3A_167 = vector.broadcast %reduce_max3A_166 : i32 to vector<16xi32>
                %reduce_max3A_168 = arith.xori %select_n3A, %reduce_max3A_167 : vector<16xi32>
                %reduce_max3A_169 = tpu.scan <max>, %reduce_max3A_168 masked %reduce_max3A_165 : vector<16xi32>, vector<16xi1> -> vector<16xi32>
                %reduce_max3A_170 = arith.xori %reduce_max3A_169, %reduce_max3A_167 : vector<16xi32>
                %reduce_max3A_171 = vector.extract %reduce_max3A_170[15] : i32 from vector<16xi32>
                %jit3A_172 = arith.constant 0 : i32
                %broadcast_in_dim3A_173 = vector.broadcast %jit3A_172 : i32 to vector<16xi32>
                %select_n3A_174 = arith.select %eq3A_159, %get3A_163, %broadcast_in_dim3A_173 : vector<16xi1>, vector<16xi32>
                %reduce_max3A_175 = arith.constant true
                %reduce_max3A_176 = vector.broadcast %reduce_max3A_175 : i1 to vector<16xi1>
                %reduce_max3A_177 = arith.constant -2147483648 : i32
                %reduce_max3A_178 = vector.broadcast %reduce_max3A_177 : i32 to vector<16xi32>
                %reduce_max3A_179 = arith.xori %select_n3A_174, %reduce_max3A_178 : vector<16xi32>
                %reduce_max3A_180 = tpu.scan <max>, %reduce_max3A_179 masked %reduce_max3A_176 : vector<16xi32>, vector<16xi1> -> vector<16xi32>
                %reduce_max3A_181 = arith.xori %reduce_max3A_180, %reduce_max3A_178 : vector<16xi32>
                %reduce_max3A_182 = vector.extract %reduce_max3A_181[15] : i32 from vector<16xi32>
                %broadcast_in_dim3A_183 = vector.broadcast %reduce_max3A_171 : i32 to vector<16xi32>
                %and3A_184 = arith.constant 63 : i32
                %and3A_185 = arith.andi %while3A_157, %and3A_184 : i32
                %broadcast_in_dim3A_186 = vector.broadcast %and3A_185 : i32 to vector<16xi32>
                %add3A_187 = arith.constant 0 : i32
                %add3A_188 = vector.broadcast %add3A_187 : i32 to vector<16xi32>
                %add3A_189 = arith.addi %iota3A, %add3A_188 : vector<16xi32>
                %gather3A = arith.constant 0 : i32
                %gather3A_190 = arith.constant 0 : i32
                %gather3A_191 = arith.constant 0 : i32
                %gather3A_192 = tpu.memref_slice %arg11[%gather3A, %gather3A_190, %gather3A_191] : memref<2x64x512xf32, #tpu.memory_space<vmem>> -> memref<1x64x512xf32, #tpu.memory_space<vmem>>
                %gather3A_193 = tpu.memref_squeeze %gather3A_192 : memref<1x64x512xf32, #tpu.memory_space<vmem>> -> memref<64x512xf32, #tpu.memory_space<vmem>>
                %gather3A_194 = tpu.vector_load_idx %gather3A_193[%add3A_189, %broadcast_in_dim3A_183] : memref<64x512xf32, #tpu.memory_space<vmem>>[vector<16xi32>, vector<16xi32>], vector<16xf32>,
                %add3A_195 = arith.constant 0 : i32
                %add3A_196 = vector.broadcast %add3A_195 : i32 to vector<16xi32>
                %add3A_197 = arith.addi %add3A_196, %iota3A : vector<16xi32>
                tpu.vector_store_idx %arg12[%broadcast_in_dim3A_186, %add3A_197], %gather3A_194 : memref<64x64xf32, #tpu.memory_space<vmem>>[vector<16xi32>, vector<16xi32>], vector<16xf32>,
                %add3A_198 = arith.constant 16 : i32
                %add3A_199 = vector.broadcast %add3A_198 : i32 to vector<16xi32>
                %add3A_200 = arith.addi %iota3A, %add3A_199 : vector<16xi32>
                %gather3A_201 = arith.constant 0 : i32
                %gather3A_202 = arith.constant 0 : i32
                %gather3A_203 = arith.constant 0 : i32
                %gather3A_204 = tpu.memref_slice %arg11[%gather3A_201, %gather3A_202, %gather3A_203] : memref<2x64x512xf32, #tpu.memory_space<vmem>> -> memref<1x64x512xf32, #tpu.memory_space<vmem>>
                %gather3A_205 = tpu.memref_squeeze %gather3A_204 : memref<1x64x512xf32, #tpu.memory_space<vmem>> -> memref<64x512xf32, #tpu.memory_space<vmem>>
                %gather3A_206 = tpu.vector_load_idx %gather3A_205[%add3A_200, %broadcast_in_dim3A_183] : memref<64x512xf32, #tpu.memory_space<vmem>>[vector<16xi32>, vector<16xi32>], vector<16xf32>,
                %add3A_207 = arith.constant 16 : i32
                %add3A_208 = vector.broadcast %add3A_207 : i32 to vector<16xi32>
                %add3A_209 = arith.addi %add3A_208, %iota3A : vector<16xi32>
                tpu.vector_store_idx %arg12[%broadcast_in_dim3A_186, %add3A_209], %gather3A_206 : memref<64x64xf32, #tpu.memory_space<vmem>>[vector<16xi32>, vector<16xi32>], vector<16xf32>,
                %add3A_210 = arith.constant 32 : i32
                %add3A_211 = vector.broadcast %add3A_210 : i32 to vector<16xi32>
                %add3A_212 = arith.addi %iota3A, %add3A_211 : vector<16xi32>
                %gather3A_213 = arith.constant 0 : i32
                %gather3A_214 = arith.constant 0 : i32
                %gather3A_215 = arith.constant 0 : i32
                %gather3A_216 = tpu.memref_slice %arg11[%gather3A_213, %gather3A_214, %gather3A_215] : memref<2x64x512xf32, #tpu.memory_space<vmem>> -> memref<1x64x512xf32, #tpu.memory_space<vmem>>
                %gather3A_217 = tpu.memref_squeeze %gather3A_216 : memref<1x64x512xf32, #tpu.memory_space<vmem>> -> memref<64x512xf32, #tpu.memory_space<vmem>>
                %gather3A_218 = tpu.vector_load_idx %gather3A_217[%add3A_212, %broadcast_in_dim3A_183] : memref<64x512xf32, #tpu.memory_space<vmem>>[vector<16xi32>, vector<16xi32>], vector<16xf32>,
                %add3A_219 = arith.constant 32 : i32
                %add3A_220 = vector.broadcast %add3A_219 : i32 to vector<16xi32>
                %add3A_221 = arith.addi %add3A_220, %iota3A : vector<16xi32>
                tpu.vector_store_idx %arg12[%broadcast_in_dim3A_186, %add3A_221], %gather3A_218 : memref<64x64xf32, #tpu.memory_space<vmem>>[vector<16xi32>, vector<16xi32>], vector<16xf32>,
                %add3A_222 = arith.constant 48 : i32
                %add3A_223 = vector.broadcast %add3A_222 : i32 to vector<16xi32>
                %add3A_224 = arith.addi %iota3A, %add3A_223 : vector<16xi32>
                %gather3A_225 = arith.constant 0 : i32
                %gather3A_226 = arith.constant 0 : i32
                %gather3A_227 = arith.constant 0 : i32
                %gather3A_228 = tpu.memref_slice %arg11[%gather3A_225, %gather3A_226, %gather3A_227] : memref<2x64x512xf32, #tpu.memory_space<vmem>> -> memref<1x64x512xf32, #tpu.memory_space<vmem>>
                %gather3A_229 = tpu.memref_squeeze %gather3A_228 : memref<1x64x512xf32, #tpu.memory_space<vmem>> -> memref<64x512xf32, #tpu.memory_space<vmem>>
                %gather3A_230 = tpu.vector_load_idx %gather3A_229[%add3A_224, %broadcast_in_dim3A_183] : memref<64x512xf32, #tpu.memory_space<vmem>>[vector<16xi32>, vector<16xi32>], vector<16xf32>,
                %add3A_231 = arith.constant 48 : i32
                %add3A_232 = vector.broadcast %add3A_231 : i32 to vector<16xi32>
                %add3A_233 = arith.addi %add3A_232, %iota3A : vector<16xi32>
                tpu.vector_store_idx %arg12[%broadcast_in_dim3A_186, %add3A_233], %gather3A_230 : memref<64x64xf32, #tpu.memory_space<vmem>>[vector<16xi32>, vector<16xi32>], vector<16xf32>,
                %dma_start3A = arith.constant 0 : i32
                %dma_start3A_234 = tpu.memref_slice %arg12[%and3A_185, %dma_start3A] : memref<64x64xf32, #tpu.memory_space<vmem>> -> memref<1x64xf32, #tpu.memory_space<vmem>>
                %dma_start3A_235 = arith.constant 0 : i32
                %dma_start3A_236 = tpu.memref_slice %arg6[%reduce_max3A_182, %dma_start3A_235] : memref<16384x64xf32, #tpu.memory_space<hbm>> -> memref<1x64xf32, #tpu.memory_space<hbm>>
                %dma_start3A_237 = arith.constant 0 : i32
                %dma_start3A_238 = tpu.memref_slice %arg6[%reduce_max3A_182, %dma_start3A_237] : memref<16384x64xf32, #tpu.memory_space<hbm>> -> memref<1x64xf32, #tpu.memory_space<hbm>>
                %dma_start3A_239 = arith.constant 0 : i32
                %dma_start3A_240 = tpu.memref_slice %arg12[%and3A_185, %dma_start3A_239] : memref<64x64xf32, #tpu.memory_space<vmem>> -> memref<1x64xf32, #tpu.memory_space<vmem>>
                tpu.enqueue_dma source(%dma_start3A_240 : memref<1x64xf32, #tpu.memory_space<vmem>>) target(%dma_start3A_238 : memref<1x64xf32, #tpu.memory_space<hbm>>) target_semaphore(%arg17 : memref<!tpu.dma_semaphore, #tpu.memory_space<semaphore_mem>>)
                %eq3A_241 = arith.constant 63 : i32
                %eq3A_242 = arith.cmpi eq, %and3A_185, %eq3A_241 : i32
                %convert_element_type3A_243 = arith.extui %eq3A_242 : i1 to i32
                %cond3A_244 = arith.constant 0 : i32
                %cond3A_245 = arith.cmpi ne, %convert_element_type3A_243, %cond3A_244 : i32
                scf.if %cond3A_245 {
                  %scan3A_248 = arith.constant 0 : i32
                  %scan3A_249 = arith.constant 64 : i32
                  %scan3A_250 = arith.addi %scan3A_248, %scan3A_249 : i32
                  %scan3A_251 = arith.constant 1 : i32
                  scf.for %scan3A_253 = %scan3A_248 to %scan3A_250 step %scan3A_251  : i32 {
                    %dma_wait3A = arith.constant 0 : i32
                    %dma_wait3A_254 = arith.constant 0 : i32
                    %dma_wait3A_255 = tpu.memref_slice %arg12[%dma_wait3A, %dma_wait3A_254] : memref<64x64xf32, #tpu.memory_space<vmem>> -> memref<1x64xf32, #tpu.memory_space<vmem>>
                    %dma_wait3A_256 = arith.constant 0 : i32
                    %dma_wait3A_257 = arith.constant 0 : i32
                    %dma_wait3A_258 = tpu.memref_slice %arg6[%dma_wait3A_256, %dma_wait3A_257] : memref<16384x64xf32, #tpu.memory_space<hbm>> -> memref<1x64xf32, #tpu.memory_space<hbm>>
                    %dma_wait3A_259 = arith.constant 0 : i32
                    %dma_wait3A_260 = arith.constant 0 : i32
                    %dma_wait3A_261 = tpu.memref_slice %arg6[%dma_wait3A_259, %dma_wait3A_260] : memref<16384x64xf32, #tpu.memory_space<hbm>> -> memref<1x64xf32, #tpu.memory_space<hbm>>
                    %dma_wait3A_262 = arith.constant 0 : i32
                    %dma_wait3A_263 = arith.constant 0 : i32
                    %dma_wait3A_264 = tpu.memref_slice %arg12[%dma_wait3A_262, %dma_wait3A_263] : memref<64x64xf32, #tpu.memory_space<vmem>> -> memref<1x64xf32, #tpu.memory_space<vmem>>
                    tpu.wait_dma2 semaphore(%arg17 : memref<!tpu.dma_semaphore, #tpu.memory_space<semaphore_mem>>) src(%dma_wait3A_264 : memref<1x64xf32, #tpu.memory_space<vmem>>) dst(%dma_wait3A_261 : memref<1x64xf32, #tpu.memory_space<hbm>>)
                  }
                  %scan3A_252 = arith.constant 64 : i32
                } else {
                }
                %add3A_246 = arith.constant 1 : i32
                %add3A_247 = arith.addi %while3A_157, %add3A_246 : i32
                scf.yield %add3A_247 : i32
              }
              %while3A_154 = arith.constant 1 : i32
              %while3A_155 = scf.for %while3A_156 = %while3A_151 to %while3A_147 step %while3A_154 iter_args(%while3A_157 = %while3A_153) -> (i32)  : i32 {
                %eq3A_158 = vector.broadcast %while3A_156 : i32 to vector<16xi32>
                %eq3A_159 = arith.cmpi eq, %iota3A, %eq3A_158 : vector<16xi32>
                %get3A_160 = arith.constant 0 : index
                %get3A_161 = tpu.vector_load %arg13[%get3A_160] {strides = array<i32>} : memref<16xi32, #tpu.memory_space<vmem>>, vector<16xi32>,
                %get3A_162 = arith.constant 0 : index
                %get3A_163 = tpu.vector_load %arg14[%get3A_162] {strides = array<i32>} : memref<16xi32, #tpu.memory_space<vmem>>, vector<16xi32>,
                %jit3A = arith.constant 0 : i32
                %broadcast_in_dim3A = vector.broadcast %jit3A : i32 to vector<16xi32>
                %select_n3A = arith.select %eq3A_159, %get3A_161, %broadcast_in_dim3A : vector<16xi1>, vector<16xi32>
                %reduce_max3A_164 = arith.constant true
                %reduce_max3A_165 = vector.broadcast %reduce_max3A_164 : i1 to vector<16xi1>
                %reduce_max3A_166 = arith.constant -2147483648 : i32
                %reduce_max3A_167 = vector.broadcast %reduce_max3A_166 : i32 to vector<16xi32>
                %reduce_max3A_168 = arith.xori %select_n3A, %reduce_max3A_167 : vector<16xi32>
                %reduce_max3A_169 = tpu.scan <max>, %reduce_max3A_168 masked %reduce_max3A_165 : vector<16xi32>, vector<16xi1> -> vector<16xi32>
                %reduce_max3A_170 = arith.xori %reduce_max3A_169, %reduce_max3A_167 : vector<16xi32>
                %reduce_max3A_171 = vector.extract %reduce_max3A_170[15] : i32 from vector<16xi32>
                %jit3A_172 = arith.constant 0 : i32
                %broadcast_in_dim3A_173 = vector.broadcast %jit3A_172 : i32 to vector<16xi32>
                %select_n3A_174 = arith.select %eq3A_159, %get3A_163, %broadcast_in_dim3A_173 : vector<16xi1>, vector<16xi32>
                %reduce_max3A_175 = arith.constant true
                %reduce_max3A_176 = vector.broadcast %reduce_max3A_175 : i1 to vector<16xi1>
                %reduce_max3A_177 = arith.constant -2147483648 : i32
                %reduce_max3A_178 = vector.broadcast %reduce_max3A_177 : i32 to vector<16xi32>
                %reduce_max3A_179 = arith.xori %select_n3A_174, %reduce_max3A_178 : vector<16xi32>
                %reduce_max3A_180 = tpu.scan <max>, %reduce_max3A_179 masked %reduce_max3A_176 : vector<16xi32>, vector<16xi1> -> vector<16xi32>
                %reduce_max3A_181 = arith.xori %reduce_max3A_180, %reduce_max3A_178 : vector<16xi32>
                %reduce_max3A_182 = vector.extract %reduce_max3A_181[15] : i32 from vector<16xi32>
                %broadcast_in_dim3A_183 = vector.broadcast %reduce_max3A_171 : i32 to vector<16xi32>
                %and3A_184 = arith.constant 63 : i32
                %and3A_185 = arith.andi %while3A_157, %and3A_184 : i32
                %broadcast_in_dim3A_186 = vector.broadcast %and3A_185 : i32 to vector<16xi32>
                %add3A_187 = arith.constant 0 : i32
                %add3A_188 = vector.broadcast %add3A_187 : i32 to vector<16xi32>
                %add3A_189 = arith.addi %iota3A, %add3A_188 : vector<16xi32>
                %gather3A = arith.constant 0 : i32
                %gather3A_190 = arith.constant 0 : i32
                %gather3A_191 = arith.constant 0 : i32
                %gather3A_192 = tpu.memref_slice %arg11[%gather3A, %gather3A_190, %gather3A_191] : memref<2x64x512xf32, #tpu.memory_space<vmem>> -> memref<1x64x512xf32, #tpu.memory_space<vmem>>
                %gather3A_193 = tpu.memref_squeeze %gather3A_192 : memref<1x64x512xf32, #tpu.memory_space<vmem>> -> memref<64x512xf32, #tpu.memory_space<vmem>>
                %gather3A_194 = tpu.vector_load_idx %gather3A_193[%add3A_189, %broadcast_in_dim3A_183] : memref<64x512xf32, #tpu.memory_space<vmem>>[vector<16xi32>, vector<16xi32>], vector<16xf32>,
                %add3A_195 = arith.constant 0 : i32
                %add3A_196 = vector.broadcast %add3A_195 : i32 to vector<16xi32>
                %add3A_197 = arith.addi %add3A_196, %iota3A : vector<16xi32>
                tpu.vector_store_idx %arg12[%broadcast_in_dim3A_186, %add3A_197], %gather3A_194 : memref<64x64xf32, #tpu.memory_space<vmem>>[vector<16xi32>, vector<16xi32>], vector<16xf32>,
                %add3A_198 = arith.constant 16 : i32
                %add3A_199 = vector.broadcast %add3A_198 : i32 to vector<16xi32>
                %add3A_200 = arith.addi %iota3A, %add3A_199 : vector<16xi32>
                %gather3A_201 = arith.constant 0 : i32
                %gather3A_202 = arith.constant 0 : i32
                %gather3A_203 = arith.constant 0 : i32
                %gather3A_204 = tpu.memref_slice %arg11[%gather3A_201, %gather3A_202, %gather3A_203] : memref<2x64x512xf32, #tpu.memory_space<vmem>> -> memref<1x64x512xf32, #tpu.memory_space<vmem>>
                %gather3A_205 = tpu.memref_squeeze %gather3A_204 : memref<1x64x512xf32, #tpu.memory_space<vmem>> -> memref<64x512xf32, #tpu.memory_space<vmem>>
                %gather3A_206 = tpu.vector_load_idx %gather3A_205[%add3A_200, %broadcast_in_dim3A_183] : memref<64x512xf32, #tpu.memory_space<vmem>>[vector<16xi32>, vector<16xi32>], vector<16xf32>,
                %add3A_207 = arith.constant 16 : i32
                %add3A_208 = vector.broadcast %add3A_207 : i32 to vector<16xi32>
                %add3A_209 = arith.addi %add3A_208, %iota3A : vector<16xi32>
                tpu.vector_store_idx %arg12[%broadcast_in_dim3A_186, %add3A_209], %gather3A_206 : memref<64x64xf32, #tpu.memory_space<vmem>>[vector<16xi32>, vector<16xi32>], vector<16xf32>,
                %add3A_210 = arith.constant 32 : i32
                %add3A_211 = vector.broadcast %add3A_210 : i32 to vector<16xi32>
                %add3A_212 = arith.addi %iota3A, %add3A_211 : vector<16xi32>
                %gather3A_213 = arith.constant 0 : i32
                %gather3A_214 = arith.constant 0 : i32
                %gather3A_215 = arith.constant 0 : i32
                %gather3A_216 = tpu.memref_slice %arg11[%gather3A_213, %gather3A_214, %gather3A_215] : memref<2x64x512xf32, #tpu.memory_space<vmem>> -> memref<1x64x512xf32, #tpu.memory_space<vmem>>
                %gather3A_217 = tpu.memref_squeeze %gather3A_216 : memref<1x64x512xf32, #tpu.memory_space<vmem>> -> memref<64x512xf32, #tpu.memory_space<vmem>>
                %gather3A_218 = tpu.vector_load_idx %gather3A_217[%add3A_212, %broadcast_in_dim3A_183] : memref<64x512xf32, #tpu.memory_space<vmem>>[vector<16xi32>, vector<16xi32>], vector<16xf32>,
                %add3A_219 = arith.constant 32 : i32
                %add3A_220 = vector.broadcast %add3A_219 : i32 to vector<16xi32>
                %add3A_221 = arith.addi %add3A_220, %iota3A : vector<16xi32>
                tpu.vector_store_idx %arg12[%broadcast_in_dim3A_186, %add3A_221], %gather3A_218 : memref<64x64xf32, #tpu.memory_space<vmem>>[vector<16xi32>, vector<16xi32>], vector<16xf32>,
                %add3A_222 = arith.constant 48 : i32
                %add3A_223 = vector.broadcast %add3A_222 : i32 to vector<16xi32>
                %add3A_224 = arith.addi %iota3A, %add3A_223 : vector<16xi32>
                %gather3A_225 = arith.constant 0 : i32
                %gather3A_226 = arith.constant 0 : i32
                %gather3A_227 = arith.constant 0 : i32
                %gather3A_228 = tpu.memref_slice %arg11[%gather3A_225, %gather3A_226, %gather3A_227] : memref<2x64x512xf32, #tpu.memory_space<vmem>> -> memref<1x64x512xf32, #tpu.memory_space<vmem>>
                %gather3A_229 = tpu.memref_squeeze %gather3A_228 : memref<1x64x512xf32, #tpu.memory_space<vmem>> -> memref<64x512xf32, #tpu.memory_space<vmem>>
                %gather3A_230 = tpu.vector_load_idx %gather3A_229[%add3A_224, %broadcast_in_dim3A_183] : memref<64x512xf32, #tpu.memory_space<vmem>>[vector<16xi32>, vector<16xi32>], vector<16xf32>,
                %add3A_231 = arith.constant 48 : i32
                %add3A_232 = vector.broadcast %add3A_231 : i32 to vector<16xi32>
                %add3A_233 = arith.addi %add3A_232, %iota3A : vector<16xi32>
                tpu.vector_store_idx %arg12[%broadcast_in_dim3A_186, %add3A_233], %gather3A_230 : memref<64x64xf32, #tpu.memory_space<vmem>>[vector<16xi32>, vector<16xi32>], vector<16xf32>,
                %dma_start3A = arith.constant 0 : i32
                %dma_start3A_234 = tpu.memref_slice %arg12[%and3A_185, %dma_start3A] : memref<64x64xf32, #tpu.memory_space<vmem>> -> memref<1x64xf32, #tpu.memory_space<vmem>>
                %dma_start3A_235 = arith.constant 0 : i32
                %dma_start3A_236 = tpu.memref_slice %arg6[%reduce_max3A_182, %dma_start3A_235] : memref<16384x64xf32, #tpu.memory_space<hbm>> -> memref<1x64xf32, #tpu.memory_space<hbm>>
                %dma_start3A_237 = arith.constant 0 : i32
                %dma_start3A_238 = tpu.memref_slice %arg6[%reduce_max3A_182, %dma_start3A_237] : memref<16384x64xf32, #tpu.memory_space<hbm>> -> memref<1x64xf32, #tpu.memory_space<hbm>>
                %dma_start3A_239 = arith.constant 0 : i32
                %dma_start3A_240 = tpu.memref_slice %arg12[%and3A_185, %dma_start3A_239] : memref<64x64xf32, #tpu.memory_space<vmem>> -> memref<1x64xf32, #tpu.memory_space<vmem>>
                tpu.enqueue_dma source(%dma_start3A_240 : memref<1x64xf32, #tpu.memory_space<vmem>>) target(%dma_start3A_238 : memref<1x64xf32, #tpu.memory_space<hbm>>) target_semaphore(%arg17 : memref<!tpu.dma_semaphore, #tpu.memory_space<semaphore_mem>>)
                %eq3A_241 = arith.constant 63 : i32
                %eq3A_242 = arith.cmpi eq, %and3A_185, %eq3A_241 : i32
                %convert_element_type3A_243 = arith.extui %eq3A_242 : i1 to i32
                %cond3A_244 = arith.constant 0 : i32
                %cond3A_245 = arith.cmpi ne, %convert_element_type3A_243, %cond3A_244 : i32
                scf.if %cond3A_245 {
                  %scan3A_248 = arith.constant 0 : i32
                  %scan3A_249 = arith.constant 64 : i32
                  %scan3A_250 = arith.addi %scan3A_248, %scan3A_249 : i32
                  %scan3A_251 = arith.constant 1 : i32
                  scf.for %scan3A_253 = %scan3A_248 to %scan3A_250 step %scan3A_251  : i32 {
                    %dma_wait3A = arith.constant 0 : i32
                    %dma_wait3A_254 = arith.constant 0 : i32
                    %dma_wait3A_255 = tpu.memref_slice %arg12[%dma_wait3A, %dma_wait3A_254] : memref<64x64xf32, #tpu.memory_space<vmem>> -> memref<1x64xf32, #tpu.memory_space<vmem>>
                    %dma_wait3A_256 = arith.constant 0 : i32
                    %dma_wait3A_257 = arith.constant 0 : i32
                    %dma_wait3A_258 = tpu.memref_slice %arg6[%dma_wait3A_256, %dma_wait3A_257] : memref<16384x64xf32, #tpu.memory_space<hbm>> -> memref<1x64xf32, #tpu.memory_space<hbm>>
                    %dma_wait3A_259 = arith.constant 0 : i32
                    %dma_wait3A_260 = arith.constant 0 : i32
                    %dma_wait3A_261 = tpu.memref_slice %arg6[%dma_wait3A_259, %dma_wait3A_260] : memref<16384x64xf32, #tpu.memory_space<hbm>> -> memref<1x64xf32, #tpu.memory_space<hbm>>
                    %dma_wait3A_262 = arith.constant 0 : i32
                    %dma_wait3A_263 = arith.constant 0 : i32
                    %dma_wait3A_264 = tpu.memref_slice %arg12[%dma_wait3A_262, %dma_wait3A_263] : memref<64x64xf32, #tpu.memory_space<vmem>> -> memref<1x64xf32, #tpu.memory_space<vmem>>
                    tpu.wait_dma2 semaphore(%arg17 : memref<!tpu.dma_semaphore, #tpu.memory_space<semaphore_mem>>) src(%dma_wait3A_264 : memref<1x64xf32, #tpu.memory_space<vmem>>) dst(%dma_wait3A_261 : memref<1x64xf32, #tpu.memory_space<hbm>>)
                  }
                  %scan3A_252 = arith.constant 64 : i32
                } else {
                }
                %add3A_246 = arith.constant 1 : i32
                %add3A_247 = arith.addi %while3A_157, %add3A_246 : i32
                scf.yield %add3A_247 : i32
              }
              scf.yield %while3A_155 : i32
            } else {
              scf.yield %while3A_114 : i32
            }
            scf.yield %cond3A_134 : i32
          }
          %add3A_101 = arith.constant 32 : i32
          %add3A_102 = arith.addi %add3A_61, %add3A_101 : i32
          %lt3A_103 = arith.constant 1953 : i32
          %lt3A_104 = arith.cmpi slt, %add3A_102, %lt3A_103 : i32
          %convert_element_type3A_105 = arith.extui %lt3A_104 : i1 to i32
          %cond3A_106 = arith.constant 0 : i32
          %cond3A_107 = arith.cmpi ne, %convert_element_type3A_105, %cond3A_106 : i32
          scf.if %cond3A_107 {
            %mul3A_113 = arith.constant 512 : i32
            %mul3A_114 = arith.muli %add3A_102, %mul3A_113 : i32
            %multiple_of3A = tpu.assume_multiple %mul3A_114, 512 : i32
            %dma_start3A = arith.constant 0 : i32
            %dma_start3A_115 = arith.constant 0 : i32
            %dma_start3A_116 = arith.constant 0 : i32
            %dma_start3A_117 = tpu.memref_slice %arg11[%dma_start3A, %dma_start3A_115, %dma_start3A_116] : memref<2x64x512xf32, #tpu.memory_space<vmem>> -> memref<1x64x512xf32, #tpu.memory_space<vmem>>
            %dma_start3A_118 = tpu.memref_squeeze %dma_start3A_117 : memref<1x64x512xf32, #tpu.memory_space<vmem>> -> memref<64x512xf32, #tpu.memory_space<vmem>>
            %dma_start3A_119 = arith.constant 0 : i32
            %dma_start3A_120 = tpu.memref_slice %arg2[%dma_start3A_119, %multiple_of3A] : memref<64x1000000xf32, #tpu.memory_space<hbm>> -> memref<64x512xf32, #tpu.memory_space<hbm>>
            %dma_start3A_121 = arith.constant 0 : i32
            %dma_start3A_122 = arith.constant 0 : i32
            %dma_start3A_123 = tpu.memref_slice %arg11[%dma_start3A, %dma_start3A_121, %dma_start3A_122] : memref<2x64x512xf32, #tpu.memory_space<vmem>> -> memref<1x64x512xf32, #tpu.memory_space<vmem>>
            %dma_start3A_124 = tpu.memref_squeeze %dma_start3A_123 : memref<1x64x512xf32, #tpu.memory_space<vmem>> -> memref<64x512xf32, #tpu.memory_space<vmem>>
            %dma_start3A_125 = arith.constant 0 : i32
            %dma_start3A_126 = tpu.memref_slice %arg2[%dma_start3A_125, %multiple_of3A] : memref<64x1000000xf32, #tpu.memory_space<hbm>> -> memref<64x512xf32, #tpu.memory_space<hbm>>
            tpu.enqueue_dma source(%dma_start3A_126 : memref<64x512xf32, #tpu.memory_space<hbm>>) target(%dma_start3A_124 : memref<64x512xf32, #tpu.memory_space<vmem>>) target_semaphore(%arg15 : memref<!tpu.dma_semaphore, #tpu.memory_space<semaphore_mem>>)
          } else {
          }
          %eq3A_108 = arith.constant 1953 : i32
          %eq3A_109 = arith.cmpi eq, %add3A_102, %eq3A_108 : i32
          %convert_element_type3A_110 = arith.extui %eq3A_109 : i1 to i32
          %cond3A_111 = arith.constant 0 : i32
          %cond3A_112 = arith.cmpi ne, %convert_element_type3A_110, %cond3A_111 : i32
          scf.if %cond3A_112 {
            %mul3A_113 = arith.constant 512 : i32
            %mul3A_114 = arith.muli %add3A_102, %mul3A_113 : i32
            %multiple_of3A = tpu.assume_multiple %mul3A_114, 128 : i32
            %dma_start3A = arith.constant 0 : i32
            %dma_start3A_115 = arith.constant 0 : i32
            %dma_start3A_116 = arith.constant 0 : i32
            %dma_start3A_117 = tpu.memref_slice %arg11[%dma_start3A, %dma_start3A_115, %dma_start3A_116] : memref<2x64x512xf32, #tpu.memory_space<vmem>> -> memref<1x64x128xf32, #tpu.memory_space<vmem>>
            %dma_start3A_118 = tpu.memref_squeeze %dma_start3A_117 : memref<1x64x128xf32, #tpu.memory_space<vmem>> -> memref<64x128xf32, #tpu.memory_space<vmem>>
            %dma_start3A_119 = arith.constant 0 : i32
            %dma_start3A_120 = tpu.memref_slice %arg2[%dma_start3A_119, %multiple_of3A] : memref<64x1000000xf32, #tpu.memory_space<hbm>> -> memref<64x128xf32, #tpu.memory_space<hbm>>
            %dma_start3A_121 = arith.constant 0 : i32
            %dma_start3A_122 = arith.constant 0 : i32
            %dma_start3A_123 = tpu.memref_slice %arg11[%dma_start3A, %dma_start3A_121, %dma_start3A_122] : memref<2x64x512xf32, #tpu.memory_space<vmem>> -> memref<1x64x128xf32, #tpu.memory_space<vmem>>
            %dma_start3A_124 = tpu.memref_squeeze %dma_start3A_123 : memref<1x64x128xf32, #tpu.memory_space<vmem>> -> memref<64x128xf32, #tpu.memory_space<vmem>>
            %dma_start3A_125 = arith.constant 0 : i32
            %dma_start3A_126 = tpu.memref_slice %arg2[%dma_start3A_125, %multiple_of3A] : memref<64x1000000xf32, #tpu.memory_space<hbm>> -> memref<64x128xf32, #tpu.memory_space<hbm>>
            tpu.enqueue_dma source(%dma_start3A_126 : memref<64x128xf32, #tpu.memory_space<hbm>>) target(%dma_start3A_124 : memref<64x128xf32, #tpu.memory_space<vmem>>) target_semaphore(%arg15 : memref<!tpu.dma_semaphore, #tpu.memory_space<semaphore_mem>>)
          } else {
          }
          scf.yield %while3A_100 : i32
        } else {
          scf.yield %scan3A_55 : i32
        }
        %mul3A_67 = arith.constant 2 : i32
        %mul3A_68 = arith.muli %mul3A_67, %scan3A_54 : i32
        %add3A_69 = arith.constant 1 : i32
        %add3A_70 = arith.addi %mul3A_68, %add3A_69 : i32
        %mul3A_71 = arith.constant 16 : i32
        %mul3A_72 = arith.muli %add3A_70, %mul3A_71 : i32
        %add3A_73 = arith.addi %mul3A_72, %arg1 : i32
        %le3A_74 = arith.constant 1953 : i32
        %le3A_75 = arith.cmpi sle, %add3A_73, %le3A_74 : i32
        %convert_element_type3A_76 = arith.extui %le3A_75 : i1 to i32
        %cond3A_77 = arith.constant 0 : i32
        %cond3A_78 = arith.cmpi ne, %convert_element_type3A_76, %cond3A_77 : i32
        %cond3A_79 = scf.if %cond3A_78 -> (i32) {
          %lt3A_80 = arith.constant 1953 : i32
          %lt3A_81 = arith.cmpi slt, %add3A_73, %lt3A_80 : i32
          %convert_element_type3A_82 = arith.extui %lt3A_81 : i1 to i32
          %cond3A_83 = arith.constant 0 : i32
          %cond3A_84 = arith.cmpi ne, %convert_element_type3A_82, %cond3A_83 : i32
          scf.if %cond3A_84 {
            %mul3A_113 = arith.constant 512 : i32
            %mul3A_114 = arith.muli %add3A_73, %mul3A_113 : i32
            %multiple_of3A = tpu.assume_multiple %mul3A_114, 512 : i32
            %dma_wait3A = arith.constant 1 : i32
            %dma_wait3A_115 = arith.constant 0 : i32
            %dma_wait3A_116 = arith.constant 0 : i32
            %dma_wait3A_117 = tpu.memref_slice %arg11[%dma_wait3A, %dma_wait3A_115, %dma_wait3A_116] : memref<2x64x512xf32, #tpu.memory_space<vmem>> -> memref<1x64x512xf32, #tpu.memory_space<vmem>>
            %dma_wait3A_118 = tpu.memref_squeeze %dma_wait3A_117 : memref<1x64x512xf32, #tpu.memory_space<vmem>> -> memref<64x512xf32, #tpu.memory_space<vmem>>
            %dma_wait3A_119 = arith.constant 0 : i32
            %dma_wait3A_120 = tpu.memref_slice %arg2[%dma_wait3A_119, %multiple_of3A] : memref<64x1000000xf32, #tpu.memory_space<hbm>> -> memref<64x512xf32, #tpu.memory_space<hbm>>
            %dma_wait3A_121 = arith.constant 0 : i32
            %dma_wait3A_122 = arith.constant 0 : i32
            %dma_wait3A_123 = tpu.memref_slice %arg11[%dma_wait3A, %dma_wait3A_121, %dma_wait3A_122] : memref<2x64x512xf32, #tpu.memory_space<vmem>> -> memref<1x64x512xf32, #tpu.memory_space<vmem>>
            %dma_wait3A_124 = tpu.memref_squeeze %dma_wait3A_123 : memref<1x64x512xf32, #tpu.memory_space<vmem>> -> memref<64x512xf32, #tpu.memory_space<vmem>>
            %dma_wait3A_125 = arith.constant 0 : i32
            %dma_wait3A_126 = tpu.memref_slice %arg2[%dma_wait3A_125, %multiple_of3A] : memref<64x1000000xf32, #tpu.memory_space<hbm>> -> memref<64x512xf32, #tpu.memory_space<hbm>>
            tpu.wait_dma2 semaphore(%arg16 : memref<!tpu.dma_semaphore, #tpu.memory_space<semaphore_mem>>) src(%dma_wait3A_126 : memref<64x512xf32, #tpu.memory_space<hbm>>) dst(%dma_wait3A_124 : memref<64x512xf32, #tpu.memory_space<vmem>>)
          } else {
          }
          %eq3A_85 = arith.constant 1953 : i32
          %eq3A_86 = arith.cmpi eq, %add3A_73, %eq3A_85 : i32
          %convert_element_type3A_87 = arith.extui %eq3A_86 : i1 to i32
          %cond3A_88 = arith.constant 0 : i32
          %cond3A_89 = arith.cmpi ne, %convert_element_type3A_87, %cond3A_88 : i32
          scf.if %cond3A_89 {
            %mul3A_113 = arith.constant 512 : i32
            %mul3A_114 = arith.muli %add3A_73, %mul3A_113 : i32
            %multiple_of3A = tpu.assume_multiple %mul3A_114, 128 : i32
            %dma_wait3A = arith.constant 1 : i32
            %dma_wait3A_115 = arith.constant 0 : i32
            %dma_wait3A_116 = arith.constant 0 : i32
            %dma_wait3A_117 = tpu.memref_slice %arg11[%dma_wait3A, %dma_wait3A_115, %dma_wait3A_116] : memref<2x64x512xf32, #tpu.memory_space<vmem>> -> memref<1x64x128xf32, #tpu.memory_space<vmem>>
            %dma_wait3A_118 = tpu.memref_squeeze %dma_wait3A_117 : memref<1x64x128xf32, #tpu.memory_space<vmem>> -> memref<64x128xf32, #tpu.memory_space<vmem>>
            %dma_wait3A_119 = arith.constant 0 : i32
            %dma_wait3A_120 = tpu.memref_slice %arg2[%dma_wait3A_119, %multiple_of3A] : memref<64x1000000xf32, #tpu.memory_space<hbm>> -> memref<64x128xf32, #tpu.memory_space<hbm>>
            %dma_wait3A_121 = arith.constant 0 : i32
            %dma_wait3A_122 = arith.constant 0 : i32
            %dma_wait3A_123 = tpu.memref_slice %arg11[%dma_wait3A, %dma_wait3A_121, %dma_wait3A_122] : memref<2x64x512xf32, #tpu.memory_space<vmem>> -> memref<1x64x128xf32, #tpu.memory_space<vmem>>
            %dma_wait3A_124 = tpu.memref_squeeze %dma_wait3A_123 : memref<1x64x128xf32, #tpu.memory_space<vmem>> -> memref<64x128xf32, #tpu.memory_space<vmem>>
            %dma_wait3A_125 = arith.constant 0 : i32
            %dma_wait3A_126 = tpu.memref_slice %arg2[%dma_wait3A_125, %multiple_of3A] : memref<64x1000000xf32, #tpu.memory_space<hbm>> -> memref<64x128xf32, #tpu.memory_space<hbm>>
            tpu.wait_dma2 semaphore(%arg16 : memref<!tpu.dma_semaphore, #tpu.memory_space<semaphore_mem>>) src(%dma_wait3A_126 : memref<64x128xf32, #tpu.memory_space<hbm>>) dst(%dma_wait3A_124 : memref<64x128xf32, #tpu.memory_space<vmem>>)
          } else {
          }
          %while3A_90 = arith.constant 0 : i32
          %while3A_91 = arith.subi %shift_right_arithmetic3A_14, %while3A_90 : i32
          %while3A_92 = arith.addi %while3A_90, %while3A_91 : i32
          %while3A_93 = arith.constant 1 : i32
          %while3A_94 = arith.divsi %while3A_91, %while3A_93 : i32
          %while3A_95 = arith.muli %while3A_94, %while3A_93 : i32
          %while3A_96 = arith.addi %while3A_90, %while3A_95 : i32
          %while3A_97 = arith.constant 1 : i32
          %while3A_98 = scf.for %while3A_113 = %while3A_90 to %while3A_96 step %while3A_97 iter_args(%while3A_114 = %cond3A_66) -> (i32)  : i32 {
            %mul3A_115 = arith.constant 16 : i32
            %mul3A_116 = arith.muli %while3A_113, %mul3A_115 : i32
            %get3A = arith.index_cast %mul3A_116 : i32 to index
            %get3A_117 = tpu.vector_load %arg9[%get3A] {strides = array<i32>} : memref<16384xi32, #tpu.memory_space<vmem>>, vector<16xi32>,
            %shift_right_arithmetic3A_118 = arith.constant 9 : i32
            %shift_right_arithmetic3A_119 = vector.broadcast %shift_right_arithmetic3A_118 : i32 to vector<16xi32>
            %shift_right_arithmetic3A_120 = arith.shrsi %get3A_117, %shift_right_arithmetic3A_119 : vector<16xi32>
            %eq3A_121 = vector.broadcast %add3A_73 : i32 to vector<16xi32>
            %eq3A_122 = arith.cmpi eq, %shift_right_arithmetic3A_120, %eq3A_121 : vector<16xi32>
            %all_reduce_population_count3A = tpu.all_reduce %eq3A_122 {dim = 0 : i64, kind = #tpu.reduction_kind<sum>} : vector<16xi1> -> vector<16xi32>
            %reduce_max3A = arith.constant true
            %reduce_max3A_123 = vector.broadcast %reduce_max3A : i1 to vector<16xi1>
            %reduce_max3A_124 = arith.constant -2147483648 : i32
            %reduce_max3A_125 = vector.broadcast %reduce_max3A_124 : i32 to vector<16xi32>
            %reduce_max3A_126 = arith.xori %all_reduce_population_count3A, %reduce_max3A_125 : vector<16xi32>
            %reduce_max3A_127 = tpu.scan <max>, %reduce_max3A_126 masked %reduce_max3A_123 : vector<16xi32>, vector<16xi1> -> vector<16xi32>
            %reduce_max3A_128 = arith.xori %reduce_max3A_127, %reduce_max3A_125 : vector<16xi32>
            %reduce_max3A_129 = vector.extract %reduce_max3A_128[15] : i32 from vector<16xi32>
            %gt3A = arith.constant 0 : i32
            %gt3A_130 = arith.cmpi sgt, %reduce_max3A_129, %gt3A : i32
            %convert_element_type3A_131 = arith.extui %gt3A_130 : i1 to i32
            %cond3A_132 = arith.constant 0 : i32
            %cond3A_133 = arith.cmpi ne, %convert_element_type3A_131, %cond3A_132 : i32
            %cond3A_134 = scf.if %cond3A_133 -> (i32) {
              %mul3A_135 = arith.constant 16 : i32
              %mul3A_136 = arith.muli %while3A_113, %mul3A_135 : i32
              %get3A_137 = arith.index_cast %mul3A_136 : i32 to index
              %get3A_138 = tpu.vector_load %arg10[%get3A_137] {strides = array<i32>} : memref<16384xi32, #tpu.memory_space<vmem>>, vector<16xi32>,
              %and3A_139 = arith.constant 511 : i32
              %and3A_140 = vector.broadcast %and3A_139 : i32 to vector<16xi32>
              %and3A_141 = arith.andi %get3A_117, %and3A_140 : vector<16xi32>
              %swap3A = arith.constant 0 : index
              %swap3A_142 = tpu.vector_load %arg13[%swap3A] masked %eq3A_122 {strides = array<i32>} : memref<16xi32, #tpu.memory_space<vmem>>, vector<16xi32>, vector<16xi1>
              tpu.vector_store %arg13[%swap3A], %and3A_141 masked %eq3A_122 {strides = array<i32>} : memref<16xi32, #tpu.memory_space<vmem>>, vector<16xi32>, vector<16xi1>
              %swap3A_143 = arith.constant 0 : index
              %swap3A_144 = tpu.vector_load %arg14[%swap3A_143] masked %eq3A_122 {strides = array<i32>} : memref<16xi32, #tpu.memory_space<vmem>>, vector<16xi32>, vector<16xi1>
              tpu.vector_store %arg14[%swap3A_143], %get3A_138 masked %eq3A_122 {strides = array<i32>} : memref<16xi32, #tpu.memory_space<vmem>>, vector<16xi32>, vector<16xi1>
              %while3A_145 = arith.constant 0 : i32
              %while3A_146 = arith.subi %reduce_max3A_129, %while3A_145 : i32
              %while3A_147 = arith.addi %while3A_145, %while3A_146 : i32
              %while3A_148 = arith.constant 1 : i32
              %while3A_149 = arith.divsi %while3A_146, %while3A_148 : i32
              %while3A_150 = arith.muli %while3A_149, %while3A_148 : i32
              %while3A_151 = arith.addi %while3A_145, %while3A_150 : i32
              %while3A_152 = arith.constant 1 : i32
              %while3A_153 = scf.for %while3A_156 = %while3A_145 to %while3A_151 step %while3A_152 iter_args(%while3A_157 = %while3A_114) -> (i32)  : i32 {
                %eq3A_158 = vector.broadcast %while3A_156 : i32 to vector<16xi32>
                %eq3A_159 = arith.cmpi eq, %iota3A, %eq3A_158 : vector<16xi32>
                %get3A_160 = arith.constant 0 : index
                %get3A_161 = tpu.vector_load %arg13[%get3A_160] {strides = array<i32>} : memref<16xi32, #tpu.memory_space<vmem>>, vector<16xi32>,
                %get3A_162 = arith.constant 0 : index
                %get3A_163 = tpu.vector_load %arg14[%get3A_162] {strides = array<i32>} : memref<16xi32, #tpu.memory_space<vmem>>, vector<16xi32>,
                %jit3A = arith.constant 0 : i32
                %broadcast_in_dim3A = vector.broadcast %jit3A : i32 to vector<16xi32>
                %select_n3A = arith.select %eq3A_159, %get3A_161, %broadcast_in_dim3A : vector<16xi1>, vector<16xi32>
                %reduce_max3A_164 = arith.constant true
                %reduce_max3A_165 = vector.broadcast %reduce_max3A_164 : i1 to vector<16xi1>
                %reduce_max3A_166 = arith.constant -2147483648 : i32
                %reduce_max3A_167 = vector.broadcast %reduce_max3A_166 : i32 to vector<16xi32>
                %reduce_max3A_168 = arith.xori %select_n3A, %reduce_max3A_167 : vector<16xi32>
                %reduce_max3A_169 = tpu.scan <max>, %reduce_max3A_168 masked %reduce_max3A_165 : vector<16xi32>, vector<16xi1> -> vector<16xi32>
                %reduce_max3A_170 = arith.xori %reduce_max3A_169, %reduce_max3A_167 : vector<16xi32>
                %reduce_max3A_171 = vector.extract %reduce_max3A_170[15] : i32 from vector<16xi32>
                %jit3A_172 = arith.constant 0 : i32
                %broadcast_in_dim3A_173 = vector.broadcast %jit3A_172 : i32 to vector<16xi32>
                %select_n3A_174 = arith.select %eq3A_159, %get3A_163, %broadcast_in_dim3A_173 : vector<16xi1>, vector<16xi32>
                %reduce_max3A_175 = arith.constant true
                %reduce_max3A_176 = vector.broadcast %reduce_max3A_175 : i1 to vector<16xi1>
                %reduce_max3A_177 = arith.constant -2147483648 : i32
                %reduce_max3A_178 = vector.broadcast %reduce_max3A_177 : i32 to vector<16xi32>
                %reduce_max3A_179 = arith.xori %select_n3A_174, %reduce_max3A_178 : vector<16xi32>
                %reduce_max3A_180 = tpu.scan <max>, %reduce_max3A_179 masked %reduce_max3A_176 : vector<16xi32>, vector<16xi1> -> vector<16xi32>
                %reduce_max3A_181 = arith.xori %reduce_max3A_180, %reduce_max3A_178 : vector<16xi32>
                %reduce_max3A_182 = vector.extract %reduce_max3A_181[15] : i32 from vector<16xi32>
                %broadcast_in_dim3A_183 = vector.broadcast %reduce_max3A_171 : i32 to vector<16xi32>
                %and3A_184 = arith.constant 63 : i32
                %and3A_185 = arith.andi %while3A_157, %and3A_184 : i32
                %broadcast_in_dim3A_186 = vector.broadcast %and3A_185 : i32 to vector<16xi32>
                %add3A_187 = arith.constant 0 : i32
                %add3A_188 = vector.broadcast %add3A_187 : i32 to vector<16xi32>
                %add3A_189 = arith.addi %iota3A, %add3A_188 : vector<16xi32>
                %gather3A = arith.constant 1 : i32
                %gather3A_190 = arith.constant 0 : i32
                %gather3A_191 = arith.constant 0 : i32
                %gather3A_192 = tpu.memref_slice %arg11[%gather3A, %gather3A_190, %gather3A_191] : memref<2x64x512xf32, #tpu.memory_space<vmem>> -> memref<1x64x512xf32, #tpu.memory_space<vmem>>
                %gather3A_193 = tpu.memref_squeeze %gather3A_192 : memref<1x64x512xf32, #tpu.memory_space<vmem>> -> memref<64x512xf32, #tpu.memory_space<vmem>>
                %gather3A_194 = tpu.vector_load_idx %gather3A_193[%add3A_189, %broadcast_in_dim3A_183] : memref<64x512xf32, #tpu.memory_space<vmem>>[vector<16xi32>, vector<16xi32>], vector<16xf32>,
                %add3A_195 = arith.constant 0 : i32
                %add3A_196 = vector.broadcast %add3A_195 : i32 to vector<16xi32>
                %add3A_197 = arith.addi %add3A_196, %iota3A : vector<16xi32>
                tpu.vector_store_idx %arg12[%broadcast_in_dim3A_186, %add3A_197], %gather3A_194 : memref<64x64xf32, #tpu.memory_space<vmem>>[vector<16xi32>, vector<16xi32>], vector<16xf32>,
                %add3A_198 = arith.constant 16 : i32
                %add3A_199 = vector.broadcast %add3A_198 : i32 to vector<16xi32>
                %add3A_200 = arith.addi %iota3A, %add3A_199 : vector<16xi32>
                %gather3A_201 = arith.constant 1 : i32
                %gather3A_202 = arith.constant 0 : i32
                %gather3A_203 = arith.constant 0 : i32
                %gather3A_204 = tpu.memref_slice %arg11[%gather3A_201, %gather3A_202, %gather3A_203] : memref<2x64x512xf32, #tpu.memory_space<vmem>> -> memref<1x64x512xf32, #tpu.memory_space<vmem>>
                %gather3A_205 = tpu.memref_squeeze %gather3A_204 : memref<1x64x512xf32, #tpu.memory_space<vmem>> -> memref<64x512xf32, #tpu.memory_space<vmem>>
                %gather3A_206 = tpu.vector_load_idx %gather3A_205[%add3A_200, %broadcast_in_dim3A_183] : memref<64x512xf32, #tpu.memory_space<vmem>>[vector<16xi32>, vector<16xi32>], vector<16xf32>,
                %add3A_207 = arith.constant 16 : i32
                %add3A_208 = vector.broadcast %add3A_207 : i32 to vector<16xi32>
                %add3A_209 = arith.addi %add3A_208, %iota3A : vector<16xi32>
                tpu.vector_store_idx %arg12[%broadcast_in_dim3A_186, %add3A_209], %gather3A_206 : memref<64x64xf32, #tpu.memory_space<vmem>>[vector<16xi32>, vector<16xi32>], vector<16xf32>,
                %add3A_210 = arith.constant 32 : i32
                %add3A_211 = vector.broadcast %add3A_210 : i32 to vector<16xi32>
                %add3A_212 = arith.addi %iota3A, %add3A_211 : vector<16xi32>
                %gather3A_213 = arith.constant 1 : i32
                %gather3A_214 = arith.constant 0 : i32
                %gather3A_215 = arith.constant 0 : i32
                %gather3A_216 = tpu.memref_slice %arg11[%gather3A_213, %gather3A_214, %gather3A_215] : memref<2x64x512xf32, #tpu.memory_space<vmem>> -> memref<1x64x512xf32, #tpu.memory_space<vmem>>
                %gather3A_217 = tpu.memref_squeeze %gather3A_216 : memref<1x64x512xf32, #tpu.memory_space<vmem>> -> memref<64x512xf32, #tpu.memory_space<vmem>>
                %gather3A_218 = tpu.vector_load_idx %gather3A_217[%add3A_212, %broadcast_in_dim3A_183] : memref<64x512xf32, #tpu.memory_space<vmem>>[vector<16xi32>, vector<16xi32>], vector<16xf32>,
                %add3A_219 = arith.constant 32 : i32
                %add3A_220 = vector.broadcast %add3A_219 : i32 to vector<16xi32>
                %add3A_221 = arith.addi %add3A_220, %iota3A : vector<16xi32>
                tpu.vector_store_idx %arg12[%broadcast_in_dim3A_186, %add3A_221], %gather3A_218 : memref<64x64xf32, #tpu.memory_space<vmem>>[vector<16xi32>, vector<16xi32>], vector<16xf32>,
                %add3A_222 = arith.constant 48 : i32
                %add3A_223 = vector.broadcast %add3A_222 : i32 to vector<16xi32>
                %add3A_224 = arith.addi %iota3A, %add3A_223 : vector<16xi32>
                %gather3A_225 = arith.constant 1 : i32
                %gather3A_226 = arith.constant 0 : i32
                %gather3A_227 = arith.constant 0 : i32
                %gather3A_228 = tpu.memref_slice %arg11[%gather3A_225, %gather3A_226, %gather3A_227] : memref<2x64x512xf32, #tpu.memory_space<vmem>> -> memref<1x64x512xf32, #tpu.memory_space<vmem>>
                %gather3A_229 = tpu.memref_squeeze %gather3A_228 : memref<1x64x512xf32, #tpu.memory_space<vmem>> -> memref<64x512xf32, #tpu.memory_space<vmem>>
                %gather3A_230 = tpu.vector_load_idx %gather3A_229[%add3A_224, %broadcast_in_dim3A_183] : memref<64x512xf32, #tpu.memory_space<vmem>>[vector<16xi32>, vector<16xi32>], vector<16xf32>,
                %add3A_231 = arith.constant 48 : i32
                %add3A_232 = vector.broadcast %add3A_231 : i32 to vector<16xi32>
                %add3A_233 = arith.addi %add3A_232, %iota3A : vector<16xi32>
                tpu.vector_store_idx %arg12[%broadcast_in_dim3A_186, %add3A_233], %gather3A_230 : memref<64x64xf32, #tpu.memory_space<vmem>>[vector<16xi32>, vector<16xi32>], vector<16xf32>,
                %dma_start3A = arith.constant 0 : i32
                %dma_start3A_234 = tpu.memref_slice %arg12[%and3A_185, %dma_start3A] : memref<64x64xf32, #tpu.memory_space<vmem>> -> memref<1x64xf32, #tpu.memory_space<vmem>>
                %dma_start3A_235 = arith.constant 0 : i32
                %dma_start3A_236 = tpu.memref_slice %arg6[%reduce_max3A_182, %dma_start3A_235] : memref<16384x64xf32, #tpu.memory_space<hbm>> -> memref<1x64xf32, #tpu.memory_space<hbm>>
                %dma_start3A_237 = arith.constant 0 : i32
                %dma_start3A_238 = tpu.memref_slice %arg6[%reduce_max3A_182, %dma_start3A_237] : memref<16384x64xf32, #tpu.memory_space<hbm>> -> memref<1x64xf32, #tpu.memory_space<hbm>>
                %dma_start3A_239 = arith.constant 0 : i32
                %dma_start3A_240 = tpu.memref_slice %arg12[%and3A_185, %dma_start3A_239] : memref<64x64xf32, #tpu.memory_space<vmem>> -> memref<1x64xf32, #tpu.memory_space<vmem>>
                tpu.enqueue_dma source(%dma_start3A_240 : memref<1x64xf32, #tpu.memory_space<vmem>>) target(%dma_start3A_238 : memref<1x64xf32, #tpu.memory_space<hbm>>) target_semaphore(%arg17 : memref<!tpu.dma_semaphore, #tpu.memory_space<semaphore_mem>>)
                %eq3A_241 = arith.constant 63 : i32
                %eq3A_242 = arith.cmpi eq, %and3A_185, %eq3A_241 : i32
                %convert_element_type3A_243 = arith.extui %eq3A_242 : i1 to i32
                %cond3A_244 = arith.constant 0 : i32
                %cond3A_245 = arith.cmpi ne, %convert_element_type3A_243, %cond3A_244 : i32
                scf.if %cond3A_245 {
                  %scan3A_248 = arith.constant 0 : i32
                  %scan3A_249 = arith.constant 64 : i32
                  %scan3A_250 = arith.addi %scan3A_248, %scan3A_249 : i32
                  %scan3A_251 = arith.constant 1 : i32
                  scf.for %scan3A_253 = %scan3A_248 to %scan3A_250 step %scan3A_251  : i32 {
                    %dma_wait3A = arith.constant 0 : i32
                    %dma_wait3A_254 = arith.constant 0 : i32
                    %dma_wait3A_255 = tpu.memref_slice %arg12[%dma_wait3A, %dma_wait3A_254] : memref<64x64xf32, #tpu.memory_space<vmem>> -> memref<1x64xf32, #tpu.memory_space<vmem>>
                    %dma_wait3A_256 = arith.constant 0 : i32
                    %dma_wait3A_257 = arith.constant 0 : i32
                    %dma_wait3A_258 = tpu.memref_slice %arg6[%dma_wait3A_256, %dma_wait3A_257] : memref<16384x64xf32, #tpu.memory_space<hbm>> -> memref<1x64xf32, #tpu.memory_space<hbm>>
                    %dma_wait3A_259 = arith.constant 0 : i32
                    %dma_wait3A_260 = arith.constant 0 : i32
                    %dma_wait3A_261 = tpu.memref_slice %arg6[%dma_wait3A_259, %dma_wait3A_260] : memref<16384x64xf32, #tpu.memory_space<hbm>> -> memref<1x64xf32, #tpu.memory_space<hbm>>
                    %dma_wait3A_262 = arith.constant 0 : i32
                    %dma_wait3A_263 = arith.constant 0 : i32
                    %dma_wait3A_264 = tpu.memref_slice %arg12[%dma_wait3A_262, %dma_wait3A_263] : memref<64x64xf32, #tpu.memory_space<vmem>> -> memref<1x64xf32, #tpu.memory_space<vmem>>
                    tpu.wait_dma2 semaphore(%arg17 : memref<!tpu.dma_semaphore, #tpu.memory_space<semaphore_mem>>) src(%dma_wait3A_264 : memref<1x64xf32, #tpu.memory_space<vmem>>) dst(%dma_wait3A_261 : memref<1x64xf32, #tpu.memory_space<hbm>>)
                  }
                  %scan3A_252 = arith.constant 64 : i32
                } else {
                }
                %add3A_246 = arith.constant 1 : i32
                %add3A_247 = arith.addi %while3A_157, %add3A_246 : i32
                scf.yield %add3A_247 : i32
              }
              %while3A_154 = arith.constant 1 : i32
              %while3A_155 = scf.for %while3A_156 = %while3A_151 to %while3A_147 step %while3A_154 iter_args(%while3A_157 = %while3A_153) -> (i32)  : i32 {
                %eq3A_158 = vector.broadcast %while3A_156 : i32 to vector<16xi32>
                %eq3A_159 = arith.cmpi eq, %iota3A, %eq3A_158 : vector<16xi32>
                %get3A_160 = arith.constant 0 : index
                %get3A_161 = tpu.vector_load %arg13[%get3A_160] {strides = array<i32>} : memref<16xi32, #tpu.memory_space<vmem>>, vector<16xi32>,
                %get3A_162 = arith.constant 0 : index
                %get3A_163 = tpu.vector_load %arg14[%get3A_162] {strides = array<i32>} : memref<16xi32, #tpu.memory_space<vmem>>, vector<16xi32>,
                %jit3A = arith.constant 0 : i32
                %broadcast_in_dim3A = vector.broadcast %jit3A : i32 to vector<16xi32>
                %select_n3A = arith.select %eq3A_159, %get3A_161, %broadcast_in_dim3A : vector<16xi1>, vector<16xi32>
                %reduce_max3A_164 = arith.constant true
                %reduce_max3A_165 = vector.broadcast %reduce_max3A_164 : i1 to vector<16xi1>
                %reduce_max3A_166 = arith.constant -2147483648 : i32
                %reduce_max3A_167 = vector.broadcast %reduce_max3A_166 : i32 to vector<16xi32>
                %reduce_max3A_168 = arith.xori %select_n3A, %reduce_max3A_167 : vector<16xi32>
                %reduce_max3A_169 = tpu.scan <max>, %reduce_max3A_168 masked %reduce_max3A_165 : vector<16xi32>, vector<16xi1> -> vector<16xi32>
                %reduce_max3A_170 = arith.xori %reduce_max3A_169, %reduce_max3A_167 : vector<16xi32>
                %reduce_max3A_171 = vector.extract %reduce_max3A_170[15] : i32 from vector<16xi32>
                %jit3A_172 = arith.constant 0 : i32
                %broadcast_in_dim3A_173 = vector.broadcast %jit3A_172 : i32 to vector<16xi32>
                %select_n3A_174 = arith.select %eq3A_159, %get3A_163, %broadcast_in_dim3A_173 : vector<16xi1>, vector<16xi32>
                %reduce_max3A_175 = arith.constant true
                %reduce_max3A_176 = vector.broadcast %reduce_max3A_175 : i1 to vector<16xi1>
                %reduce_max3A_177 = arith.constant -2147483648 : i32
                %reduce_max3A_178 = vector.broadcast %reduce_max3A_177 : i32 to vector<16xi32>
                %reduce_max3A_179 = arith.xori %select_n3A_174, %reduce_max3A_178 : vector<16xi32>
                %reduce_max3A_180 = tpu.scan <max>, %reduce_max3A_179 masked %reduce_max3A_176 : vector<16xi32>, vector<16xi1> -> vector<16xi32>
                %reduce_max3A_181 = arith.xori %reduce_max3A_180, %reduce_max3A_178 : vector<16xi32>
                %reduce_max3A_182 = vector.extract %reduce_max3A_181[15] : i32 from vector<16xi32>
                %broadcast_in_dim3A_183 = vector.broadcast %reduce_max3A_171 : i32 to vector<16xi32>
                %and3A_184 = arith.constant 63 : i32
                %and3A_185 = arith.andi %while3A_157, %and3A_184 : i32
                %broadcast_in_dim3A_186 = vector.broadcast %and3A_185 : i32 to vector<16xi32>
                %add3A_187 = arith.constant 0 : i32
                %add3A_188 = vector.broadcast %add3A_187 : i32 to vector<16xi32>
                %add3A_189 = arith.addi %iota3A, %add3A_188 : vector<16xi32>
                %gather3A = arith.constant 1 : i32
                %gather3A_190 = arith.constant 0 : i32
                %gather3A_191 = arith.constant 0 : i32
                %gather3A_192 = tpu.memref_slice %arg11[%gather3A, %gather3A_190, %gather3A_191] : memref<2x64x512xf32, #tpu.memory_space<vmem>> -> memref<1x64x512xf32, #tpu.memory_space<vmem>>
                %gather3A_193 = tpu.memref_squeeze %gather3A_192 : memref<1x64x512xf32, #tpu.memory_space<vmem>> -> memref<64x512xf32, #tpu.memory_space<vmem>>
                %gather3A_194 = tpu.vector_load_idx %gather3A_193[%add3A_189, %broadcast_in_dim3A_183] : memref<64x512xf32, #tpu.memory_space<vmem>>[vector<16xi32>, vector<16xi32>], vector<16xf32>,
                %add3A_195 = arith.constant 0 : i32
                %add3A_196 = vector.broadcast %add3A_195 : i32 to vector<16xi32>
                %add3A_197 = arith.addi %add3A_196, %iota3A : vector<16xi32>
                tpu.vector_store_idx %arg12[%broadcast_in_dim3A_186, %add3A_197], %gather3A_194 : memref<64x64xf32, #tpu.memory_space<vmem>>[vector<16xi32>, vector<16xi32>], vector<16xf32>,
                %add3A_198 = arith.constant 16 : i32
                %add3A_199 = vector.broadcast %add3A_198 : i32 to vector<16xi32>
                %add3A_200 = arith.addi %iota3A, %add3A_199 : vector<16xi32>
                %gather3A_201 = arith.constant 1 : i32
                %gather3A_202 = arith.constant 0 : i32
                %gather3A_203 = arith.constant 0 : i32
                %gather3A_204 = tpu.memref_slice %arg11[%gather3A_201, %gather3A_202, %gather3A_203] : memref<2x64x512xf32, #tpu.memory_space<vmem>> -> memref<1x64x512xf32, #tpu.memory_space<vmem>>
                %gather3A_205 = tpu.memref_squeeze %gather3A_204 : memref<1x64x512xf32, #tpu.memory_space<vmem>> -> memref<64x512xf32, #tpu.memory_space<vmem>>
                %gather3A_206 = tpu.vector_load_idx %gather3A_205[%add3A_200, %broadcast_in_dim3A_183] : memref<64x512xf32, #tpu.memory_space<vmem>>[vector<16xi32>, vector<16xi32>], vector<16xf32>,
                %add3A_207 = arith.constant 16 : i32
                %add3A_208 = vector.broadcast %add3A_207 : i32 to vector<16xi32>
                %add3A_209 = arith.addi %add3A_208, %iota3A : vector<16xi32>
                tpu.vector_store_idx %arg12[%broadcast_in_dim3A_186, %add3A_209], %gather3A_206 : memref<64x64xf32, #tpu.memory_space<vmem>>[vector<16xi32>, vector<16xi32>], vector<16xf32>,
                %add3A_210 = arith.constant 32 : i32
                %add3A_211 = vector.broadcast %add3A_210 : i32 to vector<16xi32>
                %add3A_212 = arith.addi %iota3A, %add3A_211 : vector<16xi32>
                %gather3A_213 = arith.constant 1 : i32
                %gather3A_214 = arith.constant 0 : i32
                %gather3A_215 = arith.constant 0 : i32
                %gather3A_216 = tpu.memref_slice %arg11[%gather3A_213, %gather3A_214, %gather3A_215] : memref<2x64x512xf32, #tpu.memory_space<vmem>> -> memref<1x64x512xf32, #tpu.memory_space<vmem>>
                %gather3A_217 = tpu.memref_squeeze %gather3A_216 : memref<1x64x512xf32, #tpu.memory_space<vmem>> -> memref<64x512xf32, #tpu.memory_space<vmem>>
                %gather3A_218 = tpu.vector_load_idx %gather3A_217[%add3A_212, %broadcast_in_dim3A_183] : memref<64x512xf32, #tpu.memory_space<vmem>>[vector<16xi32>, vector<16xi32>], vector<16xf32>,
                %add3A_219 = arith.constant 32 : i32
                %add3A_220 = vector.broadcast %add3A_219 : i32 to vector<16xi32>
                %add3A_221 = arith.addi %add3A_220, %iota3A : vector<16xi32>
                tpu.vector_store_idx %arg12[%broadcast_in_dim3A_186, %add3A_221], %gather3A_218 : memref<64x64xf32, #tpu.memory_space<vmem>>[vector<16xi32>, vector<16xi32>], vector<16xf32>,
                %add3A_222 = arith.constant 48 : i32
                %add3A_223 = vector.broadcast %add3A_222 : i32 to vector<16xi32>
                %add3A_224 = arith.addi %iota3A, %add3A_223 : vector<16xi32>
                %gather3A_225 = arith.constant 1 : i32
                %gather3A_226 = arith.constant 0 : i32
                %gather3A_227 = arith.constant 0 : i32
                %gather3A_228 = tpu.memref_slice %arg11[%gather3A_225, %gather3A_226, %gather3A_227] : memref<2x64x512xf32, #tpu.memory_space<vmem>> -> memref<1x64x512xf32, #tpu.memory_space<vmem>>
                %gather3A_229 = tpu.memref_squeeze %gather3A_228 : memref<1x64x512xf32, #tpu.memory_space<vmem>> -> memref<64x512xf32, #tpu.memory_space<vmem>>
                %gather3A_230 = tpu.vector_load_idx %gather3A_229[%add3A_224, %broadcast_in_dim3A_183] : memref<64x512xf32, #tpu.memory_space<vmem>>[vector<16xi32>, vector<16xi32>], vector<16xf32>,
                %add3A_231 = arith.constant 48 : i32
                %add3A_232 = vector.broadcast %add3A_231 : i32 to vector<16xi32>
                %add3A_233 = arith.addi %add3A_232, %iota3A : vector<16xi32>
                tpu.vector_store_idx %arg12[%broadcast_in_dim3A_186, %add3A_233], %gather3A_230 : memref<64x64xf32, #tpu.memory_space<vmem>>[vector<16xi32>, vector<16xi32>], vector<16xf32>,
                %dma_start3A = arith.constant 0 : i32
                %dma_start3A_234 = tpu.memref_slice %arg12[%and3A_185, %dma_start3A] : memref<64x64xf32, #tpu.memory_space<vmem>> -> memref<1x64xf32, #tpu.memory_space<vmem>>
                %dma_start3A_235 = arith.constant 0 : i32
                %dma_start3A_236 = tpu.memref_slice %arg6[%reduce_max3A_182, %dma_start3A_235] : memref<16384x64xf32, #tpu.memory_space<hbm>> -> memref<1x64xf32, #tpu.memory_space<hbm>>
                %dma_start3A_237 = arith.constant 0 : i32
                %dma_start3A_238 = tpu.memref_slice %arg6[%reduce_max3A_182, %dma_start3A_237] : memref<16384x64xf32, #tpu.memory_space<hbm>> -> memref<1x64xf32, #tpu.memory_space<hbm>>
                %dma_start3A_239 = arith.constant 0 : i32
                %dma_start3A_240 = tpu.memref_slice %arg12[%and3A_185, %dma_start3A_239] : memref<64x64xf32, #tpu.memory_space<vmem>> -> memref<1x64xf32, #tpu.memory_space<vmem>>
                tpu.enqueue_dma source(%dma_start3A_240 : memref<1x64xf32, #tpu.memory_space<vmem>>) target(%dma_start3A_238 : memref<1x64xf32, #tpu.memory_space<hbm>>) target_semaphore(%arg17 : memref<!tpu.dma_semaphore, #tpu.memory_space<semaphore_mem>>)
                %eq3A_241 = arith.constant 63 : i32
                %eq3A_242 = arith.cmpi eq, %and3A_185, %eq3A_241 : i32
                %convert_element_type3A_243 = arith.extui %eq3A_242 : i1 to i32
                %cond3A_244 = arith.constant 0 : i32
                %cond3A_245 = arith.cmpi ne, %convert_element_type3A_243, %cond3A_244 : i32
                scf.if %cond3A_245 {
                  %scan3A_248 = arith.constant 0 : i32
                  %scan3A_249 = arith.constant 64 : i32
                  %scan3A_250 = arith.addi %scan3A_248, %scan3A_249 : i32
                  %scan3A_251 = arith.constant 1 : i32
                  scf.for %scan3A_253 = %scan3A_248 to %scan3A_250 step %scan3A_251  : i32 {
                    %dma_wait3A = arith.constant 0 : i32
                    %dma_wait3A_254 = arith.constant 0 : i32
                    %dma_wait3A_255 = tpu.memref_slice %arg12[%dma_wait3A, %dma_wait3A_254] : memref<64x64xf32, #tpu.memory_space<vmem>> -> memref<1x64xf32, #tpu.memory_space<vmem>>
                    %dma_wait3A_256 = arith.constant 0 : i32
                    %dma_wait3A_257 = arith.constant 0 : i32
                    %dma_wait3A_258 = tpu.memref_slice %arg6[%dma_wait3A_256, %dma_wait3A_257] : memref<16384x64xf32, #tpu.memory_space<hbm>> -> memref<1x64xf32, #tpu.memory_space<hbm>>
                    %dma_wait3A_259 = arith.constant 0 : i32
                    %dma_wait3A_260 = arith.constant 0 : i32
                    %dma_wait3A_261 = tpu.memref_slice %arg6[%dma_wait3A_259, %dma_wait3A_260] : memref<16384x64xf32, #tpu.memory_space<hbm>> -> memref<1x64xf32, #tpu.memory_space<hbm>>
                    %dma_wait3A_262 = arith.constant 0 : i32
                    %dma_wait3A_263 = arith.constant 0 : i32
                    %dma_wait3A_264 = tpu.memref_slice %arg12[%dma_wait3A_262, %dma_wait3A_263] : memref<64x64xf32, #tpu.memory_space<vmem>> -> memref<1x64xf32, #tpu.memory_space<vmem>>
                    tpu.wait_dma2 semaphore(%arg17 : memref<!tpu.dma_semaphore, #tpu.memory_space<semaphore_mem>>) src(%dma_wait3A_264 : memref<1x64xf32, #tpu.memory_space<vmem>>) dst(%dma_wait3A_261 : memref<1x64xf32, #tpu.memory_space<hbm>>)
                  }
                  %scan3A_252 = arith.constant 64 : i32
                } else {
                }
                %add3A_246 = arith.constant 1 : i32
                %add3A_247 = arith.addi %while3A_157, %add3A_246 : i32
                scf.yield %add3A_247 : i32
              }
              scf.yield %while3A_155 : i32
            } else {
              scf.yield %while3A_114 : i32
            }
            scf.yield %cond3A_134 : i32
          }
          %while3A_99 = arith.constant 1 : i32
          %while3A_100 = scf.for %while3A_113 = %while3A_96 to %while3A_92 step %while3A_99 iter_args(%while3A_114 = %while3A_98) -> (i32)  : i32 {
            %mul3A_115 = arith.constant 16 : i32
            %mul3A_116 = arith.muli %while3A_113, %mul3A_115 : i32
            %get3A = arith.index_cast %mul3A_116 : i32 to index
            %get3A_117 = tpu.vector_load %arg9[%get3A] {strides = array<i32>} : memref<16384xi32, #tpu.memory_space<vmem>>, vector<16xi32>,
            %shift_right_arithmetic3A_118 = arith.constant 9 : i32
            %shift_right_arithmetic3A_119 = vector.broadcast %shift_right_arithmetic3A_118 : i32 to vector<16xi32>
            %shift_right_arithmetic3A_120 = arith.shrsi %get3A_117, %shift_right_arithmetic3A_119 : vector<16xi32>
            %eq3A_121 = vector.broadcast %add3A_73 : i32 to vector<16xi32>
            %eq3A_122 = arith.cmpi eq, %shift_right_arithmetic3A_120, %eq3A_121 : vector<16xi32>
            %all_reduce_population_count3A = tpu.all_reduce %eq3A_122 {dim = 0 : i64, kind = #tpu.reduction_kind<sum>} : vector<16xi1> -> vector<16xi32>
            %reduce_max3A = arith.constant true
            %reduce_max3A_123 = vector.broadcast %reduce_max3A : i1 to vector<16xi1>
            %reduce_max3A_124 = arith.constant -2147483648 : i32
            %reduce_max3A_125 = vector.broadcast %reduce_max3A_124 : i32 to vector<16xi32>
            %reduce_max3A_126 = arith.xori %all_reduce_population_count3A, %reduce_max3A_125 : vector<16xi32>
            %reduce_max3A_127 = tpu.scan <max>, %reduce_max3A_126 masked %reduce_max3A_123 : vector<16xi32>, vector<16xi1> -> vector<16xi32>
            %reduce_max3A_128 = arith.xori %reduce_max3A_127, %reduce_max3A_125 : vector<16xi32>
            %reduce_max3A_129 = vector.extract %reduce_max3A_128[15] : i32 from vector<16xi32>
            %gt3A = arith.constant 0 : i32
            %gt3A_130 = arith.cmpi sgt, %reduce_max3A_129, %gt3A : i32
            %convert_element_type3A_131 = arith.extui %gt3A_130 : i1 to i32
            %cond3A_132 = arith.constant 0 : i32
            %cond3A_133 = arith.cmpi ne, %convert_element_type3A_131, %cond3A_132 : i32
            %cond3A_134 = scf.if %cond3A_133 -> (i32) {
              %mul3A_135 = arith.constant 16 : i32
              %mul3A_136 = arith.muli %while3A_113, %mul3A_135 : i32
              %get3A_137 = arith.index_cast %mul3A_136 : i32 to index
              %get3A_138 = tpu.vector_load %arg10[%get3A_137] {strides = array<i32>} : memref<16384xi32, #tpu.memory_space<vmem>>, vector<16xi32>,
              %and3A_139 = arith.constant 511 : i32
              %and3A_140 = vector.broadcast %and3A_139 : i32 to vector<16xi32>
              %and3A_141 = arith.andi %get3A_117, %and3A_140 : vector<16xi32>
              %swap3A = arith.constant 0 : index
              %swap3A_142 = tpu.vector_load %arg13[%swap3A] masked %eq3A_122 {strides = array<i32>} : memref<16xi32, #tpu.memory_space<vmem>>, vector<16xi32>, vector<16xi1>
              tpu.vector_store %arg13[%swap3A], %and3A_141 masked %eq3A_122 {strides = array<i32>} : memref<16xi32, #tpu.memory_space<vmem>>, vector<16xi32>, vector<16xi1>
              %swap3A_143 = arith.constant 0 : index
              %swap3A_144 = tpu.vector_load %arg14[%swap3A_143] masked %eq3A_122 {strides = array<i32>} : memref<16xi32, #tpu.memory_space<vmem>>, vector<16xi32>, vector<16xi1>
              tpu.vector_store %arg14[%swap3A_143], %get3A_138 masked %eq3A_122 {strides = array<i32>} : memref<16xi32, #tpu.memory_space<vmem>>, vector<16xi32>, vector<16xi1>
              %while3A_145 = arith.constant 0 : i32
              %while3A_146 = arith.subi %reduce_max3A_129, %while3A_145 : i32
              %while3A_147 = arith.addi %while3A_145, %while3A_146 : i32
              %while3A_148 = arith.constant 1 : i32
              %while3A_149 = arith.divsi %while3A_146, %while3A_148 : i32
              %while3A_150 = arith.muli %while3A_149, %while3A_148 : i32
              %while3A_151 = arith.addi %while3A_145, %while3A_150 : i32
              %while3A_152 = arith.constant 1 : i32
              %while3A_153 = scf.for %while3A_156 = %while3A_145 to %while3A_151 step %while3A_152 iter_args(%while3A_157 = %while3A_114) -> (i32)  : i32 {
                %eq3A_158 = vector.broadcast %while3A_156 : i32 to vector<16xi32>
                %eq3A_159 = arith.cmpi eq, %iota3A, %eq3A_158 : vector<16xi32>
                %get3A_160 = arith.constant 0 : index
                %get3A_161 = tpu.vector_load %arg13[%get3A_160] {strides = array<i32>} : memref<16xi32, #tpu.memory_space<vmem>>, vector<16xi32>,
                %get3A_162 = arith.constant 0 : index
                %get3A_163 = tpu.vector_load %arg14[%get3A_162] {strides = array<i32>} : memref<16xi32, #tpu.memory_space<vmem>>, vector<16xi32>,
                %jit3A = arith.constant 0 : i32
                %broadcast_in_dim3A = vector.broadcast %jit3A : i32 to vector<16xi32>
                %select_n3A = arith.select %eq3A_159, %get3A_161, %broadcast_in_dim3A : vector<16xi1>, vector<16xi32>
                %reduce_max3A_164 = arith.constant true
                %reduce_max3A_165 = vector.broadcast %reduce_max3A_164 : i1 to vector<16xi1>
                %reduce_max3A_166 = arith.constant -2147483648 : i32
                %reduce_max3A_167 = vector.broadcast %reduce_max3A_166 : i32 to vector<16xi32>
                %reduce_max3A_168 = arith.xori %select_n3A, %reduce_max3A_167 : vector<16xi32>
                %reduce_max3A_169 = tpu.scan <max>, %reduce_max3A_168 masked %reduce_max3A_165 : vector<16xi32>, vector<16xi1> -> vector<16xi32>
                %reduce_max3A_170 = arith.xori %reduce_max3A_169, %reduce_max3A_167 : vector<16xi32>
                %reduce_max3A_171 = vector.extract %reduce_max3A_170[15] : i32 from vector<16xi32>
                %jit3A_172 = arith.constant 0 : i32
                %broadcast_in_dim3A_173 = vector.broadcast %jit3A_172 : i32 to vector<16xi32>
                %select_n3A_174 = arith.select %eq3A_159, %get3A_163, %broadcast_in_dim3A_173 : vector<16xi1>, vector<16xi32>
                %reduce_max3A_175 = arith.constant true
                %reduce_max3A_176 = vector.broadcast %reduce_max3A_175 : i1 to vector<16xi1>
                %reduce_max3A_177 = arith.constant -2147483648 : i32
                %reduce_max3A_178 = vector.broadcast %reduce_max3A_177 : i32 to vector<16xi32>
                %reduce_max3A_179 = arith.xori %select_n3A_174, %reduce_max3A_178 : vector<16xi32>
                %reduce_max3A_180 = tpu.scan <max>, %reduce_max3A_179 masked %reduce_max3A_176 : vector<16xi32>, vector<16xi1> -> vector<16xi32>
                %reduce_max3A_181 = arith.xori %reduce_max3A_180, %reduce_max3A_178 : vector<16xi32>
                %reduce_max3A_182 = vector.extract %reduce_max3A_181[15] : i32 from vector<16xi32>
                %broadcast_in_dim3A_183 = vector.broadcast %reduce_max3A_171 : i32 to vector<16xi32>
                %and3A_184 = arith.constant 63 : i32
                %and3A_185 = arith.andi %while3A_157, %and3A_184 : i32
                %broadcast_in_dim3A_186 = vector.broadcast %and3A_185 : i32 to vector<16xi32>
                %add3A_187 = arith.constant 0 : i32
                %add3A_188 = vector.broadcast %add3A_187 : i32 to vector<16xi32>
                %add3A_189 = arith.addi %iota3A, %add3A_188 : vector<16xi32>
                %gather3A = arith.constant 1 : i32
                %gather3A_190 = arith.constant 0 : i32
                %gather3A_191 = arith.constant 0 : i32
                %gather3A_192 = tpu.memref_slice %arg11[%gather3A, %gather3A_190, %gather3A_191] : memref<2x64x512xf32, #tpu.memory_space<vmem>> -> memref<1x64x512xf32, #tpu.memory_space<vmem>>
                %gather3A_193 = tpu.memref_squeeze %gather3A_192 : memref<1x64x512xf32, #tpu.memory_space<vmem>> -> memref<64x512xf32, #tpu.memory_space<vmem>>
                %gather3A_194 = tpu.vector_load_idx %gather3A_193[%add3A_189, %broadcast_in_dim3A_183] : memref<64x512xf32, #tpu.memory_space<vmem>>[vector<16xi32>, vector<16xi32>], vector<16xf32>,
                %add3A_195 = arith.constant 0 : i32
                %add3A_196 = vector.broadcast %add3A_195 : i32 to vector<16xi32>
                %add3A_197 = arith.addi %add3A_196, %iota3A : vector<16xi32>
                tpu.vector_store_idx %arg12[%broadcast_in_dim3A_186, %add3A_197], %gather3A_194 : memref<64x64xf32, #tpu.memory_space<vmem>>[vector<16xi32>, vector<16xi32>], vector<16xf32>,
                %add3A_198 = arith.constant 16 : i32
                %add3A_199 = vector.broadcast %add3A_198 : i32 to vector<16xi32>
                %add3A_200 = arith.addi %iota3A, %add3A_199 : vector<16xi32>
                %gather3A_201 = arith.constant 1 : i32
                %gather3A_202 = arith.constant 0 : i32
                %gather3A_203 = arith.constant 0 : i32
                %gather3A_204 = tpu.memref_slice %arg11[%gather3A_201, %gather3A_202, %gather3A_203] : memref<2x64x512xf32, #tpu.memory_space<vmem>> -> memref<1x64x512xf32, #tpu.memory_space<vmem>>
                %gather3A_205 = tpu.memref_squeeze %gather3A_204 : memref<1x64x512xf32, #tpu.memory_space<vmem>> -> memref<64x512xf32, #tpu.memory_space<vmem>>
                %gather3A_206 = tpu.vector_load_idx %gather3A_205[%add3A_200, %broadcast_in_dim3A_183] : memref<64x512xf32, #tpu.memory_space<vmem>>[vector<16xi32>, vector<16xi32>], vector<16xf32>,
                %add3A_207 = arith.constant 16 : i32
                %add3A_208 = vector.broadcast %add3A_207 : i32 to vector<16xi32>
                %add3A_209 = arith.addi %add3A_208, %iota3A : vector<16xi32>
                tpu.vector_store_idx %arg12[%broadcast_in_dim3A_186, %add3A_209], %gather3A_206 : memref<64x64xf32, #tpu.memory_space<vmem>>[vector<16xi32>, vector<16xi32>], vector<16xf32>,
                %add3A_210 = arith.constant 32 : i32
                %add3A_211 = vector.broadcast %add3A_210 : i32 to vector<16xi32>
                %add3A_212 = arith.addi %iota3A, %add3A_211 : vector<16xi32>
                %gather3A_213 = arith.constant 1 : i32
                %gather3A_214 = arith.constant 0 : i32
                %gather3A_215 = arith.constant 0 : i32
                %gather3A_216 = tpu.memref_slice %arg11[%gather3A_213, %gather3A_214, %gather3A_215] : memref<2x64x512xf32, #tpu.memory_space<vmem>> -> memref<1x64x512xf32, #tpu.memory_space<vmem>>
                %gather3A_217 = tpu.memref_squeeze %gather3A_216 : memref<1x64x512xf32, #tpu.memory_space<vmem>> -> memref<64x512xf32, #tpu.memory_space<vmem>>
                %gather3A_218 = tpu.vector_load_idx %gather3A_217[%add3A_212, %broadcast_in_dim3A_183] : memref<64x512xf32, #tpu.memory_space<vmem>>[vector<16xi32>, vector<16xi32>], vector<16xf32>,
                %add3A_219 = arith.constant 32 : i32
                %add3A_220 = vector.broadcast %add3A_219 : i32 to vector<16xi32>
                %add3A_221 = arith.addi %add3A_220, %iota3A : vector<16xi32>
                tpu.vector_store_idx %arg12[%broadcast_in_dim3A_186, %add3A_221], %gather3A_218 : memref<64x64xf32, #tpu.memory_space<vmem>>[vector<16xi32>, vector<16xi32>], vector<16xf32>,
                %add3A_222 = arith.constant 48 : i32
                %add3A_223 = vector.broadcast %add3A_222 : i32 to vector<16xi32>
                %add3A_224 = arith.addi %iota3A, %add3A_223 : vector<16xi32>
                %gather3A_225 = arith.constant 1 : i32
                %gather3A_226 = arith.constant 0 : i32
                %gather3A_227 = arith.constant 0 : i32
                %gather3A_228 = tpu.memref_slice %arg11[%gather3A_225, %gather3A_226, %gather3A_227] : memref<2x64x512xf32, #tpu.memory_space<vmem>> -> memref<1x64x512xf32, #tpu.memory_space<vmem>>
                %gather3A_229 = tpu.memref_squeeze %gather3A_228 : memref<1x64x512xf32, #tpu.memory_space<vmem>> -> memref<64x512xf32, #tpu.memory_space<vmem>>
                %gather3A_230 = tpu.vector_load_idx %gather3A_229[%add3A_224, %broadcast_in_dim3A_183] : memref<64x512xf32, #tpu.memory_space<vmem>>[vector<16xi32>, vector<16xi32>], vector<16xf32>,
                %add3A_231 = arith.constant 48 : i32
                %add3A_232 = vector.broadcast %add3A_231 : i32 to vector<16xi32>
                %add3A_233 = arith.addi %add3A_232, %iota3A : vector<16xi32>
                tpu.vector_store_idx %arg12[%broadcast_in_dim3A_186, %add3A_233], %gather3A_230 : memref<64x64xf32, #tpu.memory_space<vmem>>[vector<16xi32>, vector<16xi32>], vector<16xf32>,
                %dma_start3A = arith.constant 0 : i32
                %dma_start3A_234 = tpu.memref_slice %arg12[%and3A_185, %dma_start3A] : memref<64x64xf32, #tpu.memory_space<vmem>> -> memref<1x64xf32, #tpu.memory_space<vmem>>
                %dma_start3A_235 = arith.constant 0 : i32
                %dma_start3A_236 = tpu.memref_slice %arg6[%reduce_max3A_182, %dma_start3A_235] : memref<16384x64xf32, #tpu.memory_space<hbm>> -> memref<1x64xf32, #tpu.memory_space<hbm>>
                %dma_start3A_237 = arith.constant 0 : i32
                %dma_start3A_238 = tpu.memref_slice %arg6[%reduce_max3A_182, %dma_start3A_237] : memref<16384x64xf32, #tpu.memory_space<hbm>> -> memref<1x64xf32, #tpu.memory_space<hbm>>
                %dma_start3A_239 = arith.constant 0 : i32
                %dma_start3A_240 = tpu.memref_slice %arg12[%and3A_185, %dma_start3A_239] : memref<64x64xf32, #tpu.memory_space<vmem>> -> memref<1x64xf32, #tpu.memory_space<vmem>>
                tpu.enqueue_dma source(%dma_start3A_240 : memref<1x64xf32, #tpu.memory_space<vmem>>) target(%dma_start3A_238 : memref<1x64xf32, #tpu.memory_space<hbm>>) target_semaphore(%arg17 : memref<!tpu.dma_semaphore, #tpu.memory_space<semaphore_mem>>)
                %eq3A_241 = arith.constant 63 : i32
                %eq3A_242 = arith.cmpi eq, %and3A_185, %eq3A_241 : i32
                %convert_element_type3A_243 = arith.extui %eq3A_242 : i1 to i32
                %cond3A_244 = arith.constant 0 : i32
                %cond3A_245 = arith.cmpi ne, %convert_element_type3A_243, %cond3A_244 : i32
                scf.if %cond3A_245 {
                  %scan3A_248 = arith.constant 0 : i32
                  %scan3A_249 = arith.constant 64 : i32
                  %scan3A_250 = arith.addi %scan3A_248, %scan3A_249 : i32
                  %scan3A_251 = arith.constant 1 : i32
                  scf.for %scan3A_253 = %scan3A_248 to %scan3A_250 step %scan3A_251  : i32 {
                    %dma_wait3A = arith.constant 0 : i32
                    %dma_wait3A_254 = arith.constant 0 : i32
                    %dma_wait3A_255 = tpu.memref_slice %arg12[%dma_wait3A, %dma_wait3A_254] : memref<64x64xf32, #tpu.memory_space<vmem>> -> memref<1x64xf32, #tpu.memory_space<vmem>>
                    %dma_wait3A_256 = arith.constant 0 : i32
                    %dma_wait3A_257 = arith.constant 0 : i32
                    %dma_wait3A_258 = tpu.memref_slice %arg6[%dma_wait3A_256, %dma_wait3A_257] : memref<16384x64xf32, #tpu.memory_space<hbm>> -> memref<1x64xf32, #tpu.memory_space<hbm>>
                    %dma_wait3A_259 = arith.constant 0 : i32
                    %dma_wait3A_260 = arith.constant 0 : i32
                    %dma_wait3A_261 = tpu.memref_slice %arg6[%dma_wait3A_259, %dma_wait3A_260] : memref<16384x64xf32, #tpu.memory_space<hbm>> -> memref<1x64xf32, #tpu.memory_space<hbm>>
                    %dma_wait3A_262 = arith.constant 0 : i32
                    %dma_wait3A_263 = arith.constant 0 : i32
                    %dma_wait3A_264 = tpu.memref_slice %arg12[%dma_wait3A_262, %dma_wait3A_263] : memref<64x64xf32, #tpu.memory_space<vmem>> -> memref<1x64xf32, #tpu.memory_space<vmem>>
                    tpu.wait_dma2 semaphore(%arg17 : memref<!tpu.dma_semaphore, #tpu.memory_space<semaphore_mem>>) src(%dma_wait3A_264 : memref<1x64xf32, #tpu.memory_space<vmem>>) dst(%dma_wait3A_261 : memref<1x64xf32, #tpu.memory_space<hbm>>)
                  }
                  %scan3A_252 = arith.constant 64 : i32
                } else {
                }
                %add3A_246 = arith.constant 1 : i32
                %add3A_247 = arith.addi %while3A_157, %add3A_246 : i32
                scf.yield %add3A_247 : i32
              }
              %while3A_154 = arith.constant 1 : i32
              %while3A_155 = scf.for %while3A_156 = %while3A_151 to %while3A_147 step %while3A_154 iter_args(%while3A_157 = %while3A_153) -> (i32)  : i32 {
                %eq3A_158 = vector.broadcast %while3A_156 : i32 to vector<16xi32>
                %eq3A_159 = arith.cmpi eq, %iota3A, %eq3A_158 : vector<16xi32>
                %get3A_160 = arith.constant 0 : index
                %get3A_161 = tpu.vector_load %arg13[%get3A_160] {strides = array<i32>} : memref<16xi32, #tpu.memory_space<vmem>>, vector<16xi32>,
                %get3A_162 = arith.constant 0 : index
                %get3A_163 = tpu.vector_load %arg14[%get3A_162] {strides = array<i32>} : memref<16xi32, #tpu.memory_space<vmem>>, vector<16xi32>,
                %jit3A = arith.constant 0 : i32
                %broadcast_in_dim3A = vector.broadcast %jit3A : i32 to vector<16xi32>
                %select_n3A = arith.select %eq3A_159, %get3A_161, %broadcast_in_dim3A : vector<16xi1>, vector<16xi32>
                %reduce_max3A_164 = arith.constant true
                %reduce_max3A_165 = vector.broadcast %reduce_max3A_164 : i1 to vector<16xi1>
                %reduce_max3A_166 = arith.constant -2147483648 : i32
                %reduce_max3A_167 = vector.broadcast %reduce_max3A_166 : i32 to vector<16xi32>
                %reduce_max3A_168 = arith.xori %select_n3A, %reduce_max3A_167 : vector<16xi32>
                %reduce_max3A_169 = tpu.scan <max>, %reduce_max3A_168 masked %reduce_max3A_165 : vector<16xi32>, vector<16xi1> -> vector<16xi32>
                %reduce_max3A_170 = arith.xori %reduce_max3A_169, %reduce_max3A_167 : vector<16xi32>
                %reduce_max3A_171 = vector.extract %reduce_max3A_170[15] : i32 from vector<16xi32>
                %jit3A_172 = arith.constant 0 : i32
                %broadcast_in_dim3A_173 = vector.broadcast %jit3A_172 : i32 to vector<16xi32>
                %select_n3A_174 = arith.select %eq3A_159, %get3A_163, %broadcast_in_dim3A_173 : vector<16xi1>, vector<16xi32>
                %reduce_max3A_175 = arith.constant true
                %reduce_max3A_176 = vector.broadcast %reduce_max3A_175 : i1 to vector<16xi1>
                %reduce_max3A_177 = arith.constant -2147483648 : i32
                %reduce_max3A_178 = vector.broadcast %reduce_max3A_177 : i32 to vector<16xi32>
                %reduce_max3A_179 = arith.xori %select_n3A_174, %reduce_max3A_178 : vector<16xi32>
                %reduce_max3A_180 = tpu.scan <max>, %reduce_max3A_179 masked %reduce_max3A_176 : vector<16xi32>, vector<16xi1> -> vector<16xi32>
                %reduce_max3A_181 = arith.xori %reduce_max3A_180, %reduce_max3A_178 : vector<16xi32>
                %reduce_max3A_182 = vector.extract %reduce_max3A_181[15] : i32 from vector<16xi32>
                %broadcast_in_dim3A_183 = vector.broadcast %reduce_max3A_171 : i32 to vector<16xi32>
                %and3A_184 = arith.constant 63 : i32
                %and3A_185 = arith.andi %while3A_157, %and3A_184 : i32
                %broadcast_in_dim3A_186 = vector.broadcast %and3A_185 : i32 to vector<16xi32>
                %add3A_187 = arith.constant 0 : i32
                %add3A_188 = vector.broadcast %add3A_187 : i32 to vector<16xi32>
                %add3A_189 = arith.addi %iota3A, %add3A_188 : vector<16xi32>
                %gather3A = arith.constant 1 : i32
                %gather3A_190 = arith.constant 0 : i32
                %gather3A_191 = arith.constant 0 : i32
                %gather3A_192 = tpu.memref_slice %arg11[%gather3A, %gather3A_190, %gather3A_191] : memref<2x64x512xf32, #tpu.memory_space<vmem>> -> memref<1x64x512xf32, #tpu.memory_space<vmem>>
                %gather3A_193 = tpu.memref_squeeze %gather3A_192 : memref<1x64x512xf32, #tpu.memory_space<vmem>> -> memref<64x512xf32, #tpu.memory_space<vmem>>
                %gather3A_194 = tpu.vector_load_idx %gather3A_193[%add3A_189, %broadcast_in_dim3A_183] : memref<64x512xf32, #tpu.memory_space<vmem>>[vector<16xi32>, vector<16xi32>], vector<16xf32>,
                %add3A_195 = arith.constant 0 : i32
                %add3A_196 = vector.broadcast %add3A_195 : i32 to vector<16xi32>
                %add3A_197 = arith.addi %add3A_196, %iota3A : vector<16xi32>
                tpu.vector_store_idx %arg12[%broadcast_in_dim3A_186, %add3A_197], %gather3A_194 : memref<64x64xf32, #tpu.memory_space<vmem>>[vector<16xi32>, vector<16xi32>], vector<16xf32>,
                %add3A_198 = arith.constant 16 : i32
                %add3A_199 = vector.broadcast %add3A_198 : i32 to vector<16xi32>
                %add3A_200 = arith.addi %iota3A, %add3A_199 : vector<16xi32>
                %gather3A_201 = arith.constant 1 : i32
                %gather3A_202 = arith.constant 0 : i32
                %gather3A_203 = arith.constant 0 : i32
                %gather3A_204 = tpu.memref_slice %arg11[%gather3A_201, %gather3A_202, %gather3A_203] : memref<2x64x512xf32, #tpu.memory_space<vmem>> -> memref<1x64x512xf32, #tpu.memory_space<vmem>>
                %gather3A_205 = tpu.memref_squeeze %gather3A_204 : memref<1x64x512xf32, #tpu.memory_space<vmem>> -> memref<64x512xf32, #tpu.memory_space<vmem>>
                %gather3A_206 = tpu.vector_load_idx %gather3A_205[%add3A_200, %broadcast_in_dim3A_183] : memref<64x512xf32, #tpu.memory_space<vmem>>[vector<16xi32>, vector<16xi32>], vector<16xf32>,
                %add3A_207 = arith.constant 16 : i32
                %add3A_208 = vector.broadcast %add3A_207 : i32 to vector<16xi32>
                %add3A_209 = arith.addi %add3A_208, %iota3A : vector<16xi32>
                tpu.vector_store_idx %arg12[%broadcast_in_dim3A_186, %add3A_209], %gather3A_206 : memref<64x64xf32, #tpu.memory_space<vmem>>[vector<16xi32>, vector<16xi32>], vector<16xf32>,
                %add3A_210 = arith.constant 32 : i32
                %add3A_211 = vector.broadcast %add3A_210 : i32 to vector<16xi32>
                %add3A_212 = arith.addi %iota3A, %add3A_211 : vector<16xi32>
                %gather3A_213 = arith.constant 1 : i32
                %gather3A_214 = arith.constant 0 : i32
                %gather3A_215 = arith.constant 0 : i32
                %gather3A_216 = tpu.memref_slice %arg11[%gather3A_213, %gather3A_214, %gather3A_215] : memref<2x64x512xf32, #tpu.memory_space<vmem>> -> memref<1x64x512xf32, #tpu.memory_space<vmem>>
                %gather3A_217 = tpu.memref_squeeze %gather3A_216 : memref<1x64x512xf32, #tpu.memory_space<vmem>> -> memref<64x512xf32, #tpu.memory_space<vmem>>
                %gather3A_218 = tpu.vector_load_idx %gather3A_217[%add3A_212, %broadcast_in_dim3A_183] : memref<64x512xf32, #tpu.memory_space<vmem>>[vector<16xi32>, vector<16xi32>], vector<16xf32>,
                %add3A_219 = arith.constant 32 : i32
                %add3A_220 = vector.broadcast %add3A_219 : i32 to vector<16xi32>
                %add3A_221 = arith.addi %add3A_220, %iota3A : vector<16xi32>
                tpu.vector_store_idx %arg12[%broadcast_in_dim3A_186, %add3A_221], %gather3A_218 : memref<64x64xf32, #tpu.memory_space<vmem>>[vector<16xi32>, vector<16xi32>], vector<16xf32>,
                %add3A_222 = arith.constant 48 : i32
                %add3A_223 = vector.broadcast %add3A_222 : i32 to vector<16xi32>
                %add3A_224 = arith.addi %iota3A, %add3A_223 : vector<16xi32>
                %gather3A_225 = arith.constant 1 : i32
                %gather3A_226 = arith.constant 0 : i32
                %gather3A_227 = arith.constant 0 : i32
                %gather3A_228 = tpu.memref_slice %arg11[%gather3A_225, %gather3A_226, %gather3A_227] : memref<2x64x512xf32, #tpu.memory_space<vmem>> -> memref<1x64x512xf32, #tpu.memory_space<vmem>>
                %gather3A_229 = tpu.memref_squeeze %gather3A_228 : memref<1x64x512xf32, #tpu.memory_space<vmem>> -> memref<64x512xf32, #tpu.memory_space<vmem>>
                %gather3A_230 = tpu.vector_load_idx %gather3A_229[%add3A_224, %broadcast_in_dim3A_183] : memref<64x512xf32, #tpu.memory_space<vmem>>[vector<16xi32>, vector<16xi32>], vector<16xf32>,
                %add3A_231 = arith.constant 48 : i32
                %add3A_232 = vector.broadcast %add3A_231 : i32 to vector<16xi32>
                %add3A_233 = arith.addi %add3A_232, %iota3A : vector<16xi32>
                tpu.vector_store_idx %arg12[%broadcast_in_dim3A_186, %add3A_233], %gather3A_230 : memref<64x64xf32, #tpu.memory_space<vmem>>[vector<16xi32>, vector<16xi32>], vector<16xf32>,
                %dma_start3A = arith.constant 0 : i32
                %dma_start3A_234 = tpu.memref_slice %arg12[%and3A_185, %dma_start3A] : memref<64x64xf32, #tpu.memory_space<vmem>> -> memref<1x64xf32, #tpu.memory_space<vmem>>
                %dma_start3A_235 = arith.constant 0 : i32
                %dma_start3A_236 = tpu.memref_slice %arg6[%reduce_max3A_182, %dma_start3A_235] : memref<16384x64xf32, #tpu.memory_space<hbm>> -> memref<1x64xf32, #tpu.memory_space<hbm>>
                %dma_start3A_237 = arith.constant 0 : i32
                %dma_start3A_238 = tpu.memref_slice %arg6[%reduce_max3A_182, %dma_start3A_237] : memref<16384x64xf32, #tpu.memory_space<hbm>> -> memref<1x64xf32, #tpu.memory_space<hbm>>
                %dma_start3A_239 = arith.constant 0 : i32
                %dma_start3A_240 = tpu.memref_slice %arg12[%and3A_185, %dma_start3A_239] : memref<64x64xf32, #tpu.memory_space<vmem>> -> memref<1x64xf32, #tpu.memory_space<vmem>>
                tpu.enqueue_dma source(%dma_start3A_240 : memref<1x64xf32, #tpu.memory_space<vmem>>) target(%dma_start3A_238 : memref<1x64xf32, #tpu.memory_space<hbm>>) target_semaphore(%arg17 : memref<!tpu.dma_semaphore, #tpu.memory_space<semaphore_mem>>)
                %eq3A_241 = arith.constant 63 : i32
                %eq3A_242 = arith.cmpi eq, %and3A_185, %eq3A_241 : i32
                %convert_element_type3A_243 = arith.extui %eq3A_242 : i1 to i32
                %cond3A_244 = arith.constant 0 : i32
                %cond3A_245 = arith.cmpi ne, %convert_element_type3A_243, %cond3A_244 : i32
                scf.if %cond3A_245 {
                  %scan3A_248 = arith.constant 0 : i32
                  %scan3A_249 = arith.constant 64 : i32
                  %scan3A_250 = arith.addi %scan3A_248, %scan3A_249 : i32
                  %scan3A_251 = arith.constant 1 : i32
                  scf.for %scan3A_253 = %scan3A_248 to %scan3A_250 step %scan3A_251  : i32 {
                    %dma_wait3A = arith.constant 0 : i32
                    %dma_wait3A_254 = arith.constant 0 : i32
                    %dma_wait3A_255 = tpu.memref_slice %arg12[%dma_wait3A, %dma_wait3A_254] : memref<64x64xf32, #tpu.memory_space<vmem>> -> memref<1x64xf32, #tpu.memory_space<vmem>>
                    %dma_wait3A_256 = arith.constant 0 : i32
                    %dma_wait3A_257 = arith.constant 0 : i32
                    %dma_wait3A_258 = tpu.memref_slice %arg6[%dma_wait3A_256, %dma_wait3A_257] : memref<16384x64xf32, #tpu.memory_space<hbm>> -> memref<1x64xf32, #tpu.memory_space<hbm>>
                    %dma_wait3A_259 = arith.constant 0 : i32
                    %dma_wait3A_260 = arith.constant 0 : i32
                    %dma_wait3A_261 = tpu.memref_slice %arg6[%dma_wait3A_259, %dma_wait3A_260] : memref<16384x64xf32, #tpu.memory_space<hbm>> -> memref<1x64xf32, #tpu.memory_space<hbm>>
                    %dma_wait3A_262 = arith.constant 0 : i32
                    %dma_wait3A_263 = arith.constant 0 : i32
                    %dma_wait3A_264 = tpu.memref_slice %arg12[%dma_wait3A_262, %dma_wait3A_263] : memref<64x64xf32, #tpu.memory_space<vmem>> -> memref<1x64xf32, #tpu.memory_space<vmem>>
                    tpu.wait_dma2 semaphore(%arg17 : memref<!tpu.dma_semaphore, #tpu.memory_space<semaphore_mem>>) src(%dma_wait3A_264 : memref<1x64xf32, #tpu.memory_space<vmem>>) dst(%dma_wait3A_261 : memref<1x64xf32, #tpu.memory_space<hbm>>)
                  }
                  %scan3A_252 = arith.constant 64 : i32
                } else {
                }
                %add3A_246 = arith.constant 1 : i32
                %add3A_247 = arith.addi %while3A_157, %add3A_246 : i32
                scf.yield %add3A_247 : i32
              }
              scf.yield %while3A_155 : i32
            } else {
              scf.yield %while3A_114 : i32
            }
            scf.yield %cond3A_134 : i32
          }
          %add3A_101 = arith.constant 32 : i32
          %add3A_102 = arith.addi %add3A_73, %add3A_101 : i32
          %lt3A_103 = arith.constant 1953 : i32
          %lt3A_104 = arith.cmpi slt, %add3A_102, %lt3A_103 : i32
          %convert_element_type3A_105 = arith.extui %lt3A_104 : i1 to i32
          %cond3A_106 = arith.constant 0 : i32
          %cond3A_107 = arith.cmpi ne, %convert_element_type3A_105, %cond3A_106 : i32
          scf.if %cond3A_107 {
            %mul3A_113 = arith.constant 512 : i32
            %mul3A_114 = arith.muli %add3A_102, %mul3A_113 : i32
            %multiple_of3A = tpu.assume_multiple %mul3A_114, 512 : i32
            %dma_start3A = arith.constant 1 : i32
            %dma_start3A_115 = arith.constant 0 : i32
            %dma_start3A_116 = arith.constant 0 : i32
            %dma_start3A_117 = tpu.memref_slice %arg11[%dma_start3A, %dma_start3A_115, %dma_start3A_116] : memref<2x64x512xf32, #tpu.memory_space<vmem>> -> memref<1x64x512xf32, #tpu.memory_space<vmem>>
            %dma_start3A_118 = tpu.memref_squeeze %dma_start3A_117 : memref<1x64x512xf32, #tpu.memory_space<vmem>> -> memref<64x512xf32, #tpu.memory_space<vmem>>
            %dma_start3A_119 = arith.constant 0 : i32
            %dma_start3A_120 = tpu.memref_slice %arg2[%dma_start3A_119, %multiple_of3A] : memref<64x1000000xf32, #tpu.memory_space<hbm>> -> memref<64x512xf32, #tpu.memory_space<hbm>>
            %dma_start3A_121 = arith.constant 0 : i32
            %dma_start3A_122 = arith.constant 0 : i32
            %dma_start3A_123 = tpu.memref_slice %arg11[%dma_start3A, %dma_start3A_121, %dma_start3A_122] : memref<2x64x512xf32, #tpu.memory_space<vmem>> -> memref<1x64x512xf32, #tpu.memory_space<vmem>>
            %dma_start3A_124 = tpu.memref_squeeze %dma_start3A_123 : memref<1x64x512xf32, #tpu.memory_space<vmem>> -> memref<64x512xf32, #tpu.memory_space<vmem>>
            %dma_start3A_125 = arith.constant 0 : i32
            %dma_start3A_126 = tpu.memref_slice %arg2[%dma_start3A_125, %multiple_of3A] : memref<64x1000000xf32, #tpu.memory_space<hbm>> -> memref<64x512xf32, #tpu.memory_space<hbm>>
            tpu.enqueue_dma source(%dma_start3A_126 : memref<64x512xf32, #tpu.memory_space<hbm>>) target(%dma_start3A_124 : memref<64x512xf32, #tpu.memory_space<vmem>>) target_semaphore(%arg16 : memref<!tpu.dma_semaphore, #tpu.memory_space<semaphore_mem>>)
          } else {
          }
          %eq3A_108 = arith.constant 1953 : i32
          %eq3A_109 = arith.cmpi eq, %add3A_102, %eq3A_108 : i32
          %convert_element_type3A_110 = arith.extui %eq3A_109 : i1 to i32
          %cond3A_111 = arith.constant 0 : i32
          %cond3A_112 = arith.cmpi ne, %convert_element_type3A_110, %cond3A_111 : i32
          scf.if %cond3A_112 {
            %mul3A_113 = arith.constant 512 : i32
            %mul3A_114 = arith.muli %add3A_102, %mul3A_113 : i32
            %multiple_of3A = tpu.assume_multiple %mul3A_114, 128 : i32
            %dma_start3A = arith.constant 1 : i32
            %dma_start3A_115 = arith.constant 0 : i32
            %dma_start3A_116 = arith.constant 0 : i32
            %dma_start3A_117 = tpu.memref_slice %arg11[%dma_start3A, %dma_start3A_115, %dma_start3A_116] : memref<2x64x512xf32, #tpu.memory_space<vmem>> -> memref<1x64x128xf32, #tpu.memory_space<vmem>>
            %dma_start3A_118 = tpu.memref_squeeze %dma_start3A_117 : memref<1x64x128xf32, #tpu.memory_space<vmem>> -> memref<64x128xf32, #tpu.memory_space<vmem>>
            %dma_start3A_119 = arith.constant 0 : i32
            %dma_start3A_120 = tpu.memref_slice %arg2[%dma_start3A_119, %multiple_of3A] : memref<64x1000000xf32, #tpu.memory_space<hbm>> -> memref<64x128xf32, #tpu.memory_space<hbm>>
            %dma_start3A_121 = arith.constant 0 : i32
            %dma_start3A_122 = arith.constant 0 : i32
            %dma_start3A_123 = tpu.memref_slice %arg11[%dma_start3A, %dma_start3A_121, %dma_start3A_122] : memref<2x64x512xf32, #tpu.memory_space<vmem>> -> memref<1x64x128xf32, #tpu.memory_space<vmem>>
            %dma_start3A_124 = tpu.memref_squeeze %dma_start3A_123 : memref<1x64x128xf32, #tpu.memory_space<vmem>> -> memref<64x128xf32, #tpu.memory_space<vmem>>
            %dma_start3A_125 = arith.constant 0 : i32
            %dma_start3A_126 = tpu.memref_slice %arg2[%dma_start3A_125, %multiple_of3A] : memref<64x1000000xf32, #tpu.memory_space<hbm>> -> memref<64x128xf32, #tpu.memory_space<hbm>>
            tpu.enqueue_dma source(%dma_start3A_126 : memref<64x128xf32, #tpu.memory_space<hbm>>) target(%dma_start3A_124 : memref<64x128xf32, #tpu.memory_space<vmem>>) target_semaphore(%arg16 : memref<!tpu.dma_semaphore, #tpu.memory_space<semaphore_mem>>)
          } else {
          }
          scf.yield %while3A_100 : i32
        } else {
          scf.yield %cond3A_66 : i32
        }
        scf.yield %cond3A_79 : i32
      }
      %scan3A_44 = arith.constant 62 : i32
      %and3A = arith.constant 63 : i32
      %and3A_45 = arith.andi %scan3A_43, %and3A : i32
      %while3A = arith.constant 0 : i32
      %while3A_46 = arith.subi %and3A_45, %while3A : i32
      %while3A_47 = arith.addi %while3A, %while3A_46 : i32
      %while3A_48 = arith.constant 1 : i32
      %while3A_49 = arith.divsi %while3A_46, %while3A_48 : i32
      %while3A_50 = arith.muli %while3A_49, %while3A_48 : i32
      %while3A_51 = arith.addi %while3A, %while3A_50 : i32
      %while3A_52 = arith.constant 1 : i32
      scf.for %while3A_54 = %while3A to %while3A_51 step %while3A_52  : i32 {
        %dma_wait3A = arith.constant 0 : i32
        %dma_wait3A_55 = arith.constant 0 : i32
        %dma_wait3A_56 = tpu.memref_slice %arg12[%dma_wait3A, %dma_wait3A_55] : memref<64x64xf32, #tpu.memory_space<vmem>> -> memref<1x64xf32, #tpu.memory_space<vmem>>
        %dma_wait3A_57 = arith.constant 0 : i32
        %dma_wait3A_58 = arith.constant 0 : i32
        %dma_wait3A_59 = tpu.memref_slice %arg6[%dma_wait3A_57, %dma_wait3A_58] : memref<16384x64xf32, #tpu.memory_space<hbm>> -> memref<1x64xf32, #tpu.memory_space<hbm>>
        %dma_wait3A_60 = arith.constant 0 : i32
        %dma_wait3A_61 = arith.constant 0 : i32
        %dma_wait3A_62 = tpu.memref_slice %arg6[%dma_wait3A_60, %dma_wait3A_61] : memref<16384x64xf32, #tpu.memory_space<hbm>> -> memref<1x64xf32, #tpu.memory_space<hbm>>
        %dma_wait3A_63 = arith.constant 0 : i32
        %dma_wait3A_64 = arith.constant 0 : i32
        %dma_wait3A_65 = tpu.memref_slice %arg12[%dma_wait3A_63, %dma_wait3A_64] : memref<64x64xf32, #tpu.memory_space<vmem>> -> memref<1x64xf32, #tpu.memory_space<vmem>>
        tpu.wait_dma2 semaphore(%arg17 : memref<!tpu.dma_semaphore, #tpu.memory_space<semaphore_mem>>) src(%dma_wait3A_65 : memref<1x64xf32, #tpu.memory_space<vmem>>) dst(%dma_wait3A_62 : memref<1x64xf32, #tpu.memory_space<hbm>>)
      }
      %while3A_53 = arith.constant 1 : i32
      scf.for %while3A_54 = %while3A_51 to %while3A_47 step %while3A_53  : i32 {
        %dma_wait3A = arith.constant 0 : i32
        %dma_wait3A_55 = arith.constant 0 : i32
        %dma_wait3A_56 = tpu.memref_slice %arg12[%dma_wait3A, %dma_wait3A_55] : memref<64x64xf32, #tpu.memory_space<vmem>> -> memref<1x64xf32, #tpu.memory_space<vmem>>
        %dma_wait3A_57 = arith.constant 0 : i32
        %dma_wait3A_58 = arith.constant 0 : i32
        %dma_wait3A_59 = tpu.memref_slice %arg6[%dma_wait3A_57, %dma_wait3A_58] : memref<16384x64xf32, #tpu.memory_space<hbm>> -> memref<1x64xf32, #tpu.memory_space<hbm>>
        %dma_wait3A_60 = arith.constant 0 : i32
        %dma_wait3A_61 = arith.constant 0 : i32
        %dma_wait3A_62 = tpu.memref_slice %arg6[%dma_wait3A_60, %dma_wait3A_61] : memref<16384x64xf32, #tpu.memory_space<hbm>> -> memref<1x64xf32, #tpu.memory_space<hbm>>
        %dma_wait3A_63 = arith.constant 0 : i32
        %dma_wait3A_64 = arith.constant 0 : i32
        %dma_wait3A_65 = tpu.memref_slice %arg12[%dma_wait3A_63, %dma_wait3A_64] : memref<64x64xf32, #tpu.memory_space<vmem>> -> memref<1x64xf32, #tpu.memory_space<vmem>>
        tpu.wait_dma2 semaphore(%arg17 : memref<!tpu.dma_semaphore, #tpu.memory_space<semaphore_mem>>) src(%dma_wait3A_65 : memref<1x64xf32, #tpu.memory_space<vmem>>) dst(%dma_wait3A_62 : memref<1x64xf32, #tpu.memory_space<hbm>>)
      }
    } else {
    }
    %eq3A_2 = arith.constant 1 : i32
    %eq3A_3 = arith.cmpi eq, %arg0, %eq3A_2 : i32
    %convert_element_type3A_4 = arith.extui %eq3A_3 : i1 to i32
    %cond3A_5 = arith.constant 0 : i32
    %cond3A_6 = arith.cmpi ne, %convert_element_type3A_4, %cond3A_5 : i32
    scf.if %cond3A_6 {
      %iota3A = tpu.iota {dimensions = array<i32: 0>} : vector<16xi32>
      "tpu.region"() ({
        %run_scoped3A = tpu.sem_alloc : memref<!tpu.dma_semaphore, #tpu.memory_space<semaphore_mem>>
        %dma_start3A = arith.constant 0 : i32
        %dma_start3A_54 = tpu.memref_slice %arg5[%dma_start3A] : memref<16384xi32, #tpu.memory_space<hbm>> -> memref<16384xi32, #tpu.memory_space<hbm>>
        %dma_start3A_55 = arith.constant 0 : i32
        %dma_start3A_56 = tpu.memref_slice %arg5[%dma_start3A_55] : memref<16384xi32, #tpu.memory_space<hbm>> -> memref<16384xi32, #tpu.memory_space<hbm>>
        tpu.enqueue_dma source(%dma_start3A_56 : memref<16384xi32, #tpu.memory_space<hbm>>) target(%arg8 : memref<16384xi32, #tpu.memory_space<vmem>>) target_semaphore(%run_scoped3A : memref<!tpu.dma_semaphore, #tpu.memory_space<semaphore_mem>>)
        %dma_wait3A = arith.constant 0 : i32
        %dma_wait3A_57 = tpu.memref_slice %arg5[%dma_wait3A] : memref<16384xi32, #tpu.memory_space<hbm>> -> memref<16384xi32, #tpu.memory_space<hbm>>
        %dma_wait3A_58 = arith.constant 0 : i32
        %dma_wait3A_59 = tpu.memref_slice %arg5[%dma_wait3A_58] : memref<16384xi32, #tpu.memory_space<hbm>> -> memref<16384xi32, #tpu.memory_space<hbm>>
        tpu.wait_dma2 semaphore(%run_scoped3A : memref<!tpu.dma_semaphore, #tpu.memory_space<semaphore_mem>>) src(%dma_wait3A_59 : memref<16384xi32, #tpu.memory_space<hbm>>) dst(%arg8 : memref<16384xi32, #tpu.memory_space<vmem>>)
        tpu.yield
      }) : () -> ()
      %scan3A = arith.constant 0 : i32
      %scan3A_7 = arith.constant 0 : i32
      %scan3A_8 = arith.constant 1024 : i32
      %scan3A_9 = arith.addi %scan3A_7, %scan3A_8 : i32
      %scan3A_10 = arith.constant 1 : i32
      %scan3A_11 = scf.for %scan3A_54 = %scan3A_7 to %scan3A_9 step %scan3A_10 iter_args(%scan3A_55 = %scan3A) -> (i32)  : i32 {
        %mul3A = arith.constant 16 : i32
        %mul3A_56 = arith.muli %scan3A_54, %mul3A : i32
        %get3A = arith.index_cast %mul3A_56 : i32 to index
        %get3A_57 = tpu.vector_load %arg8[%get3A] {strides = array<i32>} : memref<16384xi32, #tpu.memory_space<vmem>>, vector<16xi32>,
        %shift_right_arithmetic3A_58 = arith.constant 9 : i32
        %shift_right_arithmetic3A_59 = vector.broadcast %shift_right_arithmetic3A_58 : i32 to vector<16xi32>
        %shift_right_arithmetic3A_60 = arith.shrsi %get3A_57, %shift_right_arithmetic3A_59 : vector<16xi32>
        %and3A_61 = arith.constant 15 : i32
        %and3A_62 = vector.broadcast %and3A_61 : i32 to vector<16xi32>
        %and3A_63 = arith.andi %shift_right_arithmetic3A_60, %and3A_62 : vector<16xi32>
        %eq3A_64 = vector.broadcast %arg1 : i32 to vector<16xi32>
        %eq3A_65 = arith.cmpi eq, %and3A_63, %eq3A_64 : vector<16xi32>
        %swap3A = arith.index_cast %scan3A_55 : i32 to index
        %swap3A_66 = tpu.vector_load %arg9[%swap3A] masked %eq3A_65 {strides = array<i32>} : memref<16384xi32, #tpu.memory_space<vmem>>, vector<16xi32>, vector<16xi1>
        tpu.vector_store %arg9[%swap3A], %get3A_57 masked %eq3A_65 {strides = array<i32>} : memref<16384xi32, #tpu.memory_space<vmem>>, vector<16xi32>, vector<16xi1>
        %mul3A_67 = arith.constant 16 : i32
        %mul3A_68 = arith.muli %scan3A_54, %mul3A_67 : i32
        %add3A_69 = vector.broadcast %mul3A_68 : i32 to vector<16xi32>
        %add3A_70 = arith.addi %add3A_69, %iota3A : vector<16xi32>
        %swap3A_71 = arith.index_cast %scan3A_55 : i32 to index
        %swap3A_72 = tpu.vector_load %arg10[%swap3A_71] masked %eq3A_65 {strides = array<i32>} : memref<16384xi32, #tpu.memory_space<vmem>>, vector<16xi32>, vector<16xi1>
        tpu.vector_store %arg10[%swap3A_71], %add3A_70 masked %eq3A_65 {strides = array<i32>} : memref<16384xi32, #tpu.memory_space<vmem>>, vector<16xi32>, vector<16xi1>
        %all_reduce_population_count3A = tpu.all_reduce %eq3A_65 {dim = 0 : i64, kind = #tpu.reduction_kind<sum>} : vector<16xi1> -> vector<16xi32>
        %reduce_max3A = arith.constant true
        %reduce_max3A_73 = vector.broadcast %reduce_max3A : i1 to vector<16xi1>
        %reduce_max3A_74 = arith.constant -2147483648 : i32
        %reduce_max3A_75 = vector.broadcast %reduce_max3A_74 : i32 to vector<16xi32>
        %reduce_max3A_76 = arith.xori %all_reduce_population_count3A, %reduce_max3A_75 : vector<16xi32>
        %reduce_max3A_77 = tpu.scan <max>, %reduce_max3A_76 masked %reduce_max3A_73 : vector<16xi32>, vector<16xi1> -> vector<16xi32>
        %reduce_max3A_78 = arith.xori %reduce_max3A_77, %reduce_max3A_75 : vector<16xi32>
        %reduce_max3A_79 = vector.extract %reduce_max3A_78[15] : i32 from vector<16xi32>
        %add3A_80 = arith.addi %scan3A_55, %reduce_max3A_79 : i32
        scf.yield %add3A_80 : i32
      }
      %scan3A_12 = arith.constant 1024 : i32
      %add3A = arith.constant 15 : i32
      %add3A_13 = arith.addi %scan3A_11, %add3A : i32
      %shift_right_arithmetic3A = arith.constant 4 : i32
      %shift_right_arithmetic3A_14 = arith.shrsi %add3A_13, %shift_right_arithmetic3A : i32
      %add3A_15 = arith.constant 0 : i32
      %add3A_16 = arith.addi %add3A_15, %arg1 : i32
      %lt3A = arith.constant 1953 : i32
      %lt3A_17 = arith.cmpi slt, %add3A_16, %lt3A : i32
      %convert_element_type3A_18 = arith.extui %lt3A_17 : i1 to i32
      %cond3A_19 = arith.constant 0 : i32
      %cond3A_20 = arith.cmpi ne, %convert_element_type3A_18, %cond3A_19 : i32
      scf.if %cond3A_20 {
        %mul3A = arith.constant 512 : i32
        %mul3A_54 = arith.muli %add3A_16, %mul3A : i32
        %multiple_of3A = tpu.assume_multiple %mul3A_54, 512 : i32
        %dma_start3A = arith.constant 0 : i32
        %dma_start3A_55 = arith.constant 0 : i32
        %dma_start3A_56 = arith.constant 0 : i32
        %dma_start3A_57 = tpu.memref_slice %arg11[%dma_start3A, %dma_start3A_55, %dma_start3A_56] : memref<2x64x512xf32, #tpu.memory_space<vmem>> -> memref<1x64x512xf32, #tpu.memory_space<vmem>>
        %dma_start3A_58 = tpu.memref_squeeze %dma_start3A_57 : memref<1x64x512xf32, #tpu.memory_space<vmem>> -> memref<64x512xf32, #tpu.memory_space<vmem>>
        %dma_start3A_59 = arith.constant 0 : i32
        %dma_start3A_60 = tpu.memref_slice %arg3[%dma_start3A_59, %multiple_of3A] : memref<64x1000000xf32, #tpu.memory_space<hbm>> -> memref<64x512xf32, #tpu.memory_space<hbm>>
        %dma_start3A_61 = arith.constant 0 : i32
        %dma_start3A_62 = arith.constant 0 : i32
        %dma_start3A_63 = tpu.memref_slice %arg11[%dma_start3A, %dma_start3A_61, %dma_start3A_62] : memref<2x64x512xf32, #tpu.memory_space<vmem>> -> memref<1x64x512xf32, #tpu.memory_space<vmem>>
        %dma_start3A_64 = tpu.memref_squeeze %dma_start3A_63 : memref<1x64x512xf32, #tpu.memory_space<vmem>> -> memref<64x512xf32, #tpu.memory_space<vmem>>
        %dma_start3A_65 = arith.constant 0 : i32
        %dma_start3A_66 = tpu.memref_slice %arg3[%dma_start3A_65, %multiple_of3A] : memref<64x1000000xf32, #tpu.memory_space<hbm>> -> memref<64x512xf32, #tpu.memory_space<hbm>>
        tpu.enqueue_dma source(%dma_start3A_66 : memref<64x512xf32, #tpu.memory_space<hbm>>) target(%dma_start3A_64 : memref<64x512xf32, #tpu.memory_space<vmem>>) target_semaphore(%arg15 : memref<!tpu.dma_semaphore, #tpu.memory_space<semaphore_mem>>)
      } else {
      }
      %eq3A_21 = arith.constant 1953 : i32
      %eq3A_22 = arith.cmpi eq, %add3A_16, %eq3A_21 : i32
      %convert_element_type3A_23 = arith.extui %eq3A_22 : i1 to i32
      %cond3A_24 = arith.constant 0 : i32
      %cond3A_25 = arith.cmpi ne, %convert_element_type3A_23, %cond3A_24 : i32
      scf.if %cond3A_25 {
        %mul3A = arith.constant 512 : i32
        %mul3A_54 = arith.muli %add3A_16, %mul3A : i32
        %multiple_of3A = tpu.assume_multiple %mul3A_54, 128 : i32
        %dma_start3A = arith.constant 0 : i32
        %dma_start3A_55 = arith.constant 0 : i32
        %dma_start3A_56 = arith.constant 0 : i32
        %dma_start3A_57 = tpu.memref_slice %arg11[%dma_start3A, %dma_start3A_55, %dma_start3A_56] : memref<2x64x512xf32, #tpu.memory_space<vmem>> -> memref<1x64x128xf32, #tpu.memory_space<vmem>>
        %dma_start3A_58 = tpu.memref_squeeze %dma_start3A_57 : memref<1x64x128xf32, #tpu.memory_space<vmem>> -> memref<64x128xf32, #tpu.memory_space<vmem>>
        %dma_start3A_59 = arith.constant 0 : i32
        %dma_start3A_60 = tpu.memref_slice %arg3[%dma_start3A_59, %multiple_of3A] : memref<64x1000000xf32, #tpu.memory_space<hbm>> -> memref<64x128xf32, #tpu.memory_space<hbm>>
        %dma_start3A_61 = arith.constant 0 : i32
        %dma_start3A_62 = arith.constant 0 : i32
        %dma_start3A_63 = tpu.memref_slice %arg11[%dma_start3A, %dma_start3A_61, %dma_start3A_62] : memref<2x64x512xf32, #tpu.memory_space<vmem>> -> memref<1x64x128xf32, #tpu.memory_space<vmem>>
        %dma_start3A_64 = tpu.memref_squeeze %dma_start3A_63 : memref<1x64x128xf32, #tpu.memory_space<vmem>> -> memref<64x128xf32, #tpu.memory_space<vmem>>
        %dma_start3A_65 = arith.constant 0 : i32
        %dma_start3A_66 = tpu.memref_slice %arg3[%dma_start3A_65, %multiple_of3A] : memref<64x1000000xf32, #tpu.memory_space<hbm>> -> memref<64x128xf32, #tpu.memory_space<hbm>>
        tpu.enqueue_dma source(%dma_start3A_66 : memref<64x128xf32, #tpu.memory_space<hbm>>) target(%dma_start3A_64 : memref<64x128xf32, #tpu.memory_space<vmem>>) target_semaphore(%arg15 : memref<!tpu.dma_semaphore, #tpu.memory_space<semaphore_mem>>)
      } else {
      }
      %add3A_26 = arith.constant 16 : i32
      %add3A_27 = arith.addi %add3A_26, %arg1 : i32
      %lt3A_28 = arith.constant 1953 : i32
      %lt3A_29 = arith.cmpi slt, %add3A_27, %lt3A_28 : i32
      %convert_element_type3A_30 = arith.extui %lt3A_29 : i1 to i32
      %cond3A_31 = arith.constant 0 : i32
      %cond3A_32 = arith.cmpi ne, %convert_element_type3A_30, %cond3A_31 : i32
      scf.if %cond3A_32 {
        %mul3A = arith.constant 512 : i32
        %mul3A_54 = arith.muli %add3A_27, %mul3A : i32
        %multiple_of3A = tpu.assume_multiple %mul3A_54, 512 : i32
        %dma_start3A = arith.constant 1 : i32
        %dma_start3A_55 = arith.constant 0 : i32
        %dma_start3A_56 = arith.constant 0 : i32
        %dma_start3A_57 = tpu.memref_slice %arg11[%dma_start3A, %dma_start3A_55, %dma_start3A_56] : memref<2x64x512xf32, #tpu.memory_space<vmem>> -> memref<1x64x512xf32, #tpu.memory_space<vmem>>
        %dma_start3A_58 = tpu.memref_squeeze %dma_start3A_57 : memref<1x64x512xf32, #tpu.memory_space<vmem>> -> memref<64x512xf32, #tpu.memory_space<vmem>>
        %dma_start3A_59 = arith.constant 0 : i32
        %dma_start3A_60 = tpu.memref_slice %arg3[%dma_start3A_59, %multiple_of3A] : memref<64x1000000xf32, #tpu.memory_space<hbm>> -> memref<64x512xf32, #tpu.memory_space<hbm>>
        %dma_start3A_61 = arith.constant 0 : i32
        %dma_start3A_62 = arith.constant 0 : i32
        %dma_start3A_63 = tpu.memref_slice %arg11[%dma_start3A, %dma_start3A_61, %dma_start3A_62] : memref<2x64x512xf32, #tpu.memory_space<vmem>> -> memref<1x64x512xf32, #tpu.memory_space<vmem>>
        %dma_start3A_64 = tpu.memref_squeeze %dma_start3A_63 : memref<1x64x512xf32, #tpu.memory_space<vmem>> -> memref<64x512xf32, #tpu.memory_space<vmem>>
        %dma_start3A_65 = arith.constant 0 : i32
        %dma_start3A_66 = tpu.memref_slice %arg3[%dma_start3A_65, %multiple_of3A] : memref<64x1000000xf32, #tpu.memory_space<hbm>> -> memref<64x512xf32, #tpu.memory_space<hbm>>
        tpu.enqueue_dma source(%dma_start3A_66 : memref<64x512xf32, #tpu.memory_space<hbm>>) target(%dma_start3A_64 : memref<64x512xf32, #tpu.memory_space<vmem>>) target_semaphore(%arg16 : memref<!tpu.dma_semaphore, #tpu.memory_space<semaphore_mem>>)
      } else {
      }
      %eq3A_33 = arith.constant 1953 : i32
      %eq3A_34 = arith.cmpi eq, %add3A_27, %eq3A_33 : i32
      %convert_element_type3A_35 = arith.extui %eq3A_34 : i1 to i32
      %cond3A_36 = arith.constant 0 : i32
      %cond3A_37 = arith.cmpi ne, %convert_element_type3A_35, %cond3A_36 : i32
      scf.if %cond3A_37 {
        %mul3A = arith.constant 512 : i32
        %mul3A_54 = arith.muli %add3A_27, %mul3A : i32
        %multiple_of3A = tpu.assume_multiple %mul3A_54, 128 : i32
        %dma_start3A = arith.constant 1 : i32
        %dma_start3A_55 = arith.constant 0 : i32
        %dma_start3A_56 = arith.constant 0 : i32
        %dma_start3A_57 = tpu.memref_slice %arg11[%dma_start3A, %dma_start3A_55, %dma_start3A_56] : memref<2x64x512xf32, #tpu.memory_space<vmem>> -> memref<1x64x128xf32, #tpu.memory_space<vmem>>
        %dma_start3A_58 = tpu.memref_squeeze %dma_start3A_57 : memref<1x64x128xf32, #tpu.memory_space<vmem>> -> memref<64x128xf32, #tpu.memory_space<vmem>>
        %dma_start3A_59 = arith.constant 0 : i32
        %dma_start3A_60 = tpu.memref_slice %arg3[%dma_start3A_59, %multiple_of3A] : memref<64x1000000xf32, #tpu.memory_space<hbm>> -> memref<64x128xf32, #tpu.memory_space<hbm>>
        %dma_start3A_61 = arith.constant 0 : i32
        %dma_start3A_62 = arith.constant 0 : i32
        %dma_start3A_63 = tpu.memref_slice %arg11[%dma_start3A, %dma_start3A_61, %dma_start3A_62] : memref<2x64x512xf32, #tpu.memory_space<vmem>> -> memref<1x64x128xf32, #tpu.memory_space<vmem>>
        %dma_start3A_64 = tpu.memref_squeeze %dma_start3A_63 : memref<1x64x128xf32, #tpu.memory_space<vmem>> -> memref<64x128xf32, #tpu.memory_space<vmem>>
        %dma_start3A_65 = arith.constant 0 : i32
        %dma_start3A_66 = tpu.memref_slice %arg3[%dma_start3A_65, %multiple_of3A] : memref<64x1000000xf32, #tpu.memory_space<hbm>> -> memref<64x128xf32, #tpu.memory_space<hbm>>
        tpu.enqueue_dma source(%dma_start3A_66 : memref<64x128xf32, #tpu.memory_space<hbm>>) target(%dma_start3A_64 : memref<64x128xf32, #tpu.memory_space<vmem>>) target_semaphore(%arg16 : memref<!tpu.dma_semaphore, #tpu.memory_space<semaphore_mem>>)
      } else {
      }
      %scan3A_38 = arith.constant 0 : i32
      %scan3A_39 = arith.constant 0 : i32
      %scan3A_40 = arith.constant 62 : i32
      %scan3A_41 = arith.addi %scan3A_39, %scan3A_40 : i32
      %scan3A_42 = arith.constant 1 : i32
      %scan3A_43 = scf.for %scan3A_54 = %scan3A_39 to %scan3A_41 step %scan3A_42 iter_args(%scan3A_55 = %scan3A_38) -> (i32)  : i32 {
        %mul3A = arith.constant 2 : i32
        %mul3A_56 = arith.muli %mul3A, %scan3A_54 : i32
        %add3A_57 = arith.constant 0 : i32
        %add3A_58 = arith.addi %mul3A_56, %add3A_57 : i32
        %mul3A_59 = arith.constant 16 : i32
        %mul3A_60 = arith.muli %add3A_58, %mul3A_59 : i32
        %add3A_61 = arith.addi %mul3A_60, %arg1 : i32
        %le3A = arith.constant 1953 : i32
        %le3A_62 = arith.cmpi sle, %add3A_61, %le3A : i32
        %convert_element_type3A_63 = arith.extui %le3A_62 : i1 to i32
        %cond3A_64 = arith.constant 0 : i32
        %cond3A_65 = arith.cmpi ne, %convert_element_type3A_63, %cond3A_64 : i32
        %cond3A_66 = scf.if %cond3A_65 -> (i32) {
          %lt3A_80 = arith.constant 1953 : i32
          %lt3A_81 = arith.cmpi slt, %add3A_61, %lt3A_80 : i32
          %convert_element_type3A_82 = arith.extui %lt3A_81 : i1 to i32
          %cond3A_83 = arith.constant 0 : i32
          %cond3A_84 = arith.cmpi ne, %convert_element_type3A_82, %cond3A_83 : i32
          scf.if %cond3A_84 {
            %mul3A_113 = arith.constant 512 : i32
            %mul3A_114 = arith.muli %add3A_61, %mul3A_113 : i32
            %multiple_of3A = tpu.assume_multiple %mul3A_114, 512 : i32
            %dma_wait3A = arith.constant 0 : i32
            %dma_wait3A_115 = arith.constant 0 : i32
            %dma_wait3A_116 = arith.constant 0 : i32
            %dma_wait3A_117 = tpu.memref_slice %arg11[%dma_wait3A, %dma_wait3A_115, %dma_wait3A_116] : memref<2x64x512xf32, #tpu.memory_space<vmem>> -> memref<1x64x512xf32, #tpu.memory_space<vmem>>
            %dma_wait3A_118 = tpu.memref_squeeze %dma_wait3A_117 : memref<1x64x512xf32, #tpu.memory_space<vmem>> -> memref<64x512xf32, #tpu.memory_space<vmem>>
            %dma_wait3A_119 = arith.constant 0 : i32
            %dma_wait3A_120 = tpu.memref_slice %arg3[%dma_wait3A_119, %multiple_of3A] : memref<64x1000000xf32, #tpu.memory_space<hbm>> -> memref<64x512xf32, #tpu.memory_space<hbm>>
            %dma_wait3A_121 = arith.constant 0 : i32
            %dma_wait3A_122 = arith.constant 0 : i32
            %dma_wait3A_123 = tpu.memref_slice %arg11[%dma_wait3A, %dma_wait3A_121, %dma_wait3A_122] : memref<2x64x512xf32, #tpu.memory_space<vmem>> -> memref<1x64x512xf32, #tpu.memory_space<vmem>>
            %dma_wait3A_124 = tpu.memref_squeeze %dma_wait3A_123 : memref<1x64x512xf32, #tpu.memory_space<vmem>> -> memref<64x512xf32, #tpu.memory_space<vmem>>
            %dma_wait3A_125 = arith.constant 0 : i32
            %dma_wait3A_126 = tpu.memref_slice %arg3[%dma_wait3A_125, %multiple_of3A] : memref<64x1000000xf32, #tpu.memory_space<hbm>> -> memref<64x512xf32, #tpu.memory_space<hbm>>
            tpu.wait_dma2 semaphore(%arg15 : memref<!tpu.dma_semaphore, #tpu.memory_space<semaphore_mem>>) src(%dma_wait3A_126 : memref<64x512xf32, #tpu.memory_space<hbm>>) dst(%dma_wait3A_124 : memref<64x512xf32, #tpu.memory_space<vmem>>)
          } else {
          }
          %eq3A_85 = arith.constant 1953 : i32
          %eq3A_86 = arith.cmpi eq, %add3A_61, %eq3A_85 : i32
          %convert_element_type3A_87 = arith.extui %eq3A_86 : i1 to i32
          %cond3A_88 = arith.constant 0 : i32
          %cond3A_89 = arith.cmpi ne, %convert_element_type3A_87, %cond3A_88 : i32
          scf.if %cond3A_89 {
            %mul3A_113 = arith.constant 512 : i32
            %mul3A_114 = arith.muli %add3A_61, %mul3A_113 : i32
            %multiple_of3A = tpu.assume_multiple %mul3A_114, 128 : i32
            %dma_wait3A = arith.constant 0 : i32
            %dma_wait3A_115 = arith.constant 0 : i32
            %dma_wait3A_116 = arith.constant 0 : i32
            %dma_wait3A_117 = tpu.memref_slice %arg11[%dma_wait3A, %dma_wait3A_115, %dma_wait3A_116] : memref<2x64x512xf32, #tpu.memory_space<vmem>> -> memref<1x64x128xf32, #tpu.memory_space<vmem>>
            %dma_wait3A_118 = tpu.memref_squeeze %dma_wait3A_117 : memref<1x64x128xf32, #tpu.memory_space<vmem>> -> memref<64x128xf32, #tpu.memory_space<vmem>>
            %dma_wait3A_119 = arith.constant 0 : i32
            %dma_wait3A_120 = tpu.memref_slice %arg3[%dma_wait3A_119, %multiple_of3A] : memref<64x1000000xf32, #tpu.memory_space<hbm>> -> memref<64x128xf32, #tpu.memory_space<hbm>>
            %dma_wait3A_121 = arith.constant 0 : i32
            %dma_wait3A_122 = arith.constant 0 : i32
            %dma_wait3A_123 = tpu.memref_slice %arg11[%dma_wait3A, %dma_wait3A_121, %dma_wait3A_122] : memref<2x64x512xf32, #tpu.memory_space<vmem>> -> memref<1x64x128xf32, #tpu.memory_space<vmem>>
            %dma_wait3A_124 = tpu.memref_squeeze %dma_wait3A_123 : memref<1x64x128xf32, #tpu.memory_space<vmem>> -> memref<64x128xf32, #tpu.memory_space<vmem>>
            %dma_wait3A_125 = arith.constant 0 : i32
            %dma_wait3A_126 = tpu.memref_slice %arg3[%dma_wait3A_125, %multiple_of3A] : memref<64x1000000xf32, #tpu.memory_space<hbm>> -> memref<64x128xf32, #tpu.memory_space<hbm>>
            tpu.wait_dma2 semaphore(%arg15 : memref<!tpu.dma_semaphore, #tpu.memory_space<semaphore_mem>>) src(%dma_wait3A_126 : memref<64x128xf32, #tpu.memory_space<hbm>>) dst(%dma_wait3A_124 : memref<64x128xf32, #tpu.memory_space<vmem>>)
          } else {
          }
          %while3A_90 = arith.constant 0 : i32
          %while3A_91 = arith.subi %shift_right_arithmetic3A_14, %while3A_90 : i32
          %while3A_92 = arith.addi %while3A_90, %while3A_91 : i32
          %while3A_93 = arith.constant 1 : i32
          %while3A_94 = arith.divsi %while3A_91, %while3A_93 : i32
          %while3A_95 = arith.muli %while3A_94, %while3A_93 : i32
          %while3A_96 = arith.addi %while3A_90, %while3A_95 : i32
          %while3A_97 = arith.constant 1 : i32
          %while3A_98 = scf.for %while3A_113 = %while3A_90 to %while3A_96 step %while3A_97 iter_args(%while3A_114 = %scan3A_55) -> (i32)  : i32 {
            %mul3A_115 = arith.constant 16 : i32
            %mul3A_116 = arith.muli %while3A_113, %mul3A_115 : i32
            %get3A = arith.index_cast %mul3A_116 : i32 to index
            %get3A_117 = tpu.vector_load %arg9[%get3A] {strides = array<i32>} : memref<16384xi32, #tpu.memory_space<vmem>>, vector<16xi32>,
            %shift_right_arithmetic3A_118 = arith.constant 9 : i32
            %shift_right_arithmetic3A_119 = vector.broadcast %shift_right_arithmetic3A_118 : i32 to vector<16xi32>
            %shift_right_arithmetic3A_120 = arith.shrsi %get3A_117, %shift_right_arithmetic3A_119 : vector<16xi32>
            %eq3A_121 = vector.broadcast %add3A_61 : i32 to vector<16xi32>
            %eq3A_122 = arith.cmpi eq, %shift_right_arithmetic3A_120, %eq3A_121 : vector<16xi32>
            %all_reduce_population_count3A = tpu.all_reduce %eq3A_122 {dim = 0 : i64, kind = #tpu.reduction_kind<sum>} : vector<16xi1> -> vector<16xi32>
            %reduce_max3A = arith.constant true
            %reduce_max3A_123 = vector.broadcast %reduce_max3A : i1 to vector<16xi1>
            %reduce_max3A_124 = arith.constant -2147483648 : i32
            %reduce_max3A_125 = vector.broadcast %reduce_max3A_124 : i32 to vector<16xi32>
            %reduce_max3A_126 = arith.xori %all_reduce_population_count3A, %reduce_max3A_125 : vector<16xi32>
            %reduce_max3A_127 = tpu.scan <max>, %reduce_max3A_126 masked %reduce_max3A_123 : vector<16xi32>, vector<16xi1> -> vector<16xi32>
            %reduce_max3A_128 = arith.xori %reduce_max3A_127, %reduce_max3A_125 : vector<16xi32>
            %reduce_max3A_129 = vector.extract %reduce_max3A_128[15] : i32 from vector<16xi32>
            %gt3A = arith.constant 0 : i32
            %gt3A_130 = arith.cmpi sgt, %reduce_max3A_129, %gt3A : i32
            %convert_element_type3A_131 = arith.extui %gt3A_130 : i1 to i32
            %cond3A_132 = arith.constant 0 : i32
            %cond3A_133 = arith.cmpi ne, %convert_element_type3A_131, %cond3A_132 : i32
            %cond3A_134 = scf.if %cond3A_133 -> (i32) {
              %mul3A_135 = arith.constant 16 : i32
              %mul3A_136 = arith.muli %while3A_113, %mul3A_135 : i32
              %get3A_137 = arith.index_cast %mul3A_136 : i32 to index
              %get3A_138 = tpu.vector_load %arg10[%get3A_137] {strides = array<i32>} : memref<16384xi32, #tpu.memory_space<vmem>>, vector<16xi32>,
              %and3A_139 = arith.constant 511 : i32
              %and3A_140 = vector.broadcast %and3A_139 : i32 to vector<16xi32>
              %and3A_141 = arith.andi %get3A_117, %and3A_140 : vector<16xi32>
              %swap3A = arith.constant 0 : index
              %swap3A_142 = tpu.vector_load %arg13[%swap3A] masked %eq3A_122 {strides = array<i32>} : memref<16xi32, #tpu.memory_space<vmem>>, vector<16xi32>, vector<16xi1>
              tpu.vector_store %arg13[%swap3A], %and3A_141 masked %eq3A_122 {strides = array<i32>} : memref<16xi32, #tpu.memory_space<vmem>>, vector<16xi32>, vector<16xi1>
              %swap3A_143 = arith.constant 0 : index
              %swap3A_144 = tpu.vector_load %arg14[%swap3A_143] masked %eq3A_122 {strides = array<i32>} : memref<16xi32, #tpu.memory_space<vmem>>, vector<16xi32>, vector<16xi1>
              tpu.vector_store %arg14[%swap3A_143], %get3A_138 masked %eq3A_122 {strides = array<i32>} : memref<16xi32, #tpu.memory_space<vmem>>, vector<16xi32>, vector<16xi1>
              %while3A_145 = arith.constant 0 : i32
              %while3A_146 = arith.subi %reduce_max3A_129, %while3A_145 : i32
              %while3A_147 = arith.addi %while3A_145, %while3A_146 : i32
              %while3A_148 = arith.constant 1 : i32
              %while3A_149 = arith.divsi %while3A_146, %while3A_148 : i32
              %while3A_150 = arith.muli %while3A_149, %while3A_148 : i32
              %while3A_151 = arith.addi %while3A_145, %while3A_150 : i32
              %while3A_152 = arith.constant 1 : i32
              %while3A_153 = scf.for %while3A_156 = %while3A_145 to %while3A_151 step %while3A_152 iter_args(%while3A_157 = %while3A_114) -> (i32)  : i32 {
                %eq3A_158 = vector.broadcast %while3A_156 : i32 to vector<16xi32>
                %eq3A_159 = arith.cmpi eq, %iota3A, %eq3A_158 : vector<16xi32>
                %get3A_160 = arith.constant 0 : index
                %get3A_161 = tpu.vector_load %arg13[%get3A_160] {strides = array<i32>} : memref<16xi32, #tpu.memory_space<vmem>>, vector<16xi32>,
                %get3A_162 = arith.constant 0 : index
                %get3A_163 = tpu.vector_load %arg14[%get3A_162] {strides = array<i32>} : memref<16xi32, #tpu.memory_space<vmem>>, vector<16xi32>,
                %jit3A = arith.constant 0 : i32
                %broadcast_in_dim3A = vector.broadcast %jit3A : i32 to vector<16xi32>
                %select_n3A = arith.select %eq3A_159, %get3A_161, %broadcast_in_dim3A : vector<16xi1>, vector<16xi32>
                %reduce_max3A_164 = arith.constant true
                %reduce_max3A_165 = vector.broadcast %reduce_max3A_164 : i1 to vector<16xi1>
                %reduce_max3A_166 = arith.constant -2147483648 : i32
                %reduce_max3A_167 = vector.broadcast %reduce_max3A_166 : i32 to vector<16xi32>
                %reduce_max3A_168 = arith.xori %select_n3A, %reduce_max3A_167 : vector<16xi32>
                %reduce_max3A_169 = tpu.scan <max>, %reduce_max3A_168 masked %reduce_max3A_165 : vector<16xi32>, vector<16xi1> -> vector<16xi32>
                %reduce_max3A_170 = arith.xori %reduce_max3A_169, %reduce_max3A_167 : vector<16xi32>
                %reduce_max3A_171 = vector.extract %reduce_max3A_170[15] : i32 from vector<16xi32>
                %jit3A_172 = arith.constant 0 : i32
                %broadcast_in_dim3A_173 = vector.broadcast %jit3A_172 : i32 to vector<16xi32>
                %select_n3A_174 = arith.select %eq3A_159, %get3A_163, %broadcast_in_dim3A_173 : vector<16xi1>, vector<16xi32>
                %reduce_max3A_175 = arith.constant true
                %reduce_max3A_176 = vector.broadcast %reduce_max3A_175 : i1 to vector<16xi1>
                %reduce_max3A_177 = arith.constant -2147483648 : i32
                %reduce_max3A_178 = vector.broadcast %reduce_max3A_177 : i32 to vector<16xi32>
                %reduce_max3A_179 = arith.xori %select_n3A_174, %reduce_max3A_178 : vector<16xi32>
                %reduce_max3A_180 = tpu.scan <max>, %reduce_max3A_179 masked %reduce_max3A_176 : vector<16xi32>, vector<16xi1> -> vector<16xi32>
                %reduce_max3A_181 = arith.xori %reduce_max3A_180, %reduce_max3A_178 : vector<16xi32>
                %reduce_max3A_182 = vector.extract %reduce_max3A_181[15] : i32 from vector<16xi32>
                %broadcast_in_dim3A_183 = vector.broadcast %reduce_max3A_171 : i32 to vector<16xi32>
                %and3A_184 = arith.constant 63 : i32
                %and3A_185 = arith.andi %while3A_157, %and3A_184 : i32
                %broadcast_in_dim3A_186 = vector.broadcast %and3A_185 : i32 to vector<16xi32>
                %add3A_187 = arith.constant 0 : i32
                %add3A_188 = vector.broadcast %add3A_187 : i32 to vector<16xi32>
                %add3A_189 = arith.addi %iota3A, %add3A_188 : vector<16xi32>
                %gather3A = arith.constant 0 : i32
                %gather3A_190 = arith.constant 0 : i32
                %gather3A_191 = arith.constant 0 : i32
                %gather3A_192 = tpu.memref_slice %arg11[%gather3A, %gather3A_190, %gather3A_191] : memref<2x64x512xf32, #tpu.memory_space<vmem>> -> memref<1x64x512xf32, #tpu.memory_space<vmem>>
                %gather3A_193 = tpu.memref_squeeze %gather3A_192 : memref<1x64x512xf32, #tpu.memory_space<vmem>> -> memref<64x512xf32, #tpu.memory_space<vmem>>
                %gather3A_194 = tpu.vector_load_idx %gather3A_193[%add3A_189, %broadcast_in_dim3A_183] : memref<64x512xf32, #tpu.memory_space<vmem>>[vector<16xi32>, vector<16xi32>], vector<16xf32>,
                %add3A_195 = arith.constant 0 : i32
                %add3A_196 = vector.broadcast %add3A_195 : i32 to vector<16xi32>
                %add3A_197 = arith.addi %add3A_196, %iota3A : vector<16xi32>
                tpu.vector_store_idx %arg12[%broadcast_in_dim3A_186, %add3A_197], %gather3A_194 : memref<64x64xf32, #tpu.memory_space<vmem>>[vector<16xi32>, vector<16xi32>], vector<16xf32>,
                %add3A_198 = arith.constant 16 : i32
                %add3A_199 = vector.broadcast %add3A_198 : i32 to vector<16xi32>
                %add3A_200 = arith.addi %iota3A, %add3A_199 : vector<16xi32>
                %gather3A_201 = arith.constant 0 : i32
                %gather3A_202 = arith.constant 0 : i32
                %gather3A_203 = arith.constant 0 : i32
                %gather3A_204 = tpu.memref_slice %arg11[%gather3A_201, %gather3A_202, %gather3A_203] : memref<2x64x512xf32, #tpu.memory_space<vmem>> -> memref<1x64x512xf32, #tpu.memory_space<vmem>>
                %gather3A_205 = tpu.memref_squeeze %gather3A_204 : memref<1x64x512xf32, #tpu.memory_space<vmem>> -> memref<64x512xf32, #tpu.memory_space<vmem>>
                %gather3A_206 = tpu.vector_load_idx %gather3A_205[%add3A_200, %broadcast_in_dim3A_183] : memref<64x512xf32, #tpu.memory_space<vmem>>[vector<16xi32>, vector<16xi32>], vector<16xf32>,
                %add3A_207 = arith.constant 16 : i32
                %add3A_208 = vector.broadcast %add3A_207 : i32 to vector<16xi32>
                %add3A_209 = arith.addi %add3A_208, %iota3A : vector<16xi32>
                tpu.vector_store_idx %arg12[%broadcast_in_dim3A_186, %add3A_209], %gather3A_206 : memref<64x64xf32, #tpu.memory_space<vmem>>[vector<16xi32>, vector<16xi32>], vector<16xf32>,
                %add3A_210 = arith.constant 32 : i32
                %add3A_211 = vector.broadcast %add3A_210 : i32 to vector<16xi32>
                %add3A_212 = arith.addi %iota3A, %add3A_211 : vector<16xi32>
                %gather3A_213 = arith.constant 0 : i32
                %gather3A_214 = arith.constant 0 : i32
                %gather3A_215 = arith.constant 0 : i32
                %gather3A_216 = tpu.memref_slice %arg11[%gather3A_213, %gather3A_214, %gather3A_215] : memref<2x64x512xf32, #tpu.memory_space<vmem>> -> memref<1x64x512xf32, #tpu.memory_space<vmem>>
                %gather3A_217 = tpu.memref_squeeze %gather3A_216 : memref<1x64x512xf32, #tpu.memory_space<vmem>> -> memref<64x512xf32, #tpu.memory_space<vmem>>
                %gather3A_218 = tpu.vector_load_idx %gather3A_217[%add3A_212, %broadcast_in_dim3A_183] : memref<64x512xf32, #tpu.memory_space<vmem>>[vector<16xi32>, vector<16xi32>], vector<16xf32>,
                %add3A_219 = arith.constant 32 : i32
                %add3A_220 = vector.broadcast %add3A_219 : i32 to vector<16xi32>
                %add3A_221 = arith.addi %add3A_220, %iota3A : vector<16xi32>
                tpu.vector_store_idx %arg12[%broadcast_in_dim3A_186, %add3A_221], %gather3A_218 : memref<64x64xf32, #tpu.memory_space<vmem>>[vector<16xi32>, vector<16xi32>], vector<16xf32>,
                %add3A_222 = arith.constant 48 : i32
                %add3A_223 = vector.broadcast %add3A_222 : i32 to vector<16xi32>
                %add3A_224 = arith.addi %iota3A, %add3A_223 : vector<16xi32>
                %gather3A_225 = arith.constant 0 : i32
                %gather3A_226 = arith.constant 0 : i32
                %gather3A_227 = arith.constant 0 : i32
                %gather3A_228 = tpu.memref_slice %arg11[%gather3A_225, %gather3A_226, %gather3A_227] : memref<2x64x512xf32, #tpu.memory_space<vmem>> -> memref<1x64x512xf32, #tpu.memory_space<vmem>>
                %gather3A_229 = tpu.memref_squeeze %gather3A_228 : memref<1x64x512xf32, #tpu.memory_space<vmem>> -> memref<64x512xf32, #tpu.memory_space<vmem>>
                %gather3A_230 = tpu.vector_load_idx %gather3A_229[%add3A_224, %broadcast_in_dim3A_183] : memref<64x512xf32, #tpu.memory_space<vmem>>[vector<16xi32>, vector<16xi32>], vector<16xf32>,
                %add3A_231 = arith.constant 48 : i32
                %add3A_232 = vector.broadcast %add3A_231 : i32 to vector<16xi32>
                %add3A_233 = arith.addi %add3A_232, %iota3A : vector<16xi32>
                tpu.vector_store_idx %arg12[%broadcast_in_dim3A_186, %add3A_233], %gather3A_230 : memref<64x64xf32, #tpu.memory_space<vmem>>[vector<16xi32>, vector<16xi32>], vector<16xf32>,
                %dma_start3A = arith.constant 0 : i32
                %dma_start3A_234 = tpu.memref_slice %arg12[%and3A_185, %dma_start3A] : memref<64x64xf32, #tpu.memory_space<vmem>> -> memref<1x64xf32, #tpu.memory_space<vmem>>
                %dma_start3A_235 = arith.constant 0 : i32
                %dma_start3A_236 = tpu.memref_slice %arg7[%reduce_max3A_182, %dma_start3A_235] : memref<16384x64xf32, #tpu.memory_space<hbm>> -> memref<1x64xf32, #tpu.memory_space<hbm>>
                %dma_start3A_237 = arith.constant 0 : i32
                %dma_start3A_238 = tpu.memref_slice %arg7[%reduce_max3A_182, %dma_start3A_237] : memref<16384x64xf32, #tpu.memory_space<hbm>> -> memref<1x64xf32, #tpu.memory_space<hbm>>
                %dma_start3A_239 = arith.constant 0 : i32
                %dma_start3A_240 = tpu.memref_slice %arg12[%and3A_185, %dma_start3A_239] : memref<64x64xf32, #tpu.memory_space<vmem>> -> memref<1x64xf32, #tpu.memory_space<vmem>>
                tpu.enqueue_dma source(%dma_start3A_240 : memref<1x64xf32, #tpu.memory_space<vmem>>) target(%dma_start3A_238 : memref<1x64xf32, #tpu.memory_space<hbm>>) target_semaphore(%arg17 : memref<!tpu.dma_semaphore, #tpu.memory_space<semaphore_mem>>)
                %eq3A_241 = arith.constant 63 : i32
                %eq3A_242 = arith.cmpi eq, %and3A_185, %eq3A_241 : i32
                %convert_element_type3A_243 = arith.extui %eq3A_242 : i1 to i32
                %cond3A_244 = arith.constant 0 : i32
                %cond3A_245 = arith.cmpi ne, %convert_element_type3A_243, %cond3A_244 : i32
                scf.if %cond3A_245 {
                  %scan3A_248 = arith.constant 0 : i32
                  %scan3A_249 = arith.constant 64 : i32
                  %scan3A_250 = arith.addi %scan3A_248, %scan3A_249 : i32
                  %scan3A_251 = arith.constant 1 : i32
                  scf.for %scan3A_253 = %scan3A_248 to %scan3A_250 step %scan3A_251  : i32 {
                    %dma_wait3A = arith.constant 0 : i32
                    %dma_wait3A_254 = arith.constant 0 : i32
                    %dma_wait3A_255 = tpu.memref_slice %arg12[%dma_wait3A, %dma_wait3A_254] : memref<64x64xf32, #tpu.memory_space<vmem>> -> memref<1x64xf32, #tpu.memory_space<vmem>>
                    %dma_wait3A_256 = arith.constant 0 : i32
                    %dma_wait3A_257 = arith.constant 0 : i32
                    %dma_wait3A_258 = tpu.memref_slice %arg7[%dma_wait3A_256, %dma_wait3A_257] : memref<16384x64xf32, #tpu.memory_space<hbm>> -> memref<1x64xf32, #tpu.memory_space<hbm>>
                    %dma_wait3A_259 = arith.constant 0 : i32
                    %dma_wait3A_260 = arith.constant 0 : i32
                    %dma_wait3A_261 = tpu.memref_slice %arg7[%dma_wait3A_259, %dma_wait3A_260] : memref<16384x64xf32, #tpu.memory_space<hbm>> -> memref<1x64xf32, #tpu.memory_space<hbm>>
                    %dma_wait3A_262 = arith.constant 0 : i32
                    %dma_wait3A_263 = arith.constant 0 : i32
                    %dma_wait3A_264 = tpu.memref_slice %arg12[%dma_wait3A_262, %dma_wait3A_263] : memref<64x64xf32, #tpu.memory_space<vmem>> -> memref<1x64xf32, #tpu.memory_space<vmem>>
                    tpu.wait_dma2 semaphore(%arg17 : memref<!tpu.dma_semaphore, #tpu.memory_space<semaphore_mem>>) src(%dma_wait3A_264 : memref<1x64xf32, #tpu.memory_space<vmem>>) dst(%dma_wait3A_261 : memref<1x64xf32, #tpu.memory_space<hbm>>)
                  }
                  %scan3A_252 = arith.constant 64 : i32
                } else {
                }
                %add3A_246 = arith.constant 1 : i32
                %add3A_247 = arith.addi %while3A_157, %add3A_246 : i32
                scf.yield %add3A_247 : i32
              }
              %while3A_154 = arith.constant 1 : i32
              %while3A_155 = scf.for %while3A_156 = %while3A_151 to %while3A_147 step %while3A_154 iter_args(%while3A_157 = %while3A_153) -> (i32)  : i32 {
                %eq3A_158 = vector.broadcast %while3A_156 : i32 to vector<16xi32>
                %eq3A_159 = arith.cmpi eq, %iota3A, %eq3A_158 : vector<16xi32>
                %get3A_160 = arith.constant 0 : index
                %get3A_161 = tpu.vector_load %arg13[%get3A_160] {strides = array<i32>} : memref<16xi32, #tpu.memory_space<vmem>>, vector<16xi32>,
                %get3A_162 = arith.constant 0 : index
                %get3A_163 = tpu.vector_load %arg14[%get3A_162] {strides = array<i32>} : memref<16xi32, #tpu.memory_space<vmem>>, vector<16xi32>,
                %jit3A = arith.constant 0 : i32
                %broadcast_in_dim3A = vector.broadcast %jit3A : i32 to vector<16xi32>
                %select_n3A = arith.select %eq3A_159, %get3A_161, %broadcast_in_dim3A : vector<16xi1>, vector<16xi32>
                %reduce_max3A_164 = arith.constant true
                %reduce_max3A_165 = vector.broadcast %reduce_max3A_164 : i1 to vector<16xi1>
                %reduce_max3A_166 = arith.constant -2147483648 : i32
                %reduce_max3A_167 = vector.broadcast %reduce_max3A_166 : i32 to vector<16xi32>
                %reduce_max3A_168 = arith.xori %select_n3A, %reduce_max3A_167 : vector<16xi32>
                %reduce_max3A_169 = tpu.scan <max>, %reduce_max3A_168 masked %reduce_max3A_165 : vector<16xi32>, vector<16xi1> -> vector<16xi32>
                %reduce_max3A_170 = arith.xori %reduce_max3A_169, %reduce_max3A_167 : vector<16xi32>
                %reduce_max3A_171 = vector.extract %reduce_max3A_170[15] : i32 from vector<16xi32>
                %jit3A_172 = arith.constant 0 : i32
                %broadcast_in_dim3A_173 = vector.broadcast %jit3A_172 : i32 to vector<16xi32>
                %select_n3A_174 = arith.select %eq3A_159, %get3A_163, %broadcast_in_dim3A_173 : vector<16xi1>, vector<16xi32>
                %reduce_max3A_175 = arith.constant true
                %reduce_max3A_176 = vector.broadcast %reduce_max3A_175 : i1 to vector<16xi1>
                %reduce_max3A_177 = arith.constant -2147483648 : i32
                %reduce_max3A_178 = vector.broadcast %reduce_max3A_177 : i32 to vector<16xi32>
                %reduce_max3A_179 = arith.xori %select_n3A_174, %reduce_max3A_178 : vector<16xi32>
                %reduce_max3A_180 = tpu.scan <max>, %reduce_max3A_179 masked %reduce_max3A_176 : vector<16xi32>, vector<16xi1> -> vector<16xi32>
                %reduce_max3A_181 = arith.xori %reduce_max3A_180, %reduce_max3A_178 : vector<16xi32>
                %reduce_max3A_182 = vector.extract %reduce_max3A_181[15] : i32 from vector<16xi32>
                %broadcast_in_dim3A_183 = vector.broadcast %reduce_max3A_171 : i32 to vector<16xi32>
                %and3A_184 = arith.constant 63 : i32
                %and3A_185 = arith.andi %while3A_157, %and3A_184 : i32
                %broadcast_in_dim3A_186 = vector.broadcast %and3A_185 : i32 to vector<16xi32>
                %add3A_187 = arith.constant 0 : i32
                %add3A_188 = vector.broadcast %add3A_187 : i32 to vector<16xi32>
                %add3A_189 = arith.addi %iota3A, %add3A_188 : vector<16xi32>
                %gather3A = arith.constant 0 : i32
                %gather3A_190 = arith.constant 0 : i32
                %gather3A_191 = arith.constant 0 : i32
                %gather3A_192 = tpu.memref_slice %arg11[%gather3A, %gather3A_190, %gather3A_191] : memref<2x64x512xf32, #tpu.memory_space<vmem>> -> memref<1x64x512xf32, #tpu.memory_space<vmem>>
                %gather3A_193 = tpu.memref_squeeze %gather3A_192 : memref<1x64x512xf32, #tpu.memory_space<vmem>> -> memref<64x512xf32, #tpu.memory_space<vmem>>
                %gather3A_194 = tpu.vector_load_idx %gather3A_193[%add3A_189, %broadcast_in_dim3A_183] : memref<64x512xf32, #tpu.memory_space<vmem>>[vector<16xi32>, vector<16xi32>], vector<16xf32>,
                %add3A_195 = arith.constant 0 : i32
                %add3A_196 = vector.broadcast %add3A_195 : i32 to vector<16xi32>
                %add3A_197 = arith.addi %add3A_196, %iota3A : vector<16xi32>
                tpu.vector_store_idx %arg12[%broadcast_in_dim3A_186, %add3A_197], %gather3A_194 : memref<64x64xf32, #tpu.memory_space<vmem>>[vector<16xi32>, vector<16xi32>], vector<16xf32>,
                %add3A_198 = arith.constant 16 : i32
                %add3A_199 = vector.broadcast %add3A_198 : i32 to vector<16xi32>
                %add3A_200 = arith.addi %iota3A, %add3A_199 : vector<16xi32>
                %gather3A_201 = arith.constant 0 : i32
                %gather3A_202 = arith.constant 0 : i32
                %gather3A_203 = arith.constant 0 : i32
                %gather3A_204 = tpu.memref_slice %arg11[%gather3A_201, %gather3A_202, %gather3A_203] : memref<2x64x512xf32, #tpu.memory_space<vmem>> -> memref<1x64x512xf32, #tpu.memory_space<vmem>>
                %gather3A_205 = tpu.memref_squeeze %gather3A_204 : memref<1x64x512xf32, #tpu.memory_space<vmem>> -> memref<64x512xf32, #tpu.memory_space<vmem>>
                %gather3A_206 = tpu.vector_load_idx %gather3A_205[%add3A_200, %broadcast_in_dim3A_183] : memref<64x512xf32, #tpu.memory_space<vmem>>[vector<16xi32>, vector<16xi32>], vector<16xf32>,
                %add3A_207 = arith.constant 16 : i32
                %add3A_208 = vector.broadcast %add3A_207 : i32 to vector<16xi32>
                %add3A_209 = arith.addi %add3A_208, %iota3A : vector<16xi32>
                tpu.vector_store_idx %arg12[%broadcast_in_dim3A_186, %add3A_209], %gather3A_206 : memref<64x64xf32, #tpu.memory_space<vmem>>[vector<16xi32>, vector<16xi32>], vector<16xf32>,
                %add3A_210 = arith.constant 32 : i32
                %add3A_211 = vector.broadcast %add3A_210 : i32 to vector<16xi32>
                %add3A_212 = arith.addi %iota3A, %add3A_211 : vector<16xi32>
                %gather3A_213 = arith.constant 0 : i32
                %gather3A_214 = arith.constant 0 : i32
                %gather3A_215 = arith.constant 0 : i32
                %gather3A_216 = tpu.memref_slice %arg11[%gather3A_213, %gather3A_214, %gather3A_215] : memref<2x64x512xf32, #tpu.memory_space<vmem>> -> memref<1x64x512xf32, #tpu.memory_space<vmem>>
                %gather3A_217 = tpu.memref_squeeze %gather3A_216 : memref<1x64x512xf32, #tpu.memory_space<vmem>> -> memref<64x512xf32, #tpu.memory_space<vmem>>
                %gather3A_218 = tpu.vector_load_idx %gather3A_217[%add3A_212, %broadcast_in_dim3A_183] : memref<64x512xf32, #tpu.memory_space<vmem>>[vector<16xi32>, vector<16xi32>], vector<16xf32>,
                %add3A_219 = arith.constant 32 : i32
                %add3A_220 = vector.broadcast %add3A_219 : i32 to vector<16xi32>
                %add3A_221 = arith.addi %add3A_220, %iota3A : vector<16xi32>
                tpu.vector_store_idx %arg12[%broadcast_in_dim3A_186, %add3A_221], %gather3A_218 : memref<64x64xf32, #tpu.memory_space<vmem>>[vector<16xi32>, vector<16xi32>], vector<16xf32>,
                %add3A_222 = arith.constant 48 : i32
                %add3A_223 = vector.broadcast %add3A_222 : i32 to vector<16xi32>
                %add3A_224 = arith.addi %iota3A, %add3A_223 : vector<16xi32>
                %gather3A_225 = arith.constant 0 : i32
                %gather3A_226 = arith.constant 0 : i32
                %gather3A_227 = arith.constant 0 : i32
                %gather3A_228 = tpu.memref_slice %arg11[%gather3A_225, %gather3A_226, %gather3A_227] : memref<2x64x512xf32, #tpu.memory_space<vmem>> -> memref<1x64x512xf32, #tpu.memory_space<vmem>>
                %gather3A_229 = tpu.memref_squeeze %gather3A_228 : memref<1x64x512xf32, #tpu.memory_space<vmem>> -> memref<64x512xf32, #tpu.memory_space<vmem>>
                %gather3A_230 = tpu.vector_load_idx %gather3A_229[%add3A_224, %broadcast_in_dim3A_183] : memref<64x512xf32, #tpu.memory_space<vmem>>[vector<16xi32>, vector<16xi32>], vector<16xf32>,
                %add3A_231 = arith.constant 48 : i32
                %add3A_232 = vector.broadcast %add3A_231 : i32 to vector<16xi32>
                %add3A_233 = arith.addi %add3A_232, %iota3A : vector<16xi32>
                tpu.vector_store_idx %arg12[%broadcast_in_dim3A_186, %add3A_233], %gather3A_230 : memref<64x64xf32, #tpu.memory_space<vmem>>[vector<16xi32>, vector<16xi32>], vector<16xf32>,
                %dma_start3A = arith.constant 0 : i32
                %dma_start3A_234 = tpu.memref_slice %arg12[%and3A_185, %dma_start3A] : memref<64x64xf32, #tpu.memory_space<vmem>> -> memref<1x64xf32, #tpu.memory_space<vmem>>
                %dma_start3A_235 = arith.constant 0 : i32
                %dma_start3A_236 = tpu.memref_slice %arg7[%reduce_max3A_182, %dma_start3A_235] : memref<16384x64xf32, #tpu.memory_space<hbm>> -> memref<1x64xf32, #tpu.memory_space<hbm>>
                %dma_start3A_237 = arith.constant 0 : i32
                %dma_start3A_238 = tpu.memref_slice %arg7[%reduce_max3A_182, %dma_start3A_237] : memref<16384x64xf32, #tpu.memory_space<hbm>> -> memref<1x64xf32, #tpu.memory_space<hbm>>
                %dma_start3A_239 = arith.constant 0 : i32
                %dma_start3A_240 = tpu.memref_slice %arg12[%and3A_185, %dma_start3A_239] : memref<64x64xf32, #tpu.memory_space<vmem>> -> memref<1x64xf32, #tpu.memory_space<vmem>>
                tpu.enqueue_dma source(%dma_start3A_240 : memref<1x64xf32, #tpu.memory_space<vmem>>) target(%dma_start3A_238 : memref<1x64xf32, #tpu.memory_space<hbm>>) target_semaphore(%arg17 : memref<!tpu.dma_semaphore, #tpu.memory_space<semaphore_mem>>)
                %eq3A_241 = arith.constant 63 : i32
                %eq3A_242 = arith.cmpi eq, %and3A_185, %eq3A_241 : i32
                %convert_element_type3A_243 = arith.extui %eq3A_242 : i1 to i32
                %cond3A_244 = arith.constant 0 : i32
                %cond3A_245 = arith.cmpi ne, %convert_element_type3A_243, %cond3A_244 : i32
                scf.if %cond3A_245 {
                  %scan3A_248 = arith.constant 0 : i32
                  %scan3A_249 = arith.constant 64 : i32
                  %scan3A_250 = arith.addi %scan3A_248, %scan3A_249 : i32
                  %scan3A_251 = arith.constant 1 : i32
                  scf.for %scan3A_253 = %scan3A_248 to %scan3A_250 step %scan3A_251  : i32 {
                    %dma_wait3A = arith.constant 0 : i32
                    %dma_wait3A_254 = arith.constant 0 : i32
                    %dma_wait3A_255 = tpu.memref_slice %arg12[%dma_wait3A, %dma_wait3A_254] : memref<64x64xf32, #tpu.memory_space<vmem>> -> memref<1x64xf32, #tpu.memory_space<vmem>>
                    %dma_wait3A_256 = arith.constant 0 : i32
                    %dma_wait3A_257 = arith.constant 0 : i32
                    %dma_wait3A_258 = tpu.memref_slice %arg7[%dma_wait3A_256, %dma_wait3A_257] : memref<16384x64xf32, #tpu.memory_space<hbm>> -> memref<1x64xf32, #tpu.memory_space<hbm>>
                    %dma_wait3A_259 = arith.constant 0 : i32
                    %dma_wait3A_260 = arith.constant 0 : i32
                    %dma_wait3A_261 = tpu.memref_slice %arg7[%dma_wait3A_259, %dma_wait3A_260] : memref<16384x64xf32, #tpu.memory_space<hbm>> -> memref<1x64xf32, #tpu.memory_space<hbm>>
                    %dma_wait3A_262 = arith.constant 0 : i32
                    %dma_wait3A_263 = arith.constant 0 : i32
                    %dma_wait3A_264 = tpu.memref_slice %arg12[%dma_wait3A_262, %dma_wait3A_263] : memref<64x64xf32, #tpu.memory_space<vmem>> -> memref<1x64xf32, #tpu.memory_space<vmem>>
                    tpu.wait_dma2 semaphore(%arg17 : memref<!tpu.dma_semaphore, #tpu.memory_space<semaphore_mem>>) src(%dma_wait3A_264 : memref<1x64xf32, #tpu.memory_space<vmem>>) dst(%dma_wait3A_261 : memref<1x64xf32, #tpu.memory_space<hbm>>)
                  }
                  %scan3A_252 = arith.constant 64 : i32
                } else {
                }
                %add3A_246 = arith.constant 1 : i32
                %add3A_247 = arith.addi %while3A_157, %add3A_246 : i32
                scf.yield %add3A_247 : i32
              }
              scf.yield %while3A_155 : i32
            } else {
              scf.yield %while3A_114 : i32
            }
            scf.yield %cond3A_134 : i32
          }
          %while3A_99 = arith.constant 1 : i32
          %while3A_100 = scf.for %while3A_113 = %while3A_96 to %while3A_92 step %while3A_99 iter_args(%while3A_114 = %while3A_98) -> (i32)  : i32 {
            %mul3A_115 = arith.constant 16 : i32
            %mul3A_116 = arith.muli %while3A_113, %mul3A_115 : i32
            %get3A = arith.index_cast %mul3A_116 : i32 to index
            %get3A_117 = tpu.vector_load %arg9[%get3A] {strides = array<i32>} : memref<16384xi32, #tpu.memory_space<vmem>>, vector<16xi32>,
            %shift_right_arithmetic3A_118 = arith.constant 9 : i32
            %shift_right_arithmetic3A_119 = vector.broadcast %shift_right_arithmetic3A_118 : i32 to vector<16xi32>
            %shift_right_arithmetic3A_120 = arith.shrsi %get3A_117, %shift_right_arithmetic3A_119 : vector<16xi32>
            %eq3A_121 = vector.broadcast %add3A_61 : i32 to vector<16xi32>
            %eq3A_122 = arith.cmpi eq, %shift_right_arithmetic3A_120, %eq3A_121 : vector<16xi32>
            %all_reduce_population_count3A = tpu.all_reduce %eq3A_122 {dim = 0 : i64, kind = #tpu.reduction_kind<sum>} : vector<16xi1> -> vector<16xi32>
            %reduce_max3A = arith.constant true
            %reduce_max3A_123 = vector.broadcast %reduce_max3A : i1 to vector<16xi1>
            %reduce_max3A_124 = arith.constant -2147483648 : i32
            %reduce_max3A_125 = vector.broadcast %reduce_max3A_124 : i32 to vector<16xi32>
            %reduce_max3A_126 = arith.xori %all_reduce_population_count3A, %reduce_max3A_125 : vector<16xi32>
            %reduce_max3A_127 = tpu.scan <max>, %reduce_max3A_126 masked %reduce_max3A_123 : vector<16xi32>, vector<16xi1> -> vector<16xi32>
            %reduce_max3A_128 = arith.xori %reduce_max3A_127, %reduce_max3A_125 : vector<16xi32>
            %reduce_max3A_129 = vector.extract %reduce_max3A_128[15] : i32 from vector<16xi32>
            %gt3A = arith.constant 0 : i32
            %gt3A_130 = arith.cmpi sgt, %reduce_max3A_129, %gt3A : i32
            %convert_element_type3A_131 = arith.extui %gt3A_130 : i1 to i32
            %cond3A_132 = arith.constant 0 : i32
            %cond3A_133 = arith.cmpi ne, %convert_element_type3A_131, %cond3A_132 : i32
            %cond3A_134 = scf.if %cond3A_133 -> (i32) {
              %mul3A_135 = arith.constant 16 : i32
              %mul3A_136 = arith.muli %while3A_113, %mul3A_135 : i32
              %get3A_137 = arith.index_cast %mul3A_136 : i32 to index
              %get3A_138 = tpu.vector_load %arg10[%get3A_137] {strides = array<i32>} : memref<16384xi32, #tpu.memory_space<vmem>>, vector<16xi32>,
              %and3A_139 = arith.constant 511 : i32
              %and3A_140 = vector.broadcast %and3A_139 : i32 to vector<16xi32>
              %and3A_141 = arith.andi %get3A_117, %and3A_140 : vector<16xi32>
              %swap3A = arith.constant 0 : index
              %swap3A_142 = tpu.vector_load %arg13[%swap3A] masked %eq3A_122 {strides = array<i32>} : memref<16xi32, #tpu.memory_space<vmem>>, vector<16xi32>, vector<16xi1>
              tpu.vector_store %arg13[%swap3A], %and3A_141 masked %eq3A_122 {strides = array<i32>} : memref<16xi32, #tpu.memory_space<vmem>>, vector<16xi32>, vector<16xi1>
              %swap3A_143 = arith.constant 0 : index
              %swap3A_144 = tpu.vector_load %arg14[%swap3A_143] masked %eq3A_122 {strides = array<i32>} : memref<16xi32, #tpu.memory_space<vmem>>, vector<16xi32>, vector<16xi1>
              tpu.vector_store %arg14[%swap3A_143], %get3A_138 masked %eq3A_122 {strides = array<i32>} : memref<16xi32, #tpu.memory_space<vmem>>, vector<16xi32>, vector<16xi1>
              %while3A_145 = arith.constant 0 : i32
              %while3A_146 = arith.subi %reduce_max3A_129, %while3A_145 : i32
              %while3A_147 = arith.addi %while3A_145, %while3A_146 : i32
              %while3A_148 = arith.constant 1 : i32
              %while3A_149 = arith.divsi %while3A_146, %while3A_148 : i32
              %while3A_150 = arith.muli %while3A_149, %while3A_148 : i32
              %while3A_151 = arith.addi %while3A_145, %while3A_150 : i32
              %while3A_152 = arith.constant 1 : i32
              %while3A_153 = scf.for %while3A_156 = %while3A_145 to %while3A_151 step %while3A_152 iter_args(%while3A_157 = %while3A_114) -> (i32)  : i32 {
                %eq3A_158 = vector.broadcast %while3A_156 : i32 to vector<16xi32>
                %eq3A_159 = arith.cmpi eq, %iota3A, %eq3A_158 : vector<16xi32>
                %get3A_160 = arith.constant 0 : index
                %get3A_161 = tpu.vector_load %arg13[%get3A_160] {strides = array<i32>} : memref<16xi32, #tpu.memory_space<vmem>>, vector<16xi32>,
                %get3A_162 = arith.constant 0 : index
                %get3A_163 = tpu.vector_load %arg14[%get3A_162] {strides = array<i32>} : memref<16xi32, #tpu.memory_space<vmem>>, vector<16xi32>,
                %jit3A = arith.constant 0 : i32
                %broadcast_in_dim3A = vector.broadcast %jit3A : i32 to vector<16xi32>
                %select_n3A = arith.select %eq3A_159, %get3A_161, %broadcast_in_dim3A : vector<16xi1>, vector<16xi32>
                %reduce_max3A_164 = arith.constant true
                %reduce_max3A_165 = vector.broadcast %reduce_max3A_164 : i1 to vector<16xi1>
                %reduce_max3A_166 = arith.constant -2147483648 : i32
                %reduce_max3A_167 = vector.broadcast %reduce_max3A_166 : i32 to vector<16xi32>
                %reduce_max3A_168 = arith.xori %select_n3A, %reduce_max3A_167 : vector<16xi32>
                %reduce_max3A_169 = tpu.scan <max>, %reduce_max3A_168 masked %reduce_max3A_165 : vector<16xi32>, vector<16xi1> -> vector<16xi32>
                %reduce_max3A_170 = arith.xori %reduce_max3A_169, %reduce_max3A_167 : vector<16xi32>
                %reduce_max3A_171 = vector.extract %reduce_max3A_170[15] : i32 from vector<16xi32>
                %jit3A_172 = arith.constant 0 : i32
                %broadcast_in_dim3A_173 = vector.broadcast %jit3A_172 : i32 to vector<16xi32>
                %select_n3A_174 = arith.select %eq3A_159, %get3A_163, %broadcast_in_dim3A_173 : vector<16xi1>, vector<16xi32>
                %reduce_max3A_175 = arith.constant true
                %reduce_max3A_176 = vector.broadcast %reduce_max3A_175 : i1 to vector<16xi1>
                %reduce_max3A_177 = arith.constant -2147483648 : i32
                %reduce_max3A_178 = vector.broadcast %reduce_max3A_177 : i32 to vector<16xi32>
                %reduce_max3A_179 = arith.xori %select_n3A_174, %reduce_max3A_178 : vector<16xi32>
                %reduce_max3A_180 = tpu.scan <max>, %reduce_max3A_179 masked %reduce_max3A_176 : vector<16xi32>, vector<16xi1> -> vector<16xi32>
                %reduce_max3A_181 = arith.xori %reduce_max3A_180, %reduce_max3A_178 : vector<16xi32>
                %reduce_max3A_182 = vector.extract %reduce_max3A_181[15] : i32 from vector<16xi32>
                %broadcast_in_dim3A_183 = vector.broadcast %reduce_max3A_171 : i32 to vector<16xi32>
                %and3A_184 = arith.constant 63 : i32
                %and3A_185 = arith.andi %while3A_157, %and3A_184 : i32
                %broadcast_in_dim3A_186 = vector.broadcast %and3A_185 : i32 to vector<16xi32>
                %add3A_187 = arith.constant 0 : i32
                %add3A_188 = vector.broadcast %add3A_187 : i32 to vector<16xi32>
                %add3A_189 = arith.addi %iota3A, %add3A_188 : vector<16xi32>
                %gather3A = arith.constant 0 : i32
                %gather3A_190 = arith.constant 0 : i32
                %gather3A_191 = arith.constant 0 : i32
                %gather3A_192 = tpu.memref_slice %arg11[%gather3A, %gather3A_190, %gather3A_191] : memref<2x64x512xf32, #tpu.memory_space<vmem>> -> memref<1x64x512xf32, #tpu.memory_space<vmem>>
                %gather3A_193 = tpu.memref_squeeze %gather3A_192 : memref<1x64x512xf32, #tpu.memory_space<vmem>> -> memref<64x512xf32, #tpu.memory_space<vmem>>
                %gather3A_194 = tpu.vector_load_idx %gather3A_193[%add3A_189, %broadcast_in_dim3A_183] : memref<64x512xf32, #tpu.memory_space<vmem>>[vector<16xi32>, vector<16xi32>], vector<16xf32>,
                %add3A_195 = arith.constant 0 : i32
                %add3A_196 = vector.broadcast %add3A_195 : i32 to vector<16xi32>
                %add3A_197 = arith.addi %add3A_196, %iota3A : vector<16xi32>
                tpu.vector_store_idx %arg12[%broadcast_in_dim3A_186, %add3A_197], %gather3A_194 : memref<64x64xf32, #tpu.memory_space<vmem>>[vector<16xi32>, vector<16xi32>], vector<16xf32>,
                %add3A_198 = arith.constant 16 : i32
                %add3A_199 = vector.broadcast %add3A_198 : i32 to vector<16xi32>
                %add3A_200 = arith.addi %iota3A, %add3A_199 : vector<16xi32>
                %gather3A_201 = arith.constant 0 : i32
                %gather3A_202 = arith.constant 0 : i32
                %gather3A_203 = arith.constant 0 : i32
                %gather3A_204 = tpu.memref_slice %arg11[%gather3A_201, %gather3A_202, %gather3A_203] : memref<2x64x512xf32, #tpu.memory_space<vmem>> -> memref<1x64x512xf32, #tpu.memory_space<vmem>>
                %gather3A_205 = tpu.memref_squeeze %gather3A_204 : memref<1x64x512xf32, #tpu.memory_space<vmem>> -> memref<64x512xf32, #tpu.memory_space<vmem>>
                %gather3A_206 = tpu.vector_load_idx %gather3A_205[%add3A_200, %broadcast_in_dim3A_183] : memref<64x512xf32, #tpu.memory_space<vmem>>[vector<16xi32>, vector<16xi32>], vector<16xf32>,
                %add3A_207 = arith.constant 16 : i32
                %add3A_208 = vector.broadcast %add3A_207 : i32 to vector<16xi32>
                %add3A_209 = arith.addi %add3A_208, %iota3A : vector<16xi32>
                tpu.vector_store_idx %arg12[%broadcast_in_dim3A_186, %add3A_209], %gather3A_206 : memref<64x64xf32, #tpu.memory_space<vmem>>[vector<16xi32>, vector<16xi32>], vector<16xf32>,
                %add3A_210 = arith.constant 32 : i32
                %add3A_211 = vector.broadcast %add3A_210 : i32 to vector<16xi32>
                %add3A_212 = arith.addi %iota3A, %add3A_211 : vector<16xi32>
                %gather3A_213 = arith.constant 0 : i32
                %gather3A_214 = arith.constant 0 : i32
                %gather3A_215 = arith.constant 0 : i32
                %gather3A_216 = tpu.memref_slice %arg11[%gather3A_213, %gather3A_214, %gather3A_215] : memref<2x64x512xf32, #tpu.memory_space<vmem>> -> memref<1x64x512xf32, #tpu.memory_space<vmem>>
                %gather3A_217 = tpu.memref_squeeze %gather3A_216 : memref<1x64x512xf32, #tpu.memory_space<vmem>> -> memref<64x512xf32, #tpu.memory_space<vmem>>
                %gather3A_218 = tpu.vector_load_idx %gather3A_217[%add3A_212, %broadcast_in_dim3A_183] : memref<64x512xf32, #tpu.memory_space<vmem>>[vector<16xi32>, vector<16xi32>], vector<16xf32>,
                %add3A_219 = arith.constant 32 : i32
                %add3A_220 = vector.broadcast %add3A_219 : i32 to vector<16xi32>
                %add3A_221 = arith.addi %add3A_220, %iota3A : vector<16xi32>
                tpu.vector_store_idx %arg12[%broadcast_in_dim3A_186, %add3A_221], %gather3A_218 : memref<64x64xf32, #tpu.memory_space<vmem>>[vector<16xi32>, vector<16xi32>], vector<16xf32>,
                %add3A_222 = arith.constant 48 : i32
                %add3A_223 = vector.broadcast %add3A_222 : i32 to vector<16xi32>
                %add3A_224 = arith.addi %iota3A, %add3A_223 : vector<16xi32>
                %gather3A_225 = arith.constant 0 : i32
                %gather3A_226 = arith.constant 0 : i32
                %gather3A_227 = arith.constant 0 : i32
                %gather3A_228 = tpu.memref_slice %arg11[%gather3A_225, %gather3A_226, %gather3A_227] : memref<2x64x512xf32, #tpu.memory_space<vmem>> -> memref<1x64x512xf32, #tpu.memory_space<vmem>>
                %gather3A_229 = tpu.memref_squeeze %gather3A_228 : memref<1x64x512xf32, #tpu.memory_space<vmem>> -> memref<64x512xf32, #tpu.memory_space<vmem>>
                %gather3A_230 = tpu.vector_load_idx %gather3A_229[%add3A_224, %broadcast_in_dim3A_183] : memref<64x512xf32, #tpu.memory_space<vmem>>[vector<16xi32>, vector<16xi32>], vector<16xf32>,
                %add3A_231 = arith.constant 48 : i32
                %add3A_232 = vector.broadcast %add3A_231 : i32 to vector<16xi32>
                %add3A_233 = arith.addi %add3A_232, %iota3A : vector<16xi32>
                tpu.vector_store_idx %arg12[%broadcast_in_dim3A_186, %add3A_233], %gather3A_230 : memref<64x64xf32, #tpu.memory_space<vmem>>[vector<16xi32>, vector<16xi32>], vector<16xf32>,
                %dma_start3A = arith.constant 0 : i32
                %dma_start3A_234 = tpu.memref_slice %arg12[%and3A_185, %dma_start3A] : memref<64x64xf32, #tpu.memory_space<vmem>> -> memref<1x64xf32, #tpu.memory_space<vmem>>
                %dma_start3A_235 = arith.constant 0 : i32
                %dma_start3A_236 = tpu.memref_slice %arg7[%reduce_max3A_182, %dma_start3A_235] : memref<16384x64xf32, #tpu.memory_space<hbm>> -> memref<1x64xf32, #tpu.memory_space<hbm>>
                %dma_start3A_237 = arith.constant 0 : i32
                %dma_start3A_238 = tpu.memref_slice %arg7[%reduce_max3A_182, %dma_start3A_237] : memref<16384x64xf32, #tpu.memory_space<hbm>> -> memref<1x64xf32, #tpu.memory_space<hbm>>
                %dma_start3A_239 = arith.constant 0 : i32
                %dma_start3A_240 = tpu.memref_slice %arg12[%and3A_185, %dma_start3A_239] : memref<64x64xf32, #tpu.memory_space<vmem>> -> memref<1x64xf32, #tpu.memory_space<vmem>>
                tpu.enqueue_dma source(%dma_start3A_240 : memref<1x64xf32, #tpu.memory_space<vmem>>) target(%dma_start3A_238 : memref<1x64xf32, #tpu.memory_space<hbm>>) target_semaphore(%arg17 : memref<!tpu.dma_semaphore, #tpu.memory_space<semaphore_mem>>)
                %eq3A_241 = arith.constant 63 : i32
                %eq3A_242 = arith.cmpi eq, %and3A_185, %eq3A_241 : i32
                %convert_element_type3A_243 = arith.extui %eq3A_242 : i1 to i32
                %cond3A_244 = arith.constant 0 : i32
                %cond3A_245 = arith.cmpi ne, %convert_element_type3A_243, %cond3A_244 : i32
                scf.if %cond3A_245 {
                  %scan3A_248 = arith.constant 0 : i32
                  %scan3A_249 = arith.constant 64 : i32
                  %scan3A_250 = arith.addi %scan3A_248, %scan3A_249 : i32
                  %scan3A_251 = arith.constant 1 : i32
                  scf.for %scan3A_253 = %scan3A_248 to %scan3A_250 step %scan3A_251  : i32 {
                    %dma_wait3A = arith.constant 0 : i32
                    %dma_wait3A_254 = arith.constant 0 : i32
                    %dma_wait3A_255 = tpu.memref_slice %arg12[%dma_wait3A, %dma_wait3A_254] : memref<64x64xf32, #tpu.memory_space<vmem>> -> memref<1x64xf32, #tpu.memory_space<vmem>>
                    %dma_wait3A_256 = arith.constant 0 : i32
                    %dma_wait3A_257 = arith.constant 0 : i32
                    %dma_wait3A_258 = tpu.memref_slice %arg7[%dma_wait3A_256, %dma_wait3A_257] : memref<16384x64xf32, #tpu.memory_space<hbm>> -> memref<1x64xf32, #tpu.memory_space<hbm>>
                    %dma_wait3A_259 = arith.constant 0 : i32
                    %dma_wait3A_260 = arith.constant 0 : i32
                    %dma_wait3A_261 = tpu.memref_slice %arg7[%dma_wait3A_259, %dma_wait3A_260] : memref<16384x64xf32, #tpu.memory_space<hbm>> -> memref<1x64xf32, #tpu.memory_space<hbm>>
                    %dma_wait3A_262 = arith.constant 0 : i32
                    %dma_wait3A_263 = arith.constant 0 : i32
                    %dma_wait3A_264 = tpu.memref_slice %arg12[%dma_wait3A_262, %dma_wait3A_263] : memref<64x64xf32, #tpu.memory_space<vmem>> -> memref<1x64xf32, #tpu.memory_space<vmem>>
                    tpu.wait_dma2 semaphore(%arg17 : memref<!tpu.dma_semaphore, #tpu.memory_space<semaphore_mem>>) src(%dma_wait3A_264 : memref<1x64xf32, #tpu.memory_space<vmem>>) dst(%dma_wait3A_261 : memref<1x64xf32, #tpu.memory_space<hbm>>)
                  }
                  %scan3A_252 = arith.constant 64 : i32
                } else {
                }
                %add3A_246 = arith.constant 1 : i32
                %add3A_247 = arith.addi %while3A_157, %add3A_246 : i32
                scf.yield %add3A_247 : i32
              }
              %while3A_154 = arith.constant 1 : i32
              %while3A_155 = scf.for %while3A_156 = %while3A_151 to %while3A_147 step %while3A_154 iter_args(%while3A_157 = %while3A_153) -> (i32)  : i32 {
                %eq3A_158 = vector.broadcast %while3A_156 : i32 to vector<16xi32>
                %eq3A_159 = arith.cmpi eq, %iota3A, %eq3A_158 : vector<16xi32>
                %get3A_160 = arith.constant 0 : index
                %get3A_161 = tpu.vector_load %arg13[%get3A_160] {strides = array<i32>} : memref<16xi32, #tpu.memory_space<vmem>>, vector<16xi32>,
                %get3A_162 = arith.constant 0 : index
                %get3A_163 = tpu.vector_load %arg14[%get3A_162] {strides = array<i32>} : memref<16xi32, #tpu.memory_space<vmem>>, vector<16xi32>,
                %jit3A = arith.constant 0 : i32
                %broadcast_in_dim3A = vector.broadcast %jit3A : i32 to vector<16xi32>
                %select_n3A = arith.select %eq3A_159, %get3A_161, %broadcast_in_dim3A : vector<16xi1>, vector<16xi32>
                %reduce_max3A_164 = arith.constant true
                %reduce_max3A_165 = vector.broadcast %reduce_max3A_164 : i1 to vector<16xi1>
                %reduce_max3A_166 = arith.constant -2147483648 : i32
                %reduce_max3A_167 = vector.broadcast %reduce_max3A_166 : i32 to vector<16xi32>
                %reduce_max3A_168 = arith.xori %select_n3A, %reduce_max3A_167 : vector<16xi32>
                %reduce_max3A_169 = tpu.scan <max>, %reduce_max3A_168 masked %reduce_max3A_165 : vector<16xi32>, vector<16xi1> -> vector<16xi32>
                %reduce_max3A_170 = arith.xori %reduce_max3A_169, %reduce_max3A_167 : vector<16xi32>
                %reduce_max3A_171 = vector.extract %reduce_max3A_170[15] : i32 from vector<16xi32>
                %jit3A_172 = arith.constant 0 : i32
                %broadcast_in_dim3A_173 = vector.broadcast %jit3A_172 : i32 to vector<16xi32>
                %select_n3A_174 = arith.select %eq3A_159, %get3A_163, %broadcast_in_dim3A_173 : vector<16xi1>, vector<16xi32>
                %reduce_max3A_175 = arith.constant true
                %reduce_max3A_176 = vector.broadcast %reduce_max3A_175 : i1 to vector<16xi1>
                %reduce_max3A_177 = arith.constant -2147483648 : i32
                %reduce_max3A_178 = vector.broadcast %reduce_max3A_177 : i32 to vector<16xi32>
                %reduce_max3A_179 = arith.xori %select_n3A_174, %reduce_max3A_178 : vector<16xi32>
                %reduce_max3A_180 = tpu.scan <max>, %reduce_max3A_179 masked %reduce_max3A_176 : vector<16xi32>, vector<16xi1> -> vector<16xi32>
                %reduce_max3A_181 = arith.xori %reduce_max3A_180, %reduce_max3A_178 : vector<16xi32>
                %reduce_max3A_182 = vector.extract %reduce_max3A_181[15] : i32 from vector<16xi32>
                %broadcast_in_dim3A_183 = vector.broadcast %reduce_max3A_171 : i32 to vector<16xi32>
                %and3A_184 = arith.constant 63 : i32
                %and3A_185 = arith.andi %while3A_157, %and3A_184 : i32
                %broadcast_in_dim3A_186 = vector.broadcast %and3A_185 : i32 to vector<16xi32>
                %add3A_187 = arith.constant 0 : i32
                %add3A_188 = vector.broadcast %add3A_187 : i32 to vector<16xi32>
                %add3A_189 = arith.addi %iota3A, %add3A_188 : vector<16xi32>
                %gather3A = arith.constant 0 : i32
                %gather3A_190 = arith.constant 0 : i32
                %gather3A_191 = arith.constant 0 : i32
                %gather3A_192 = tpu.memref_slice %arg11[%gather3A, %gather3A_190, %gather3A_191] : memref<2x64x512xf32, #tpu.memory_space<vmem>> -> memref<1x64x512xf32, #tpu.memory_space<vmem>>
                %gather3A_193 = tpu.memref_squeeze %gather3A_192 : memref<1x64x512xf32, #tpu.memory_space<vmem>> -> memref<64x512xf32, #tpu.memory_space<vmem>>
                %gather3A_194 = tpu.vector_load_idx %gather3A_193[%add3A_189, %broadcast_in_dim3A_183] : memref<64x512xf32, #tpu.memory_space<vmem>>[vector<16xi32>, vector<16xi32>], vector<16xf32>,
                %add3A_195 = arith.constant 0 : i32
                %add3A_196 = vector.broadcast %add3A_195 : i32 to vector<16xi32>
                %add3A_197 = arith.addi %add3A_196, %iota3A : vector<16xi32>
                tpu.vector_store_idx %arg12[%broadcast_in_dim3A_186, %add3A_197], %gather3A_194 : memref<64x64xf32, #tpu.memory_space<vmem>>[vector<16xi32>, vector<16xi32>], vector<16xf32>,
                %add3A_198 = arith.constant 16 : i32
                %add3A_199 = vector.broadcast %add3A_198 : i32 to vector<16xi32>
                %add3A_200 = arith.addi %iota3A, %add3A_199 : vector<16xi32>
                %gather3A_201 = arith.constant 0 : i32
                %gather3A_202 = arith.constant 0 : i32
                %gather3A_203 = arith.constant 0 : i32
                %gather3A_204 = tpu.memref_slice %arg11[%gather3A_201, %gather3A_202, %gather3A_203] : memref<2x64x512xf32, #tpu.memory_space<vmem>> -> memref<1x64x512xf32, #tpu.memory_space<vmem>>
                %gather3A_205 = tpu.memref_squeeze %gather3A_204 : memref<1x64x512xf32, #tpu.memory_space<vmem>> -> memref<64x512xf32, #tpu.memory_space<vmem>>
                %gather3A_206 = tpu.vector_load_idx %gather3A_205[%add3A_200, %broadcast_in_dim3A_183] : memref<64x512xf32, #tpu.memory_space<vmem>>[vector<16xi32>, vector<16xi32>], vector<16xf32>,
                %add3A_207 = arith.constant 16 : i32
                %add3A_208 = vector.broadcast %add3A_207 : i32 to vector<16xi32>
                %add3A_209 = arith.addi %add3A_208, %iota3A : vector<16xi32>
                tpu.vector_store_idx %arg12[%broadcast_in_dim3A_186, %add3A_209], %gather3A_206 : memref<64x64xf32, #tpu.memory_space<vmem>>[vector<16xi32>, vector<16xi32>], vector<16xf32>,
                %add3A_210 = arith.constant 32 : i32
                %add3A_211 = vector.broadcast %add3A_210 : i32 to vector<16xi32>
                %add3A_212 = arith.addi %iota3A, %add3A_211 : vector<16xi32>
                %gather3A_213 = arith.constant 0 : i32
                %gather3A_214 = arith.constant 0 : i32
                %gather3A_215 = arith.constant 0 : i32
                %gather3A_216 = tpu.memref_slice %arg11[%gather3A_213, %gather3A_214, %gather3A_215] : memref<2x64x512xf32, #tpu.memory_space<vmem>> -> memref<1x64x512xf32, #tpu.memory_space<vmem>>
                %gather3A_217 = tpu.memref_squeeze %gather3A_216 : memref<1x64x512xf32, #tpu.memory_space<vmem>> -> memref<64x512xf32, #tpu.memory_space<vmem>>
                %gather3A_218 = tpu.vector_load_idx %gather3A_217[%add3A_212, %broadcast_in_dim3A_183] : memref<64x512xf32, #tpu.memory_space<vmem>>[vector<16xi32>, vector<16xi32>], vector<16xf32>,
                %add3A_219 = arith.constant 32 : i32
                %add3A_220 = vector.broadcast %add3A_219 : i32 to vector<16xi32>
                %add3A_221 = arith.addi %add3A_220, %iota3A : vector<16xi32>
                tpu.vector_store_idx %arg12[%broadcast_in_dim3A_186, %add3A_221], %gather3A_218 : memref<64x64xf32, #tpu.memory_space<vmem>>[vector<16xi32>, vector<16xi32>], vector<16xf32>,
                %add3A_222 = arith.constant 48 : i32
                %add3A_223 = vector.broadcast %add3A_222 : i32 to vector<16xi32>
                %add3A_224 = arith.addi %iota3A, %add3A_223 : vector<16xi32>
                %gather3A_225 = arith.constant 0 : i32
                %gather3A_226 = arith.constant 0 : i32
                %gather3A_227 = arith.constant 0 : i32
                %gather3A_228 = tpu.memref_slice %arg11[%gather3A_225, %gather3A_226, %gather3A_227] : memref<2x64x512xf32, #tpu.memory_space<vmem>> -> memref<1x64x512xf32, #tpu.memory_space<vmem>>
                %gather3A_229 = tpu.memref_squeeze %gather3A_228 : memref<1x64x512xf32, #tpu.memory_space<vmem>> -> memref<64x512xf32, #tpu.memory_space<vmem>>
                %gather3A_230 = tpu.vector_load_idx %gather3A_229[%add3A_224, %broadcast_in_dim3A_183] : memref<64x512xf32, #tpu.memory_space<vmem>>[vector<16xi32>, vector<16xi32>], vector<16xf32>,
                %add3A_231 = arith.constant 48 : i32
                %add3A_232 = vector.broadcast %add3A_231 : i32 to vector<16xi32>
                %add3A_233 = arith.addi %add3A_232, %iota3A : vector<16xi32>
                tpu.vector_store_idx %arg12[%broadcast_in_dim3A_186, %add3A_233], %gather3A_230 : memref<64x64xf32, #tpu.memory_space<vmem>>[vector<16xi32>, vector<16xi32>], vector<16xf32>,
                %dma_start3A = arith.constant 0 : i32
                %dma_start3A_234 = tpu.memref_slice %arg12[%and3A_185, %dma_start3A] : memref<64x64xf32, #tpu.memory_space<vmem>> -> memref<1x64xf32, #tpu.memory_space<vmem>>
                %dma_start3A_235 = arith.constant 0 : i32
                %dma_start3A_236 = tpu.memref_slice %arg7[%reduce_max3A_182, %dma_start3A_235] : memref<16384x64xf32, #tpu.memory_space<hbm>> -> memref<1x64xf32, #tpu.memory_space<hbm>>
                %dma_start3A_237 = arith.constant 0 : i32
                %dma_start3A_238 = tpu.memref_slice %arg7[%reduce_max3A_182, %dma_start3A_237] : memref<16384x64xf32, #tpu.memory_space<hbm>> -> memref<1x64xf32, #tpu.memory_space<hbm>>
                %dma_start3A_239 = arith.constant 0 : i32
                %dma_start3A_240 = tpu.memref_slice %arg12[%and3A_185, %dma_start3A_239] : memref<64x64xf32, #tpu.memory_space<vmem>> -> memref<1x64xf32, #tpu.memory_space<vmem>>
                tpu.enqueue_dma source(%dma_start3A_240 : memref<1x64xf32, #tpu.memory_space<vmem>>) target(%dma_start3A_238 : memref<1x64xf32, #tpu.memory_space<hbm>>) target_semaphore(%arg17 : memref<!tpu.dma_semaphore, #tpu.memory_space<semaphore_mem>>)
                %eq3A_241 = arith.constant 63 : i32
                %eq3A_242 = arith.cmpi eq, %and3A_185, %eq3A_241 : i32
                %convert_element_type3A_243 = arith.extui %eq3A_242 : i1 to i32
                %cond3A_244 = arith.constant 0 : i32
                %cond3A_245 = arith.cmpi ne, %convert_element_type3A_243, %cond3A_244 : i32
                scf.if %cond3A_245 {
                  %scan3A_248 = arith.constant 0 : i32
                  %scan3A_249 = arith.constant 64 : i32
                  %scan3A_250 = arith.addi %scan3A_248, %scan3A_249 : i32
                  %scan3A_251 = arith.constant 1 : i32
                  scf.for %scan3A_253 = %scan3A_248 to %scan3A_250 step %scan3A_251  : i32 {
                    %dma_wait3A = arith.constant 0 : i32
                    %dma_wait3A_254 = arith.constant 0 : i32
                    %dma_wait3A_255 = tpu.memref_slice %arg12[%dma_wait3A, %dma_wait3A_254] : memref<64x64xf32, #tpu.memory_space<vmem>> -> memref<1x64xf32, #tpu.memory_space<vmem>>
                    %dma_wait3A_256 = arith.constant 0 : i32
                    %dma_wait3A_257 = arith.constant 0 : i32
                    %dma_wait3A_258 = tpu.memref_slice %arg7[%dma_wait3A_256, %dma_wait3A_257] : memref<16384x64xf32, #tpu.memory_space<hbm>> -> memref<1x64xf32, #tpu.memory_space<hbm>>
                    %dma_wait3A_259 = arith.constant 0 : i32
                    %dma_wait3A_260 = arith.constant 0 : i32
                    %dma_wait3A_261 = tpu.memref_slice %arg7[%dma_wait3A_259, %dma_wait3A_260] : memref<16384x64xf32, #tpu.memory_space<hbm>> -> memref<1x64xf32, #tpu.memory_space<hbm>>
                    %dma_wait3A_262 = arith.constant 0 : i32
                    %dma_wait3A_263 = arith.constant 0 : i32
                    %dma_wait3A_264 = tpu.memref_slice %arg12[%dma_wait3A_262, %dma_wait3A_263] : memref<64x64xf32, #tpu.memory_space<vmem>> -> memref<1x64xf32, #tpu.memory_space<vmem>>
                    tpu.wait_dma2 semaphore(%arg17 : memref<!tpu.dma_semaphore, #tpu.memory_space<semaphore_mem>>) src(%dma_wait3A_264 : memref<1x64xf32, #tpu.memory_space<vmem>>) dst(%dma_wait3A_261 : memref<1x64xf32, #tpu.memory_space<hbm>>)
                  }
                  %scan3A_252 = arith.constant 64 : i32
                } else {
                }
                %add3A_246 = arith.constant 1 : i32
                %add3A_247 = arith.addi %while3A_157, %add3A_246 : i32
                scf.yield %add3A_247 : i32
              }
              scf.yield %while3A_155 : i32
            } else {
              scf.yield %while3A_114 : i32
            }
            scf.yield %cond3A_134 : i32
          }
          %add3A_101 = arith.constant 32 : i32
          %add3A_102 = arith.addi %add3A_61, %add3A_101 : i32
          %lt3A_103 = arith.constant 1953 : i32
          %lt3A_104 = arith.cmpi slt, %add3A_102, %lt3A_103 : i32
          %convert_element_type3A_105 = arith.extui %lt3A_104 : i1 to i32
          %cond3A_106 = arith.constant 0 : i32
          %cond3A_107 = arith.cmpi ne, %convert_element_type3A_105, %cond3A_106 : i32
          scf.if %cond3A_107 {
            %mul3A_113 = arith.constant 512 : i32
            %mul3A_114 = arith.muli %add3A_102, %mul3A_113 : i32
            %multiple_of3A = tpu.assume_multiple %mul3A_114, 512 : i32
            %dma_start3A = arith.constant 0 : i32
            %dma_start3A_115 = arith.constant 0 : i32
            %dma_start3A_116 = arith.constant 0 : i32
            %dma_start3A_117 = tpu.memref_slice %arg11[%dma_start3A, %dma_start3A_115, %dma_start3A_116] : memref<2x64x512xf32, #tpu.memory_space<vmem>> -> memref<1x64x512xf32, #tpu.memory_space<vmem>>
            %dma_start3A_118 = tpu.memref_squeeze %dma_start3A_117 : memref<1x64x512xf32, #tpu.memory_space<vmem>> -> memref<64x512xf32, #tpu.memory_space<vmem>>
            %dma_start3A_119 = arith.constant 0 : i32
            %dma_start3A_120 = tpu.memref_slice %arg3[%dma_start3A_119, %multiple_of3A] : memref<64x1000000xf32, #tpu.memory_space<hbm>> -> memref<64x512xf32, #tpu.memory_space<hbm>>
            %dma_start3A_121 = arith.constant 0 : i32
            %dma_start3A_122 = arith.constant 0 : i32
            %dma_start3A_123 = tpu.memref_slice %arg11[%dma_start3A, %dma_start3A_121, %dma_start3A_122] : memref<2x64x512xf32, #tpu.memory_space<vmem>> -> memref<1x64x512xf32, #tpu.memory_space<vmem>>
            %dma_start3A_124 = tpu.memref_squeeze %dma_start3A_123 : memref<1x64x512xf32, #tpu.memory_space<vmem>> -> memref<64x512xf32, #tpu.memory_space<vmem>>
            %dma_start3A_125 = arith.constant 0 : i32
            %dma_start3A_126 = tpu.memref_slice %arg3[%dma_start3A_125, %multiple_of3A] : memref<64x1000000xf32, #tpu.memory_space<hbm>> -> memref<64x512xf32, #tpu.memory_space<hbm>>
            tpu.enqueue_dma source(%dma_start3A_126 : memref<64x512xf32, #tpu.memory_space<hbm>>) target(%dma_start3A_124 : memref<64x512xf32, #tpu.memory_space<vmem>>) target_semaphore(%arg15 : memref<!tpu.dma_semaphore, #tpu.memory_space<semaphore_mem>>)
          } else {
          }
          %eq3A_108 = arith.constant 1953 : i32
          %eq3A_109 = arith.cmpi eq, %add3A_102, %eq3A_108 : i32
          %convert_element_type3A_110 = arith.extui %eq3A_109 : i1 to i32
          %cond3A_111 = arith.constant 0 : i32
          %cond3A_112 = arith.cmpi ne, %convert_element_type3A_110, %cond3A_111 : i32
          scf.if %cond3A_112 {
            %mul3A_113 = arith.constant 512 : i32
            %mul3A_114 = arith.muli %add3A_102, %mul3A_113 : i32
            %multiple_of3A = tpu.assume_multiple %mul3A_114, 128 : i32
            %dma_start3A = arith.constant 0 : i32
            %dma_start3A_115 = arith.constant 0 : i32
            %dma_start3A_116 = arith.constant 0 : i32
            %dma_start3A_117 = tpu.memref_slice %arg11[%dma_start3A, %dma_start3A_115, %dma_start3A_116] : memref<2x64x512xf32, #tpu.memory_space<vmem>> -> memref<1x64x128xf32, #tpu.memory_space<vmem>>
            %dma_start3A_118 = tpu.memref_squeeze %dma_start3A_117 : memref<1x64x128xf32, #tpu.memory_space<vmem>> -> memref<64x128xf32, #tpu.memory_space<vmem>>
            %dma_start3A_119 = arith.constant 0 : i32
            %dma_start3A_120 = tpu.memref_slice %arg3[%dma_start3A_119, %multiple_of3A] : memref<64x1000000xf32, #tpu.memory_space<hbm>> -> memref<64x128xf32, #tpu.memory_space<hbm>>
            %dma_start3A_121 = arith.constant 0 : i32
            %dma_start3A_122 = arith.constant 0 : i32
            %dma_start3A_123 = tpu.memref_slice %arg11[%dma_start3A, %dma_start3A_121, %dma_start3A_122] : memref<2x64x512xf32, #tpu.memory_space<vmem>> -> memref<1x64x128xf32, #tpu.memory_space<vmem>>
            %dma_start3A_124 = tpu.memref_squeeze %dma_start3A_123 : memref<1x64x128xf32, #tpu.memory_space<vmem>> -> memref<64x128xf32, #tpu.memory_space<vmem>>
            %dma_start3A_125 = arith.constant 0 : i32
            %dma_start3A_126 = tpu.memref_slice %arg3[%dma_start3A_125, %multiple_of3A] : memref<64x1000000xf32, #tpu.memory_space<hbm>> -> memref<64x128xf32, #tpu.memory_space<hbm>>
            tpu.enqueue_dma source(%dma_start3A_126 : memref<64x128xf32, #tpu.memory_space<hbm>>) target(%dma_start3A_124 : memref<64x128xf32, #tpu.memory_space<vmem>>) target_semaphore(%arg15 : memref<!tpu.dma_semaphore, #tpu.memory_space<semaphore_mem>>)
          } else {
          }
          scf.yield %while3A_100 : i32
        } else {
          scf.yield %scan3A_55 : i32
        }
        %mul3A_67 = arith.constant 2 : i32
        %mul3A_68 = arith.muli %mul3A_67, %scan3A_54 : i32
        %add3A_69 = arith.constant 1 : i32
        %add3A_70 = arith.addi %mul3A_68, %add3A_69 : i32
        %mul3A_71 = arith.constant 16 : i32
        %mul3A_72 = arith.muli %add3A_70, %mul3A_71 : i32
        %add3A_73 = arith.addi %mul3A_72, %arg1 : i32
        %le3A_74 = arith.constant 1953 : i32
        %le3A_75 = arith.cmpi sle, %add3A_73, %le3A_74 : i32
        %convert_element_type3A_76 = arith.extui %le3A_75 : i1 to i32
        %cond3A_77 = arith.constant 0 : i32
        %cond3A_78 = arith.cmpi ne, %convert_element_type3A_76, %cond3A_77 : i32
        %cond3A_79 = scf.if %cond3A_78 -> (i32) {
          %lt3A_80 = arith.constant 1953 : i32
          %lt3A_81 = arith.cmpi slt, %add3A_73, %lt3A_80 : i32
          %convert_element_type3A_82 = arith.extui %lt3A_81 : i1 to i32
          %cond3A_83 = arith.constant 0 : i32
          %cond3A_84 = arith.cmpi ne, %convert_element_type3A_82, %cond3A_83 : i32
          scf.if %cond3A_84 {
            %mul3A_113 = arith.constant 512 : i32
            %mul3A_114 = arith.muli %add3A_73, %mul3A_113 : i32
            %multiple_of3A = tpu.assume_multiple %mul3A_114, 512 : i32
            %dma_wait3A = arith.constant 1 : i32
            %dma_wait3A_115 = arith.constant 0 : i32
            %dma_wait3A_116 = arith.constant 0 : i32
            %dma_wait3A_117 = tpu.memref_slice %arg11[%dma_wait3A, %dma_wait3A_115, %dma_wait3A_116] : memref<2x64x512xf32, #tpu.memory_space<vmem>> -> memref<1x64x512xf32, #tpu.memory_space<vmem>>
            %dma_wait3A_118 = tpu.memref_squeeze %dma_wait3A_117 : memref<1x64x512xf32, #tpu.memory_space<vmem>> -> memref<64x512xf32, #tpu.memory_space<vmem>>
            %dma_wait3A_119 = arith.constant 0 : i32
            %dma_wait3A_120 = tpu.memref_slice %arg3[%dma_wait3A_119, %multiple_of3A] : memref<64x1000000xf32, #tpu.memory_space<hbm>> -> memref<64x512xf32, #tpu.memory_space<hbm>>
            %dma_wait3A_121 = arith.constant 0 : i32
            %dma_wait3A_122 = arith.constant 0 : i32
            %dma_wait3A_123 = tpu.memref_slice %arg11[%dma_wait3A, %dma_wait3A_121, %dma_wait3A_122] : memref<2x64x512xf32, #tpu.memory_space<vmem>> -> memref<1x64x512xf32, #tpu.memory_space<vmem>>
            %dma_wait3A_124 = tpu.memref_squeeze %dma_wait3A_123 : memref<1x64x512xf32, #tpu.memory_space<vmem>> -> memref<64x512xf32, #tpu.memory_space<vmem>>
            %dma_wait3A_125 = arith.constant 0 : i32
            %dma_wait3A_126 = tpu.memref_slice %arg3[%dma_wait3A_125, %multiple_of3A] : memref<64x1000000xf32, #tpu.memory_space<hbm>> -> memref<64x512xf32, #tpu.memory_space<hbm>>
            tpu.wait_dma2 semaphore(%arg16 : memref<!tpu.dma_semaphore, #tpu.memory_space<semaphore_mem>>) src(%dma_wait3A_126 : memref<64x512xf32, #tpu.memory_space<hbm>>) dst(%dma_wait3A_124 : memref<64x512xf32, #tpu.memory_space<vmem>>)
          } else {
          }
          %eq3A_85 = arith.constant 1953 : i32
          %eq3A_86 = arith.cmpi eq, %add3A_73, %eq3A_85 : i32
          %convert_element_type3A_87 = arith.extui %eq3A_86 : i1 to i32
          %cond3A_88 = arith.constant 0 : i32
          %cond3A_89 = arith.cmpi ne, %convert_element_type3A_87, %cond3A_88 : i32
          scf.if %cond3A_89 {
            %mul3A_113 = arith.constant 512 : i32
            %mul3A_114 = arith.muli %add3A_73, %mul3A_113 : i32
            %multiple_of3A = tpu.assume_multiple %mul3A_114, 128 : i32
            %dma_wait3A = arith.constant 1 : i32
            %dma_wait3A_115 = arith.constant 0 : i32
            %dma_wait3A_116 = arith.constant 0 : i32
            %dma_wait3A_117 = tpu.memref_slice %arg11[%dma_wait3A, %dma_wait3A_115, %dma_wait3A_116] : memref<2x64x512xf32, #tpu.memory_space<vmem>> -> memref<1x64x128xf32, #tpu.memory_space<vmem>>
            %dma_wait3A_118 = tpu.memref_squeeze %dma_wait3A_117 : memref<1x64x128xf32, #tpu.memory_space<vmem>> -> memref<64x128xf32, #tpu.memory_space<vmem>>
            %dma_wait3A_119 = arith.constant 0 : i32
            %dma_wait3A_120 = tpu.memref_slice %arg3[%dma_wait3A_119, %multiple_of3A] : memref<64x1000000xf32, #tpu.memory_space<hbm>> -> memref<64x128xf32, #tpu.memory_space<hbm>>
            %dma_wait3A_121 = arith.constant 0 : i32
            %dma_wait3A_122 = arith.constant 0 : i32
            %dma_wait3A_123 = tpu.memref_slice %arg11[%dma_wait3A, %dma_wait3A_121, %dma_wait3A_122] : memref<2x64x512xf32, #tpu.memory_space<vmem>> -> memref<1x64x128xf32, #tpu.memory_space<vmem>>
            %dma_wait3A_124 = tpu.memref_squeeze %dma_wait3A_123 : memref<1x64x128xf32, #tpu.memory_space<vmem>> -> memref<64x128xf32, #tpu.memory_space<vmem>>
            %dma_wait3A_125 = arith.constant 0 : i32
            %dma_wait3A_126 = tpu.memref_slice %arg3[%dma_wait3A_125, %multiple_of3A] : memref<64x1000000xf32, #tpu.memory_space<hbm>> -> memref<64x128xf32, #tpu.memory_space<hbm>>
            tpu.wait_dma2 semaphore(%arg16 : memref<!tpu.dma_semaphore, #tpu.memory_space<semaphore_mem>>) src(%dma_wait3A_126 : memref<64x128xf32, #tpu.memory_space<hbm>>) dst(%dma_wait3A_124 : memref<64x128xf32, #tpu.memory_space<vmem>>)
          } else {
          }
          %while3A_90 = arith.constant 0 : i32
          %while3A_91 = arith.subi %shift_right_arithmetic3A_14, %while3A_90 : i32
          %while3A_92 = arith.addi %while3A_90, %while3A_91 : i32
          %while3A_93 = arith.constant 1 : i32
          %while3A_94 = arith.divsi %while3A_91, %while3A_93 : i32
          %while3A_95 = arith.muli %while3A_94, %while3A_93 : i32
          %while3A_96 = arith.addi %while3A_90, %while3A_95 : i32
          %while3A_97 = arith.constant 1 : i32
          %while3A_98 = scf.for %while3A_113 = %while3A_90 to %while3A_96 step %while3A_97 iter_args(%while3A_114 = %cond3A_66) -> (i32)  : i32 {
            %mul3A_115 = arith.constant 16 : i32
            %mul3A_116 = arith.muli %while3A_113, %mul3A_115 : i32
            %get3A = arith.index_cast %mul3A_116 : i32 to index
            %get3A_117 = tpu.vector_load %arg9[%get3A] {strides = array<i32>} : memref<16384xi32, #tpu.memory_space<vmem>>, vector<16xi32>,
            %shift_right_arithmetic3A_118 = arith.constant 9 : i32
            %shift_right_arithmetic3A_119 = vector.broadcast %shift_right_arithmetic3A_118 : i32 to vector<16xi32>
            %shift_right_arithmetic3A_120 = arith.shrsi %get3A_117, %shift_right_arithmetic3A_119 : vector<16xi32>
            %eq3A_121 = vector.broadcast %add3A_73 : i32 to vector<16xi32>
            %eq3A_122 = arith.cmpi eq, %shift_right_arithmetic3A_120, %eq3A_121 : vector<16xi32>
            %all_reduce_population_count3A = tpu.all_reduce %eq3A_122 {dim = 0 : i64, kind = #tpu.reduction_kind<sum>} : vector<16xi1> -> vector<16xi32>
            %reduce_max3A = arith.constant true
            %reduce_max3A_123 = vector.broadcast %reduce_max3A : i1 to vector<16xi1>
            %reduce_max3A_124 = arith.constant -2147483648 : i32
            %reduce_max3A_125 = vector.broadcast %reduce_max3A_124 : i32 to vector<16xi32>
            %reduce_max3A_126 = arith.xori %all_reduce_population_count3A, %reduce_max3A_125 : vector<16xi32>
            %reduce_max3A_127 = tpu.scan <max>, %reduce_max3A_126 masked %reduce_max3A_123 : vector<16xi32>, vector<16xi1> -> vector<16xi32>
            %reduce_max3A_128 = arith.xori %reduce_max3A_127, %reduce_max3A_125 : vector<16xi32>
            %reduce_max3A_129 = vector.extract %reduce_max3A_128[15] : i32 from vector<16xi32>
            %gt3A = arith.constant 0 : i32
            %gt3A_130 = arith.cmpi sgt, %reduce_max3A_129, %gt3A : i32
            %convert_element_type3A_131 = arith.extui %gt3A_130 : i1 to i32
            %cond3A_132 = arith.constant 0 : i32
            %cond3A_133 = arith.cmpi ne, %convert_element_type3A_131, %cond3A_132 : i32
            %cond3A_134 = scf.if %cond3A_133 -> (i32) {
              %mul3A_135 = arith.constant 16 : i32
              %mul3A_136 = arith.muli %while3A_113, %mul3A_135 : i32
              %get3A_137 = arith.index_cast %mul3A_136 : i32 to index
              %get3A_138 = tpu.vector_load %arg10[%get3A_137] {strides = array<i32>} : memref<16384xi32, #tpu.memory_space<vmem>>, vector<16xi32>,
              %and3A_139 = arith.constant 511 : i32
              %and3A_140 = vector.broadcast %and3A_139 : i32 to vector<16xi32>
              %and3A_141 = arith.andi %get3A_117, %and3A_140 : vector<16xi32>
              %swap3A = arith.constant 0 : index
              %swap3A_142 = tpu.vector_load %arg13[%swap3A] masked %eq3A_122 {strides = array<i32>} : memref<16xi32, #tpu.memory_space<vmem>>, vector<16xi32>, vector<16xi1>
              tpu.vector_store %arg13[%swap3A], %and3A_141 masked %eq3A_122 {strides = array<i32>} : memref<16xi32, #tpu.memory_space<vmem>>, vector<16xi32>, vector<16xi1>
              %swap3A_143 = arith.constant 0 : index
              %swap3A_144 = tpu.vector_load %arg14[%swap3A_143] masked %eq3A_122 {strides = array<i32>} : memref<16xi32, #tpu.memory_space<vmem>>, vector<16xi32>, vector<16xi1>
              tpu.vector_store %arg14[%swap3A_143], %get3A_138 masked %eq3A_122 {strides = array<i32>} : memref<16xi32, #tpu.memory_space<vmem>>, vector<16xi32>, vector<16xi1>
              %while3A_145 = arith.constant 0 : i32
              %while3A_146 = arith.subi %reduce_max3A_129, %while3A_145 : i32
              %while3A_147 = arith.addi %while3A_145, %while3A_146 : i32
              %while3A_148 = arith.constant 1 : i32
              %while3A_149 = arith.divsi %while3A_146, %while3A_148 : i32
              %while3A_150 = arith.muli %while3A_149, %while3A_148 : i32
              %while3A_151 = arith.addi %while3A_145, %while3A_150 : i32
              %while3A_152 = arith.constant 1 : i32
              %while3A_153 = scf.for %while3A_156 = %while3A_145 to %while3A_151 step %while3A_152 iter_args(%while3A_157 = %while3A_114) -> (i32)  : i32 {
                %eq3A_158 = vector.broadcast %while3A_156 : i32 to vector<16xi32>
                %eq3A_159 = arith.cmpi eq, %iota3A, %eq3A_158 : vector<16xi32>
                %get3A_160 = arith.constant 0 : index
                %get3A_161 = tpu.vector_load %arg13[%get3A_160] {strides = array<i32>} : memref<16xi32, #tpu.memory_space<vmem>>, vector<16xi32>,
                %get3A_162 = arith.constant 0 : index
                %get3A_163 = tpu.vector_load %arg14[%get3A_162] {strides = array<i32>} : memref<16xi32, #tpu.memory_space<vmem>>, vector<16xi32>,
                %jit3A = arith.constant 0 : i32
                %broadcast_in_dim3A = vector.broadcast %jit3A : i32 to vector<16xi32>
                %select_n3A = arith.select %eq3A_159, %get3A_161, %broadcast_in_dim3A : vector<16xi1>, vector<16xi32>
                %reduce_max3A_164 = arith.constant true
                %reduce_max3A_165 = vector.broadcast %reduce_max3A_164 : i1 to vector<16xi1>
                %reduce_max3A_166 = arith.constant -2147483648 : i32
                %reduce_max3A_167 = vector.broadcast %reduce_max3A_166 : i32 to vector<16xi32>
                %reduce_max3A_168 = arith.xori %select_n3A, %reduce_max3A_167 : vector<16xi32>
                %reduce_max3A_169 = tpu.scan <max>, %reduce_max3A_168 masked %reduce_max3A_165 : vector<16xi32>, vector<16xi1> -> vector<16xi32>
                %reduce_max3A_170 = arith.xori %reduce_max3A_169, %reduce_max3A_167 : vector<16xi32>
                %reduce_max3A_171 = vector.extract %reduce_max3A_170[15] : i32 from vector<16xi32>
                %jit3A_172 = arith.constant 0 : i32
                %broadcast_in_dim3A_173 = vector.broadcast %jit3A_172 : i32 to vector<16xi32>
                %select_n3A_174 = arith.select %eq3A_159, %get3A_163, %broadcast_in_dim3A_173 : vector<16xi1>, vector<16xi32>
                %reduce_max3A_175 = arith.constant true
                %reduce_max3A_176 = vector.broadcast %reduce_max3A_175 : i1 to vector<16xi1>
                %reduce_max3A_177 = arith.constant -2147483648 : i32
                %reduce_max3A_178 = vector.broadcast %reduce_max3A_177 : i32 to vector<16xi32>
                %reduce_max3A_179 = arith.xori %select_n3A_174, %reduce_max3A_178 : vector<16xi32>
                %reduce_max3A_180 = tpu.scan <max>, %reduce_max3A_179 masked %reduce_max3A_176 : vector<16xi32>, vector<16xi1> -> vector<16xi32>
                %reduce_max3A_181 = arith.xori %reduce_max3A_180, %reduce_max3A_178 : vector<16xi32>
                %reduce_max3A_182 = vector.extract %reduce_max3A_181[15] : i32 from vector<16xi32>
                %broadcast_in_dim3A_183 = vector.broadcast %reduce_max3A_171 : i32 to vector<16xi32>
                %and3A_184 = arith.constant 63 : i32
                %and3A_185 = arith.andi %while3A_157, %and3A_184 : i32
                %broadcast_in_dim3A_186 = vector.broadcast %and3A_185 : i32 to vector<16xi32>
                %add3A_187 = arith.constant 0 : i32
                %add3A_188 = vector.broadcast %add3A_187 : i32 to vector<16xi32>
                %add3A_189 = arith.addi %iota3A, %add3A_188 : vector<16xi32>
                %gather3A = arith.constant 1 : i32
                %gather3A_190 = arith.constant 0 : i32
                %gather3A_191 = arith.constant 0 : i32
                %gather3A_192 = tpu.memref_slice %arg11[%gather3A, %gather3A_190, %gather3A_191] : memref<2x64x512xf32, #tpu.memory_space<vmem>> -> memref<1x64x512xf32, #tpu.memory_space<vmem>>
                %gather3A_193 = tpu.memref_squeeze %gather3A_192 : memref<1x64x512xf32, #tpu.memory_space<vmem>> -> memref<64x512xf32, #tpu.memory_space<vmem>>
                %gather3A_194 = tpu.vector_load_idx %gather3A_193[%add3A_189, %broadcast_in_dim3A_183] : memref<64x512xf32, #tpu.memory_space<vmem>>[vector<16xi32>, vector<16xi32>], vector<16xf32>,
                %add3A_195 = arith.constant 0 : i32
                %add3A_196 = vector.broadcast %add3A_195 : i32 to vector<16xi32>
                %add3A_197 = arith.addi %add3A_196, %iota3A : vector<16xi32>
                tpu.vector_store_idx %arg12[%broadcast_in_dim3A_186, %add3A_197], %gather3A_194 : memref<64x64xf32, #tpu.memory_space<vmem>>[vector<16xi32>, vector<16xi32>], vector<16xf32>,
                %add3A_198 = arith.constant 16 : i32
                %add3A_199 = vector.broadcast %add3A_198 : i32 to vector<16xi32>
                %add3A_200 = arith.addi %iota3A, %add3A_199 : vector<16xi32>
                %gather3A_201 = arith.constant 1 : i32
                %gather3A_202 = arith.constant 0 : i32
                %gather3A_203 = arith.constant 0 : i32
                %gather3A_204 = tpu.memref_slice %arg11[%gather3A_201, %gather3A_202, %gather3A_203] : memref<2x64x512xf32, #tpu.memory_space<vmem>> -> memref<1x64x512xf32, #tpu.memory_space<vmem>>
                %gather3A_205 = tpu.memref_squeeze %gather3A_204 : memref<1x64x512xf32, #tpu.memory_space<vmem>> -> memref<64x512xf32, #tpu.memory_space<vmem>>
                %gather3A_206 = tpu.vector_load_idx %gather3A_205[%add3A_200, %broadcast_in_dim3A_183] : memref<64x512xf32, #tpu.memory_space<vmem>>[vector<16xi32>, vector<16xi32>], vector<16xf32>,
                %add3A_207 = arith.constant 16 : i32
                %add3A_208 = vector.broadcast %add3A_207 : i32 to vector<16xi32>
                %add3A_209 = arith.addi %add3A_208, %iota3A : vector<16xi32>
                tpu.vector_store_idx %arg12[%broadcast_in_dim3A_186, %add3A_209], %gather3A_206 : memref<64x64xf32, #tpu.memory_space<vmem>>[vector<16xi32>, vector<16xi32>], vector<16xf32>,
                %add3A_210 = arith.constant 32 : i32
                %add3A_211 = vector.broadcast %add3A_210 : i32 to vector<16xi32>
                %add3A_212 = arith.addi %iota3A, %add3A_211 : vector<16xi32>
                %gather3A_213 = arith.constant 1 : i32
                %gather3A_214 = arith.constant 0 : i32
                %gather3A_215 = arith.constant 0 : i32
                %gather3A_216 = tpu.memref_slice %arg11[%gather3A_213, %gather3A_214, %gather3A_215] : memref<2x64x512xf32, #tpu.memory_space<vmem>> -> memref<1x64x512xf32, #tpu.memory_space<vmem>>
                %gather3A_217 = tpu.memref_squeeze %gather3A_216 : memref<1x64x512xf32, #tpu.memory_space<vmem>> -> memref<64x512xf32, #tpu.memory_space<vmem>>
                %gather3A_218 = tpu.vector_load_idx %gather3A_217[%add3A_212, %broadcast_in_dim3A_183] : memref<64x512xf32, #tpu.memory_space<vmem>>[vector<16xi32>, vector<16xi32>], vector<16xf32>,
                %add3A_219 = arith.constant 32 : i32
                %add3A_220 = vector.broadcast %add3A_219 : i32 to vector<16xi32>
                %add3A_221 = arith.addi %add3A_220, %iota3A : vector<16xi32>
                tpu.vector_store_idx %arg12[%broadcast_in_dim3A_186, %add3A_221], %gather3A_218 : memref<64x64xf32, #tpu.memory_space<vmem>>[vector<16xi32>, vector<16xi32>], vector<16xf32>,
                %add3A_222 = arith.constant 48 : i32
                %add3A_223 = vector.broadcast %add3A_222 : i32 to vector<16xi32>
                %add3A_224 = arith.addi %iota3A, %add3A_223 : vector<16xi32>
                %gather3A_225 = arith.constant 1 : i32
                %gather3A_226 = arith.constant 0 : i32
                %gather3A_227 = arith.constant 0 : i32
                %gather3A_228 = tpu.memref_slice %arg11[%gather3A_225, %gather3A_226, %gather3A_227] : memref<2x64x512xf32, #tpu.memory_space<vmem>> -> memref<1x64x512xf32, #tpu.memory_space<vmem>>
                %gather3A_229 = tpu.memref_squeeze %gather3A_228 : memref<1x64x512xf32, #tpu.memory_space<vmem>> -> memref<64x512xf32, #tpu.memory_space<vmem>>
                %gather3A_230 = tpu.vector_load_idx %gather3A_229[%add3A_224, %broadcast_in_dim3A_183] : memref<64x512xf32, #tpu.memory_space<vmem>>[vector<16xi32>, vector<16xi32>], vector<16xf32>,
                %add3A_231 = arith.constant 48 : i32
                %add3A_232 = vector.broadcast %add3A_231 : i32 to vector<16xi32>
                %add3A_233 = arith.addi %add3A_232, %iota3A : vector<16xi32>
                tpu.vector_store_idx %arg12[%broadcast_in_dim3A_186, %add3A_233], %gather3A_230 : memref<64x64xf32, #tpu.memory_space<vmem>>[vector<16xi32>, vector<16xi32>], vector<16xf32>,
                %dma_start3A = arith.constant 0 : i32
                %dma_start3A_234 = tpu.memref_slice %arg12[%and3A_185, %dma_start3A] : memref<64x64xf32, #tpu.memory_space<vmem>> -> memref<1x64xf32, #tpu.memory_space<vmem>>
                %dma_start3A_235 = arith.constant 0 : i32
                %dma_start3A_236 = tpu.memref_slice %arg7[%reduce_max3A_182, %dma_start3A_235] : memref<16384x64xf32, #tpu.memory_space<hbm>> -> memref<1x64xf32, #tpu.memory_space<hbm>>
                %dma_start3A_237 = arith.constant 0 : i32
                %dma_start3A_238 = tpu.memref_slice %arg7[%reduce_max3A_182, %dma_start3A_237] : memref<16384x64xf32, #tpu.memory_space<hbm>> -> memref<1x64xf32, #tpu.memory_space<hbm>>
                %dma_start3A_239 = arith.constant 0 : i32
                %dma_start3A_240 = tpu.memref_slice %arg12[%and3A_185, %dma_start3A_239] : memref<64x64xf32, #tpu.memory_space<vmem>> -> memref<1x64xf32, #tpu.memory_space<vmem>>
                tpu.enqueue_dma source(%dma_start3A_240 : memref<1x64xf32, #tpu.memory_space<vmem>>) target(%dma_start3A_238 : memref<1x64xf32, #tpu.memory_space<hbm>>) target_semaphore(%arg17 : memref<!tpu.dma_semaphore, #tpu.memory_space<semaphore_mem>>)
                %eq3A_241 = arith.constant 63 : i32
                %eq3A_242 = arith.cmpi eq, %and3A_185, %eq3A_241 : i32
                %convert_element_type3A_243 = arith.extui %eq3A_242 : i1 to i32
                %cond3A_244 = arith.constant 0 : i32
                %cond3A_245 = arith.cmpi ne, %convert_element_type3A_243, %cond3A_244 : i32
                scf.if %cond3A_245 {
                  %scan3A_248 = arith.constant 0 : i32
                  %scan3A_249 = arith.constant 64 : i32
                  %scan3A_250 = arith.addi %scan3A_248, %scan3A_249 : i32
                  %scan3A_251 = arith.constant 1 : i32
                  scf.for %scan3A_253 = %scan3A_248 to %scan3A_250 step %scan3A_251  : i32 {
                    %dma_wait3A = arith.constant 0 : i32
                    %dma_wait3A_254 = arith.constant 0 : i32
                    %dma_wait3A_255 = tpu.memref_slice %arg12[%dma_wait3A, %dma_wait3A_254] : memref<64x64xf32, #tpu.memory_space<vmem>> -> memref<1x64xf32, #tpu.memory_space<vmem>>
                    %dma_wait3A_256 = arith.constant 0 : i32
                    %dma_wait3A_257 = arith.constant 0 : i32
                    %dma_wait3A_258 = tpu.memref_slice %arg7[%dma_wait3A_256, %dma_wait3A_257] : memref<16384x64xf32, #tpu.memory_space<hbm>> -> memref<1x64xf32, #tpu.memory_space<hbm>>
                    %dma_wait3A_259 = arith.constant 0 : i32
                    %dma_wait3A_260 = arith.constant 0 : i32
                    %dma_wait3A_261 = tpu.memref_slice %arg7[%dma_wait3A_259, %dma_wait3A_260] : memref<16384x64xf32, #tpu.memory_space<hbm>> -> memref<1x64xf32, #tpu.memory_space<hbm>>
                    %dma_wait3A_262 = arith.constant 0 : i32
                    %dma_wait3A_263 = arith.constant 0 : i32
                    %dma_wait3A_264 = tpu.memref_slice %arg12[%dma_wait3A_262, %dma_wait3A_263] : memref<64x64xf32, #tpu.memory_space<vmem>> -> memref<1x64xf32, #tpu.memory_space<vmem>>
                    tpu.wait_dma2 semaphore(%arg17 : memref<!tpu.dma_semaphore, #tpu.memory_space<semaphore_mem>>) src(%dma_wait3A_264 : memref<1x64xf32, #tpu.memory_space<vmem>>) dst(%dma_wait3A_261 : memref<1x64xf32, #tpu.memory_space<hbm>>)
                  }
                  %scan3A_252 = arith.constant 64 : i32
                } else {
                }
                %add3A_246 = arith.constant 1 : i32
                %add3A_247 = arith.addi %while3A_157, %add3A_246 : i32
                scf.yield %add3A_247 : i32
              }
              %while3A_154 = arith.constant 1 : i32
              %while3A_155 = scf.for %while3A_156 = %while3A_151 to %while3A_147 step %while3A_154 iter_args(%while3A_157 = %while3A_153) -> (i32)  : i32 {
                %eq3A_158 = vector.broadcast %while3A_156 : i32 to vector<16xi32>
                %eq3A_159 = arith.cmpi eq, %iota3A, %eq3A_158 : vector<16xi32>
                %get3A_160 = arith.constant 0 : index
                %get3A_161 = tpu.vector_load %arg13[%get3A_160] {strides = array<i32>} : memref<16xi32, #tpu.memory_space<vmem>>, vector<16xi32>,
                %get3A_162 = arith.constant 0 : index
                %get3A_163 = tpu.vector_load %arg14[%get3A_162] {strides = array<i32>} : memref<16xi32, #tpu.memory_space<vmem>>, vector<16xi32>,
                %jit3A = arith.constant 0 : i32
                %broadcast_in_dim3A = vector.broadcast %jit3A : i32 to vector<16xi32>
                %select_n3A = arith.select %eq3A_159, %get3A_161, %broadcast_in_dim3A : vector<16xi1>, vector<16xi32>
                %reduce_max3A_164 = arith.constant true
                %reduce_max3A_165 = vector.broadcast %reduce_max3A_164 : i1 to vector<16xi1>
                %reduce_max3A_166 = arith.constant -2147483648 : i32
                %reduce_max3A_167 = vector.broadcast %reduce_max3A_166 : i32 to vector<16xi32>
                %reduce_max3A_168 = arith.xori %select_n3A, %reduce_max3A_167 : vector<16xi32>
                %reduce_max3A_169 = tpu.scan <max>, %reduce_max3A_168 masked %reduce_max3A_165 : vector<16xi32>, vector<16xi1> -> vector<16xi32>
                %reduce_max3A_170 = arith.xori %reduce_max3A_169, %reduce_max3A_167 : vector<16xi32>
                %reduce_max3A_171 = vector.extract %reduce_max3A_170[15] : i32 from vector<16xi32>
                %jit3A_172 = arith.constant 0 : i32
                %broadcast_in_dim3A_173 = vector.broadcast %jit3A_172 : i32 to vector<16xi32>
                %select_n3A_174 = arith.select %eq3A_159, %get3A_163, %broadcast_in_dim3A_173 : vector<16xi1>, vector<16xi32>
                %reduce_max3A_175 = arith.constant true
                %reduce_max3A_176 = vector.broadcast %reduce_max3A_175 : i1 to vector<16xi1>
                %reduce_max3A_177 = arith.constant -2147483648 : i32
                %reduce_max3A_178 = vector.broadcast %reduce_max3A_177 : i32 to vector<16xi32>
                %reduce_max3A_179 = arith.xori %select_n3A_174, %reduce_max3A_178 : vector<16xi32>
                %reduce_max3A_180 = tpu.scan <max>, %reduce_max3A_179 masked %reduce_max3A_176 : vector<16xi32>, vector<16xi1> -> vector<16xi32>
                %reduce_max3A_181 = arith.xori %reduce_max3A_180, %reduce_max3A_178 : vector<16xi32>
                %reduce_max3A_182 = vector.extract %reduce_max3A_181[15] : i32 from vector<16xi32>
                %broadcast_in_dim3A_183 = vector.broadcast %reduce_max3A_171 : i32 to vector<16xi32>
                %and3A_184 = arith.constant 63 : i32
                %and3A_185 = arith.andi %while3A_157, %and3A_184 : i32
                %broadcast_in_dim3A_186 = vector.broadcast %and3A_185 : i32 to vector<16xi32>
                %add3A_187 = arith.constant 0 : i32
                %add3A_188 = vector.broadcast %add3A_187 : i32 to vector<16xi32>
                %add3A_189 = arith.addi %iota3A, %add3A_188 : vector<16xi32>
                %gather3A = arith.constant 1 : i32
                %gather3A_190 = arith.constant 0 : i32
                %gather3A_191 = arith.constant 0 : i32
                %gather3A_192 = tpu.memref_slice %arg11[%gather3A, %gather3A_190, %gather3A_191] : memref<2x64x512xf32, #tpu.memory_space<vmem>> -> memref<1x64x512xf32, #tpu.memory_space<vmem>>
                %gather3A_193 = tpu.memref_squeeze %gather3A_192 : memref<1x64x512xf32, #tpu.memory_space<vmem>> -> memref<64x512xf32, #tpu.memory_space<vmem>>
                %gather3A_194 = tpu.vector_load_idx %gather3A_193[%add3A_189, %broadcast_in_dim3A_183] : memref<64x512xf32, #tpu.memory_space<vmem>>[vector<16xi32>, vector<16xi32>], vector<16xf32>,
                %add3A_195 = arith.constant 0 : i32
                %add3A_196 = vector.broadcast %add3A_195 : i32 to vector<16xi32>
                %add3A_197 = arith.addi %add3A_196, %iota3A : vector<16xi32>
                tpu.vector_store_idx %arg12[%broadcast_in_dim3A_186, %add3A_197], %gather3A_194 : memref<64x64xf32, #tpu.memory_space<vmem>>[vector<16xi32>, vector<16xi32>], vector<16xf32>,
                %add3A_198 = arith.constant 16 : i32
                %add3A_199 = vector.broadcast %add3A_198 : i32 to vector<16xi32>
                %add3A_200 = arith.addi %iota3A, %add3A_199 : vector<16xi32>
                %gather3A_201 = arith.constant 1 : i32
                %gather3A_202 = arith.constant 0 : i32
                %gather3A_203 = arith.constant 0 : i32
                %gather3A_204 = tpu.memref_slice %arg11[%gather3A_201, %gather3A_202, %gather3A_203] : memref<2x64x512xf32, #tpu.memory_space<vmem>> -> memref<1x64x512xf32, #tpu.memory_space<vmem>>
                %gather3A_205 = tpu.memref_squeeze %gather3A_204 : memref<1x64x512xf32, #tpu.memory_space<vmem>> -> memref<64x512xf32, #tpu.memory_space<vmem>>
                %gather3A_206 = tpu.vector_load_idx %gather3A_205[%add3A_200, %broadcast_in_dim3A_183] : memref<64x512xf32, #tpu.memory_space<vmem>>[vector<16xi32>, vector<16xi32>], vector<16xf32>,
                %add3A_207 = arith.constant 16 : i32
                %add3A_208 = vector.broadcast %add3A_207 : i32 to vector<16xi32>
                %add3A_209 = arith.addi %add3A_208, %iota3A : vector<16xi32>
                tpu.vector_store_idx %arg12[%broadcast_in_dim3A_186, %add3A_209], %gather3A_206 : memref<64x64xf32, #tpu.memory_space<vmem>>[vector<16xi32>, vector<16xi32>], vector<16xf32>,
                %add3A_210 = arith.constant 32 : i32
                %add3A_211 = vector.broadcast %add3A_210 : i32 to vector<16xi32>
                %add3A_212 = arith.addi %iota3A, %add3A_211 : vector<16xi32>
                %gather3A_213 = arith.constant 1 : i32
                %gather3A_214 = arith.constant 0 : i32
                %gather3A_215 = arith.constant 0 : i32
                %gather3A_216 = tpu.memref_slice %arg11[%gather3A_213, %gather3A_214, %gather3A_215] : memref<2x64x512xf32, #tpu.memory_space<vmem>> -> memref<1x64x512xf32, #tpu.memory_space<vmem>>
                %gather3A_217 = tpu.memref_squeeze %gather3A_216 : memref<1x64x512xf32, #tpu.memory_space<vmem>> -> memref<64x512xf32, #tpu.memory_space<vmem>>
                %gather3A_218 = tpu.vector_load_idx %gather3A_217[%add3A_212, %broadcast_in_dim3A_183] : memref<64x512xf32, #tpu.memory_space<vmem>>[vector<16xi32>, vector<16xi32>], vector<16xf32>,
                %add3A_219 = arith.constant 32 : i32
                %add3A_220 = vector.broadcast %add3A_219 : i32 to vector<16xi32>
                %add3A_221 = arith.addi %add3A_220, %iota3A : vector<16xi32>
                tpu.vector_store_idx %arg12[%broadcast_in_dim3A_186, %add3A_221], %gather3A_218 : memref<64x64xf32, #tpu.memory_space<vmem>>[vector<16xi32>, vector<16xi32>], vector<16xf32>,
                %add3A_222 = arith.constant 48 : i32
                %add3A_223 = vector.broadcast %add3A_222 : i32 to vector<16xi32>
                %add3A_224 = arith.addi %iota3A, %add3A_223 : vector<16xi32>
                %gather3A_225 = arith.constant 1 : i32
                %gather3A_226 = arith.constant 0 : i32
                %gather3A_227 = arith.constant 0 : i32
                %gather3A_228 = tpu.memref_slice %arg11[%gather3A_225, %gather3A_226, %gather3A_227] : memref<2x64x512xf32, #tpu.memory_space<vmem>> -> memref<1x64x512xf32, #tpu.memory_space<vmem>>
                %gather3A_229 = tpu.memref_squeeze %gather3A_228 : memref<1x64x512xf32, #tpu.memory_space<vmem>> -> memref<64x512xf32, #tpu.memory_space<vmem>>
                %gather3A_230 = tpu.vector_load_idx %gather3A_229[%add3A_224, %broadcast_in_dim3A_183] : memref<64x512xf32, #tpu.memory_space<vmem>>[vector<16xi32>, vector<16xi32>], vector<16xf32>,
                %add3A_231 = arith.constant 48 : i32
                %add3A_232 = vector.broadcast %add3A_231 : i32 to vector<16xi32>
                %add3A_233 = arith.addi %add3A_232, %iota3A : vector<16xi32>
                tpu.vector_store_idx %arg12[%broadcast_in_dim3A_186, %add3A_233], %gather3A_230 : memref<64x64xf32, #tpu.memory_space<vmem>>[vector<16xi32>, vector<16xi32>], vector<16xf32>,
                %dma_start3A = arith.constant 0 : i32
                %dma_start3A_234 = tpu.memref_slice %arg12[%and3A_185, %dma_start3A] : memref<64x64xf32, #tpu.memory_space<vmem>> -> memref<1x64xf32, #tpu.memory_space<vmem>>
                %dma_start3A_235 = arith.constant 0 : i32
                %dma_start3A_236 = tpu.memref_slice %arg7[%reduce_max3A_182, %dma_start3A_235] : memref<16384x64xf32, #tpu.memory_space<hbm>> -> memref<1x64xf32, #tpu.memory_space<hbm>>
                %dma_start3A_237 = arith.constant 0 : i32
                %dma_start3A_238 = tpu.memref_slice %arg7[%reduce_max3A_182, %dma_start3A_237] : memref<16384x64xf32, #tpu.memory_space<hbm>> -> memref<1x64xf32, #tpu.memory_space<hbm>>
                %dma_start3A_239 = arith.constant 0 : i32
                %dma_start3A_240 = tpu.memref_slice %arg12[%and3A_185, %dma_start3A_239] : memref<64x64xf32, #tpu.memory_space<vmem>> -> memref<1x64xf32, #tpu.memory_space<vmem>>
                tpu.enqueue_dma source(%dma_start3A_240 : memref<1x64xf32, #tpu.memory_space<vmem>>) target(%dma_start3A_238 : memref<1x64xf32, #tpu.memory_space<hbm>>) target_semaphore(%arg17 : memref<!tpu.dma_semaphore, #tpu.memory_space<semaphore_mem>>)
                %eq3A_241 = arith.constant 63 : i32
                %eq3A_242 = arith.cmpi eq, %and3A_185, %eq3A_241 : i32
                %convert_element_type3A_243 = arith.extui %eq3A_242 : i1 to i32
                %cond3A_244 = arith.constant 0 : i32
                %cond3A_245 = arith.cmpi ne, %convert_element_type3A_243, %cond3A_244 : i32
                scf.if %cond3A_245 {
                  %scan3A_248 = arith.constant 0 : i32
                  %scan3A_249 = arith.constant 64 : i32
                  %scan3A_250 = arith.addi %scan3A_248, %scan3A_249 : i32
                  %scan3A_251 = arith.constant 1 : i32
                  scf.for %scan3A_253 = %scan3A_248 to %scan3A_250 step %scan3A_251  : i32 {
                    %dma_wait3A = arith.constant 0 : i32
                    %dma_wait3A_254 = arith.constant 0 : i32
                    %dma_wait3A_255 = tpu.memref_slice %arg12[%dma_wait3A, %dma_wait3A_254] : memref<64x64xf32, #tpu.memory_space<vmem>> -> memref<1x64xf32, #tpu.memory_space<vmem>>
                    %dma_wait3A_256 = arith.constant 0 : i32
                    %dma_wait3A_257 = arith.constant 0 : i32
                    %dma_wait3A_258 = tpu.memref_slice %arg7[%dma_wait3A_256, %dma_wait3A_257] : memref<16384x64xf32, #tpu.memory_space<hbm>> -> memref<1x64xf32, #tpu.memory_space<hbm>>
                    %dma_wait3A_259 = arith.constant 0 : i32
                    %dma_wait3A_260 = arith.constant 0 : i32
                    %dma_wait3A_261 = tpu.memref_slice %arg7[%dma_wait3A_259, %dma_wait3A_260] : memref<16384x64xf32, #tpu.memory_space<hbm>> -> memref<1x64xf32, #tpu.memory_space<hbm>>
                    %dma_wait3A_262 = arith.constant 0 : i32
                    %dma_wait3A_263 = arith.constant 0 : i32
                    %dma_wait3A_264 = tpu.memref_slice %arg12[%dma_wait3A_262, %dma_wait3A_263] : memref<64x64xf32, #tpu.memory_space<vmem>> -> memref<1x64xf32, #tpu.memory_space<vmem>>
                    tpu.wait_dma2 semaphore(%arg17 : memref<!tpu.dma_semaphore, #tpu.memory_space<semaphore_mem>>) src(%dma_wait3A_264 : memref<1x64xf32, #tpu.memory_space<vmem>>) dst(%dma_wait3A_261 : memref<1x64xf32, #tpu.memory_space<hbm>>)
                  }
                  %scan3A_252 = arith.constant 64 : i32
                } else {
                }
                %add3A_246 = arith.constant 1 : i32
                %add3A_247 = arith.addi %while3A_157, %add3A_246 : i32
                scf.yield %add3A_247 : i32
              }
              scf.yield %while3A_155 : i32
            } else {
              scf.yield %while3A_114 : i32
            }
            scf.yield %cond3A_134 : i32
          }
          %while3A_99 = arith.constant 1 : i32
          %while3A_100 = scf.for %while3A_113 = %while3A_96 to %while3A_92 step %while3A_99 iter_args(%while3A_114 = %while3A_98) -> (i32)  : i32 {
            %mul3A_115 = arith.constant 16 : i32
            %mul3A_116 = arith.muli %while3A_113, %mul3A_115 : i32
            %get3A = arith.index_cast %mul3A_116 : i32 to index
            %get3A_117 = tpu.vector_load %arg9[%get3A] {strides = array<i32>} : memref<16384xi32, #tpu.memory_space<vmem>>, vector<16xi32>,
            %shift_right_arithmetic3A_118 = arith.constant 9 : i32
            %shift_right_arithmetic3A_119 = vector.broadcast %shift_right_arithmetic3A_118 : i32 to vector<16xi32>
            %shift_right_arithmetic3A_120 = arith.shrsi %get3A_117, %shift_right_arithmetic3A_119 : vector<16xi32>
            %eq3A_121 = vector.broadcast %add3A_73 : i32 to vector<16xi32>
            %eq3A_122 = arith.cmpi eq, %shift_right_arithmetic3A_120, %eq3A_121 : vector<16xi32>
            %all_reduce_population_count3A = tpu.all_reduce %eq3A_122 {dim = 0 : i64, kind = #tpu.reduction_kind<sum>} : vector<16xi1> -> vector<16xi32>
            %reduce_max3A = arith.constant true
            %reduce_max3A_123 = vector.broadcast %reduce_max3A : i1 to vector<16xi1>
            %reduce_max3A_124 = arith.constant -2147483648 : i32
            %reduce_max3A_125 = vector.broadcast %reduce_max3A_124 : i32 to vector<16xi32>
            %reduce_max3A_126 = arith.xori %all_reduce_population_count3A, %reduce_max3A_125 : vector<16xi32>
            %reduce_max3A_127 = tpu.scan <max>, %reduce_max3A_126 masked %reduce_max3A_123 : vector<16xi32>, vector<16xi1> -> vector<16xi32>
            %reduce_max3A_128 = arith.xori %reduce_max3A_127, %reduce_max3A_125 : vector<16xi32>
            %reduce_max3A_129 = vector.extract %reduce_max3A_128[15] : i32 from vector<16xi32>
            %gt3A = arith.constant 0 : i32
            %gt3A_130 = arith.cmpi sgt, %reduce_max3A_129, %gt3A : i32
            %convert_element_type3A_131 = arith.extui %gt3A_130 : i1 to i32
            %cond3A_132 = arith.constant 0 : i32
            %cond3A_133 = arith.cmpi ne, %convert_element_type3A_131, %cond3A_132 : i32
            %cond3A_134 = scf.if %cond3A_133 -> (i32) {
              %mul3A_135 = arith.constant 16 : i32
              %mul3A_136 = arith.muli %while3A_113, %mul3A_135 : i32
              %get3A_137 = arith.index_cast %mul3A_136 : i32 to index
              %get3A_138 = tpu.vector_load %arg10[%get3A_137] {strides = array<i32>} : memref<16384xi32, #tpu.memory_space<vmem>>, vector<16xi32>,
              %and3A_139 = arith.constant 511 : i32
              %and3A_140 = vector.broadcast %and3A_139 : i32 to vector<16xi32>
              %and3A_141 = arith.andi %get3A_117, %and3A_140 : vector<16xi32>
              %swap3A = arith.constant 0 : index
              %swap3A_142 = tpu.vector_load %arg13[%swap3A] masked %eq3A_122 {strides = array<i32>} : memref<16xi32, #tpu.memory_space<vmem>>, vector<16xi32>, vector<16xi1>
              tpu.vector_store %arg13[%swap3A], %and3A_141 masked %eq3A_122 {strides = array<i32>} : memref<16xi32, #tpu.memory_space<vmem>>, vector<16xi32>, vector<16xi1>
              %swap3A_143 = arith.constant 0 : index
              %swap3A_144 = tpu.vector_load %arg14[%swap3A_143] masked %eq3A_122 {strides = array<i32>} : memref<16xi32, #tpu.memory_space<vmem>>, vector<16xi32>, vector<16xi1>
              tpu.vector_store %arg14[%swap3A_143], %get3A_138 masked %eq3A_122 {strides = array<i32>} : memref<16xi32, #tpu.memory_space<vmem>>, vector<16xi32>, vector<16xi1>
              %while3A_145 = arith.constant 0 : i32
              %while3A_146 = arith.subi %reduce_max3A_129, %while3A_145 : i32
              %while3A_147 = arith.addi %while3A_145, %while3A_146 : i32
              %while3A_148 = arith.constant 1 : i32
              %while3A_149 = arith.divsi %while3A_146, %while3A_148 : i32
              %while3A_150 = arith.muli %while3A_149, %while3A_148 : i32
              %while3A_151 = arith.addi %while3A_145, %while3A_150 : i32
              %while3A_152 = arith.constant 1 : i32
              %while3A_153 = scf.for %while3A_156 = %while3A_145 to %while3A_151 step %while3A_152 iter_args(%while3A_157 = %while3A_114) -> (i32)  : i32 {
                %eq3A_158 = vector.broadcast %while3A_156 : i32 to vector<16xi32>
                %eq3A_159 = arith.cmpi eq, %iota3A, %eq3A_158 : vector<16xi32>
                %get3A_160 = arith.constant 0 : index
                %get3A_161 = tpu.vector_load %arg13[%get3A_160] {strides = array<i32>} : memref<16xi32, #tpu.memory_space<vmem>>, vector<16xi32>,
                %get3A_162 = arith.constant 0 : index
                %get3A_163 = tpu.vector_load %arg14[%get3A_162] {strides = array<i32>} : memref<16xi32, #tpu.memory_space<vmem>>, vector<16xi32>,
                %jit3A = arith.constant 0 : i32
                %broadcast_in_dim3A = vector.broadcast %jit3A : i32 to vector<16xi32>
                %select_n3A = arith.select %eq3A_159, %get3A_161, %broadcast_in_dim3A : vector<16xi1>, vector<16xi32>
                %reduce_max3A_164 = arith.constant true
                %reduce_max3A_165 = vector.broadcast %reduce_max3A_164 : i1 to vector<16xi1>
                %reduce_max3A_166 = arith.constant -2147483648 : i32
                %reduce_max3A_167 = vector.broadcast %reduce_max3A_166 : i32 to vector<16xi32>
                %reduce_max3A_168 = arith.xori %select_n3A, %reduce_max3A_167 : vector<16xi32>
                %reduce_max3A_169 = tpu.scan <max>, %reduce_max3A_168 masked %reduce_max3A_165 : vector<16xi32>, vector<16xi1> -> vector<16xi32>
                %reduce_max3A_170 = arith.xori %reduce_max3A_169, %reduce_max3A_167 : vector<16xi32>
                %reduce_max3A_171 = vector.extract %reduce_max3A_170[15] : i32 from vector<16xi32>
                %jit3A_172 = arith.constant 0 : i32
                %broadcast_in_dim3A_173 = vector.broadcast %jit3A_172 : i32 to vector<16xi32>
                %select_n3A_174 = arith.select %eq3A_159, %get3A_163, %broadcast_in_dim3A_173 : vector<16xi1>, vector<16xi32>
                %reduce_max3A_175 = arith.constant true
                %reduce_max3A_176 = vector.broadcast %reduce_max3A_175 : i1 to vector<16xi1>
                %reduce_max3A_177 = arith.constant -2147483648 : i32
                %reduce_max3A_178 = vector.broadcast %reduce_max3A_177 : i32 to vector<16xi32>
                %reduce_max3A_179 = arith.xori %select_n3A_174, %reduce_max3A_178 : vector<16xi32>
                %reduce_max3A_180 = tpu.scan <max>, %reduce_max3A_179 masked %reduce_max3A_176 : vector<16xi32>, vector<16xi1> -> vector<16xi32>
                %reduce_max3A_181 = arith.xori %reduce_max3A_180, %reduce_max3A_178 : vector<16xi32>
                %reduce_max3A_182 = vector.extract %reduce_max3A_181[15] : i32 from vector<16xi32>
                %broadcast_in_dim3A_183 = vector.broadcast %reduce_max3A_171 : i32 to vector<16xi32>
                %and3A_184 = arith.constant 63 : i32
                %and3A_185 = arith.andi %while3A_157, %and3A_184 : i32
                %broadcast_in_dim3A_186 = vector.broadcast %and3A_185 : i32 to vector<16xi32>
                %add3A_187 = arith.constant 0 : i32
                %add3A_188 = vector.broadcast %add3A_187 : i32 to vector<16xi32>
                %add3A_189 = arith.addi %iota3A, %add3A_188 : vector<16xi32>
                %gather3A = arith.constant 1 : i32
                %gather3A_190 = arith.constant 0 : i32
                %gather3A_191 = arith.constant 0 : i32
                %gather3A_192 = tpu.memref_slice %arg11[%gather3A, %gather3A_190, %gather3A_191] : memref<2x64x512xf32, #tpu.memory_space<vmem>> -> memref<1x64x512xf32, #tpu.memory_space<vmem>>
                %gather3A_193 = tpu.memref_squeeze %gather3A_192 : memref<1x64x512xf32, #tpu.memory_space<vmem>> -> memref<64x512xf32, #tpu.memory_space<vmem>>
                %gather3A_194 = tpu.vector_load_idx %gather3A_193[%add3A_189, %broadcast_in_dim3A_183] : memref<64x512xf32, #tpu.memory_space<vmem>>[vector<16xi32>, vector<16xi32>], vector<16xf32>,
                %add3A_195 = arith.constant 0 : i32
                %add3A_196 = vector.broadcast %add3A_195 : i32 to vector<16xi32>
                %add3A_197 = arith.addi %add3A_196, %iota3A : vector<16xi32>
                tpu.vector_store_idx %arg12[%broadcast_in_dim3A_186, %add3A_197], %gather3A_194 : memref<64x64xf32, #tpu.memory_space<vmem>>[vector<16xi32>, vector<16xi32>], vector<16xf32>,
                %add3A_198 = arith.constant 16 : i32
                %add3A_199 = vector.broadcast %add3A_198 : i32 to vector<16xi32>
                %add3A_200 = arith.addi %iota3A, %add3A_199 : vector<16xi32>
                %gather3A_201 = arith.constant 1 : i32
                %gather3A_202 = arith.constant 0 : i32
                %gather3A_203 = arith.constant 0 : i32
                %gather3A_204 = tpu.memref_slice %arg11[%gather3A_201, %gather3A_202, %gather3A_203] : memref<2x64x512xf32, #tpu.memory_space<vmem>> -> memref<1x64x512xf32, #tpu.memory_space<vmem>>
                %gather3A_205 = tpu.memref_squeeze %gather3A_204 : memref<1x64x512xf32, #tpu.memory_space<vmem>> -> memref<64x512xf32, #tpu.memory_space<vmem>>
                %gather3A_206 = tpu.vector_load_idx %gather3A_205[%add3A_200, %broadcast_in_dim3A_183] : memref<64x512xf32, #tpu.memory_space<vmem>>[vector<16xi32>, vector<16xi32>], vector<16xf32>,
                %add3A_207 = arith.constant 16 : i32
                %add3A_208 = vector.broadcast %add3A_207 : i32 to vector<16xi32>
                %add3A_209 = arith.addi %add3A_208, %iota3A : vector<16xi32>
                tpu.vector_store_idx %arg12[%broadcast_in_dim3A_186, %add3A_209], %gather3A_206 : memref<64x64xf32, #tpu.memory_space<vmem>>[vector<16xi32>, vector<16xi32>], vector<16xf32>,
                %add3A_210 = arith.constant 32 : i32
                %add3A_211 = vector.broadcast %add3A_210 : i32 to vector<16xi32>
                %add3A_212 = arith.addi %iota3A, %add3A_211 : vector<16xi32>
                %gather3A_213 = arith.constant 1 : i32
                %gather3A_214 = arith.constant 0 : i32
                %gather3A_215 = arith.constant 0 : i32
                %gather3A_216 = tpu.memref_slice %arg11[%gather3A_213, %gather3A_214, %gather3A_215] : memref<2x64x512xf32, #tpu.memory_space<vmem>> -> memref<1x64x512xf32, #tpu.memory_space<vmem>>
                %gather3A_217 = tpu.memref_squeeze %gather3A_216 : memref<1x64x512xf32, #tpu.memory_space<vmem>> -> memref<64x512xf32, #tpu.memory_space<vmem>>
                %gather3A_218 = tpu.vector_load_idx %gather3A_217[%add3A_212, %broadcast_in_dim3A_183] : memref<64x512xf32, #tpu.memory_space<vmem>>[vector<16xi32>, vector<16xi32>], vector<16xf32>,
                %add3A_219 = arith.constant 32 : i32
                %add3A_220 = vector.broadcast %add3A_219 : i32 to vector<16xi32>
                %add3A_221 = arith.addi %add3A_220, %iota3A : vector<16xi32>
                tpu.vector_store_idx %arg12[%broadcast_in_dim3A_186, %add3A_221], %gather3A_218 : memref<64x64xf32, #tpu.memory_space<vmem>>[vector<16xi32>, vector<16xi32>], vector<16xf32>,
                %add3A_222 = arith.constant 48 : i32
                %add3A_223 = vector.broadcast %add3A_222 : i32 to vector<16xi32>
                %add3A_224 = arith.addi %iota3A, %add3A_223 : vector<16xi32>
                %gather3A_225 = arith.constant 1 : i32
                %gather3A_226 = arith.constant 0 : i32
                %gather3A_227 = arith.constant 0 : i32
                %gather3A_228 = tpu.memref_slice %arg11[%gather3A_225, %gather3A_226, %gather3A_227] : memref<2x64x512xf32, #tpu.memory_space<vmem>> -> memref<1x64x512xf32, #tpu.memory_space<vmem>>
                %gather3A_229 = tpu.memref_squeeze %gather3A_228 : memref<1x64x512xf32, #tpu.memory_space<vmem>> -> memref<64x512xf32, #tpu.memory_space<vmem>>
                %gather3A_230 = tpu.vector_load_idx %gather3A_229[%add3A_224, %broadcast_in_dim3A_183] : memref<64x512xf32, #tpu.memory_space<vmem>>[vector<16xi32>, vector<16xi32>], vector<16xf32>,
                %add3A_231 = arith.constant 48 : i32
                %add3A_232 = vector.broadcast %add3A_231 : i32 to vector<16xi32>
                %add3A_233 = arith.addi %add3A_232, %iota3A : vector<16xi32>
                tpu.vector_store_idx %arg12[%broadcast_in_dim3A_186, %add3A_233], %gather3A_230 : memref<64x64xf32, #tpu.memory_space<vmem>>[vector<16xi32>, vector<16xi32>], vector<16xf32>,
                %dma_start3A = arith.constant 0 : i32
                %dma_start3A_234 = tpu.memref_slice %arg12[%and3A_185, %dma_start3A] : memref<64x64xf32, #tpu.memory_space<vmem>> -> memref<1x64xf32, #tpu.memory_space<vmem>>
                %dma_start3A_235 = arith.constant 0 : i32
                %dma_start3A_236 = tpu.memref_slice %arg7[%reduce_max3A_182, %dma_start3A_235] : memref<16384x64xf32, #tpu.memory_space<hbm>> -> memref<1x64xf32, #tpu.memory_space<hbm>>
                %dma_start3A_237 = arith.constant 0 : i32
                %dma_start3A_238 = tpu.memref_slice %arg7[%reduce_max3A_182, %dma_start3A_237] : memref<16384x64xf32, #tpu.memory_space<hbm>> -> memref<1x64xf32, #tpu.memory_space<hbm>>
                %dma_start3A_239 = arith.constant 0 : i32
                %dma_start3A_240 = tpu.memref_slice %arg12[%and3A_185, %dma_start3A_239] : memref<64x64xf32, #tpu.memory_space<vmem>> -> memref<1x64xf32, #tpu.memory_space<vmem>>
                tpu.enqueue_dma source(%dma_start3A_240 : memref<1x64xf32, #tpu.memory_space<vmem>>) target(%dma_start3A_238 : memref<1x64xf32, #tpu.memory_space<hbm>>) target_semaphore(%arg17 : memref<!tpu.dma_semaphore, #tpu.memory_space<semaphore_mem>>)
                %eq3A_241 = arith.constant 63 : i32
                %eq3A_242 = arith.cmpi eq, %and3A_185, %eq3A_241 : i32
                %convert_element_type3A_243 = arith.extui %eq3A_242 : i1 to i32
                %cond3A_244 = arith.constant 0 : i32
                %cond3A_245 = arith.cmpi ne, %convert_element_type3A_243, %cond3A_244 : i32
                scf.if %cond3A_245 {
                  %scan3A_248 = arith.constant 0 : i32
                  %scan3A_249 = arith.constant 64 : i32
                  %scan3A_250 = arith.addi %scan3A_248, %scan3A_249 : i32
                  %scan3A_251 = arith.constant 1 : i32
                  scf.for %scan3A_253 = %scan3A_248 to %scan3A_250 step %scan3A_251  : i32 {
                    %dma_wait3A = arith.constant 0 : i32
                    %dma_wait3A_254 = arith.constant 0 : i32
                    %dma_wait3A_255 = tpu.memref_slice %arg12[%dma_wait3A, %dma_wait3A_254] : memref<64x64xf32, #tpu.memory_space<vmem>> -> memref<1x64xf32, #tpu.memory_space<vmem>>
                    %dma_wait3A_256 = arith.constant 0 : i32
                    %dma_wait3A_257 = arith.constant 0 : i32
                    %dma_wait3A_258 = tpu.memref_slice %arg7[%dma_wait3A_256, %dma_wait3A_257] : memref<16384x64xf32, #tpu.memory_space<hbm>> -> memref<1x64xf32, #tpu.memory_space<hbm>>
                    %dma_wait3A_259 = arith.constant 0 : i32
                    %dma_wait3A_260 = arith.constant 0 : i32
                    %dma_wait3A_261 = tpu.memref_slice %arg7[%dma_wait3A_259, %dma_wait3A_260] : memref<16384x64xf32, #tpu.memory_space<hbm>> -> memref<1x64xf32, #tpu.memory_space<hbm>>
                    %dma_wait3A_262 = arith.constant 0 : i32
                    %dma_wait3A_263 = arith.constant 0 : i32
                    %dma_wait3A_264 = tpu.memref_slice %arg12[%dma_wait3A_262, %dma_wait3A_263] : memref<64x64xf32, #tpu.memory_space<vmem>> -> memref<1x64xf32, #tpu.memory_space<vmem>>
                    tpu.wait_dma2 semaphore(%arg17 : memref<!tpu.dma_semaphore, #tpu.memory_space<semaphore_mem>>) src(%dma_wait3A_264 : memref<1x64xf32, #tpu.memory_space<vmem>>) dst(%dma_wait3A_261 : memref<1x64xf32, #tpu.memory_space<hbm>>)
                  }
                  %scan3A_252 = arith.constant 64 : i32
                } else {
                }
                %add3A_246 = arith.constant 1 : i32
                %add3A_247 = arith.addi %while3A_157, %add3A_246 : i32
                scf.yield %add3A_247 : i32
              }
              %while3A_154 = arith.constant 1 : i32
              %while3A_155 = scf.for %while3A_156 = %while3A_151 to %while3A_147 step %while3A_154 iter_args(%while3A_157 = %while3A_153) -> (i32)  : i32 {
                %eq3A_158 = vector.broadcast %while3A_156 : i32 to vector<16xi32>
                %eq3A_159 = arith.cmpi eq, %iota3A, %eq3A_158 : vector<16xi32>
                %get3A_160 = arith.constant 0 : index
                %get3A_161 = tpu.vector_load %arg13[%get3A_160] {strides = array<i32>} : memref<16xi32, #tpu.memory_space<vmem>>, vector<16xi32>,
                %get3A_162 = arith.constant 0 : index
                %get3A_163 = tpu.vector_load %arg14[%get3A_162] {strides = array<i32>} : memref<16xi32, #tpu.memory_space<vmem>>, vector<16xi32>,
                %jit3A = arith.constant 0 : i32
                %broadcast_in_dim3A = vector.broadcast %jit3A : i32 to vector<16xi32>
                %select_n3A = arith.select %eq3A_159, %get3A_161, %broadcast_in_dim3A : vector<16xi1>, vector<16xi32>
                %reduce_max3A_164 = arith.constant true
                %reduce_max3A_165 = vector.broadcast %reduce_max3A_164 : i1 to vector<16xi1>
                %reduce_max3A_166 = arith.constant -2147483648 : i32
                %reduce_max3A_167 = vector.broadcast %reduce_max3A_166 : i32 to vector<16xi32>
                %reduce_max3A_168 = arith.xori %select_n3A, %reduce_max3A_167 : vector<16xi32>
                %reduce_max3A_169 = tpu.scan <max>, %reduce_max3A_168 masked %reduce_max3A_165 : vector<16xi32>, vector<16xi1> -> vector<16xi32>
                %reduce_max3A_170 = arith.xori %reduce_max3A_169, %reduce_max3A_167 : vector<16xi32>
                %reduce_max3A_171 = vector.extract %reduce_max3A_170[15] : i32 from vector<16xi32>
                %jit3A_172 = arith.constant 0 : i32
                %broadcast_in_dim3A_173 = vector.broadcast %jit3A_172 : i32 to vector<16xi32>
                %select_n3A_174 = arith.select %eq3A_159, %get3A_163, %broadcast_in_dim3A_173 : vector<16xi1>, vector<16xi32>
                %reduce_max3A_175 = arith.constant true
                %reduce_max3A_176 = vector.broadcast %reduce_max3A_175 : i1 to vector<16xi1>
                %reduce_max3A_177 = arith.constant -2147483648 : i32
                %reduce_max3A_178 = vector.broadcast %reduce_max3A_177 : i32 to vector<16xi32>
                %reduce_max3A_179 = arith.xori %select_n3A_174, %reduce_max3A_178 : vector<16xi32>
                %reduce_max3A_180 = tpu.scan <max>, %reduce_max3A_179 masked %reduce_max3A_176 : vector<16xi32>, vector<16xi1> -> vector<16xi32>
                %reduce_max3A_181 = arith.xori %reduce_max3A_180, %reduce_max3A_178 : vector<16xi32>
                %reduce_max3A_182 = vector.extract %reduce_max3A_181[15] : i32 from vector<16xi32>
                %broadcast_in_dim3A_183 = vector.broadcast %reduce_max3A_171 : i32 to vector<16xi32>
                %and3A_184 = arith.constant 63 : i32
                %and3A_185 = arith.andi %while3A_157, %and3A_184 : i32
                %broadcast_in_dim3A_186 = vector.broadcast %and3A_185 : i32 to vector<16xi32>
                %add3A_187 = arith.constant 0 : i32
                %add3A_188 = vector.broadcast %add3A_187 : i32 to vector<16xi32>
                %add3A_189 = arith.addi %iota3A, %add3A_188 : vector<16xi32>
                %gather3A = arith.constant 1 : i32
                %gather3A_190 = arith.constant 0 : i32
                %gather3A_191 = arith.constant 0 : i32
                %gather3A_192 = tpu.memref_slice %arg11[%gather3A, %gather3A_190, %gather3A_191] : memref<2x64x512xf32, #tpu.memory_space<vmem>> -> memref<1x64x512xf32, #tpu.memory_space<vmem>>
                %gather3A_193 = tpu.memref_squeeze %gather3A_192 : memref<1x64x512xf32, #tpu.memory_space<vmem>> -> memref<64x512xf32, #tpu.memory_space<vmem>>
                %gather3A_194 = tpu.vector_load_idx %gather3A_193[%add3A_189, %broadcast_in_dim3A_183] : memref<64x512xf32, #tpu.memory_space<vmem>>[vector<16xi32>, vector<16xi32>], vector<16xf32>,
                %add3A_195 = arith.constant 0 : i32
                %add3A_196 = vector.broadcast %add3A_195 : i32 to vector<16xi32>
                %add3A_197 = arith.addi %add3A_196, %iota3A : vector<16xi32>
                tpu.vector_store_idx %arg12[%broadcast_in_dim3A_186, %add3A_197], %gather3A_194 : memref<64x64xf32, #tpu.memory_space<vmem>>[vector<16xi32>, vector<16xi32>], vector<16xf32>,
                %add3A_198 = arith.constant 16 : i32
                %add3A_199 = vector.broadcast %add3A_198 : i32 to vector<16xi32>
                %add3A_200 = arith.addi %iota3A, %add3A_199 : vector<16xi32>
                %gather3A_201 = arith.constant 1 : i32
                %gather3A_202 = arith.constant 0 : i32
                %gather3A_203 = arith.constant 0 : i32
                %gather3A_204 = tpu.memref_slice %arg11[%gather3A_201, %gather3A_202, %gather3A_203] : memref<2x64x512xf32, #tpu.memory_space<vmem>> -> memref<1x64x512xf32, #tpu.memory_space<vmem>>
                %gather3A_205 = tpu.memref_squeeze %gather3A_204 : memref<1x64x512xf32, #tpu.memory_space<vmem>> -> memref<64x512xf32, #tpu.memory_space<vmem>>
                %gather3A_206 = tpu.vector_load_idx %gather3A_205[%add3A_200, %broadcast_in_dim3A_183] : memref<64x512xf32, #tpu.memory_space<vmem>>[vector<16xi32>, vector<16xi32>], vector<16xf32>,
                %add3A_207 = arith.constant 16 : i32
                %add3A_208 = vector.broadcast %add3A_207 : i32 to vector<16xi32>
                %add3A_209 = arith.addi %add3A_208, %iota3A : vector<16xi32>
                tpu.vector_store_idx %arg12[%broadcast_in_dim3A_186, %add3A_209], %gather3A_206 : memref<64x64xf32, #tpu.memory_space<vmem>>[vector<16xi32>, vector<16xi32>], vector<16xf32>,
                %add3A_210 = arith.constant 32 : i32
                %add3A_211 = vector.broadcast %add3A_210 : i32 to vector<16xi32>
                %add3A_212 = arith.addi %iota3A, %add3A_211 : vector<16xi32>
                %gather3A_213 = arith.constant 1 : i32
                %gather3A_214 = arith.constant 0 : i32
                %gather3A_215 = arith.constant 0 : i32
                %gather3A_216 = tpu.memref_slice %arg11[%gather3A_213, %gather3A_214, %gather3A_215] : memref<2x64x512xf32, #tpu.memory_space<vmem>> -> memref<1x64x512xf32, #tpu.memory_space<vmem>>
                %gather3A_217 = tpu.memref_squeeze %gather3A_216 : memref<1x64x512xf32, #tpu.memory_space<vmem>> -> memref<64x512xf32, #tpu.memory_space<vmem>>
                %gather3A_218 = tpu.vector_load_idx %gather3A_217[%add3A_212, %broadcast_in_dim3A_183] : memref<64x512xf32, #tpu.memory_space<vmem>>[vector<16xi32>, vector<16xi32>], vector<16xf32>,
                %add3A_219 = arith.constant 32 : i32
                %add3A_220 = vector.broadcast %add3A_219 : i32 to vector<16xi32>
                %add3A_221 = arith.addi %add3A_220, %iota3A : vector<16xi32>
                tpu.vector_store_idx %arg12[%broadcast_in_dim3A_186, %add3A_221], %gather3A_218 : memref<64x64xf32, #tpu.memory_space<vmem>>[vector<16xi32>, vector<16xi32>], vector<16xf32>,
                %add3A_222 = arith.constant 48 : i32
                %add3A_223 = vector.broadcast %add3A_222 : i32 to vector<16xi32>
                %add3A_224 = arith.addi %iota3A, %add3A_223 : vector<16xi32>
                %gather3A_225 = arith.constant 1 : i32
                %gather3A_226 = arith.constant 0 : i32
                %gather3A_227 = arith.constant 0 : i32
                %gather3A_228 = tpu.memref_slice %arg11[%gather3A_225, %gather3A_226, %gather3A_227] : memref<2x64x512xf32, #tpu.memory_space<vmem>> -> memref<1x64x512xf32, #tpu.memory_space<vmem>>
                %gather3A_229 = tpu.memref_squeeze %gather3A_228 : memref<1x64x512xf32, #tpu.memory_space<vmem>> -> memref<64x512xf32, #tpu.memory_space<vmem>>
                %gather3A_230 = tpu.vector_load_idx %gather3A_229[%add3A_224, %broadcast_in_dim3A_183] : memref<64x512xf32, #tpu.memory_space<vmem>>[vector<16xi32>, vector<16xi32>], vector<16xf32>,
                %add3A_231 = arith.constant 48 : i32
                %add3A_232 = vector.broadcast %add3A_231 : i32 to vector<16xi32>
                %add3A_233 = arith.addi %add3A_232, %iota3A : vector<16xi32>
                tpu.vector_store_idx %arg12[%broadcast_in_dim3A_186, %add3A_233], %gather3A_230 : memref<64x64xf32, #tpu.memory_space<vmem>>[vector<16xi32>, vector<16xi32>], vector<16xf32>,
                %dma_start3A = arith.constant 0 : i32
                %dma_start3A_234 = tpu.memref_slice %arg12[%and3A_185, %dma_start3A] : memref<64x64xf32, #tpu.memory_space<vmem>> -> memref<1x64xf32, #tpu.memory_space<vmem>>
                %dma_start3A_235 = arith.constant 0 : i32
                %dma_start3A_236 = tpu.memref_slice %arg7[%reduce_max3A_182, %dma_start3A_235] : memref<16384x64xf32, #tpu.memory_space<hbm>> -> memref<1x64xf32, #tpu.memory_space<hbm>>
                %dma_start3A_237 = arith.constant 0 : i32
                %dma_start3A_238 = tpu.memref_slice %arg7[%reduce_max3A_182, %dma_start3A_237] : memref<16384x64xf32, #tpu.memory_space<hbm>> -> memref<1x64xf32, #tpu.memory_space<hbm>>
                %dma_start3A_239 = arith.constant 0 : i32
                %dma_start3A_240 = tpu.memref_slice %arg12[%and3A_185, %dma_start3A_239] : memref<64x64xf32, #tpu.memory_space<vmem>> -> memref<1x64xf32, #tpu.memory_space<vmem>>
                tpu.enqueue_dma source(%dma_start3A_240 : memref<1x64xf32, #tpu.memory_space<vmem>>) target(%dma_start3A_238 : memref<1x64xf32, #tpu.memory_space<hbm>>) target_semaphore(%arg17 : memref<!tpu.dma_semaphore, #tpu.memory_space<semaphore_mem>>)
                %eq3A_241 = arith.constant 63 : i32
                %eq3A_242 = arith.cmpi eq, %and3A_185, %eq3A_241 : i32
                %convert_element_type3A_243 = arith.extui %eq3A_242 : i1 to i32
                %cond3A_244 = arith.constant 0 : i32
                %cond3A_245 = arith.cmpi ne, %convert_element_type3A_243, %cond3A_244 : i32
                scf.if %cond3A_245 {
                  %scan3A_248 = arith.constant 0 : i32
                  %scan3A_249 = arith.constant 64 : i32
                  %scan3A_250 = arith.addi %scan3A_248, %scan3A_249 : i32
                  %scan3A_251 = arith.constant 1 : i32
                  scf.for %scan3A_253 = %scan3A_248 to %scan3A_250 step %scan3A_251  : i32 {
                    %dma_wait3A = arith.constant 0 : i32
                    %dma_wait3A_254 = arith.constant 0 : i32
                    %dma_wait3A_255 = tpu.memref_slice %arg12[%dma_wait3A, %dma_wait3A_254] : memref<64x64xf32, #tpu.memory_space<vmem>> -> memref<1x64xf32, #tpu.memory_space<vmem>>
                    %dma_wait3A_256 = arith.constant 0 : i32
                    %dma_wait3A_257 = arith.constant 0 : i32
                    %dma_wait3A_258 = tpu.memref_slice %arg7[%dma_wait3A_256, %dma_wait3A_257] : memref<16384x64xf32, #tpu.memory_space<hbm>> -> memref<1x64xf32, #tpu.memory_space<hbm>>
                    %dma_wait3A_259 = arith.constant 0 : i32
                    %dma_wait3A_260 = arith.constant 0 : i32
                    %dma_wait3A_261 = tpu.memref_slice %arg7[%dma_wait3A_259, %dma_wait3A_260] : memref<16384x64xf32, #tpu.memory_space<hbm>> -> memref<1x64xf32, #tpu.memory_space<hbm>>
                    %dma_wait3A_262 = arith.constant 0 : i32
                    %dma_wait3A_263 = arith.constant 0 : i32
                    %dma_wait3A_264 = tpu.memref_slice %arg12[%dma_wait3A_262, %dma_wait3A_263] : memref<64x64xf32, #tpu.memory_space<vmem>> -> memref<1x64xf32, #tpu.memory_space<vmem>>
                    tpu.wait_dma2 semaphore(%arg17 : memref<!tpu.dma_semaphore, #tpu.memory_space<semaphore_mem>>) src(%dma_wait3A_264 : memref<1x64xf32, #tpu.memory_space<vmem>>) dst(%dma_wait3A_261 : memref<1x64xf32, #tpu.memory_space<hbm>>)
                  }
                  %scan3A_252 = arith.constant 64 : i32
                } else {
                }
                %add3A_246 = arith.constant 1 : i32
                %add3A_247 = arith.addi %while3A_157, %add3A_246 : i32
                scf.yield %add3A_247 : i32
              }
              scf.yield %while3A_155 : i32
            } else {
              scf.yield %while3A_114 : i32
            }
            scf.yield %cond3A_134 : i32
          }
          %add3A_101 = arith.constant 32 : i32
          %add3A_102 = arith.addi %add3A_73, %add3A_101 : i32
          %lt3A_103 = arith.constant 1953 : i32
          %lt3A_104 = arith.cmpi slt, %add3A_102, %lt3A_103 : i32
          %convert_element_type3A_105 = arith.extui %lt3A_104 : i1 to i32
          %cond3A_106 = arith.constant 0 : i32
          %cond3A_107 = arith.cmpi ne, %convert_element_type3A_105, %cond3A_106 : i32
          scf.if %cond3A_107 {
            %mul3A_113 = arith.constant 512 : i32
            %mul3A_114 = arith.muli %add3A_102, %mul3A_113 : i32
            %multiple_of3A = tpu.assume_multiple %mul3A_114, 512 : i32
            %dma_start3A = arith.constant 1 : i32
            %dma_start3A_115 = arith.constant 0 : i32
            %dma_start3A_116 = arith.constant 0 : i32
            %dma_start3A_117 = tpu.memref_slice %arg11[%dma_start3A, %dma_start3A_115, %dma_start3A_116] : memref<2x64x512xf32, #tpu.memory_space<vmem>> -> memref<1x64x512xf32, #tpu.memory_space<vmem>>
            %dma_start3A_118 = tpu.memref_squeeze %dma_start3A_117 : memref<1x64x512xf32, #tpu.memory_space<vmem>> -> memref<64x512xf32, #tpu.memory_space<vmem>>
            %dma_start3A_119 = arith.constant 0 : i32
            %dma_start3A_120 = tpu.memref_slice %arg3[%dma_start3A_119, %multiple_of3A] : memref<64x1000000xf32, #tpu.memory_space<hbm>> -> memref<64x512xf32, #tpu.memory_space<hbm>>
            %dma_start3A_121 = arith.constant 0 : i32
            %dma_start3A_122 = arith.constant 0 : i32
            %dma_start3A_123 = tpu.memref_slice %arg11[%dma_start3A, %dma_start3A_121, %dma_start3A_122] : memref<2x64x512xf32, #tpu.memory_space<vmem>> -> memref<1x64x512xf32, #tpu.memory_space<vmem>>
            %dma_start3A_124 = tpu.memref_squeeze %dma_start3A_123 : memref<1x64x512xf32, #tpu.memory_space<vmem>> -> memref<64x512xf32, #tpu.memory_space<vmem>>
            %dma_start3A_125 = arith.constant 0 : i32
            %dma_start3A_126 = tpu.memref_slice %arg3[%dma_start3A_125, %multiple_of3A] : memref<64x1000000xf32, #tpu.memory_space<hbm>> -> memref<64x512xf32, #tpu.memory_space<hbm>>
            tpu.enqueue_dma source(%dma_start3A_126 : memref<64x512xf32, #tpu.memory_space<hbm>>) target(%dma_start3A_124 : memref<64x512xf32, #tpu.memory_space<vmem>>) target_semaphore(%arg16 : memref<!tpu.dma_semaphore, #tpu.memory_space<semaphore_mem>>)
          } else {
          }
          %eq3A_108 = arith.constant 1953 : i32
          %eq3A_109 = arith.cmpi eq, %add3A_102, %eq3A_108 : i32
          %convert_element_type3A_110 = arith.extui %eq3A_109 : i1 to i32
          %cond3A_111 = arith.constant 0 : i32
          %cond3A_112 = arith.cmpi ne, %convert_element_type3A_110, %cond3A_111 : i32
          scf.if %cond3A_112 {
            %mul3A_113 = arith.constant 512 : i32
            %mul3A_114 = arith.muli %add3A_102, %mul3A_113 : i32
            %multiple_of3A = tpu.assume_multiple %mul3A_114, 128 : i32
            %dma_start3A = arith.constant 1 : i32
            %dma_start3A_115 = arith.constant 0 : i32
            %dma_start3A_116 = arith.constant 0 : i32
            %dma_start3A_117 = tpu.memref_slice %arg11[%dma_start3A, %dma_start3A_115, %dma_start3A_116] : memref<2x64x512xf32, #tpu.memory_space<vmem>> -> memref<1x64x128xf32, #tpu.memory_space<vmem>>
            %dma_start3A_118 = tpu.memref_squeeze %dma_start3A_117 : memref<1x64x128xf32, #tpu.memory_space<vmem>> -> memref<64x128xf32, #tpu.memory_space<vmem>>
            %dma_start3A_119 = arith.constant 0 : i32
            %dma_start3A_120 = tpu.memref_slice %arg3[%dma_start3A_119, %multiple_of3A] : memref<64x1000000xf32, #tpu.memory_space<hbm>> -> memref<64x128xf32, #tpu.memory_space<hbm>>
            %dma_start3A_121 = arith.constant 0 : i32
            %dma_start3A_122 = arith.constant 0 : i32
            %dma_start3A_123 = tpu.memref_slice %arg11[%dma_start3A, %dma_start3A_121, %dma_start3A_122] : memref<2x64x512xf32, #tpu.memory_space<vmem>> -> memref<1x64x128xf32, #tpu.memory_space<vmem>>
            %dma_start3A_124 = tpu.memref_squeeze %dma_start3A_123 : memref<1x64x128xf32, #tpu.memory_space<vmem>> -> memref<64x128xf32, #tpu.memory_space<vmem>>
            %dma_start3A_125 = arith.constant 0 : i32
            %dma_start3A_126 = tpu.memref_slice %arg3[%dma_start3A_125, %multiple_of3A] : memref<64x1000000xf32, #tpu.memory_space<hbm>> -> memref<64x128xf32, #tpu.memory_space<hbm>>
            tpu.enqueue_dma source(%dma_start3A_126 : memref<64x128xf32, #tpu.memory_space<hbm>>) target(%dma_start3A_124 : memref<64x128xf32, #tpu.memory_space<vmem>>) target_semaphore(%arg16 : memref<!tpu.dma_semaphore, #tpu.memory_space<semaphore_mem>>)
          } else {
          }
          scf.yield %while3A_100 : i32
        } else {
          scf.yield %cond3A_66 : i32
        }
        scf.yield %cond3A_79 : i32
      }
      %scan3A_44 = arith.constant 62 : i32
      %and3A = arith.constant 63 : i32
      %and3A_45 = arith.andi %scan3A_43, %and3A : i32
      %while3A = arith.constant 0 : i32
      %while3A_46 = arith.subi %and3A_45, %while3A : i32
      %while3A_47 = arith.addi %while3A, %while3A_46 : i32
      %while3A_48 = arith.constant 1 : i32
      %while3A_49 = arith.divsi %while3A_46, %while3A_48 : i32
      %while3A_50 = arith.muli %while3A_49, %while3A_48 : i32
      %while3A_51 = arith.addi %while3A, %while3A_50 : i32
      %while3A_52 = arith.constant 1 : i32
      scf.for %while3A_54 = %while3A to %while3A_51 step %while3A_52  : i32 {
        %dma_wait3A = arith.constant 0 : i32
        %dma_wait3A_55 = arith.constant 0 : i32
        %dma_wait3A_56 = tpu.memref_slice %arg12[%dma_wait3A, %dma_wait3A_55] : memref<64x64xf32, #tpu.memory_space<vmem>> -> memref<1x64xf32, #tpu.memory_space<vmem>>
        %dma_wait3A_57 = arith.constant 0 : i32
        %dma_wait3A_58 = arith.constant 0 : i32
        %dma_wait3A_59 = tpu.memref_slice %arg7[%dma_wait3A_57, %dma_wait3A_58] : memref<16384x64xf32, #tpu.memory_space<hbm>> -> memref<1x64xf32, #tpu.memory_space<hbm>>
        %dma_wait3A_60 = arith.constant 0 : i32
        %dma_wait3A_61 = arith.constant 0 : i32
        %dma_wait3A_62 = tpu.memref_slice %arg7[%dma_wait3A_60, %dma_wait3A_61] : memref<16384x64xf32, #tpu.memory_space<hbm>> -> memref<1x64xf32, #tpu.memory_space<hbm>>
        %dma_wait3A_63 = arith.constant 0 : i32
        %dma_wait3A_64 = arith.constant 0 : i32
        %dma_wait3A_65 = tpu.memref_slice %arg12[%dma_wait3A_63, %dma_wait3A_64] : memref<64x64xf32, #tpu.memory_space<vmem>> -> memref<1x64xf32, #tpu.memory_space<vmem>>
        tpu.wait_dma2 semaphore(%arg17 : memref<!tpu.dma_semaphore, #tpu.memory_space<semaphore_mem>>) src(%dma_wait3A_65 : memref<1x64xf32, #tpu.memory_space<vmem>>) dst(%dma_wait3A_62 : memref<1x64xf32, #tpu.memory_space<hbm>>)
      }
      %while3A_53 = arith.constant 1 : i32
      scf.for %while3A_54 = %while3A_51 to %while3A_47 step %while3A_53  : i32 {
        %dma_wait3A = arith.constant 0 : i32
        %dma_wait3A_55 = arith.constant 0 : i32
        %dma_wait3A_56 = tpu.memref_slice %arg12[%dma_wait3A, %dma_wait3A_55] : memref<64x64xf32, #tpu.memory_space<vmem>> -> memref<1x64xf32, #tpu.memory_space<vmem>>
        %dma_wait3A_57 = arith.constant 0 : i32
        %dma_wait3A_58 = arith.constant 0 : i32
        %dma_wait3A_59 = tpu.memref_slice %arg7[%dma_wait3A_57, %dma_wait3A_58] : memref<16384x64xf32, #tpu.memory_space<hbm>> -> memref<1x64xf32, #tpu.memory_space<hbm>>
        %dma_wait3A_60 = arith.constant 0 : i32
        %dma_wait3A_61 = arith.constant 0 : i32
        %dma_wait3A_62 = tpu.memref_slice %arg7[%dma_wait3A_60, %dma_wait3A_61] : memref<16384x64xf32, #tpu.memory_space<hbm>> -> memref<1x64xf32, #tpu.memory_space<hbm>>
        %dma_wait3A_63 = arith.constant 0 : i32
        %dma_wait3A_64 = arith.constant 0 : i32
        %dma_wait3A_65 = tpu.memref_slice %arg12[%dma_wait3A_63, %dma_wait3A_64] : memref<64x64xf32, #tpu.memory_space<vmem>> -> memref<1x64xf32, #tpu.memory_space<vmem>>
        tpu.wait_dma2 semaphore(%arg17 : memref<!tpu.dma_semaphore, #tpu.memory_space<semaphore_mem>>) src(%dma_wait3A_65 : memref<1x64xf32, #tpu.memory_space<vmem>>) dst(%dma_wait3A_62 : memref<1x64xf32, #tpu.memory_space<hbm>>)
      }
    } else {
    }
    return
  }
}

module attributes {stable_mosaic.version = 14 : i64} {
  func.func @_mlp_body(%arg0: i32, %arg1: memref<2048x64xf32, #tpu.memory_space<vmem>>, %arg2: memref<2048x64xf32, #tpu.memory_space<vmem>>, %arg3: memref<64x128xf32, #tpu.memory_space<vmem>>, %arg4: memref<128x1xf32, #tpu.memory_space<vmem>>, %arg5: memref<128x64xf32, #tpu.memory_space<vmem>>, %arg6: memref<64x1xf32, #tpu.memory_space<vmem>>, %arg7: memref<64x128xf32, #tpu.memory_space<vmem>>, %arg8: memref<128x1xf32, #tpu.memory_space<vmem>>, %arg9: memref<128x64xf32, #tpu.memory_space<vmem>>, %arg10: memref<64x1xf32, #tpu.memory_space<vmem>>, %arg11: memref<64x2048xf32, #tpu.memory_space<vmem>>, %arg12: memref<64x2048xf32, #tpu.memory_space<vmem>>) attributes {dimension_semantics = [#tpu.dimension_semantics<arbitrary>], iteration_bounds = array<i64: 8>, scalar_prefetch = 0 : i64, scratch_operands = 0 : i64, tpu.core_type = #tpu.core_type<tc>, window_params = [{transform_indices = @transform_0, window_bounds = array<i64: 2048, 64>}, {transform_indices = @transform_1, window_bounds = array<i64: 2048, 64>}, {pipeline_mode = #tpu.pipeline_mode<synchronous>, transform_indices = @transform_2, window_bounds = array<i64: 64, 128>}, {pipeline_mode = #tpu.pipeline_mode<synchronous>, transform_indices = @transform_3, window_bounds = array<i64: 128, 1>}, {pipeline_mode = #tpu.pipeline_mode<synchronous>, transform_indices = @transform_4, window_bounds = array<i64: 128, 64>}, {pipeline_mode = #tpu.pipeline_mode<synchronous>, transform_indices = @transform_5, window_bounds = array<i64: 64, 1>}, {pipeline_mode = #tpu.pipeline_mode<synchronous>, transform_indices = @transform_6, window_bounds = array<i64: 64, 128>}, {pipeline_mode = #tpu.pipeline_mode<synchronous>, transform_indices = @transform_7, window_bounds = array<i64: 128, 1>}, {pipeline_mode = #tpu.pipeline_mode<synchronous>, transform_indices = @transform_8, window_bounds = array<i64: 128, 64>}, {pipeline_mode = #tpu.pipeline_mode<synchronous>, transform_indices = @transform_9, window_bounds = array<i64: 64, 1>}, {transform_indices = @transform_10, window_bounds = array<i64: 64, 2048>}, {transform_indices = @transform_11, window_bounds = array<i64: 64, 2048>}]} {
    %get3A = arith.constant 0 : index
    %get3A_0 = arith.constant 0 : index
    %get3A_1 = vector.load %arg1[%get3A, %get3A_0] : memref<2048x64xf32, #tpu.memory_space<vmem>>, vector<2048x64xf32>
    %get3A_2 = arith.constant 0 : index
    %get3A_3 = arith.constant 0 : index
    %get3A_4 = vector.load %arg3[%get3A_2, %get3A_3] : memref<64x128xf32, #tpu.memory_space<vmem>>, vector<64x128xf32>
    %get3A_5 = arith.constant 0 : index
    %get3A_6 = arith.constant 0 : index
    %get3A_7 = vector.load %arg4[%get3A_5, %get3A_6] : memref<128x1xf32, #tpu.memory_space<vmem>>, vector<128x1xf32>
    %get3A_8 = arith.constant 0 : index
    %get3A_9 = arith.constant 0 : index
    %get3A_10 = vector.load %arg5[%get3A_8, %get3A_9] : memref<128x64xf32, #tpu.memory_space<vmem>>, vector<128x64xf32>
    %get3A_11 = arith.constant 0 : index
    %get3A_12 = arith.constant 0 : index
    %get3A_13 = vector.load %arg6[%get3A_11, %get3A_12] : memref<64x1xf32, #tpu.memory_space<vmem>>, vector<64x1xf32>
    %dot_general3A = arith.constant dense<0.000000e+00> : vector<128x2048xf32>
    %dot_general3A_14 = tpu.matmul %get3A_4, %get3A_1, %dot_general3A {dimension_numbers = #tpu.dot_dimension_numbers<[0], [1], [1], [0], [0, 1, 1, 0], [], []>, transpose_lhs_hint = false} : vector<64x128xf32>, vector<2048x64xf32>, vector<128x2048xf32> -> vector<128x2048xf32>
    %add3A = vector.broadcast %get3A_7 : vector<128x1xf32> to vector<128x2048xf32>
    %add3A_15 = arith.addf %dot_general3A_14, %add3A : vector<128x2048xf32>
    %max3A = arith.constant 0.000000e+00 : f32
    %max3A_16 = vector.broadcast %max3A : f32 to vector<128x2048xf32>
    %max3A_17 = arith.maximumf %add3A_15, %max3A_16 : vector<128x2048xf32>
    %dot_general3A_18 = arith.constant dense<0.000000e+00> : vector<64x2048xf32>
    %dot_general3A_19 = tpu.matmul %get3A_10, %max3A_17, %dot_general3A_18 {dimension_numbers = #tpu.dot_dimension_numbers<[0], [0], [1], [1], [0, 1, 1, 1], [], []>, transpose_lhs_hint = false} : vector<128x64xf32>, vector<128x2048xf32>, vector<64x2048xf32> -> vector<64x2048xf32>
    %add3A_20 = vector.broadcast %get3A_13 : vector<64x1xf32> to vector<64x2048xf32>
    %add3A_21 = arith.addf %dot_general3A_19, %add3A_20 : vector<64x2048xf32>
    %mul3A = arith.mulf %add3A_21, %add3A_21 : vector<64x2048xf32>
    %reduce_sum3A = arith.constant dense<0.000000e+00> : vector<2048xf32>
    %reduce_sum3A_22 = vector.multi_reduction <add>, %mul3A, %reduce_sum3A [0] : vector<64x2048xf32> to vector<2048xf32>
    %broadcast_in_dim3A = vector.shape_cast %reduce_sum3A_22 : vector<2048xf32> to vector<1x2048xf32>
    %sqrt3A = math.sqrt %broadcast_in_dim3A : vector<1x2048xf32>
    %max3A_23 = arith.constant 9.99999996E-13 : f32
    %max3A_24 = vector.broadcast %max3A_23 : f32 to vector<1x2048xf32>
    %max3A_25 = arith.maximumf %sqrt3A, %max3A_24 : vector<1x2048xf32>
    %div3A = vector.broadcast %max3A_25 : vector<1x2048xf32> to vector<64x2048xf32>
    %div3A_26 = arith.divf %add3A_21, %div3A : vector<64x2048xf32>
    %swap3A = arith.constant 0 : index
    %swap3A_27 = arith.constant 0 : index
    %swap3A_28 = vector.load %arg11[%swap3A, %swap3A_27] : memref<64x2048xf32, #tpu.memory_space<vmem>>, vector<64x2048xf32>
    tpu.vector_store %arg11[%swap3A, %swap3A_27], %div3A_26 {strides = array<i32>} : memref<64x2048xf32, #tpu.memory_space<vmem>>, vector<64x2048xf32>,
    %get3A_29 = arith.constant 0 : index
    %get3A_30 = arith.constant 0 : index
    %get3A_31 = vector.load %arg2[%get3A_29, %get3A_30] : memref<2048x64xf32, #tpu.memory_space<vmem>>, vector<2048x64xf32>
    %get3A_32 = arith.constant 0 : index
    %get3A_33 = arith.constant 0 : index
    %get3A_34 = vector.load %arg7[%get3A_32, %get3A_33] : memref<64x128xf32, #tpu.memory_space<vmem>>, vector<64x128xf32>
    %get3A_35 = arith.constant 0 : index
    %get3A_36 = arith.constant 0 : index
    %get3A_37 = vector.load %arg8[%get3A_35, %get3A_36] : memref<128x1xf32, #tpu.memory_space<vmem>>, vector<128x1xf32>
    %get3A_38 = arith.constant 0 : index
    %get3A_39 = arith.constant 0 : index
    %get3A_40 = vector.load %arg9[%get3A_38, %get3A_39] : memref<128x64xf32, #tpu.memory_space<vmem>>, vector<128x64xf32>
    %get3A_41 = arith.constant 0 : index
    %get3A_42 = arith.constant 0 : index
    %get3A_43 = vector.load %arg10[%get3A_41, %get3A_42] : memref<64x1xf32, #tpu.memory_space<vmem>>, vector<64x1xf32>
    %dot_general3A_44 = arith.constant dense<0.000000e+00> : vector<128x2048xf32>
    %dot_general3A_45 = tpu.matmul %get3A_34, %get3A_31, %dot_general3A_44 {dimension_numbers = #tpu.dot_dimension_numbers<[0], [1], [1], [0], [0, 1, 1, 0], [], []>, transpose_lhs_hint = false} : vector<64x128xf32>, vector<2048x64xf32>, vector<128x2048xf32> -> vector<128x2048xf32>
    %add3A_46 = vector.broadcast %get3A_37 : vector<128x1xf32> to vector<128x2048xf32>
    %add3A_47 = arith.addf %dot_general3A_45, %add3A_46 : vector<128x2048xf32>
    %max3A_48 = arith.constant 0.000000e+00 : f32
    %max3A_49 = vector.broadcast %max3A_48 : f32 to vector<128x2048xf32>
    %max3A_50 = arith.maximumf %add3A_47, %max3A_49 : vector<128x2048xf32>
    %dot_general3A_51 = arith.constant dense<0.000000e+00> : vector<64x2048xf32>
    %dot_general3A_52 = tpu.matmul %get3A_40, %max3A_50, %dot_general3A_51 {dimension_numbers = #tpu.dot_dimension_numbers<[0], [0], [1], [1], [0, 1, 1, 1], [], []>, transpose_lhs_hint = false} : vector<128x64xf32>, vector<128x2048xf32>, vector<64x2048xf32> -> vector<64x2048xf32>
    %add3A_53 = vector.broadcast %get3A_43 : vector<64x1xf32> to vector<64x2048xf32>
    %add3A_54 = arith.addf %dot_general3A_52, %add3A_53 : vector<64x2048xf32>
    %mul3A_55 = arith.mulf %add3A_54, %add3A_54 : vector<64x2048xf32>
    %reduce_sum3A_56 = arith.constant dense<0.000000e+00> : vector<2048xf32>
    %reduce_sum3A_57 = vector.multi_reduction <add>, %mul3A_55, %reduce_sum3A_56 [0] : vector<64x2048xf32> to vector<2048xf32>
    %broadcast_in_dim3A_58 = vector.shape_cast %reduce_sum3A_57 : vector<2048xf32> to vector<1x2048xf32>
    %sqrt3A_59 = math.sqrt %broadcast_in_dim3A_58 : vector<1x2048xf32>
    %max3A_60 = arith.constant 9.99999996E-13 : f32
    %max3A_61 = vector.broadcast %max3A_60 : f32 to vector<1x2048xf32>
    %max3A_62 = arith.maximumf %sqrt3A_59, %max3A_61 : vector<1x2048xf32>
    %div3A_63 = vector.broadcast %max3A_62 : vector<1x2048xf32> to vector<64x2048xf32>
    %div3A_64 = arith.divf %add3A_54, %div3A_63 : vector<64x2048xf32>
    %swap3A_65 = arith.constant 0 : index
    %swap3A_66 = arith.constant 0 : index
    %swap3A_67 = vector.load %arg12[%swap3A_65, %swap3A_66] : memref<64x2048xf32, #tpu.memory_space<vmem>>, vector<64x2048xf32>
    tpu.vector_store %arg12[%swap3A_65, %swap3A_66], %div3A_64 {strides = array<i32>} : memref<64x2048xf32, #tpu.memory_space<vmem>>, vector<64x2048xf32>,
    return
  }
  func.func @transform_0(%arg0: i32) -> (i32, i32) {
    %c0_i32 = arith.constant 0 : i32
    %c0_i32_0 = arith.constant 0 : i32
    return %arg0, %c0_i32 : i32, i32
  }
  func.func @transform_1(%arg0: i32) -> (i32, i32) {
    %c0_i32 = arith.constant 0 : i32
    %c0_i32_0 = arith.constant 0 : i32
    return %arg0, %c0_i32 : i32, i32
  }
  func.func @transform_2(%arg0: i32) -> (i32, i32) {
    %c0_i32 = arith.constant 0 : i32
    %c0_i32_0 = arith.constant 0 : i32
    %c0_i32_1 = arith.constant 0 : i32
    return %c0_i32, %c0_i32_0 : i32, i32
  }
  func.func @transform_3(%arg0: i32) -> (i32, i32) {
    %c0_i32 = arith.constant 0 : i32
    %c0_i32_0 = arith.constant 0 : i32
    %c0_i32_1 = arith.constant 0 : i32
    return %c0_i32, %c0_i32_0 : i32, i32
  }
  func.func @transform_4(%arg0: i32) -> (i32, i32) {
    %c0_i32 = arith.constant 0 : i32
    %c0_i32_0 = arith.constant 0 : i32
    %c0_i32_1 = arith.constant 0 : i32
    return %c0_i32, %c0_i32_0 : i32, i32
  }
  func.func @transform_5(%arg0: i32) -> (i32, i32) {
    %c0_i32 = arith.constant 0 : i32
    %c0_i32_0 = arith.constant 0 : i32
    %c0_i32_1 = arith.constant 0 : i32
    return %c0_i32, %c0_i32_0 : i32, i32
  }
  func.func @transform_6(%arg0: i32) -> (i32, i32) {
    %c0_i32 = arith.constant 0 : i32
    %c0_i32_0 = arith.constant 0 : i32
    %c0_i32_1 = arith.constant 0 : i32
    return %c0_i32, %c0_i32_0 : i32, i32
  }
  func.func @transform_7(%arg0: i32) -> (i32, i32) {
    %c0_i32 = arith.constant 0 : i32
    %c0_i32_0 = arith.constant 0 : i32
    %c0_i32_1 = arith.constant 0 : i32
    return %c0_i32, %c0_i32_0 : i32, i32
  }
  func.func @transform_8(%arg0: i32) -> (i32, i32) {
    %c0_i32 = arith.constant 0 : i32
    %c0_i32_0 = arith.constant 0 : i32
    %c0_i32_1 = arith.constant 0 : i32
    return %c0_i32, %c0_i32_0 : i32, i32
  }
  func.func @transform_9(%arg0: i32) -> (i32, i32) {
    %c0_i32 = arith.constant 0 : i32
    %c0_i32_0 = arith.constant 0 : i32
    %c0_i32_1 = arith.constant 0 : i32
    return %c0_i32, %c0_i32_0 : i32, i32
  }
  func.func @transform_10(%arg0: i32) -> (i32, i32) {
    %c0_i32 = arith.constant 0 : i32
    %c0_i32_0 = arith.constant 0 : i32
    return %c0_i32, %arg0 : i32, i32
  }
  func.func @transform_11(%arg0: i32) -> (i32, i32) {
    %c0_i32 = arith.constant 0 : i32
    %c0_i32_0 = arith.constant 0 : i32
    return %c0_i32, %arg0 : i32, i32
  }
}

</mosaic_0001>

<sc_bundles>
// kernel: kernel.4.cloned.1.call-start
scs
__scs_entry_jumppad:
0x0: {  	(pc) =	sbr.rel $0x88, $3  }
0x1: {  	(tag) =	ssettag $0x0;
	lr =	simm.s32 $0x1  }
0x2: {  	[smem:$0x3F95] =	sst lr;
	_ =	strace $0xD0000000  }
0x3: {  	_ = 	snop  }
0x4: {  	_ = 	snop  }
0x5: {  	_ = 	snop  }
0x6: {  	_ = 	snop  }
0x7: {  	_ = 	snop  }
__scs_overlays_trampoline_lowered:
0x8: {  	[smem:$0x3FA4] =	sst s0  }
0x9: {  	[smem:$0x3FA5] =	sst s1  }
0xa: {  	[smem:$0x3FA6] =	sst s2  }
0xb: {  	[smem:$0x3FA7] =	sst s3  }
0xc: {  	[smem:$0x3FA8] =	sst s4  }
0xd: {  	[smem:$0x3FA9] =	sst s5  }
0xe: {  	[smem:$0x3FAA] =	sst s6  }
0xf: {  	[smem:$0x3FAB] =	sst s7  }
0x10: {  	[smem:$0x3FAC] =	sst s8  }
0x11: {  	[smem:$0x3FAD] =	sst s9;
	s0 =	simm.s32 @!p0 $0x0  }
0x12: {  	s1 =	sld [smem:$0x3F93];
	s0 =	simm.s32 @p0 $0x1  }
0x13: {  	[smem:$0x3FAE] =	sst s0;
	s0 =	simm.s32 @!p1 $0x0  }
0x14: {  	s2 =	sld [smem:$0x3F92];
	s0 =	simm.s32 @p1 $0x1  }
0x15: {  	[smem:$0x3FAF] =	sst s0;
	s0 =	simm.s32 @!p2 $0x0  }
0x16: {  	s3 =	sld [smem:$0x3FDB];
	s0 =	simm.s32 @p2 $0x1  }
0x17: {  	s4 =	simm.s32 $0x1BF5;
	[smem:$0x3FB1] =	sst s0  }
0x18: {  	s0 =	sld [smem:$0x3F94];
	_ =	swait.ge [sflag:s4], $0x0  }
0x19: {  	s7 =	sld [smem:$0x3F95]  }
0x1a: {  	s8 =	sadd.s32 $0xFFFFE003, lr  }
0x1b: {  	s9 =	sadd.s32 $0xFFFFFEF7, lr;
	s5 =	simm.s32 $0xFFFFFFFF;
	p2 =	slt.u32 s8, $0xFFFFF086  }
0x1c: {  	p1 =	slt.u32 s9, $0xF7A;
	s5 =	simm.s32 @!p2 $0x0  }
0x1d: {  	s5 =	simm.s32 @p1 $0x1;
	p0 =	seq.s32 s7, s2  }
0x1e: {  	s7 =	smul.u32 @!p0 $0xF7A, s2;
	p2 =	seq.s32 @!p0 s5, $0x0  }
0x1f: {  	s9 =	smul.u32 $0xF7A, s1;
	s8 =	simm.s32 @!p0 $0x1BF5;
	p2 =	por !p2, p0  }
0x20: {  	[sflag:s8] =	ssyncset.s32 @!p0 $0xFFFFF086;
	s6 =	sadd.s32 @!p0 s3, s7;
	s7 =	simm.s32 @!p0 $0x108  }
0x21: {  	s3 =	sadd.s32 s3, s9;
	s6 =	sadd.s32 @!p0 $0x88, s6;
	s7 =	simm.s32 @p2 $0x1082  }
0x22: {  	[simem:s7], [sflag:s8] =	dma.local @!p0 [hbm:s6], $0xF7A  }
0x23: {  	s9 =	sor.u32 $0xD0000000, s2;
	s6 =	simm.s32 $0x108;
	_ =	swait.ge @!p0 [sflag:s8], $0x0  }
0x24: {  	s3 =	sadd.s32 $0x88, s3;
	s6 =	simm.s32 @!p1 $0x1082;
	[sflag:s4] =	ssyncset.s32 $0xFFFFF086  }
0x25: {  	[simem:s6], [sflag:s4] =	dma.local [hbm:s3], $0xF7A  }
0x26: {  	[smem:$0x3F95] =	sst s1;
	(tag) =	ssettag s2;
	_ =	strace s9  }
0x27: {  	s1 =	sld [smem:$0x3FA5]  }
0x28: {  	s2 =	sld [smem:$0x3FA6]  }
0x29: {  	s4 =	sld [smem:$0x3FA8]  }
0x2a: {  	p0 =	seq.s32 s5, $0x0;
	s5 =	sld [smem:$0x3FA9]  }
0x2b: {  	s6 =	sld [smem:$0x3FAA]  }
0x2c: {  	s7 =	sld [smem:$0x3FAB]  }
0x2d: {  	s3 =	simm.s32 $0x108;
	s8 =	sld [smem:$0x3FAC]  }
0x2e: {  	s3 =	simm.s32 @!p0 $0x1082;
	s9 =	sld [smem:$0x3FAD]  }
0x2f: {  	lr =	sadd.s32 s0, s3;
	s0 =	sld [smem:$0x3FA4]  }
0x30: {  	s3 =	sld [smem:$0x3FA7]  }
0x31: {  	[smem:$0x3FB0] =	sst s10  }
0x32: {  	s10 =	sld [smem:$0x3FAE];
	_ =	sdelay $0x3  }
0x33: {  	p0 =	seq.s32 s10, $0x1;
	s10 =	sld [smem:$0x3FB0];
	_ =	sdelay $0x3  }
0x34: {  	[smem:$0x3FB0] =	sst s10  }
0x35: {  	s10 =	sld [smem:$0x3FAF];
	_ =	sdelay $0x3  }
0x36: {  	p1 =	seq.s32 s10, $0x1;
	s10 =	sld [smem:$0x3FB0];
	_ =	sdelay $0x3  }
0x37: {  	[smem:$0x3FB0] =	sst s10  }
0x38: {  	s10 =	sld [smem:$0x3FB1]  }
0x39: {  	_ = 	snop;
	(pc) =	sbr.ind lr, $3  }
0x3a: {  	_ = 	snop  }
0x3b: {  	_ = 	snop  }
0x3c: {  	p2 =	seq.s32 s10, $0x1;
	s10 =	sld [smem:$0x3FB0]  }
0x3d: {  	_ =	shalt  }
0x3e: {  	_ =	shalt  }
0x3f: {  	_ =	shalt  }
0x40: {  	_ =	shalt  }
0x41: {  	_ =	shalt  }
0x42: {  	_ =	shalt  }
0x43: {  	_ =	shalt  }
0x44: {  	_ =	shalt  }
0x45: {  	_ =	shalt  }
0x46: {  	_ =	shalt  }
0x47: {  	_ =	shalt  }
0x48: {  	_ =	shalt  }
0x49: {  	_ =	shalt  }
0x4a: {  	_ =	shalt  }
0x4b: {  	_ =	shalt  }
0x4c: {  	_ =	shalt  }
0x4d: {  	_ =	shalt  }
0x4e: {  	_ =	shalt  }
0x4f: {  	_ =	shalt  }
0x50: {  	_ =	shalt  }
0x51: {  	_ =	shalt  }
0x52: {  	_ =	shalt  }
0x53: {  	_ =	shalt  }
0x54: {  	_ =	shalt  }
0x55: {  	_ =	shalt  }
0x56: {  	_ =	shalt  }
0x57: {  	_ =	shalt  }
0x58: {  	_ =	shalt  }
0x59: {  	_ =	shalt  }
0x5a: {  	_ =	shalt  }
0x5b: {  	_ =	shalt  }
0x5c: {  	_ =	shalt  }
0x5d: {  	_ =	shalt  }
0x5e: {  	_ =	shalt  }
0x5f: {  	_ =	shalt  }
0x60: {  	_ =	shalt  }
0x61: {  	_ =	shalt  }
0x62: {  	_ =	shalt  }
0x63: {  	_ =	shalt  }
0x64: {  	_ =	shalt  }
0x65: {  	_ =	shalt  }
0x66: {  	_ =	shalt  }
0x67: {  	_ =	shalt  }
0x68: {  	_ =	shalt  }
0x69: {  	_ =	shalt  }
0x6a: {  	_ =	shalt  }
0x6b: {  	_ =	shalt  }
0x6c: {  	_ =	shalt  }
0x6d: {  	_ =	shalt  }
0x6e: {  	_ =	shalt  }
0x6f: {  	_ =	shalt  }
0x70: {  	_ =	shalt  }
0x71: {  	_ =	shalt  }
0x72: {  	_ =	shalt  }
0x73: {  	_ =	shalt  }
0x74: {  	_ =	shalt  }
0x75: {  	_ =	shalt  }
0x76: {  	_ =	shalt  }
0x77: {  	_ =	shalt  }
0x78: {  	_ =	shalt  }
0x79: {  	_ =	shalt  }
0x7a: {  	_ =	shalt  }
0x7b: {  	_ =	shalt  }
0x7c: {  	_ =	shalt  }
0x7d: {  	_ =	shalt  }
0x7e: {  	_ =	shalt  }
0x7f: {  	_ =	shalt  }
0x80: {  	_ =	shalt  }
0x81: {  	_ =	shalt  }
0x82: {  	_ =	shalt  }
0x83: {  	_ =	shalt  }
0x84: {  	_ =	shalt  }
0x85: {  	_ =	shalt  }
0x86: {  	_ =	shalt  }
0x87: {  	_ =	shalt  }
.Lfunc_end0:
.L_simem_size_0:
called_computation_lowered:
.L_overlay_start_0:
0x88: {  	s2 =	sld [smem:$0x3FD9]  }
0x89: {  	s3 =	sld [smem:$0x3FFE];
	_ =	sdelay $0x1  }
0x8a: {  	s1 =	srdreg.scid  }
0x8b: {  	s0 =	sand.u32 $0x1, s1  }
0x8c: {  	s17 =	sshll.u32 s0, $0xA;
	s2 =	sadd.s32 s3, s2  }
0x8d: {  	s2 =	sadd.s32 s2, s17  }
0x8e: {  	[smem:$0x3FBC] =	sst s2  }
0x8f: {  	_ = 	snop  }
0x90: {  	s2 =	sld [smem:$0x3FC9]  }
0x91: {  	s18 =	sld [smem:$0x3FC8]  }
0x92: {  	s4 =	sld [smem:$0x3FC7]  }
0x93: {  	s5 =	sld [smem:$0x3FC6];
	(tm) =	ssettm $0x1  }
0x94: {  	s6 =	sld [smem:$0x3FFB];
	_ =	sdelay $0x3  }
0x95: {  	_ =	strace s6  }
0x96: {  	s6 =	sld [smem:$0x3FFC];
	_ =	sdelay $0x3  }
0x97: {  	_ =	strace s6  }
0x98: {  	s6 =	sld [smem:$0x3FFD];
	_ =	sdelay $0x3  }
0x99: {  	_ =	strace s6  }
0x9a: {  	_ =	strace $0x8FFFFFFF  }
0x9b: {  	s19 =	sld [smem:$0x3FDB];
	_ =	sdelay $0x1  }
0x9c: {  	s7 =	simm.s32 $_scs_section_size  }
0x9d: {  	s8 =	simm.s32 $_size__tile_overlayer_lowered;
	s9 =	simm.s32 $_tile_overlayer_lowered  }
0x9e: {  	s22 =	simm.s32 $0x1BFF;
	s21 =	sshll.u32 s9, $0x1;
	s6 =	sadd.s32 s7, s19  }
0x9f: {  	s10 =	simm.s32 $0x0;
	s20 =	sshll.u32 s8, $0x1;
	s8 =	sadd.s32 s21, s6  }
0xa0: {  	[timem:s10], [sflag:s22] =	dma.local [hbm:s8], s20  }
0xa1: {  	_ =	swait.ge [sflag:s22], s20  }
0xa2: {  	s7 =	ssub.s32 $0x0, s20;
	[sflag:s22] =	ssyncset.done $0x0  }
0xa3: {  	[sflag:s22] =	ssyncadd.s32 s7;
	_ =	sdelay $0x1  }
0xa4: {  	s23 =	simm.s32 $0x1B8B  }
0xa5: {  	_ =	swait.ge [sflag:s23], $0x1  }
0xa6: {  	[sflag:s23] =	ssyncset.done $0x0  }
0xa7: {  	s25 =	simm.s32 $0x1B8E;
	s24 =	sld [smem:$0x3FFE];
	[sflag:s23] =	ssyncadd.s32 $0xFFFFFFFF  }
0xa8: {  	s26 =	simm.s32 $execute0_lowered;
	[smem:$0x3FD2] =	sst s25  }
0xa9: {  	s8 =	sshll.u32 s26, $0x1;
	_ =	strace $0x80000046;
	[dreg:$0x1] =	wrdreg $0xFFFFFFFF  }
0xaa: {  	s28 =	simm.s32 $_size_execute0_lowered;
	s6 =	sadd.s32 s6, s8;
	[dreg:$0x0] =	wrdreg $0x0  }
0xab: {  	s8 =	sshll.u32 s28, $0x1;
	[dreg:$0x2] =	wrdreg s6  }
0xac: {  	[dreg:$0x3] =	wrdreg s8  }
0xad: {  	[dreg:$0x4] =	wrdreg $0xC0  }
0xae: {  	_ =	task [dreg:s10], $0x5FFFF  }
0xaf: {  	[dreg:$0x1] =	wrdreg $0xFFFFFFFF  }
0xb0: {  	[dreg:$0x0] =	wrdreg $0x60  }
0xb1: {  	[dreg:$0x2] =	wrdreg s4  }
0xb2: {  	[dreg:$0x3] =	wrdreg s5  }
0xb3: {  	[dreg:$0x4] =	wrdreg s2  }
0xb4: {  	[dreg:$0x5] =	wrdreg s18  }
0xb5: {  	[dreg:$0x6] =	wrdreg s24  }
0xb6: {  	[dreg:$0x7] =	wrdreg $0x9  }
0xb7: {  	_ =	task.clear_ibuf [dreg:s10], $0x8FFFF;
	_ =	strace $0x90000046  }
0xb8: {  	s29 =	simm.s32 $0x9;
	_ =	strace $0x80000048  }
0xb9: {  	_ =	swait.ge [sflag:s29], $0x1  }
0xba: {  	[sflag:s29] =	ssyncadd.s32 $0xFFFFFFFF  }
0xbb: {  	_ =	strace $0x90000048  }
0xbc: {  	_ =	sfence  }
0xbd: {  	s30 =	sld [smem:$0x0];
	_ =	sdelay $0x2  }
0xbe: {  	s31 =	sshll.u32 s1, $0xD;
	s1 =	sshrl.u32 s1, $0x2  }
0xbf: {  	s3 =	sand.u32 $0x4000, s31;
	s1 =	sadd.s32 s1, s30  }
0xc0: {  	s0 =	sor.u32 s3, s0;
	s1 =	sshll.u32 s1, $0x11  }
0xc1: {  	s0 =	sor.u32 s1, s0  }
0xc2: {  	s0 =	sadd.s32 $0x8F2B, s0  }
0xc3: {  	[sflag:s0] =	ssyncadd.remote.s32 $0x1  }
0xc4: {  	_ =	sfence.sel $0xFFFF  }
0xc5: {  	[dreg:$0x0] =	wrdreg $0xFFFFFFFF;
	(pc) =	sbr.abs _section_cstart, $3  }
0xc6: {  	[dreg:$0x1] =	wrdreg $0xFFFFFFFF  }
0xc7: {  	_ =	task.clear_ibuf [dreg:s10], $0x2FFFF;
	_ =	strace $0x9FFFFFFF  }
0xc8: {  	(tm) =	ssettm $0x7FFFFFFF  }
0xc9: {  	_ =	shalt  }
tec
execute0_lowered:
.L_overlay_start_1:
0x0: {  	(tag) =	ssettag $0x1  }
0x1: {  	v0 =	vimm.s32 $0x1380;
	vm14 =	vcmask $0x300;
	vm13 =	vcmask $0x704  }
0x2: {  	vm12 =	vcmask $0xB08;
	vm11 =	vcmask $0xF0C;
	vm10 =	vcmask $0x1310  }
0x3: {  	vm9 =	vcmask $0x1714;
	vm8 =	vcmask $0x1B18;
	vm7 =	vcmask $0x1F1C  }
0x4: {  	vm6 =	vcmask $0x2320;
	vm5 =	vcmask $0x2724;
	vm4 =	vcmask $0x2B28  }
0x5: {  	vm3 =	vcmask $0x2F2C;
	vm2 =	vcmask $0x3330;
	vm1 =	vcmask $0x3734  }
0x6: {  	vm0 =	vcmask $0x3B38;
	v3 =	vimm.s32 $0x3380;
	v4 =	vimm.s32 $0x5380  }
0x7: {  	v5 =	vimm.s32 $0x7380;
	v0 =	vsel vm14, $0x0, v0;
	v3 =	vsel vm14, $0x2000, v3  }
0x8: {  	v4 =	vsel vm14, $0x4000, v4;
	v5 =	vsel vm14, $0x6000, v5;
	v0 =	vsel vm13, $0x80, v0  }
0x9: {  	v3 =	vsel vm13, $0x2080, v3;
	v4 =	vsel vm13, $0x4080, v4;
	v5 =	vsel vm13, $0x6080, v5  }
0xa: {  	v0 =	vsel vm12, $0x100, v0;
	v3 =	vsel vm12, $0x2100, v3;
	v4 =	vsel vm12, $0x4100, v4  }
0xb: {  	v5 =	vsel vm12, $0x6100, v5;
	v0 =	vsel vm11, $0x180, v0;
	v3 =	vsel vm11, $0x2180, v3  }
0xc: {  	v4 =	vsel vm11, $0x4180, v4;
	v5 =	vsel vm11, $0x6180, v5;
	v0 =	vsel vm10, $0x200, v0  }
0xd: {  	s9 =	rddreg [dreg:$0x0];
	v3 =	vsel vm10, $0x2200, v3;
	v4 =	vsel vm10, $0x4200, v4;
	v5 =	vsel vm10, $0x6200, v5  }
0xe: {  	s10 =	rddreg [dreg:$0x1];
	v0 =	vsel vm9, $0x280, v0;
	v3 =	vsel vm9, $0x2280, v3;
	v4 =	vsel vm9, $0x4280, v4  }
0xf: {  	s0 =	stileid.u32;
	s1 =	rddreg [dreg:$0x4];
	s6 =	simm.s32 $0x0;
	v5 =	vsel vm9, $0x6280, v5;
	v0 =	vsel vm8, $0x300, v0;
	v3 =	vsel vm8, $0x2300, v3  }
0x10: {  	s2 =	srdreg.scid;
	s19 =	simm.s32 $0x1000;
	s20 =	simm.s32 $0x7A1400;
	v4 =	vsel vm8, $0x4300, v4;
	v5 =	vsel vm8, $0x6300, v5;
	v0 =	vsel vm7, $0x380, v0  }
0x11: {  	s21 =	simm.s32 $0xC000;
	s22 =	simm.s32 $0x14000;
	s23 =	simm.s32 $0x1E000;
	v3 =	vsel vm7, $0x2380, v3;
	v4 =	vsel vm7, $0x4380, v4;
	v5 =	vsel vm7, $0x6380, v5  }
0x12: {  	s24 =	simm.s32 $0x1E080;
	s25 =	simm.s32 $0x1C000;
	s26 =	simm.s32 $0x3;
	v0 =	vsel vm6, $0x1000, v0;
	v3 =	vsel vm6, $0x3000, v3;
	v4 =	vsel vm6, $0x5000, v4  }
0x13: {  	s14 =	simm.s32 $0x0;
	[smem:$0x7FF] =	sst s6;
	s2 =	sand.u32 $0x1, s2;
	v5 =	vsel vm6, $0x7000, v5;
	v0 =	vsel vm5, $0x1080, v0;
	v3 =	vsel vm5, $0x3080, v3  }
0x14: {  	s7 =	sadd.s32 $0x1E00, s1;
	s5 =	sshll.u32 s0, $0x9;
	s8 =	sadd.s32 $0x41E00, s1;
	v4 =	vsel vm5, $0x5080, v4;
	v5 =	vsel vm5, $0x7080, v5;
	v1 =	vsel vm4, $0x1100, v0  }
0x15: {  	s12 =	sadd.s32 $0xF4200, s9;
	s13 =	sadd.s32 $0x6000, s9;
	s15 =	sadd.s32 $0xF4200, s10;
	v0 =	vmov s0;
	v3 =	vsel vm4, $0x3100, v3;
	v4 =	vsel vm4, $0x5100, v4  }
0x16: {  	s16 =	sadd.s32 $0x6000, s10;
	_ =	strace $0x80000047;
	s3 =	ssub.s32 $0x2, s2;
	v5 =	vsel vm4, $0x7100, v5;
	v2 =	vsel vm3, $0x1180, v1;
	v1 =	vlaneseq.u32  }
0x17: {  	s29 =	sadd.s32 s9, s5;
	p0 =	seq.s32 s2, $0x1;
	s31 =	sadd.s32 s10, s5;
	v3 =	vsel vm3, $0x3180, v3;
	v4 =	vsel vm3, $0x5180, v4;
	v5 =	vsel vm3, $0x7180, v5  }
.Ltmp0:
0x18: {  	s5 =	simm.s32 $0x11000;
	[dreg:$0x6] =	wrdreg s29;
	v2 =	vsel vm2, $0x1200, v2;
	v3 =	vsel vm2, $0x3200, v3;
	v4 =	vsel vm2, $0x5200, v4;
	(pc) =	sbr.rel .LBB2_1-.Ltmp0, $4  }
0x19: {  	s4 =	sshrl.u32 s3, $0x1;
	s30 =	sadd.s32 $0x2000, s29;
	[dreg:$0x8] =	wrdreg s31;
	v7 =	vsel vm2, $0x7200, v5;
	v8 =	vor.u32 $0x30, v1;
	v2 =	vsel vm1, $0x1280, v2  }
0x1a: {  	s2 =	sadd.s32 $0x2000, s31;
	s28 =	ssub.s32 s3, s4;
	[dreg:$0x7] =	wrdreg s30;
	v3 =	vsel vm1, $0x3280, v3;
	v6 =	vsel vm1, $0x5280, v4;
	v4 =	vor.u32 $0x10, v1  }
0x1b: {  	s10 =	simm.s32 $0x2;
	[dreg:$0x9] =	wrdreg s2;
	s1 =	smax.u32 s28, $0x1;
	v7 =	vsel vm1, $0x7280, v7;
	v2 =	vsel vm0, $0x1300, v2;
	v3 =	vsel vm0, $0x3300, v3  }
0x1c: {  	s3 =	simm.s32 $0x12000;
	s4 =	simm.s32 $0x13000;
	[dreg:$0xa] =	wrdreg s1;
	v5 =	vsel vm0, $0x5300, v6;
	v6 =	vor.u32 $0x20, v1;
	v7 =	vsel vm0, $0x7300, v7  }
.LBB2_71:
0x1d: {  	[sflag:s26] =	ssyncadd.s32 $0xFFFFFF80  }
.LBB2_72:
0x1e: {  	s14 =	sadd.s32 $0x1, s14;
	s1 =	rddreg [dreg:$0xa]  }
0x1f: {  	p1 =	sne.s32 s14, s1  }
.Ltmp1:
0x20: {  	_ = 	snop;
	(pc) =	sbr.rel @!p1 .LBB2_73-.Ltmp1, $1  }
0x21: {  	_ =	sdelay $0x3  }
.LBB2_1:
.Ltmp2:
0x22: {  	(pc) =	sbr.rel @!p0 .LBB2_2-.Ltmp2, $2  }
0x23: {  	_ =	sdelay $0x2  }
0x24: {  	s1 =	simm.s32 $0x0  }
0x25: {  	s2 =	rddreg [dreg:$0x3];
	s31 =	simm.s32 $0x4  }
0x26: {  	[tilespmem:s1], [sflag:$0x4] =	stream.linear.gather [hbm4b:s2+s1], $0x4000, $0x38;
	[tilespmem:$0x1E100] =	vst v63  }
0x27: {  	_ =	swait.ge [sflag:s31], $0x4000  }
0x28: {  	[sflag:s31] =	ssyncset.done $0x0  }
0x29: {  	[sflag:s31] =	ssyncadd.s32 $0xFFFFC000  }
0x2a: {  	v9 =	vld [tilespmem:s1+$0x0];
	_ =	sdelay $0x4  }
0x2b: {  	v10 =	vshrl.u32 v9, $0x9  }
0x2c: {  	v10 =	vand.u32 $0xF, v10  }
0x2d: {  	vm0 =	veq.s32 v10, v0  }
0x2e: {  	v10 =	vmpcnt.ones.xlane vm0;
	_ =	sdelay $0x1  }
0x2f: {  	v10 =	vxor.u32 $0x80000000, v10  }
0x30: {  	(xrf0) =	vmax.scan.msk.u32 $0xffff, v10;
	_ =	sdelay $0x5  }
0x31: {  	[tilespmem:s1+$0x4000] =	vst.msk vm0, v9;
	v9 =	vor.u32 s1, v1;
	v10, _, _ =	vpop (xrf0)  }
0x32: {  	s2 =	simm.s32 $0x10;
	[tilespmem:s1+$0x8000] =	vst.msk vm0, v9;
	(v2sf) =	vpush v10, $0xF  }
0x33: {  	s9 =	simm.s32 $0x20;
	s11 =	simm.s32 $0x10;
	v9 =	vld [tilespmem:s2+$0x0]  }
.LBB2_38:
0x34: {  	p1 =	sne.s32 s9, $0x3FF0;
	_ =	sdelay $0x3  }
0x35: {  	v10 =	vshrl.u32 v9, $0x9  }
0x36: {  	v10 =	vand.u32 $0xF, v10  }
0x37: {  	vm0 =	veq.s32 v10, v0  }
0x38: {  	v10 =	vmpcnt.ones.xlane vm0;
	_ =	sdelay $0x1  }
0x39: {  	v10 =	vxor.u32 $0x80000000, v10  }
0x3a: {  	(xrf0) =	vmax.scan.msk.u32 $0xffff, v10;
	_ =	sdelay $0x2  }
0x3b: {  	s17 =	spop (v2sf)  }
.Ltmp3:
0x3c: {  	s1 =	sadd.s32 s17, s1;
	(pc) =	sbr.rel @p1 .LBB2_38-.Ltmp3, $4  }
0x3d: {  	s1 =	sadd.s32 $0x80000000, s1  }
0x3e: {  	[tilespmem:s1+$0x4000] =	vst.msk vm0, v9;
	v9 =	vor.u32 s2, v1;
	v10, _, _ =	vpop (xrf0);
	s2 =	smov.u32 s9  }
0x3f: {  	s11 =	sadd.s32 $0x10, s11;
	[tilespmem:s1+$0x8000] =	vst.msk vm0, v9;
	(v2sf) =	vpush v10, $0xF  }
0x40: {  	s9 =	sadd.s32 $0x10, s9;
	v9 =	vld [tilespmem:s11+$0x0]  }
0x41: {  	_ =	sdelay $0x3  }
0x42: {  	v10 =	vshrl.u32 v9, $0x9  }
0x43: {  	v10 =	vand.u32 $0xF, v10  }
0x44: {  	vm0 =	veq.s32 v10, v0  }
0x45: {  	v10 =	vmpcnt.ones.xlane vm0;
	_ =	sdelay $0x1  }
0x46: {  	v10 =	vxor.u32 $0x80000000, v10  }
0x47: {  	(xrf0) =	vmax.scan.msk.u32 $0xffff, v10;
	_ =	sdelay $0x5  }
0x48: {  	v10, _, _ =	vpop (xrf0)  }
0x49: {  	(v2sf) =	vpush v10, $0xF;
	_ =	sdelay $0x6  }
0x4a: {  	s9 =	spop (v2sf)  }
0x4b: {  	s1 =	sadd.s32 s9, s1  }
0x4c: {  	s1 =	sadd.s32 $0x80000000, s1  }
0x4d: {  	[tilespmem:s1+$0x4000] =	vst.msk vm0, v9;
	v9 =	vor.u32 s2, v1  }
0x4e: {  	s30 =	rddreg [dreg:$0x8];
	[tilespmem:s1+$0x8000] =	vst.msk vm0, v9  }
0x4f: {  	[tilespmem:s21], [sflag:$0x1] =	stream.strided.gather [hbm4b:s30+s19], $0x8000, s20, s19, $0x38;
	[tilespmem:$0x1E100] =	vst v63  }
0x50: {  	s31 =	rddreg [dreg:$0x9]  }
0x51: {  	[tilespmem:s22], [sflag:$0x2] =	stream.strided.gather [hbm4b:s31+s19], $0x8000, s20, s19, $0x38;
	[tilespmem:$0x1E100] =	vst v63  }
0x52: {  	s18 =	spop (v2sf)  }
.Ltmp4:
0x53: {  	s28 =	sadd.s32 s18, s1;
	(pc) =	sbr.rel .LBB2_40-.Ltmp4, $4  }
0x54: {  	s29 =	sadd.s32 $0x80000000, s28  }
0x55: {  	s1 =	sadd.s32 $0xF, s29  }
0x56: {  	s11 =	sshra.s32 s1, $0x4  }
0x57: {  	s17 =	simm.s32 $0x0;
	s9 =	simm.s32 $0x0;
	p1 =	slt.s32 s11, $0x1  }
.LBB2_66:
0x58: {  	p2 =	sgt.u32 s18, $0x770  }
0x59: {  	s1 =	sshll.u32 @!p2 s18, $0x9;
	s2 =	simm.s32 @!p2 $0x1000  }
0x5a: {  	s18 =	simm.s32 @!p2 $0x7A1400;
	s28 =	simm.s32 @!p2 $0x14000;
	s1 =	sadd.s32 @!p2 s1, s16  }
0x5b: {  	[tilespmem:s28], [sflag:$0x2] =	stream.strided.gather @!p2 [hbm4b:s1+s2], $0x8000, s18, s2, $0x38;
	[tilespmem:$0x1E100] =	vst v63  }
.LBB2_67:
0x5c: {  	s17 =	sadd.s32 $0x1, s17  }
0x5d: {  	p2 =	sne.s32 s17, $0x3E  }
.Ltmp5:
0x5e: {  	_ = 	snop;
	(pc) =	sbr.rel @!p2 .LBB2_68-.Ltmp5, $1  }
0x5f: {  	_ =	sdelay $0x3  }
.LBB2_40:
0x60: {  	s1 =	sshll.u32 s17, $0x5  }
0x61: {  	s18 =	sor.u32 s0, s1  }
0x62: {  	p2 =	sgt.u32 s18, $0x7A1  }
.Ltmp6:
0x63: {  	_ = 	snop;
	(pc) =	sbr.rel @p2 .LBB2_53-.Ltmp6, $1  }
0x64: {  	_ =	sdelay $0x3  }
0x65: {  	p2 =	seq.s32 s18, $0x7A1  }
0x66: {  	s1 =	simm.s32 @p2 $0x1  }
0x67: {  	_ =	swait.ge @p2 [sflag:s1], $0x2000  }
.Ltmp7:
0x68: {  	[sflag:s1] =	ssyncset.done @p2 $0x0;
	(pc) =	sbr.rel @p1 .LBB2_51-.Ltmp7, $4  }
0x69: {  	[sflag:s1] =	ssyncadd.s32 @p2 $0xFFFFE000;
	s1 =	simm.s32 @!p2 $0x1  }
0x6a: {  	_ =	swait.ge @!p2 [sflag:s1], $0x8000  }
0x6b: {  	[sflag:s1] =	ssyncset.done @!p2 $0x0  }
0x6c: {  	[sflag:s1] =	ssyncadd.s32 @!p2 $0xFFFF8000  }
.Ltmp8:
0x6d: {  	(pc) =	sbr.rel .LBB2_43-.Ltmp8, $2  }
0x6e: {  	_ =	sdelay $0x2  }
0x6f: {  	v9 =	vmov s18;
	s1 =	simm.s32 $0x0  }
.LBB2_50:
0x70: {  	s1 =	sadd.s32 $0x1, s1  }
0x71: {  	p2 =	sne.s32 s1, s11  }
.Ltmp9:
0x72: {  	_ = 	snop;
	(pc) =	sbr.rel @!p2 .LBB2_51-.Ltmp9, $1  }
0x73: {  	_ =	sdelay $0x3  }
.LBB2_43:
0x74: {  	s28 =	sshll.u32 s1, $0x4  }
0x75: {  	v10 =	vld [tilespmem:s28+$0x4000];
	_ =	sdelay $0x4  }
0x76: {  	v11 =	vshra.s32 v10, $0x9  }
0x77: {  	vm0 =	veq.s32 v11, v9  }
0x78: {  	v11 =	vmpcnt.ones.xlane vm0;
	_ =	sdelay $0x1  }
0x79: {  	v11 =	vxor.u32 $0x80000000, v11  }
0x7a: {  	(xrf0) =	vmax.scan.msk.u32 $0xffff, v11;
	_ =	sdelay $0x5  }
0x7b: {  	v11, _, _ =	vpop (xrf0)  }
0x7c: {  	(v2sf) =	vpush v11, $0xF;
	_ =	sdelay $0xe  }
0x7d: {  	s2 =	spop (v2sf)  }
0x7e: {  	s2 =	sxor.u32 $0x80000000, s2  }
0x7f: {  	p2 =	slt.s32 s2, $0x1  }
.Ltmp10:
0x80: {  	_ = 	snop;
	(pc) =	sbr.rel @p2 .LBB2_50-.Ltmp10, $1  }
0x81: {  	_ =	sdelay $0x3  }
0x82: {  	v11 =	vld [tilespmem:s28+$0x8000]  }
.Ltmp11:
0x83: {  	_ = 	snop;
	(pc) =	sbr.rel .LBB2_45-.Ltmp11, $4  }
0x84: {  	_ = 	snop  }
0x85: {  	v10 =	vand.u32 $0x1FF, v10  }
0x86: {  	[tilespmem:s23+$0x0] =	vst.msk vm0, v10  }
0x87: {  	s28 =	simm.s32 $0x0;
	[tilespmem:s24+$0x0] =	vst.msk vm0, v11  }
.LBB2_49:
0x88: {  	s28 =	sadd.s32 $0x1, s28  }
0x89: {  	p2 =	sne.s32 s28, s2  }
.Ltmp12:
0x8a: {  	_ = 	snop;
	(pc) =	sbr.rel @!p2 .LBB2_50-.Ltmp12, $2  }
0x8b: {  	_ =	sdelay $0x2  }
0x8c: {  	s9 =	sadd.s32 $0x1, s9  }
.LBB2_45:
0x8d: {  	v10 =	vld [tilespmem:$0x1E000];
	_ =	sdelay $0x3  }
0x8e: {  	v11 =	vmov s28  }
0x8f: {  	vm0 =	veq.s32 v11, v1;
	v10 =	vxor.u32 $0x80000000, v10  }
0x90: {  	v10 =	vnsel vm0, $0x80000000, v10  }
0x91: {  	(xrf0) =	vmax.scan.msk.u32 $0xffff, v10;
	_ =	sdelay $0x5  }
0x92: {  	v10, _, _ =	vpop (xrf0)  }
0x93: {  	v10 =	vbroadcast v10, $0xF  }
0x94: {  	v11 =	vld [tilespmem:$0x1E080]  }
0x95: {  	v12 =	vshll.u32 v10, $0x3  }
0x96: {  	v10 =	vand.u32 $0x7F, v10;
	v12 =	vand.u32 $0xFFFFFC00, v12  }
0x97: {  	v10 =	vor.u32 v10, v12  }
0x98: {  	v12 =	vadd.s32 v2, v10  }
0x99: {  	v11 =	vxor.u32 $0x80000000, v11  }
0x9a: {  	v11 =	vnsel vm0, $0x80000000, v11  }
0x9b: {  	s29 =	sand.u32 $0x3F, s9;
	(xrf0) =	vmax.scan.msk.u32 $0xffff, v11  }
0x9c: {  	s30 =	sshll.u32 s29, $0x7  }
0x9d: {  	v60 =	vor.u32 s30, v1;
	v11 =	vld.idx.msk [tilespmem:v12+s21+$0x0], $0xffff  }
0x9e: {  	v13 =	vadd.s32 v3, v10;
	_ =	sdelay $0x2  }
0x9f: {  	v14, _, _ =	vpop (xrf0)  }
0xa0: {  	(v2sf) =	vpush v14, $0xF;
	[tilespmem:v60+s25+$0x0] =	vst.idx.msk $0xffff, v11  }
0xa1: {  	v61 =	vor.u32 s30, v4;
	v11 =	vld.idx.msk [tilespmem:v13+s21+$0x0], $0xffff  }
0xa2: {  	v62 =	vadd.s32 v5, v10;
	_ =	sdelay $0x3  }
0xa3: {  	[tilespmem:v61+s25+$0x0] =	vst.idx.msk $0xffff, v11  }
0xa4: {  	v63 =	vor.u32 s30, v6;
	v11 =	vld.idx.msk [tilespmem:v62+s21+$0x0], $0xffff  }
0xa5: {  	v10 =	vadd.s32 v7, v10;
	_ =	sdelay $0x3  }
0xa6: {  	[tilespmem:v63+s25+$0x0] =	vst.idx.msk $0xffff, v11  }
0xa7: {  	v11 =	vor.u32 s30, v8;
	v10 =	vld.idx.msk [tilespmem:v10+s21+$0x0], $0xffff  }
0xa8: {  	p2 =	sne.s32 s29, $0x3F  }
.Ltmp13:
0xa9: {  	s31 =	spop (v2sf);
	(pc) =	sbr.rel @p2 .LBB2_49-.Ltmp13, $4  }
0xaa: {  	s31 =	sshll.u32 s31, $0x4  }
0xab: {  	s31 =	sand.u32 $0x1FFFFFF0, s31  }
0xac: {  	s29 =	simm.s32 $0x40;
	s31 =	sadd.s32 s8, s31;
	s30 =	sor.u32 $0x1C000, s30;
	[tilespmem:v11+s25+$0x0] =	vst.idx.msk $0xffff, v10  }
0xad: {  	[hbm4b:s31+s6] =	stream.linear.scatter [tilespmem:s30], [sflag:$0x3], $0x80, $0x38;
	[tilespmem:$0x1E100] =	vst v63  }
0xae: {  	_ =	swait.ge [sflag:s26], $0x80  }
0xaf: {  	s29 =	sadd.s32 $0xFFFFFFFF, s29;
	[sflag:s26] =	ssyncset.done $0x0  }
.LBB2_47:
0xb0: {  	p2 =	sne.s32 s29, $0x1;
	s29 =	sadd.s32 $0xFFFFFFFF, s29;
	[sflag:s26] =	ssyncadd.s32 $0xFFFFFF80  }
.Ltmp14:
0xb1: {  	(pc) =	sbr.rel @p2 .LBB2_47-.Ltmp14, $3  }
0xb2: {  	_ =	sdelay $0x1  }
0xb3: {  	_ =	swait.ge [sflag:s26], $0x80  }
0xb4: {  	[sflag:s26] =	ssyncset.done $0x0  }
.Ltmp15:
0xb5: {  	(pc) =	sbr.rel .LBB2_49-.Ltmp15, $2  }
0xb6: {  	_ =	sdelay $0x2  }
0xb7: {  	[sflag:s26] =	ssyncadd.s32 $0xFFFFFF80  }
.LBB2_51:
0xb8: {  	p2 =	sgt.u32 s18, $0x780  }
.Ltmp16:
0xb9: {  	_ = 	snop;
	(pc) =	sbr.rel @p2 .LBB2_54-.Ltmp16, $2  }
0xba: {  	_ =	sdelay $0x2  }
0xbb: {  	s1 =	sadd.s32 $0x20, s18  }
.Ltmp17:
0xbc: {  	(pc) =	sbr.rel .LBB2_53-.Ltmp17, $4  }
0xbd: {  	_ = 	snop  }
0xbe: {  	s1 =	sshll.u32 s1, $0x9;
	s2 =	rddreg [dreg:$0x1]  }
0xbf: {  	s1 =	sadd.s32 s2, s1  }
0xc0: {  	[tilespmem:s21], [sflag:$0x1] =	stream.strided.gather [hbm4b:s1+s19], $0x8000, s20, s19, $0x38;
	[tilespmem:$0x1E100] =	vst v63  }
.LBB2_54:
0xc1: {  	p2 =	sne.s32 s1, $0x7A1  }
.Ltmp18:
0xc2: {  	_ = 	snop;
	(pc) =	sbr.rel @p2 .LBB2_53-.Ltmp18, $1  }
0xc3: {  	_ =	sdelay $0x3  }
0xc4: {  	[tilespmem:s21], [sflag:$0x1] =	stream.linear.gather [hbm4b:s15+s6], $0x400, $0x38;
	[tilespmem:$0x1E100] =	vst v63  }
0xc5: {  	s1 =	sadd.s32 $0xF4280, s15;
	s2 =	simm.s32 $0xD000  }
0xc6: {  	[tilespmem:s2], [sflag:$0x1] =	stream.linear.gather [hbm4b:s1+s6], $0x400, $0x38;
	[tilespmem:$0x1E100] =	vst v63  }
0xc7: {  	s28 =	sadd.s32 $0x1E8500, s15;
	s29 =	simm.s32 $0xE000  }
0xc8: {  	[tilespmem:s29], [sflag:$0x1] =	stream.linear.gather [hbm4b:s28+s6], $0x400, $0x38;
	[tilespmem:$0x1E100] =	vst v63  }
0xc9: {  	s30 =	sadd.s32 $0x2DC780, s15;
	s31 =	simm.s32 $0xF000  }
0xca: {  	[tilespmem:s31], [sflag:$0x1] =	stream.linear.gather [hbm4b:s30+s6], $0x400, $0x38;
	[tilespmem:$0x1E100] =	vst v63  }
0xcb: {  	s2 =	sadd.s32 $0x3D0A00, s15;
	s28 =	simm.s32 $0x10000  }
0xcc: {  	[tilespmem:s28], [sflag:$0x1] =	stream.linear.gather [hbm4b:s2+s6], $0x400, $0x38;
	[tilespmem:$0x1E100] =	vst v63  }
0xcd: {  	s29 =	sadd.s32 $0x4C4C80, s15  }
0xce: {  	[tilespmem:s5], [sflag:$0x1] =	stream.linear.gather [hbm4b:s29+s6], $0x400, $0x38;
	[tilespmem:$0x1E100] =	vst v63  }
.Ltmp19:
0xcf: {  	_ = 	snop;
	(pc) =	sbr.rel .LBB2_56-.Ltmp19, $4  }
0xd0: {  	s30 =	sadd.s32 $0x5B8F00, s15  }
0xd1: {  	[tilespmem:s3], [sflag:$0x1] =	stream.linear.gather [hbm4b:s30+s6], $0x400, $0x38;
	[tilespmem:$0x1E100] =	vst v63  }
0xd2: {  	s1 =	simm.s32 $0x791;
	s31 =	sadd.s32 $0x6AD180, s15  }
0xd3: {  	[tilespmem:s4], [sflag:$0x1] =	stream.linear.gather [hbm4b:s31+s6], $0x400, $0x38;
	[tilespmem:$0x1E100] =	vst v63  }
.LBB2_53:
0xd4: {  	s1 =	sor.u32 $0x10, s18  }
0xd5: {  	p2 =	sgt.u32 s1, $0x7A1  }
.Ltmp20:
0xd6: {  	_ = 	snop;
	(pc) =	sbr.rel @p2 .LBB2_67-.Ltmp20, $1  }
0xd7: {  	_ =	sdelay $0x3  }
.LBB2_56:
.Ltmp21:
0xd8: {  	(pc) =	sbr.rel @p1 .LBB2_66-.Ltmp21, $4  }
0xd9: {  	_ = 	snop  }
0xda: {  	_ =	swait.ge [sflag:s10], $0x8000  }
0xdb: {  	[sflag:s10] =	ssyncset.done $0x0  }
0xdc: {  	[sflag:s10] =	ssyncadd.s32 $0xFFFF8000  }
.Ltmp22:
0xdd: {  	(pc) =	sbr.rel .LBB2_58-.Ltmp22, $2  }
0xde: {  	_ =	sdelay $0x2  }
0xdf: {  	v9 =	vmov s1;
	s1 =	simm.s32 $0x0  }
.LBB2_65:
0xe0: {  	s1 =	sadd.s32 $0x1, s1  }
0xe1: {  	p2 =	sne.s32 s1, s11  }
.Ltmp23:
0xe2: {  	_ = 	snop;
	(pc) =	sbr.rel @!p2 .LBB2_66-.Ltmp23, $1  }
0xe3: {  	_ =	sdelay $0x3  }
.LBB2_58:
0xe4: {  	s28 =	sshll.u32 s1, $0x4  }
0xe5: {  	v10 =	vld [tilespmem:s28+$0x4000];
	_ =	sdelay $0x4  }
0xe6: {  	v11 =	vshra.s32 v10, $0x9  }
0xe7: {  	vm0 =	veq.s32 v11, v9  }
0xe8: {  	v11 =	vmpcnt.ones.xlane vm0;
	_ =	sdelay $0x1  }
0xe9: {  	v11 =	vxor.u32 $0x80000000, v11  }
0xea: {  	(xrf0) =	vmax.scan.msk.u32 $0xffff, v11;
	_ =	sdelay $0x5  }
0xeb: {  	v11, _, _ =	vpop (xrf0)  }
0xec: {  	(v2sf) =	vpush v11, $0xF;
	_ =	sdelay $0xe  }
0xed: {  	s2 =	spop (v2sf)  }
0xee: {  	s2 =	sxor.u32 $0x80000000, s2  }
0xef: {  	p2 =	slt.s32 s2, $0x1  }
.Ltmp24:
0xf0: {  	_ = 	snop;
	(pc) =	sbr.rel @p2 .LBB2_65-.Ltmp24, $1  }
0xf1: {  	_ =	sdelay $0x3  }
0xf2: {  	v11 =	vld [tilespmem:s28+$0x8000]  }
.Ltmp25:
0xf3: {  	_ = 	snop;
	(pc) =	sbr.rel .LBB2_60-.Ltmp25, $4  }
0xf4: {  	_ = 	snop  }
0xf5: {  	v10 =	vand.u32 $0x1FF, v10  }
0xf6: {  	[tilespmem:s23+$0x0] =	vst.msk vm0, v10  }
0xf7: {  	s28 =	simm.s32 $0x0;
	[tilespmem:s24+$0x0] =	vst.msk vm0, v11  }
.LBB2_64:
0xf8: {  	s28 =	sadd.s32 $0x1, s28  }
0xf9: {  	p2 =	sne.s32 s28, s2  }
.Ltmp26:
0xfa: {  	_ = 	snop;
	(pc) =	sbr.rel @!p2 .LBB2_65-.Ltmp26, $2  }
0xfb: {  	_ =	sdelay $0x2  }
0xfc: {  	s9 =	sadd.s32 $0x1, s9  }
.LBB2_60:
0xfd: {  	v10 =	vld [tilespmem:$0x1E000];
	_ =	sdelay $0x3  }
0xfe: {  	v11 =	vmov s28  }
0xff: {  	vm0 =	veq.s32 v11, v1;
	v10 =	vxor.u32 $0x80000000, v10  }
0x100: {  	v10 =	vnsel vm0, $0x80000000, v10  }
0x101: {  	(xrf0) =	vmax.scan.msk.u32 $0xffff, v10;
	_ =	sdelay $0x5  }
0x102: {  	v10, _, _ =	vpop (xrf0)  }
0x103: {  	v10 =	vbroadcast v10, $0xF  }
0x104: {  	v11 =	vld [tilespmem:$0x1E080]  }
0x105: {  	v12 =	vshll.u32 v10, $0x3  }
0x106: {  	v10 =	vand.u32 $0x7F, v10;
	v12 =	vand.u32 $0xFFFFFC00, v12  }
0x107: {  	v10 =	vor.u32 v10, v12  }
0x108: {  	v12 =	vadd.s32 v2, v10  }
0x109: {  	v11 =	vxor.u32 $0x80000000, v11  }
0x10a: {  	v11 =	vnsel vm0, $0x80000000, v11  }
0x10b: {  	s29 =	sand.u32 $0x3F, s9;
	(xrf0) =	vmax.scan.msk.u32 $0xffff, v11  }
0x10c: {  	s30 =	sshll.u32 s29, $0x7  }
0x10d: {  	v60 =	vor.u32 s30, v1;
	v11 =	vld.idx.msk [tilespmem:v12+s22+$0x0], $0xffff  }
0x10e: {  	v13 =	vadd.s32 v3, v10;
	_ =	sdelay $0x2  }
0x10f: {  	v14, _, _ =	vpop (xrf0)  }
0x110: {  	(v2sf) =	vpush v14, $0xF;
	[tilespmem:v60+s25+$0x0] =	vst.idx.msk $0xffff, v11  }
0x111: {  	v61 =	vor.u32 s30, v4;
	v11 =	vld.idx.msk [tilespmem:v13+s22+$0x0], $0xffff  }
0x112: {  	v62 =	vadd.s32 v5, v10;
	_ =	sdelay $0x3  }
0x113: {  	[tilespmem:v61+s25+$0x0] =	vst.idx.msk $0xffff, v11  }
0x114: {  	v63 =	vor.u32 s30, v6;
	v11 =	vld.idx.msk [tilespmem:v62+s22+$0x0], $0xffff  }
0x115: {  	v10 =	vadd.s32 v7, v10;
	_ =	sdelay $0x3  }
0x116: {  	[tilespmem:v63+s25+$0x0] =	vst.idx.msk $0xffff, v11  }
0x117: {  	v11 =	vor.u32 s30, v8;
	v10 =	vld.idx.msk [tilespmem:v10+s22+$0x0], $0xffff  }
0x118: {  	p2 =	sne.s32 s29, $0x3F  }
.Ltmp27:
0x119: {  	s31 =	spop (v2sf);
	(pc) =	sbr.rel @p2 .LBB2_64-.Ltmp27, $4  }
0x11a: {  	s31 =	sshll.u32 s31, $0x4  }
0x11b: {  	s31 =	sand.u32 $0x1FFFFFF0, s31  }
0x11c: {  	s29 =	simm.s32 $0x40;
	s31 =	sadd.s32 s8, s31;
	s30 =	sor.u32 $0x1C000, s30;
	[tilespmem:v11+s25+$0x0] =	vst.idx.msk $0xffff, v10  }
0x11d: {  	[hbm4b:s31+s6] =	stream.linear.scatter [tilespmem:s30], [sflag:$0x3], $0x80, $0x38;
	[tilespmem:$0x1E100] =	vst v63  }
0x11e: {  	_ =	swait.ge [sflag:s26], $0x80  }
0x11f: {  	s29 =	sadd.s32 $0xFFFFFFFF, s29;
	[sflag:s26] =	ssyncset.done $0x0  }
.LBB2_62:
0x120: {  	p2 =	sne.s32 s29, $0x1;
	s29 =	sadd.s32 $0xFFFFFFFF, s29;
	[sflag:s26] =	ssyncadd.s32 $0xFFFFFF80  }
.Ltmp28:
0x121: {  	(pc) =	sbr.rel @p2 .LBB2_62-.Ltmp28, $3  }
0x122: {  	_ =	sdelay $0x1  }
0x123: {  	_ =	swait.ge [sflag:s26], $0x80  }
0x124: {  	[sflag:s26] =	ssyncset.done $0x0  }
.Ltmp29:
0x125: {  	(pc) =	sbr.rel .LBB2_64-.Ltmp29, $2  }
0x126: {  	_ =	sdelay $0x2  }
0x127: {  	[sflag:s26] =	ssyncadd.s32 $0xFFFFFF80  }
.LBB2_2:
0x128: {  	s2 =	rddreg [dreg:$0x2];
	s31 =	simm.s32 $0x4  }
0x129: {  	[tilespmem:s1], [sflag:$0x4] =	stream.linear.gather [hbm4b:s2+s1], $0x4000, $0x38;
	[tilespmem:$0x1E100] =	vst v63  }
0x12a: {  	_ =	swait.ge [sflag:s31], $0x4000  }
0x12b: {  	[sflag:s31] =	ssyncset.done $0x0  }
0x12c: {  	[sflag:s31] =	ssyncadd.s32 $0xFFFFC000  }
0x12d: {  	v9 =	vld [tilespmem:s1+$0x0];
	_ =	sdelay $0x4  }
0x12e: {  	v10 =	vshrl.u32 v9, $0x9  }
0x12f: {  	v10 =	vand.u32 $0xF, v10  }
0x130: {  	vm0 =	veq.s32 v10, v0  }
0x131: {  	v10 =	vmpcnt.ones.xlane vm0;
	_ =	sdelay $0x1  }
0x132: {  	v10 =	vxor.u32 $0x80000000, v10  }
0x133: {  	(xrf0) =	vmax.scan.msk.u32 $0xffff, v10;
	_ =	sdelay $0x5  }
0x134: {  	[tilespmem:s1+$0x4000] =	vst.msk vm0, v9;
	v9 =	vor.u32 s1, v1;
	v10, _, _ =	vpop (xrf0)  }
0x135: {  	s2 =	simm.s32 $0x10;
	[tilespmem:s1+$0x8000] =	vst.msk vm0, v9;
	(v2sf) =	vpush v10, $0xF  }
0x136: {  	s9 =	simm.s32 $0x20;
	s11 =	simm.s32 $0x10;
	v9 =	vld [tilespmem:s2+$0x0]  }
.LBB2_3:
0x137: {  	p1 =	sne.s32 s9, $0x3FF0;
	_ =	sdelay $0x3  }
0x138: {  	v10 =	vshrl.u32 v9, $0x9  }
0x139: {  	v10 =	vand.u32 $0xF, v10  }
0x13a: {  	vm0 =	veq.s32 v10, v0  }
0x13b: {  	v10 =	vmpcnt.ones.xlane vm0;
	_ =	sdelay $0x1  }
0x13c: {  	v10 =	vxor.u32 $0x80000000, v10  }
0x13d: {  	(xrf0) =	vmax.scan.msk.u32 $0xffff, v10;
	_ =	sdelay $0x2  }
0x13e: {  	s17 =	spop (v2sf)  }
.Ltmp30:
0x13f: {  	s1 =	sadd.s32 s17, s1;
	(pc) =	sbr.rel @p1 .LBB2_3-.Ltmp30, $4  }
0x140: {  	s1 =	sadd.s32 $0x80000000, s1  }
0x141: {  	[tilespmem:s1+$0x4000] =	vst.msk vm0, v9;
	v9 =	vor.u32 s2, v1;
	v10, _, _ =	vpop (xrf0);
	s2 =	smov.u32 s9  }
0x142: {  	s11 =	sadd.s32 $0x10, s11;
	[tilespmem:s1+$0x8000] =	vst.msk vm0, v9;
	(v2sf) =	vpush v10, $0xF  }
0x143: {  	s9 =	sadd.s32 $0x10, s9;
	v9 =	vld [tilespmem:s11+$0x0]  }
0x144: {  	_ =	sdelay $0x3  }
0x145: {  	v10 =	vshrl.u32 v9, $0x9  }
0x146: {  	v10 =	vand.u32 $0xF, v10  }
0x147: {  	vm0 =	veq.s32 v10, v0  }
0x148: {  	v10 =	vmpcnt.ones.xlane vm0;
	_ =	sdelay $0x1  }
0x149: {  	v10 =	vxor.u32 $0x80000000, v10  }
0x14a: {  	(xrf0) =	vmax.scan.msk.u32 $0xffff, v10;
	_ =	sdelay $0x5  }
0x14b: {  	v10, _, _ =	vpop (xrf0)  }
0x14c: {  	(v2sf) =	vpush v10, $0xF;
	_ =	sdelay $0x6  }
0x14d: {  	s9 =	spop (v2sf)  }
0x14e: {  	s1 =	sadd.s32 s9, s1  }
0x14f: {  	s1 =	sadd.s32 $0x80000000, s1  }
0x150: {  	[tilespmem:s1+$0x4000] =	vst.msk vm0, v9;
	v9 =	vor.u32 s2, v1  }
0x151: {  	s30 =	rddreg [dreg:$0x6];
	[tilespmem:s1+$0x8000] =	vst.msk vm0, v9  }
0x152: {  	[tilespmem:s21], [sflag:$0x1] =	stream.strided.gather [hbm4b:s30+s19], $0x8000, s20, s19, $0x38;
	[tilespmem:$0x1E100] =	vst v63  }
0x153: {  	s31 =	rddreg [dreg:$0x7]  }
0x154: {  	[tilespmem:s22], [sflag:$0x2] =	stream.strided.gather [hbm4b:s31+s19], $0x8000, s20, s19, $0x38;
	[tilespmem:$0x1E100] =	vst v63  }
0x155: {  	s18 =	spop (v2sf)  }
.Ltmp31:
0x156: {  	s28 =	sadd.s32 s18, s1;
	(pc) =	sbr.rel .LBB2_5-.Ltmp31, $4  }
0x157: {  	s29 =	sadd.s32 $0x80000000, s28  }
0x158: {  	s1 =	sadd.s32 $0xF, s29  }
0x159: {  	s11 =	sshra.s32 s1, $0x4  }
0x15a: {  	s17 =	simm.s32 $0x0;
	s9 =	simm.s32 $0x0;
	p1 =	slt.s32 s11, $0x1  }
.LBB2_31:
0x15b: {  	p2 =	sgt.u32 s18, $0x770  }
0x15c: {  	s1 =	sshll.u32 @!p2 s18, $0x9;
	s2 =	simm.s32 @!p2 $0x1000  }
0x15d: {  	s18 =	simm.s32 @!p2 $0x7A1400;
	s28 =	simm.s32 @!p2 $0x14000;
	s1 =	sadd.s32 @!p2 s1, s13  }
0x15e: {  	[tilespmem:s28], [sflag:$0x2] =	stream.strided.gather @!p2 [hbm4b:s1+s2], $0x8000, s18, s2, $0x38;
	[tilespmem:$0x1E100] =	vst v63  }
.LBB2_32:
0x15f: {  	s17 =	sadd.s32 $0x1, s17  }
0x160: {  	p2 =	sne.s32 s17, $0x3E  }
.Ltmp32:
0x161: {  	_ = 	snop;
	(pc) =	sbr.rel @!p2 .LBB2_33-.Ltmp32, $1  }
0x162: {  	_ =	sdelay $0x3  }
.LBB2_5:
0x163: {  	s1 =	sshll.u32 s17, $0x5  }
0x164: {  	s18 =	sor.u32 s0, s1  }
0x165: {  	p2 =	sgt.u32 s18, $0x7A1  }
.Ltmp33:
0x166: {  	_ = 	snop;
	(pc) =	sbr.rel @p2 .LBB2_18-.Ltmp33, $1  }
0x167: {  	_ =	sdelay $0x3  }
0x168: {  	p2 =	seq.s32 s18, $0x7A1  }
0x169: {  	s1 =	simm.s32 @p2 $0x1  }
0x16a: {  	_ =	swait.ge @p2 [sflag:s1], $0x2000  }
.Ltmp34:
0x16b: {  	[sflag:s1] =	ssyncset.done @p2 $0x0;
	(pc) =	sbr.rel @p1 .LBB2_16-.Ltmp34, $4  }
0x16c: {  	[sflag:s1] =	ssyncadd.s32 @p2 $0xFFFFE000;
	s1 =	simm.s32 @!p2 $0x1  }
0x16d: {  	_ =	swait.ge @!p2 [sflag:s1], $0x8000  }
0x16e: {  	[sflag:s1] =	ssyncset.done @!p2 $0x0  }
0x16f: {  	[sflag:s1] =	ssyncadd.s32 @!p2 $0xFFFF8000  }
.Ltmp35:
0x170: {  	(pc) =	sbr.rel .LBB2_8-.Ltmp35, $2  }
0x171: {  	_ =	sdelay $0x2  }
0x172: {  	v9 =	vmov s18;
	s1 =	simm.s32 $0x0  }
.LBB2_15:
0x173: {  	s1 =	sadd.s32 $0x1, s1  }
0x174: {  	p2 =	sne.s32 s1, s11  }
.Ltmp36:
0x175: {  	_ = 	snop;
	(pc) =	sbr.rel @!p2 .LBB2_16-.Ltmp36, $1  }
0x176: {  	_ =	sdelay $0x3  }
.LBB2_8:
0x177: {  	s28 =	sshll.u32 s1, $0x4  }
0x178: {  	v10 =	vld [tilespmem:s28+$0x4000];
	_ =	sdelay $0x4  }
0x179: {  	v11 =	vshra.s32 v10, $0x9  }
0x17a: {  	vm0 =	veq.s32 v11, v9  }
0x17b: {  	v11 =	vmpcnt.ones.xlane vm0;
	_ =	sdelay $0x1  }
0x17c: {  	v11 =	vxor.u32 $0x80000000, v11  }
0x17d: {  	(xrf0) =	vmax.scan.msk.u32 $0xffff, v11;
	_ =	sdelay $0x5  }
0x17e: {  	v11, _, _ =	vpop (xrf0)  }
0x17f: {  	(v2sf) =	vpush v11, $0xF;
	_ =	sdelay $0xe  }
0x180: {  	s2 =	spop (v2sf)  }
0x181: {  	s2 =	sxor.u32 $0x80000000, s2  }
0x182: {  	p2 =	slt.s32 s2, $0x1  }
.Ltmp37:
0x183: {  	_ = 	snop;
	(pc) =	sbr.rel @p2 .LBB2_15-.Ltmp37, $1  }
0x184: {  	_ =	sdelay $0x3  }
0x185: {  	v11 =	vld [tilespmem:s28+$0x8000]  }
.Ltmp38:
0x186: {  	_ = 	snop;
	(pc) =	sbr.rel .LBB2_10-.Ltmp38, $4  }
0x187: {  	_ = 	snop  }
0x188: {  	v10 =	vand.u32 $0x1FF, v10  }
0x189: {  	[tilespmem:s23+$0x0] =	vst.msk vm0, v10  }
0x18a: {  	s28 =	simm.s32 $0x0;
	[tilespmem:s24+$0x0] =	vst.msk vm0, v11  }
.LBB2_14:
0x18b: {  	s28 =	sadd.s32 $0x1, s28  }
0x18c: {  	p2 =	sne.s32 s28, s2  }
.Ltmp39:
0x18d: {  	_ = 	snop;
	(pc) =	sbr.rel @!p2 .LBB2_15-.Ltmp39, $2  }
0x18e: {  	_ =	sdelay $0x2  }
0x18f: {  	s9 =	sadd.s32 $0x1, s9  }
.LBB2_10:
0x190: {  	v10 =	vld [tilespmem:$0x1E000];
	_ =	sdelay $0x3  }
0x191: {  	v11 =	vmov s28  }
0x192: {  	vm0 =	veq.s32 v11, v1;
	v10 =	vxor.u32 $0x80000000, v10  }
0x193: {  	v10 =	vnsel vm0, $0x80000000, v10  }
0x194: {  	(xrf0) =	vmax.scan.msk.u32 $0xffff, v10;
	_ =	sdelay $0x5  }
0x195: {  	v10, _, _ =	vpop (xrf0)  }
0x196: {  	v10 =	vbroadcast v10, $0xF  }
0x197: {  	v11 =	vld [tilespmem:$0x1E080]  }
0x198: {  	v12 =	vshll.u32 v10, $0x3  }
0x199: {  	v10 =	vand.u32 $0x7F, v10;
	v12 =	vand.u32 $0xFFFFFC00, v12  }
0x19a: {  	v10 =	vor.u32 v10, v12  }
0x19b: {  	v12 =	vadd.s32 v2, v10  }
0x19c: {  	v11 =	vxor.u32 $0x80000000, v11  }
0x19d: {  	v11 =	vnsel vm0, $0x80000000, v11  }
0x19e: {  	s29 =	sand.u32 $0x3F, s9;
	(xrf0) =	vmax.scan.msk.u32 $0xffff, v11  }
0x19f: {  	s30 =	sshll.u32 s29, $0x7  }
0x1a0: {  	v60 =	vor.u32 s30, v1;
	v11 =	vld.idx.msk [tilespmem:v12+s21+$0x0], $0xffff  }
0x1a1: {  	v13 =	vadd.s32 v3, v10;
	_ =	sdelay $0x2  }
0x1a2: {  	v14, _, _ =	vpop (xrf0)  }
0x1a3: {  	(v2sf) =	vpush v14, $0xF;
	[tilespmem:v60+s25+$0x0] =	vst.idx.msk $0xffff, v11  }
0x1a4: {  	v61 =	vor.u32 s30, v4;
	v11 =	vld.idx.msk [tilespmem:v13+s21+$0x0], $0xffff  }
0x1a5: {  	v62 =	vadd.s32 v5, v10;
	_ =	sdelay $0x3  }
0x1a6: {  	[tilespmem:v61+s25+$0x0] =	vst.idx.msk $0xffff, v11  }
0x1a7: {  	v63 =	vor.u32 s30, v6;
	v11 =	vld.idx.msk [tilespmem:v62+s21+$0x0], $0xffff  }
0x1a8: {  	v10 =	vadd.s32 v7, v10;
	_ =	sdelay $0x3  }
0x1a9: {  	[tilespmem:v63+s25+$0x0] =	vst.idx.msk $0xffff, v11  }
0x1aa: {  	v11 =	vor.u32 s30, v8;
	v10 =	vld.idx.msk [tilespmem:v10+s21+$0x0], $0xffff  }
0x1ab: {  	p2 =	sne.s32 s29, $0x3F  }
.Ltmp40:
0x1ac: {  	s31 =	spop (v2sf);
	(pc) =	sbr.rel @p2 .LBB2_14-.Ltmp40, $4  }
0x1ad: {  	s31 =	sshll.u32 s31, $0x4  }
0x1ae: {  	s31 =	sand.u32 $0x1FFFFFF0, s31  }
0x1af: {  	s29 =	simm.s32 $0x40;
	s31 =	sadd.s32 s7, s31;
	s30 =	sor.u32 $0x1C000, s30;
	[tilespmem:v11+s25+$0x0] =	vst.idx.msk $0xffff, v10  }
0x1b0: {  	[hbm4b:s31+s6] =	stream.linear.scatter [tilespmem:s30], [sflag:$0x3], $0x80, $0x38;
	[tilespmem:$0x1E100] =	vst v63  }
0x1b1: {  	_ =	swait.ge [sflag:s26], $0x80  }
0x1b2: {  	s29 =	sadd.s32 $0xFFFFFFFF, s29;
	[sflag:s26] =	ssyncset.done $0x0  }
.LBB2_12:
0x1b3: {  	p2 =	sne.s32 s29, $0x1;
	s29 =	sadd.s32 $0xFFFFFFFF, s29;
	[sflag:s26] =	ssyncadd.s32 $0xFFFFFF80  }
.Ltmp41:
0x1b4: {  	(pc) =	sbr.rel @p2 .LBB2_12-.Ltmp41, $3  }
0x1b5: {  	_ =	sdelay $0x1  }
0x1b6: {  	_ =	swait.ge [sflag:s26], $0x80  }
0x1b7: {  	[sflag:s26] =	ssyncset.done $0x0  }
.Ltmp42:
0x1b8: {  	(pc) =	sbr.rel .LBB2_14-.Ltmp42, $2  }
0x1b9: {  	_ =	sdelay $0x2  }
0x1ba: {  	[sflag:s26] =	ssyncadd.s32 $0xFFFFFF80  }
.LBB2_16:
0x1bb: {  	p2 =	sgt.u32 s18, $0x780  }
.Ltmp43:
0x1bc: {  	_ = 	snop;
	(pc) =	sbr.rel @p2 .LBB2_19-.Ltmp43, $2  }
0x1bd: {  	_ =	sdelay $0x2  }
0x1be: {  	s1 =	sadd.s32 $0x20, s18  }
.Ltmp44:
0x1bf: {  	(pc) =	sbr.rel .LBB2_18-.Ltmp44, $4  }
0x1c0: {  	_ = 	snop  }
0x1c1: {  	s1 =	sshll.u32 s1, $0x9;
	s2 =	rddreg [dreg:$0x0]  }
0x1c2: {  	s1 =	sadd.s32 s2, s1  }
0x1c3: {  	[tilespmem:s21], [sflag:$0x1] =	stream.strided.gather [hbm4b:s1+s19], $0x8000, s20, s19, $0x38;
	[tilespmem:$0x1E100] =	vst v63  }
.LBB2_19:
0x1c4: {  	p2 =	sne.s32 s1, $0x7A1  }
.Ltmp45:
0x1c5: {  	_ = 	snop;
	(pc) =	sbr.rel @p2 .LBB2_18-.Ltmp45, $1  }
0x1c6: {  	_ =	sdelay $0x3  }
0x1c7: {  	[tilespmem:s21], [sflag:$0x1] =	stream.linear.gather [hbm4b:s12+s6], $0x400, $0x38;
	[tilespmem:$0x1E100] =	vst v63  }
0x1c8: {  	s1 =	sadd.s32 $0xF4280, s12;
	s2 =	simm.s32 $0xD000  }
0x1c9: {  	[tilespmem:s2], [sflag:$0x1] =	stream.linear.gather [hbm4b:s1+s6], $0x400, $0x38;
	[tilespmem:$0x1E100] =	vst v63  }
0x1ca: {  	s28 =	sadd.s32 $0x1E8500, s12;
	s29 =	simm.s32 $0xE000  }
0x1cb: {  	[tilespmem:s29], [sflag:$0x1] =	stream.linear.gather [hbm4b:s28+s6], $0x400, $0x38;
	[tilespmem:$0x1E100] =	vst v63  }
0x1cc: {  	s30 =	sadd.s32 $0x2DC780, s12;
	s31 =	simm.s32 $0xF000  }
0x1cd: {  	[tilespmem:s31], [sflag:$0x1] =	stream.linear.gather [hbm4b:s30+s6], $0x400, $0x38;
	[tilespmem:$0x1E100] =	vst v63  }
0x1ce: {  	s2 =	sadd.s32 $0x3D0A00, s12;
	s28 =	simm.s32 $0x10000  }
0x1cf: {  	[tilespmem:s28], [sflag:$0x1] =	stream.linear.gather [hbm4b:s2+s6], $0x400, $0x38;
	[tilespmem:$0x1E100] =	vst v63  }
0x1d0: {  	s29 =	sadd.s32 $0x4C4C80, s12  }
0x1d1: {  	[tilespmem:s5], [sflag:$0x1] =	stream.linear.gather [hbm4b:s29+s6], $0x400, $0x38;
	[tilespmem:$0x1E100] =	vst v63  }
.Ltmp46:
0x1d2: {  	_ = 	snop;
	(pc) =	sbr.rel .LBB2_21-.Ltmp46, $4  }
0x1d3: {  	s30 =	sadd.s32 $0x5B8F00, s12  }
0x1d4: {  	[tilespmem:s3], [sflag:$0x1] =	stream.linear.gather [hbm4b:s30+s6], $0x400, $0x38;
	[tilespmem:$0x1E100] =	vst v63  }
0x1d5: {  	s1 =	simm.s32 $0x791;
	s31 =	sadd.s32 $0x6AD180, s12  }
0x1d6: {  	[tilespmem:s4], [sflag:$0x1] =	stream.linear.gather [hbm4b:s31+s6], $0x400, $0x38;
	[tilespmem:$0x1E100] =	vst v63  }
.LBB2_18:
0x1d7: {  	s1 =	sor.u32 $0x10, s18  }
0x1d8: {  	p2 =	sgt.u32 s1, $0x7A1  }
.Ltmp47:
0x1d9: {  	_ = 	snop;
	(pc) =	sbr.rel @p2 .LBB2_32-.Ltmp47, $1  }
0x1da: {  	_ =	sdelay $0x3  }
.LBB2_21:
.Ltmp48:
0x1db: {  	(pc) =	sbr.rel @p1 .LBB2_31-.Ltmp48, $4  }
0x1dc: {  	_ = 	snop  }
0x1dd: {  	_ =	swait.ge [sflag:s10], $0x8000  }
0x1de: {  	[sflag:s10] =	ssyncset.done $0x0  }
0x1df: {  	[sflag:s10] =	ssyncadd.s32 $0xFFFF8000  }
.Ltmp49:
0x1e0: {  	(pc) =	sbr.rel .LBB2_23-.Ltmp49, $2  }
0x1e1: {  	_ =	sdelay $0x2  }
0x1e2: {  	v9 =	vmov s1;
	s1 =	simm.s32 $0x0  }
.LBB2_30:
0x1e3: {  	s1 =	sadd.s32 $0x1, s1  }
0x1e4: {  	p2 =	sne.s32 s1, s11  }
.Ltmp50:
0x1e5: {  	_ = 	snop;
	(pc) =	sbr.rel @!p2 .LBB2_31-.Ltmp50, $1  }
0x1e6: {  	_ =	sdelay $0x3  }
.LBB2_23:
0x1e7: {  	s28 =	sshll.u32 s1, $0x4  }
0x1e8: {  	v10 =	vld [tilespmem:s28+$0x4000];
	_ =	sdelay $0x4  }
0x1e9: {  	v11 =	vshra.s32 v10, $0x9  }
0x1ea: {  	vm0 =	veq.s32 v11, v9  }
0x1eb: {  	v11 =	vmpcnt.ones.xlane vm0;
	_ =	sdelay $0x1  }
0x1ec: {  	v11 =	vxor.u32 $0x80000000, v11  }
0x1ed: {  	(xrf0) =	vmax.scan.msk.u32 $0xffff, v11;
	_ =	sdelay $0x5  }
0x1ee: {  	v11, _, _ =	vpop (xrf0)  }
0x1ef: {  	(v2sf) =	vpush v11, $0xF;
	_ =	sdelay $0xe  }
0x1f0: {  	s2 =	spop (v2sf)  }
0x1f1: {  	s2 =	sxor.u32 $0x80000000, s2  }
0x1f2: {  	p2 =	slt.s32 s2, $0x1  }
.Ltmp51:
0x1f3: {  	_ = 	snop;
	(pc) =	sbr.rel @p2 .LBB2_30-.Ltmp51, $1  }
0x1f4: {  	_ =	sdelay $0x3  }
0x1f5: {  	v11 =	vld [tilespmem:s28+$0x8000]  }
.Ltmp52:
0x1f6: {  	_ = 	snop;
	(pc) =	sbr.rel .LBB2_25-.Ltmp52, $4  }
0x1f7: {  	_ = 	snop  }
0x1f8: {  	v10 =	vand.u32 $0x1FF, v10  }
0x1f9: {  	[tilespmem:s23+$0x0] =	vst.msk vm0, v10  }
0x1fa: {  	s28 =	simm.s32 $0x0;
	[tilespmem:s24+$0x0] =	vst.msk vm0, v11  }
.LBB2_28:
0x1fb: {  	[sflag:s26] =	ssyncadd.s32 $0xFFFFFF80  }
.LBB2_29:
0x1fc: {  	s28 =	sadd.s32 $0x1, s28  }
0x1fd: {  	p2 =	sne.s32 s28, s2  }
.Ltmp53:
0x1fe: {  	_ = 	snop;
	(pc) =	sbr.rel @!p2 .LBB2_30-.Ltmp53, $2  }
0x1ff: {  	_ =	sdelay $0x2  }
0x200: {  	s9 =	sadd.s32 $0x1, s9  }
.LBB2_25:
0x201: {  	v10 =	vld [tilespmem:$0x1E000];
	_ =	sdelay $0x3  }
0x202: {  	v11 =	vmov s28  }
0x203: {  	vm0 =	veq.s32 v11, v1;
	v10 =	vxor.u32 $0x80000000, v10  }
0x204: {  	v10 =	vnsel vm0, $0x80000000, v10  }
0x205: {  	(xrf0) =	vmax.scan.msk.u32 $0xffff, v10;
	_ =	sdelay $0x5  }
0x206: {  	v10, _, _ =	vpop (xrf0)  }
0x207: {  	v10 =	vbroadcast v10, $0xF  }
0x208: {  	v11 =	vld [tilespmem:$0x1E080]  }
0x209: {  	v12 =	vshll.u32 v10, $0x3  }
0x20a: {  	v10 =	vand.u32 $0x7F, v10;
	v12 =	vand.u32 $0xFFFFFC00, v12  }
0x20b: {  	v10 =	vor.u32 v10, v12  }
0x20c: {  	v12 =	vadd.s32 v2, v10  }
0x20d: {  	v11 =	vxor.u32 $0x80000000, v11  }
0x20e: {  	v11 =	vnsel vm0, $0x80000000, v11  }
0x20f: {  	s29 =	sand.u32 $0x3F, s9;
	(xrf0) =	vmax.scan.msk.u32 $0xffff, v11  }
0x210: {  	s30 =	sshll.u32 s29, $0x7  }
0x211: {  	v60 =	vor.u32 s30, v1;
	v11 =	vld.idx.msk [tilespmem:v12+s22+$0x0], $0xffff  }
0x212: {  	v13 =	vadd.s32 v3, v10;
	_ =	sdelay $0x2  }
0x213: {  	v14, _, _ =	vpop (xrf0)  }
0x214: {  	(v2sf) =	vpush v14, $0xF;
	[tilespmem:v60+s25+$0x0] =	vst.idx.msk $0xffff, v11  }
0x215: {  	v61 =	vor.u32 s30, v4;
	v11 =	vld.idx.msk [tilespmem:v13+s22+$0x0], $0xffff  }
0x216: {  	v62 =	vadd.s32 v5, v10;
	_ =	sdelay $0x3  }
0x217: {  	[tilespmem:v61+s25+$0x0] =	vst.idx.msk $0xffff, v11  }
0x218: {  	v63 =	vor.u32 s30, v6;
	v11 =	vld.idx.msk [tilespmem:v62+s22+$0x0], $0xffff  }
0x219: {  	v10 =	vadd.s32 v7, v10;
	_ =	sdelay $0x3  }
0x21a: {  	[tilespmem:v63+s25+$0x0] =	vst.idx.msk $0xffff, v11  }
0x21b: {  	v11 =	vor.u32 s30, v8;
	v10 =	vld.idx.msk [tilespmem:v10+s22+$0x0], $0xffff  }
0x21c: {  	p2 =	sne.s32 s29, $0x3F  }
.Ltmp54:
0x21d: {  	s31 =	spop (v2sf);
	(pc) =	sbr.rel @p2 .LBB2_29-.Ltmp54, $4  }
0x21e: {  	s31 =	sshll.u32 s31, $0x4  }
0x21f: {  	s31 =	sand.u32 $0x1FFFFFF0, s31  }
0x220: {  	s29 =	simm.s32 $0x40;
	s31 =	sadd.s32 s7, s31;
	s30 =	sor.u32 $0x1C000, s30;
	[tilespmem:v11+s25+$0x0] =	vst.idx.msk $0xffff, v10  }
0x221: {  	[hbm4b:s31+s6] =	stream.linear.scatter [tilespmem:s30], [sflag:$0x3], $0x80, $0x38;
	[tilespmem:$0x1E100] =	vst v63  }
0x222: {  	_ =	swait.ge [sflag:s26], $0x80  }
0x223: {  	s29 =	sadd.s32 $0xFFFFFFFF, s29;
	[sflag:s26] =	ssyncset.done $0x0  }
.LBB2_27:
0x224: {  	p2 =	sne.s32 s29, $0x1;
	s29 =	sadd.s32 $0xFFFFFFFF, s29;
	[sflag:s26] =	ssyncadd.s32 $0xFFFFFF80  }
.Ltmp55:
0x225: {  	(pc) =	sbr.rel @p2 .LBB2_27-.Ltmp55, $3  }
0x226: {  	_ =	sdelay $0x1  }
0x227: {  	_ =	swait.ge [sflag:s26], $0x80  }
0x228: {  	[sflag:s26] =	ssyncset.done $0x0  }
.Ltmp56:
0x229: {  	_ = 	snop;
	(pc) =	sbr.rel .LBB2_28-.Ltmp56, $1  }
0x22a: {  	_ =	sdelay $0x3  }
.LBB2_68:
0x22b: {  	s1 =	sand.u32 $0x3F, s9  }
0x22c: {  	p1 =	seq.s32 s1, $0x0  }
.Ltmp57:
0x22d: {  	_ = 	snop;
	(pc) =	sbr.rel @p1 .LBB2_72-.Ltmp57, $1  }
0x22e: {  	_ =	sdelay $0x3  }
0x22f: {  	p1 =	sne.s32 s1, $0x1  }
.Ltmp58:
0x230: {  	_ = 	snop;
	(pc) =	sbr.rel @!p1 .LBB2_71-.Ltmp58, $3  }
0x231: {  	_ =	sdelay $0x1  }
0x232: {  	_ =	swait.ge [sflag:s26], $0x80  }
0x233: {  	s1 =	sadd.s32 $0xFFFFFFFF, s1;
	[sflag:s26] =	ssyncset.done $0x0  }
.LBB2_70:
0x234: {  	p1 =	sne.s32 s1, $0x1;
	s1 =	sadd.s32 $0xFFFFFFFF, s1;
	[sflag:s26] =	ssyncadd.s32 $0xFFFFFF80  }
.Ltmp59:
0x235: {  	(pc) =	sbr.rel @p1 .LBB2_70-.Ltmp59, $3  }
0x236: {  	_ =	sdelay $0x1  }
0x237: {  	_ =	swait.ge [sflag:s26], $0x80  }
0x238: {  	[sflag:s26] =	ssyncset.done $0x0  }
.Ltmp60:
0x239: {  	_ = 	snop;
	(pc) =	sbr.rel .LBB2_71-.Ltmp60, $1  }
0x23a: {  	_ =	sdelay $0x3  }
.LBB2_33:
0x23b: {  	s1 =	sand.u32 $0x3F, s9  }
0x23c: {  	p1 =	seq.s32 s1, $0x0  }
.Ltmp61:
0x23d: {  	_ = 	snop;
	(pc) =	sbr.rel @p1 .LBB2_72-.Ltmp61, $1  }
0x23e: {  	_ =	sdelay $0x3  }
0x23f: {  	p1 =	seq.s32 s1, $0x1  }
.Ltmp62:
0x240: {  	_ = 	snop;
	(pc) =	sbr.rel @p1 .LBB2_36-.Ltmp62, $3  }
0x241: {  	_ =	sdelay $0x1  }
0x242: {  	_ =	swait.ge [sflag:s26], $0x80  }
0x243: {  	s1 =	sadd.s32 $0xFFFFFFFF, s1;
	[sflag:s26] =	ssyncset.done $0x0  }
.LBB2_35:
0x244: {  	p1 =	seq.s32 s1, $0x1;
	s1 =	sadd.s32 $0xFFFFFFFF, s1;
	[sflag:s26] =	ssyncadd.s32 $0xFFFFFF80  }
.Ltmp63:
0x245: {  	(pc) =	sbr.rel @!p1 .LBB2_35-.Ltmp63, $3  }
0x246: {  	_ =	sdelay $0x1  }
0x247: {  	_ =	swait.ge [sflag:s26], $0x80  }
0x248: {  	[sflag:s26] =	ssyncset.done $0x0  }
.LBB2_36:
.Ltmp64:
0x249: {  	(pc) =	sbr.rel .LBB2_72-.Ltmp64, $2  }
0x24a: {  	_ =	sdelay $0x2  }
0x24b: {  	[sflag:s26] =	ssyncadd.s32 $0xFFFFFF80  }
.LBB2_73:
0x24c: {  	_ =	sfence.sel $0x180000  }
0x24d: {  	[bflag:$0x0] =	sbarrier.arrive $0xFFFF  }
0x24e: {  	_ =	strace $0x90000047  }
0x24f: {  	[bflag:$0x2] =	sbarrier.arrive $0xFFFF  }
0x250: {  	p0 =	sne.s32 s0, $0x0;
	s0 =	rddreg [dreg:$0x5]  }
0x251: {  	s0 =	sadd.s32 @!p0 $0x100000, s0  }
0x252: {  	[sflag:s0] =	ssyncadd.tile.s32 @!p0 $0x1;
	_ =	shalt  }
.Lfunc_end2:
_tile_overlayer_lowered:
.L_overlay_start_2:
0x253: {  	(tag) =	ssettag $0x2  }
0x254: {  	s0 =	rddreg [dreg:$0x0];
	s2 =	stileid.u32  }
0x255: {  	s1 =	rddreg [dreg:$0x1];
	p0 =	sne.s32 s2, $0x0  }
0x256: {  	s3 =	rddreg [dreg:$0x2];
	[bflag:$0x3] =	sbarrier.arrive $0xFFFF;
	s2 =	simm.s32 @!p0 $0x1C04  }
0x257: {  	[timem:s3], [sflag:s2] =	dma.local @!p0 [hbm:s0], s1  }
0x258: {  	s0 =	simm.s32 @!p0 $0x4  }
0x259: {  	_ =	swait.ge @!p0 [sflag:s0], s1  }
0x25a: {  	s1 =	ssub.s32 @!p0 $0x0, s1;
	[sflag:s0] =	ssyncset.done @!p0 $0x0  }
0x25b: {  	[sflag:s0] =	ssyncadd.s32 @!p0 s1  }
0x25c: {  	[bflag:$0x3] =	sbarrier.arrive $0xFFFF  }
0x25d: {  	_ =	shalt  }

</sc_bundles>
